<compile_context>
chip_gen: v7x
topology: tpu7x:2x2x1
jax: 0.10.2.dev20260603
libtpu: 0.0.44.dev20260713+nightly
codegen_flags: <defaults>
</compile_context>

<pallas_src>
import functools

import jax
import jax.numpy as jnp
from jax import lax
from jax.experimental import pallas as pl
from jax.experimental.pallas import tpu as pltpu
from jax.experimental.pallas import tpu_sc as plsc

_GAMMA = 12.0
_B = 16384
_D = 128
_NUM_REL = 1000
_LANES = 16
_CHUNK = 64
_NSLOTS = 3


def _sc_geometry():
    try:
        info = plsc.get_sparse_core_info()
        return info.num_cores, info.num_subcores
    except Exception:
        return 2, 16


def _kge_body(nc, bpw, ent_hbm, rel_hbm, sample_hbm, out_hbm, *scratch):
    sview, hidx_v, ridx_v, tidx_v = scratch[:4]
    hbufs = scratch[4:4 + _NSLOTS]
    tbufs = scratch[4 + _NSLOTS:4 + 2 * _NSLOTS]
    out_v, rel_sh = scratch[4 + 2 * _NSLOTS:6 + 2 * _NSLOTS]
    sems = scratch[6 + 2 * _NSLOTS:]
    hsems = sems[:_NSLOTS]
    tsems = sems[_NSLOTS:2 * _NSLOTS]
    sem_stage = sems[2 * _NSLOTS]

    wid = lax.axis_index("s") * nc + lax.axis_index("c")
    base = wid * bpw
    lane = lax.iota(jnp.int32, _LANES)
    sid = lax.axis_index("s")

    @pl.when(sid == 0)
    def _stage():
        pltpu.async_copy(rel_hbm, rel_sh, sem_stage)

    pltpu.sync_copy(sample_hbm.at[pl.ds(base, bpw)], sview)

    def split_body(i, carry):
        rows = i * _LANES + lane
        for col, dst in ((0, hidx_v), (1, ridx_v), (2, tidx_v)):
            cols = jnp.full((_LANES,), col, jnp.int32)
            dst[pl.ds(i * _LANES, _LANES)] = (
                plsc.load_gather(sview, [rows, cols]))
        return carry

    head_groups = (_NSLOTS - 1) * _CHUNK // _LANES
    lax.fori_loop(0, head_groups, split_body, 0)

    nchunks = bpw // _CHUNK

    def issue_ht(c):
        off = c * _CHUNK
        s = c % _NSLOTS
        cp_h = pltpu.async_copy(ent_hbm.at[hidx_v.at[pl.ds(off, _CHUNK)]],
                                hbufs[s], hsems[s])
        cp_t = pltpu.async_copy(ent_hbm.at[tidx_v.at[pl.ds(off, _CHUNK)]],
                                tbufs[s], tsems[s])
        return cp_h, cp_t

    def issue_radd(c, cp_h):
        cp_h.wait()
        off = c * _CHUNK
        s = c % _NSLOTS
        return pltpu.async_copy(rel_sh.at[ridx_v.at[pl.ds(off, _CHUNK)]],
                                hbufs[s], hsems[s], add=True)

    def compute(c):
        off = c * _CHUNK
        hb = hbufs[c % _NSLOTS]
        tb = tbufs[c % _NSLOTS]

        def group_body(g, carry):
            gbase = g * _LANES

            def quad_body(q, scores):
                for u in range(4):
                    j = q * 4 + u
                    i = gbase + j
                    accs = [jnp.zeros((_LANES,), jnp.float32)
                            for _ in range(4)]
                    for k in range(_D // _LANES):
                        hr = hb[i, pl.ds(k * _LANES, _LANES)]
                        t = tb[i, pl.ds(k * _LANES, _LANES)]
                        accs[k % 4] = accs[k % 4] + jnp.abs(hr - t)
                    while len(accs) > 1:
                        accs = [a + b for a, b in zip(accs[::2], accs[1::2])]
                    s = jnp.sum(accs[0])
                    scores = jnp.where(lane == j, _GAMMA - s, scores)
                return scores

            scores = lax.fori_loop(0, _LANES // 4, quad_body,
                                   jnp.zeros((_LANES,), jnp.float32))
            out_v[pl.ds(off + gbase, _LANES)] = scores
            return carry

        lax.fori_loop(0, _CHUNK // _LANES, group_body, 0)

    pend_h, pend_r, pend_t = {}, {}, {}
    for c0 in range(min(_NSLOTS - 1, nchunks)):
        cp_h, cp_t = issue_ht(c0)
        pend_h[c0] = cp_h
        pend_t[c0] = cp_t

    lax.fori_loop(head_groups, bpw // _LANES, split_body, 0)

    @pl.when(sid == 0)
    def _stage_wait():
        pltpu.make_async_copy(rel_hbm, rel_sh, sem_stage).wait()

    plsc.subcore_barrier()
    pend_r[0] = issue_radd(0, pend_h.pop(0))
    for c in range(nchunks):
        if c + _NSLOTS - 1 < nchunks:
            cp_h, cp_t = issue_ht(c + _NSLOTS - 1)
            pend_h[c + _NSLOTS - 1] = cp_h
            pend_t[c + _NSLOTS - 1] = cp_t
        if c + 1 < nchunks:
            pend_r[c + 1] = issue_radd(c + 1, pend_h.pop(c + 1))
        pend_r.pop(c).wait()
        pend_t.pop(c).wait()
        compute(c)

    pltpu.sync_copy(out_v, out_hbm.at[pl.ds(base, bpw)])


def kernel(entity_embedding, relation_embedding, sample):
    nc, ns = _sc_geometry()
    nw = nc * ns
    bpw = _B // nw

    mesh = plsc.VectorSubcoreMesh(core_axis_name="c", subcore_axis_name="s")
    scratch = [
        pltpu.VMEM((bpw, 3), jnp.int32),
        pltpu.VMEM((bpw,), jnp.int32),
        pltpu.VMEM((bpw,), jnp.int32),
        pltpu.VMEM((bpw,), jnp.int32),
    ]
    scratch += [pltpu.VMEM((_CHUNK, _D), jnp.float32)
                for _ in range(_NSLOTS)]
    scratch += [pltpu.VMEM((_CHUNK, _D), jnp.float32)
                for _ in range(_NSLOTS)]
    scratch += [
        pltpu.VMEM((bpw,), jnp.float32),
        pltpu.VMEM_SHARED((_NUM_REL, _D), jnp.float32),
    ]
    scratch += [pltpu.SemaphoreType.DMA for _ in range(2 * _NSLOTS + 1)]

    kge = functools.partial(
        pl.kernel,
        mesh=mesh,
        compiler_params=pltpu.CompilerParams(needs_layout_passes=False),
        out_type=jax.ShapeDtypeStruct((_B,), jnp.float32),
        scratch_types=scratch,
    )(functools.partial(_kge_body, nc, bpw))
    scores = kge(entity_embedding, relation_embedding, sample)
    return scores[:, None]

# --- scband reference (transcript-rebuilt; emitter-appended) ---
"""Pipeline reference for scband-kgemodel-2379411882517 (READ-ONLY COPY).

The authoritative reference and input builder live on the scoring server;
editing this copy changes nothing except your own understanding.
"""

import jax, jax.numpy as jnp
import numpy as np

NUM_ENTITY = 100000
NUM_RELATION = 1000
HIDDEN_DIM = 128
GAMMA = 12.0
EPSILON = 2.0
EMB_RANGE = (GAMMA + EPSILON) / HIDDEN_DIM
BATCH = 16384


def setup_inputs(seed: int = 0) -> dict:
    key = jax.random.key(seed)
    k1, k2, k3, k4, k5 = jax.random.split(key, 5)
    heads = jax.random.randint(k1, (BATCH, 1), 0, NUM_ENTITY, dtype=jnp.int32)
    rels = jax.random.randint(k2, (BATCH, 1), 0, NUM_RELATION, dtype=jnp.int32)
    tails = jax.random.randint(k3, (BATCH, 1), 0, NUM_ENTITY, dtype=jnp.int32)
    sample = jnp.concatenate([heads, rels, tails], axis=1)
    entity_embedding = jax.random.uniform(
        k4, (NUM_ENTITY, HIDDEN_DIM), minval=-EMB_RANGE, maxval=EMB_RANGE, dtype=jnp.float32)
    relation_embedding = jax.random.uniform(
        k5, (NUM_RELATION, HIDDEN_DIM), minval=-EMB_RANGE, maxval=EMB_RANGE, dtype=jnp.float32)
    return {
        "entity_embedding": entity_embedding,
        "relation_embedding": relation_embedding,
        "sample": sample,
    }


def reference(entity_embedding, relation_embedding, sample):
    # batch_type == 'SINGLE' path of KGEModel.forward
    head = jnp.take(entity_embedding, sample[:, 0], axis=0)[:, None, :]
    relation = jnp.take(relation_embedding, sample[:, 1], axis=0)[:, None, :]
    tail = jnp.take(entity_embedding, sample[:, 2], axis=0)[:, None, :]
    # TransE scoring function (self.func): gamma - ||h + r - t||_1
    score = GAMMA - jnp.sum(jnp.abs(head + relation - tail), axis=2)
    return score

if __name__ == "__main__":
    import jax
    _d = setup_inputs()
    print(jax.jit(kernel)(*tuple(_d.values())))

</pallas_src>

<mosaic_0001>
#map = affine_map<(d0, d1) -> (0, 0)>
#map1 = affine_map<(d0, d1) -> (0)>
module attributes {stable_mosaic.version = 14 : i64} {
  func.func @_kge_body(%arg0: i32, %arg1: i32, %arg2: memref<100000x128xf32, #tpu.memory_space<hbm>>, %arg3: memref<1000x128xf32, #tpu.memory_space<hbm>>, %arg4: memref<16384x3xi32, #tpu.memory_space<hbm>>, %arg5: memref<16384xf32, #tpu.memory_space<hbm>>, %arg6: memref<512x3xi32, #tpu.memory_space<vmem>>, %arg7: memref<512xi32, #tpu.memory_space<vmem>>, %arg8: memref<512xi32, #tpu.memory_space<vmem>>, %arg9: memref<512xi32, #tpu.memory_space<vmem>>, %arg10: memref<64x128xf32, #tpu.memory_space<vmem>>, %arg11: memref<64x128xf32, #tpu.memory_space<vmem>>, %arg12: memref<64x128xf32, #tpu.memory_space<vmem>>, %arg13: memref<64x128xf32, #tpu.memory_space<vmem>>, %arg14: memref<64x128xf32, #tpu.memory_space<vmem>>, %arg15: memref<64x128xf32, #tpu.memory_space<vmem>>, %arg16: memref<512xf32, #tpu.memory_space<vmem>>, %arg17: memref<1000x128xf32, #tpu.memory_space<vmem_shared>>, %arg18: memref<!tpu.dma_semaphore, #tpu.memory_space<semaphore_mem>>, %arg19: memref<!tpu.dma_semaphore, #tpu.memory_space<semaphore_mem>>, %arg20: memref<!tpu.dma_semaphore, #tpu.memory_space<semaphore_mem>>, %arg21: memref<!tpu.dma_semaphore, #tpu.memory_space<semaphore_mem>>, %arg22: memref<!tpu.dma_semaphore, #tpu.memory_space<semaphore_mem>>, %arg23: memref<!tpu.dma_semaphore, #tpu.memory_space<semaphore_mem>>, %arg24: memref<!tpu.dma_semaphore, #tpu.memory_space<semaphore_mem>>) attributes {dimension_semantics = [#tpu.dimension_semantics<core_parallel>, #tpu.dimension_semantics<subcore_parallel>], iteration_bounds = array<i64: 2, 16>, scalar_prefetch = 0 : i64, scratch_operands = 19 : i64, tpu.core_type = #tpu.core_type<sc_vector_subcore>, window_params = [{transform_indices = #map}, {transform_indices = #map}, {transform_indices = #map}, {transform_indices = #map1}]} {
    %mul3A = arith.constant 2 : i32
    %mul3A_0 = arith.muli %arg1, %mul3A : i32
    %add3A = arith.addi %mul3A_0, %arg0 : i32
    %mul3A_1 = arith.constant 512 : i32
    %mul3A_2 = arith.muli %add3A, %mul3A_1 : i32
    %iota3A = tpu.iota {dimensions = array<i32: 0>} : vector<16xi32>
    %eq3A = arith.constant 0 : i32
    %eq3A_3 = arith.cmpi eq, %arg1, %eq3A : i32
    %convert_element_type3A = arith.extui %eq3A_3 : i1 to i32
    %cond3A = arith.constant 0 : i32
    %cond3A_4 = arith.cmpi ne, %convert_element_type3A, %cond3A : i32
    scf.if %cond3A_4 {
      tpu.enqueue_dma source(%arg3 : memref<1000x128xf32, #tpu.memory_space<hbm>>) target(%arg17 : memref<1000x128xf32, #tpu.memory_space<vmem_shared>>) target_semaphore(%arg24 : memref<!tpu.dma_semaphore, #tpu.memory_space<semaphore_mem>>)
    } else {
    }
    "tpu.region"() ({
      %run_scoped3A = tpu.sem_alloc : memref<!tpu.dma_semaphore, #tpu.memory_space<semaphore_mem>>
      %dma_start3A_307 = arith.constant 0 : i32
      %dma_start3A_308 = tpu.memref_slice %arg4[%mul3A_2, %dma_start3A_307] : memref<16384x3xi32, #tpu.memory_space<hbm>> -> memref<512x3xi32, #tpu.memory_space<hbm>>
      %dma_start3A_309 = arith.constant 0 : i32
      %dma_start3A_310 = tpu.memref_slice %arg4[%mul3A_2, %dma_start3A_309] : memref<16384x3xi32, #tpu.memory_space<hbm>> -> memref<512x3xi32, #tpu.memory_space<hbm>>
      tpu.enqueue_dma source(%dma_start3A_310 : memref<512x3xi32, #tpu.memory_space<hbm>>) target(%arg6 : memref<512x3xi32, #tpu.memory_space<vmem>>) target_semaphore(%run_scoped3A : memref<!tpu.dma_semaphore, #tpu.memory_space<semaphore_mem>>)
      %dma_wait3A_311 = arith.constant 0 : i32
      %dma_wait3A_312 = tpu.memref_slice %arg4[%mul3A_2, %dma_wait3A_311] : memref<16384x3xi32, #tpu.memory_space<hbm>> -> memref<512x3xi32, #tpu.memory_space<hbm>>
      %dma_wait3A_313 = arith.constant 0 : i32
      %dma_wait3A_314 = tpu.memref_slice %arg4[%mul3A_2, %dma_wait3A_313] : memref<16384x3xi32, #tpu.memory_space<hbm>> -> memref<512x3xi32, #tpu.memory_space<hbm>>
      tpu.wait_dma2 semaphore(%run_scoped3A : memref<!tpu.dma_semaphore, #tpu.memory_space<semaphore_mem>>) src(%dma_wait3A_314 : memref<512x3xi32, #tpu.memory_space<hbm>>) dst(%arg6 : memref<512x3xi32, #tpu.memory_space<vmem>>)
      tpu.yield
    }) : () -> ()
    %scan3A = arith.constant 0 : i32
    %scan3A_5 = arith.constant 0 : i32
    %scan3A_6 = arith.constant 8 : i32
    %scan3A_7 = arith.addi %scan3A_5, %scan3A_6 : i32
    %scan3A_8 = arith.constant 1 : i32
    scf.for %scan3A_307 = %scan3A_5 to %scan3A_7 step %scan3A_8  : i32 {
      %mul3A_308 = arith.constant 16 : i32
      %mul3A_309 = arith.muli %scan3A_307, %mul3A_308 : i32
      %add3A_310 = vector.broadcast %mul3A_309 : i32 to vector<16xi32>
      %add3A_311 = arith.addi %add3A_310, %iota3A : vector<16xi32>
      %broadcast_in_dim3A = arith.constant 0 : i32
      %broadcast_in_dim3A_312 = vector.broadcast %broadcast_in_dim3A : i32 to vector<16xi32>
      %gather3A = tpu.vector_load_idx %arg6[%add3A_311, %broadcast_in_dim3A_312] : memref<512x3xi32, #tpu.memory_space<vmem>>[vector<16xi32>, vector<16xi32>], vector<16xi32>,
      %mul3A_313 = arith.constant 16 : i32
      %mul3A_314 = arith.muli %scan3A_307, %mul3A_313 : i32
      %swap3A = arith.index_cast %mul3A_314 : i32 to index
      %swap3A_315 = tpu.vector_load %arg7[%swap3A] {strides = array<i32>} : memref<512xi32, #tpu.memory_space<vmem>>, vector<16xi32>,
      tpu.vector_store %arg7[%swap3A], %gather3A {strides = array<i32>} : memref<512xi32, #tpu.memory_space<vmem>>, vector<16xi32>,
      %broadcast_in_dim3A_316 = arith.constant 1 : i32
      %broadcast_in_dim3A_317 = vector.broadcast %broadcast_in_dim3A_316 : i32 to vector<16xi32>
      %gather3A_318 = tpu.vector_load_idx %arg6[%add3A_311, %broadcast_in_dim3A_317] : memref<512x3xi32, #tpu.memory_space<vmem>>[vector<16xi32>, vector<16xi32>], vector<16xi32>,
      %mul3A_319 = arith.constant 16 : i32
      %mul3A_320 = arith.muli %scan3A_307, %mul3A_319 : i32
      %swap3A_321 = arith.index_cast %mul3A_320 : i32 to index
      %swap3A_322 = tpu.vector_load %arg8[%swap3A_321] {strides = array<i32>} : memref<512xi32, #tpu.memory_space<vmem>>, vector<16xi32>,
      tpu.vector_store %arg8[%swap3A_321], %gather3A_318 {strides = array<i32>} : memref<512xi32, #tpu.memory_space<vmem>>, vector<16xi32>,
      %broadcast_in_dim3A_323 = arith.constant 2 : i32
      %broadcast_in_dim3A_324 = vector.broadcast %broadcast_in_dim3A_323 : i32 to vector<16xi32>
      %gather3A_325 = tpu.vector_load_idx %arg6[%add3A_311, %broadcast_in_dim3A_324] : memref<512x3xi32, #tpu.memory_space<vmem>>[vector<16xi32>, vector<16xi32>], vector<16xi32>,
      %mul3A_326 = arith.constant 16 : i32
      %mul3A_327 = arith.muli %scan3A_307, %mul3A_326 : i32
      %swap3A_328 = arith.index_cast %mul3A_327 : i32 to index
      %swap3A_329 = tpu.vector_load %arg9[%swap3A_328] {strides = array<i32>} : memref<512xi32, #tpu.memory_space<vmem>>, vector<16xi32>,
      tpu.vector_store %arg9[%swap3A_328], %gather3A_325 {strides = array<i32>} : memref<512xi32, #tpu.memory_space<vmem>>, vector<16xi32>,
    }
    %scan3A_9 = arith.constant 8 : i32
    %dma_start3A = arith.constant 0 : i32
    %dma_start3A_10 = tpu.memref_slice %arg7[%dma_start3A] : memref<512xi32, #tpu.memory_space<vmem>> -> memref<64xi32, #tpu.memory_space<vmem>>
    %dma_start3A_11 = arith.constant 0 : i32
    %dma_start3A_12 = arith.constant 0 : i32
    %dma_start3A_13 = tpu.memref_slice %arg2[%dma_start3A_11, %dma_start3A_12] : memref<100000x128xf32, #tpu.memory_space<hbm>> -> memref<100000x128xf32, #tpu.memory_space<hbm>>
    tpu.enqueue_indirect_dma source(%dma_start3A_13 : memref<100000x128xf32, #tpu.memory_space<hbm>>) target(%arg10 : memref<64x128xf32, #tpu.memory_space<vmem>>) offsets(%dma_start3A_10 : memref<64xi32, #tpu.memory_space<vmem>>) semaphore(%arg18 : memref<!tpu.dma_semaphore, #tpu.memory_space<semaphore_mem>>)
    %dma_start3A_14 = arith.constant 0 : i32
    %dma_start3A_15 = tpu.memref_slice %arg9[%dma_start3A_14] : memref<512xi32, #tpu.memory_space<vmem>> -> memref<64xi32, #tpu.memory_space<vmem>>
    %dma_start3A_16 = arith.constant 0 : i32
    %dma_start3A_17 = arith.constant 0 : i32
    %dma_start3A_18 = tpu.memref_slice %arg2[%dma_start3A_16, %dma_start3A_17] : memref<100000x128xf32, #tpu.memory_space<hbm>> -> memref<100000x128xf32, #tpu.memory_space<hbm>>
    tpu.enqueue_indirect_dma source(%dma_start3A_18 : memref<100000x128xf32, #tpu.memory_space<hbm>>) target(%arg13 : memref<64x128xf32, #tpu.memory_space<vmem>>) offsets(%dma_start3A_15 : memref<64xi32, #tpu.memory_space<vmem>>) semaphore(%arg21 : memref<!tpu.dma_semaphore, #tpu.memory_space<semaphore_mem>>)
    %dma_start3A_19 = arith.constant 64 : i32
    %dma_start3A_20 = tpu.memref_slice %arg7[%dma_start3A_19] : memref<512xi32, #tpu.memory_space<vmem>> -> memref<64xi32, #tpu.memory_space<vmem>>
    %dma_start3A_21 = arith.constant 0 : i32
    %dma_start3A_22 = arith.constant 0 : i32
    %dma_start3A_23 = tpu.memref_slice %arg2[%dma_start3A_21, %dma_start3A_22] : memref<100000x128xf32, #tpu.memory_space<hbm>> -> memref<100000x128xf32, #tpu.memory_space<hbm>>
    tpu.enqueue_indirect_dma source(%dma_start3A_23 : memref<100000x128xf32, #tpu.memory_space<hbm>>) target(%arg11 : memref<64x128xf32, #tpu.memory_space<vmem>>) offsets(%dma_start3A_20 : memref<64xi32, #tpu.memory_space<vmem>>) semaphore(%arg19 : memref<!tpu.dma_semaphore, #tpu.memory_space<semaphore_mem>>)
    %dma_start3A_24 = arith.constant 64 : i32
    %dma_start3A_25 = tpu.memref_slice %arg9[%dma_start3A_24] : memref<512xi32, #tpu.memory_space<vmem>> -> memref<64xi32, #tpu.memory_space<vmem>>
    %dma_start3A_26 = arith.constant 0 : i32
    %dma_start3A_27 = arith.constant 0 : i32
    %dma_start3A_28 = tpu.memref_slice %arg2[%dma_start3A_26, %dma_start3A_27] : memref<100000x128xf32, #tpu.memory_space<hbm>> -> memref<100000x128xf32, #tpu.memory_space<hbm>>
    tpu.enqueue_indirect_dma source(%dma_start3A_28 : memref<100000x128xf32, #tpu.memory_space<hbm>>) target(%arg14 : memref<64x128xf32, #tpu.memory_space<vmem>>) offsets(%dma_start3A_25 : memref<64xi32, #tpu.memory_space<vmem>>) semaphore(%arg22 : memref<!tpu.dma_semaphore, #tpu.memory_space<semaphore_mem>>)
    %scan3A_29 = arith.constant 0 : i32
    %scan3A_30 = arith.constant 8 : i32
    %scan3A_31 = arith.constant 24 : i32
    %scan3A_32 = arith.addi %scan3A_30, %scan3A_31 : i32
    %scan3A_33 = arith.constant 1 : i32
    scf.for %scan3A_307 = %scan3A_30 to %scan3A_32 step %scan3A_33  : i32 {
      %mul3A_308 = arith.constant 16 : i32
      %mul3A_309 = arith.muli %scan3A_307, %mul3A_308 : i32
      %add3A_310 = vector.broadcast %mul3A_309 : i32 to vector<16xi32>
      %add3A_311 = arith.addi %add3A_310, %iota3A : vector<16xi32>
      %broadcast_in_dim3A = arith.constant 0 : i32
      %broadcast_in_dim3A_312 = vector.broadcast %broadcast_in_dim3A : i32 to vector<16xi32>
      %gather3A = tpu.vector_load_idx %arg6[%add3A_311, %broadcast_in_dim3A_312] : memref<512x3xi32, #tpu.memory_space<vmem>>[vector<16xi32>, vector<16xi32>], vector<16xi32>,
      %mul3A_313 = arith.constant 16 : i32
      %mul3A_314 = arith.muli %scan3A_307, %mul3A_313 : i32
      %swap3A = arith.index_cast %mul3A_314 : i32 to index
      %swap3A_315 = tpu.vector_load %arg7[%swap3A] {strides = array<i32>} : memref<512xi32, #tpu.memory_space<vmem>>, vector<16xi32>,
      tpu.vector_store %arg7[%swap3A], %gather3A {strides = array<i32>} : memref<512xi32, #tpu.memory_space<vmem>>, vector<16xi32>,
      %broadcast_in_dim3A_316 = arith.constant 1 : i32
      %broadcast_in_dim3A_317 = vector.broadcast %broadcast_in_dim3A_316 : i32 to vector<16xi32>
      %gather3A_318 = tpu.vector_load_idx %arg6[%add3A_311, %broadcast_in_dim3A_317] : memref<512x3xi32, #tpu.memory_space<vmem>>[vector<16xi32>, vector<16xi32>], vector<16xi32>,
      %mul3A_319 = arith.constant 16 : i32
      %mul3A_320 = arith.muli %scan3A_307, %mul3A_319 : i32
      %swap3A_321 = arith.index_cast %mul3A_320 : i32 to index
      %swap3A_322 = tpu.vector_load %arg8[%swap3A_321] {strides = array<i32>} : memref<512xi32, #tpu.memory_space<vmem>>, vector<16xi32>,
      tpu.vector_store %arg8[%swap3A_321], %gather3A_318 {strides = array<i32>} : memref<512xi32, #tpu.memory_space<vmem>>, vector<16xi32>,
      %broadcast_in_dim3A_323 = arith.constant 2 : i32
      %broadcast_in_dim3A_324 = vector.broadcast %broadcast_in_dim3A_323 : i32 to vector<16xi32>
      %gather3A_325 = tpu.vector_load_idx %arg6[%add3A_311, %broadcast_in_dim3A_324] : memref<512x3xi32, #tpu.memory_space<vmem>>[vector<16xi32>, vector<16xi32>], vector<16xi32>,
      %mul3A_326 = arith.constant 16 : i32
      %mul3A_327 = arith.muli %scan3A_307, %mul3A_326 : i32
      %swap3A_328 = arith.index_cast %mul3A_327 : i32 to index
      %swap3A_329 = tpu.vector_load %arg9[%swap3A_328] {strides = array<i32>} : memref<512xi32, #tpu.memory_space<vmem>>, vector<16xi32>,
      tpu.vector_store %arg9[%swap3A_328], %gather3A_325 {strides = array<i32>} : memref<512xi32, #tpu.memory_space<vmem>>, vector<16xi32>,
    }
    %scan3A_34 = arith.constant 24 : i32
    %eq3A_35 = arith.constant 0 : i32
    %eq3A_36 = arith.cmpi eq, %arg1, %eq3A_35 : i32
    %convert_element_type3A_37 = arith.extui %eq3A_36 : i1 to i32
    %cond3A_38 = arith.constant 0 : i32
    %cond3A_39 = arith.cmpi ne, %convert_element_type3A_37, %cond3A_38 : i32
    scf.if %cond3A_39 {
      tpu.wait_dma2 semaphore(%arg24 : memref<!tpu.dma_semaphore, #tpu.memory_space<semaphore_mem>>) src(%arg3 : memref<1000x128xf32, #tpu.memory_space<hbm>>) dst(%arg17 : memref<1000x128xf32, #tpu.memory_space<vmem_shared>>)
    } else {
    }
    %barrier3A = arith.constant 0 : index
    tpu.barrier barrier_id(%barrier3A)
    %dma_wait3A = arith.constant 0 : i32
    %dma_wait3A_40 = tpu.memref_slice %arg7[%dma_wait3A] : memref<512xi32, #tpu.memory_space<vmem>> -> memref<64xi32, #tpu.memory_space<vmem>>
    %dma_wait3A_41 = arith.constant 0 : i32
    %dma_wait3A_42 = arith.constant 0 : i32
    %dma_wait3A_43 = tpu.memref_slice %arg2[%dma_wait3A_41, %dma_wait3A_42] : memref<100000x128xf32, #tpu.memory_space<hbm>> -> memref<100000x128xf32, #tpu.memory_space<hbm>>
    tpu.wait_indirect_dma semaphore(%arg18 : memref<!tpu.dma_semaphore, #tpu.memory_space<semaphore_mem>>) src(%dma_wait3A_43 : memref<100000x128xf32, #tpu.memory_space<hbm>>) dst(%arg10 : memref<64x128xf32, #tpu.memory_space<vmem>>)
    %dma_start3A_44 = arith.constant 0 : i32
    %dma_start3A_45 = tpu.memref_slice %arg8[%dma_start3A_44] : memref<512xi32, #tpu.memory_space<vmem>> -> memref<64xi32, #tpu.memory_space<vmem>>
    %dma_start3A_46 = arith.constant 0 : i32
    %dma_start3A_47 = arith.constant 0 : i32
    %dma_start3A_48 = tpu.memref_slice %arg17[%dma_start3A_46, %dma_start3A_47] : memref<1000x128xf32, #tpu.memory_space<vmem_shared>> -> memref<1000x128xf32, #tpu.memory_space<vmem_shared>>
    tpu.enqueue_indirect_dma source(%dma_start3A_48 : memref<1000x128xf32, #tpu.memory_space<vmem_shared>>) target(%arg10 : memref<64x128xf32, #tpu.memory_space<vmem>>) offsets(%dma_start3A_45 : memref<64xi32, #tpu.memory_space<vmem>>) semaphore(%arg18 : memref<!tpu.dma_semaphore, #tpu.memory_space<semaphore_mem>>) {add = true}
    %dma_start3A_49 = arith.constant 128 : i32
    %dma_start3A_50 = tpu.memref_slice %arg7[%dma_start3A_49] : memref<512xi32, #tpu.memory_space<vmem>> -> memref<64xi32, #tpu.memory_space<vmem>>
    %dma_start3A_51 = arith.constant 0 : i32
    %dma_start3A_52 = arith.constant 0 : i32
    %dma_start3A_53 = tpu.memref_slice %arg2[%dma_start3A_51, %dma_start3A_52] : memref<100000x128xf32, #tpu.memory_space<hbm>> -> memref<100000x128xf32, #tpu.memory_space<hbm>>
    tpu.enqueue_indirect_dma source(%dma_start3A_53 : memref<100000x128xf32, #tpu.memory_space<hbm>>) target(%arg12 : memref<64x128xf32, #tpu.memory_space<vmem>>) offsets(%dma_start3A_50 : memref<64xi32, #tpu.memory_space<vmem>>) semaphore(%arg20 : memref<!tpu.dma_semaphore, #tpu.memory_space<semaphore_mem>>)
    %dma_start3A_54 = arith.constant 128 : i32
    %dma_start3A_55 = tpu.memref_slice %arg9[%dma_start3A_54] : memref<512xi32, #tpu.memory_space<vmem>> -> memref<64xi32, #tpu.memory_space<vmem>>
    %dma_start3A_56 = arith.constant 0 : i32
    %dma_start3A_57 = arith.constant 0 : i32
    %dma_start3A_58 = tpu.memref_slice %arg2[%dma_start3A_56, %dma_start3A_57] : memref<100000x128xf32, #tpu.memory_space<hbm>> -> memref<100000x128xf32, #tpu.memory_space<hbm>>
    tpu.enqueue_indirect_dma source(%dma_start3A_58 : memref<100000x128xf32, #tpu.memory_space<hbm>>) target(%arg15 : memref<64x128xf32, #tpu.memory_space<vmem>>) offsets(%dma_start3A_55 : memref<64xi32, #tpu.memory_space<vmem>>) semaphore(%arg23 : memref<!tpu.dma_semaphore, #tpu.memory_space<semaphore_mem>>)
    %dma_wait3A_59 = arith.constant 64 : i32
    %dma_wait3A_60 = tpu.memref_slice %arg7[%dma_wait3A_59] : memref<512xi32, #tpu.memory_space<vmem>> -> memref<64xi32, #tpu.memory_space<vmem>>
    %dma_wait3A_61 = arith.constant 0 : i32
    %dma_wait3A_62 = arith.constant 0 : i32
    %dma_wait3A_63 = tpu.memref_slice %arg2[%dma_wait3A_61, %dma_wait3A_62] : memref<100000x128xf32, #tpu.memory_space<hbm>> -> memref<100000x128xf32, #tpu.memory_space<hbm>>
    tpu.wait_indirect_dma semaphore(%arg19 : memref<!tpu.dma_semaphore, #tpu.memory_space<semaphore_mem>>) src(%dma_wait3A_63 : memref<100000x128xf32, #tpu.memory_space<hbm>>) dst(%arg11 : memref<64x128xf32, #tpu.memory_space<vmem>>)
    %dma_start3A_64 = arith.constant 64 : i32
    %dma_start3A_65 = tpu.memref_slice %arg8[%dma_start3A_64] : memref<512xi32, #tpu.memory_space<vmem>> -> memref<64xi32, #tpu.memory_space<vmem>>
    %dma_start3A_66 = arith.constant 0 : i32
    %dma_start3A_67 = arith.constant 0 : i32
    %dma_start3A_68 = tpu.memref_slice %arg17[%dma_start3A_66, %dma_start3A_67] : memref<1000x128xf32, #tpu.memory_space<vmem_shared>> -> memref<1000x128xf32, #tpu.memory_space<vmem_shared>>
    tpu.enqueue_indirect_dma source(%dma_start3A_68 : memref<1000x128xf32, #tpu.memory_space<vmem_shared>>) target(%arg11 : memref<64x128xf32, #tpu.memory_space<vmem>>) offsets(%dma_start3A_65 : memref<64xi32, #tpu.memory_space<vmem>>) semaphore(%arg19 : memref<!tpu.dma_semaphore, #tpu.memory_space<semaphore_mem>>) {add = true}
    %dma_wait3A_69 = arith.constant 0 : i32
    %dma_wait3A_70 = tpu.memref_slice %arg8[%dma_wait3A_69] : memref<512xi32, #tpu.memory_space<vmem>> -> memref<64xi32, #tpu.memory_space<vmem>>
    %dma_wait3A_71 = arith.constant 0 : i32
    %dma_wait3A_72 = arith.constant 0 : i32
    %dma_wait3A_73 = tpu.memref_slice %arg17[%dma_wait3A_71, %dma_wait3A_72] : memref<1000x128xf32, #tpu.memory_space<vmem_shared>> -> memref<1000x128xf32, #tpu.memory_space<vmem_shared>>
    tpu.wait_indirect_dma semaphore(%arg18 : memref<!tpu.dma_semaphore, #tpu.memory_space<semaphore_mem>>) src(%dma_wait3A_73 : memref<1000x128xf32, #tpu.memory_space<vmem_shared>>) dst(%arg10 : memref<64x128xf32, #tpu.memory_space<vmem>>)
    %dma_wait3A_74 = arith.constant 0 : i32
    %dma_wait3A_75 = tpu.memref_slice %arg9[%dma_wait3A_74] : memref<512xi32, #tpu.memory_space<vmem>> -> memref<64xi32, #tpu.memory_space<vmem>>
    %dma_wait3A_76 = arith.constant 0 : i32
    %dma_wait3A_77 = arith.constant 0 : i32
    %dma_wait3A_78 = tpu.memref_slice %arg2[%dma_wait3A_76, %dma_wait3A_77] : memref<100000x128xf32, #tpu.memory_space<hbm>> -> memref<100000x128xf32, #tpu.memory_space<hbm>>
    tpu.wait_indirect_dma semaphore(%arg21 : memref<!tpu.dma_semaphore, #tpu.memory_space<semaphore_mem>>) src(%dma_wait3A_78 : memref<100000x128xf32, #tpu.memory_space<hbm>>) dst(%arg13 : memref<64x128xf32, #tpu.memory_space<vmem>>)
    %scan3A_79 = arith.constant 0 : i32
    %scan3A_80 = arith.constant 0 : i32
    %scan3A_81 = arith.constant 4 : i32
    %scan3A_82 = arith.addi %scan3A_80, %scan3A_81 : i32
    %scan3A_83 = arith.constant 1 : i32
    scf.for %scan3A_307 = %scan3A_80 to %scan3A_82 step %scan3A_83  : i32 {
      %mul3A_308 = arith.constant 16 : i32
      %mul3A_309 = arith.muli %scan3A_307, %mul3A_308 : i32
      %broadcast_in_dim3A = arith.constant 0.000000e+00 : f32
      %broadcast_in_dim3A_310 = vector.broadcast %broadcast_in_dim3A : f32 to vector<16xf32>
      %scan3A_311 = arith.constant 0 : i32
      %scan3A_312 = arith.constant 4 : i32
      %scan3A_313 = arith.addi %scan3A_311, %scan3A_312 : i32
      %scan3A_314 = arith.constant 1 : i32
      %scan3A_315 = scf.for %scan3A_320 = %scan3A_311 to %scan3A_313 step %scan3A_314 iter_args(%scan3A_321 = %broadcast_in_dim3A_310) -> (vector<16xf32>)  : i32 {
        %mul3A_322 = arith.constant 4 : i32
        %mul3A_323 = arith.muli %scan3A_320, %mul3A_322 : i32
        %add3A_324 = arith.constant 0 : i32
        %add3A_325 = arith.addi %mul3A_323, %add3A_324 : i32
        %add3A_326 = arith.addi %mul3A_309, %add3A_325 : i32
        %broadcast_in_dim3A_327 = arith.constant 0.000000e+00 : f32
        %broadcast_in_dim3A_328 = vector.broadcast %broadcast_in_dim3A_327 : f32 to vector<16xf32>
        %broadcast_in_dim3A_329 = arith.constant 0.000000e+00 : f32
        %broadcast_in_dim3A_330 = vector.broadcast %broadcast_in_dim3A_329 : f32 to vector<16xf32>
        %broadcast_in_dim3A_331 = arith.constant 0.000000e+00 : f32
        %broadcast_in_dim3A_332 = vector.broadcast %broadcast_in_dim3A_331 : f32 to vector<16xf32>
        %broadcast_in_dim3A_333 = arith.constant 0.000000e+00 : f32
        %broadcast_in_dim3A_334 = vector.broadcast %broadcast_in_dim3A_333 : f32 to vector<16xf32>
        %get3A = arith.index_cast %add3A_326 : i32 to index
        %get3A_335 = arith.constant 0 : index
        %get3A_336 = tpu.vector_load %arg10[%get3A, %get3A_335] {strides = array<i32>} : memref<64x128xf32, #tpu.memory_space<vmem>>, vector<16xf32>,
        %get3A_337 = arith.index_cast %add3A_326 : i32 to index
        %get3A_338 = arith.constant 0 : index
        %get3A_339 = tpu.vector_load %arg13[%get3A_337, %get3A_338] {strides = array<i32>} : memref<64x128xf32, #tpu.memory_space<vmem>>, vector<16xf32>,
        %sub3A = arith.subf %get3A_336, %get3A_339 : vector<16xf32>
        %abs3A = math.absf %sub3A : vector<16xf32>
        %add3A_340 = arith.addf %broadcast_in_dim3A_328, %abs3A : vector<16xf32>
        %get3A_341 = arith.index_cast %add3A_326 : i32 to index
        %get3A_342 = arith.constant 16 : index
        %get3A_343 = tpu.vector_load %arg10[%get3A_341, %get3A_342] {strides = array<i32>} : memref<64x128xf32, #tpu.memory_space<vmem>>, vector<16xf32>,
        %get3A_344 = arith.index_cast %add3A_326 : i32 to index
        %get3A_345 = arith.constant 16 : index
        %get3A_346 = tpu.vector_load %arg13[%get3A_344, %get3A_345] {strides = array<i32>} : memref<64x128xf32, #tpu.memory_space<vmem>>, vector<16xf32>,
        %sub3A_347 = arith.subf %get3A_343, %get3A_346 : vector<16xf32>
        %abs3A_348 = math.absf %sub3A_347 : vector<16xf32>
        %add3A_349 = arith.addf %broadcast_in_dim3A_330, %abs3A_348 : vector<16xf32>
        %get3A_350 = arith.index_cast %add3A_326 : i32 to index
        %get3A_351 = arith.constant 32 : index
        %get3A_352 = tpu.vector_load %arg10[%get3A_350, %get3A_351] {strides = array<i32>} : memref<64x128xf32, #tpu.memory_space<vmem>>, vector<16xf32>,
        %get3A_353 = arith.index_cast %add3A_326 : i32 to index
        %get3A_354 = arith.constant 32 : index
        %get3A_355 = tpu.vector_load %arg13[%get3A_353, %get3A_354] {strides = array<i32>} : memref<64x128xf32, #tpu.memory_space<vmem>>, vector<16xf32>,
        %sub3A_356 = arith.subf %get3A_352, %get3A_355 : vector<16xf32>
        %abs3A_357 = math.absf %sub3A_356 : vector<16xf32>
        %add3A_358 = arith.addf %broadcast_in_dim3A_332, %abs3A_357 : vector<16xf32>
        %get3A_359 = arith.index_cast %add3A_326 : i32 to index
        %get3A_360 = arith.constant 48 : index
        %get3A_361 = tpu.vector_load %arg10[%get3A_359, %get3A_360] {strides = array<i32>} : memref<64x128xf32, #tpu.memory_space<vmem>>, vector<16xf32>,
        %get3A_362 = arith.index_cast %add3A_326 : i32 to index
        %get3A_363 = arith.constant 48 : index
        %get3A_364 = tpu.vector_load %arg13[%get3A_362, %get3A_363] {strides = array<i32>} : memref<64x128xf32, #tpu.memory_space<vmem>>, vector<16xf32>,
        %sub3A_365 = arith.subf %get3A_361, %get3A_364 : vector<16xf32>
        %abs3A_366 = math.absf %sub3A_365 : vector<16xf32>
        %add3A_367 = arith.addf %broadcast_in_dim3A_334, %abs3A_366 : vector<16xf32>
        %get3A_368 = arith.index_cast %add3A_326 : i32 to index
        %get3A_369 = arith.constant 64 : index
        %get3A_370 = tpu.vector_load %arg10[%get3A_368, %get3A_369] {strides = array<i32>} : memref<64x128xf32, #tpu.memory_space<vmem>>, vector<16xf32>,
        %get3A_371 = arith.index_cast %add3A_326 : i32 to index
        %get3A_372 = arith.constant 64 : index
        %get3A_373 = tpu.vector_load %arg13[%get3A_371, %get3A_372] {strides = array<i32>} : memref<64x128xf32, #tpu.memory_space<vmem>>, vector<16xf32>,
        %sub3A_374 = arith.subf %get3A_370, %get3A_373 : vector<16xf32>
        %abs3A_375 = math.absf %sub3A_374 : vector<16xf32>
        %add3A_376 = arith.addf %add3A_340, %abs3A_375 : vector<16xf32>
        %get3A_377 = arith.index_cast %add3A_326 : i32 to index
        %get3A_378 = arith.constant 80 : index
        %get3A_379 = tpu.vector_load %arg10[%get3A_377, %get3A_378] {strides = array<i32>} : memref<64x128xf32, #tpu.memory_space<vmem>>, vector<16xf32>,
        %get3A_380 = arith.index_cast %add3A_326 : i32 to index
        %get3A_381 = arith.constant 80 : index
        %get3A_382 = tpu.vector_load %arg13[%get3A_380, %get3A_381] {strides = array<i32>} : memref<64x128xf32, #tpu.memory_space<vmem>>, vector<16xf32>,
        %sub3A_383 = arith.subf %get3A_379, %get3A_382 : vector<16xf32>
        %abs3A_384 = math.absf %sub3A_383 : vector<16xf32>
        %add3A_385 = arith.addf %add3A_349, %abs3A_384 : vector<16xf32>
        %get3A_386 = arith.index_cast %add3A_326 : i32 to index
        %get3A_387 = arith.constant 96 : index
        %get3A_388 = tpu.vector_load %arg10[%get3A_386, %get3A_387] {strides = array<i32>} : memref<64x128xf32, #tpu.memory_space<vmem>>, vector<16xf32>,
        %get3A_389 = arith.index_cast %add3A_326 : i32 to index
        %get3A_390 = arith.constant 96 : index
        %get3A_391 = tpu.vector_load %arg13[%get3A_389, %get3A_390] {strides = array<i32>} : memref<64x128xf32, #tpu.memory_space<vmem>>, vector<16xf32>,
        %sub3A_392 = arith.subf %get3A_388, %get3A_391 : vector<16xf32>
        %abs3A_393 = math.absf %sub3A_392 : vector<16xf32>
        %add3A_394 = arith.addf %add3A_358, %abs3A_393 : vector<16xf32>
        %get3A_395 = arith.index_cast %add3A_326 : i32 to index
        %get3A_396 = arith.constant 112 : index
        %get3A_397 = tpu.vector_load %arg10[%get3A_395, %get3A_396] {strides = array<i32>} : memref<64x128xf32, #tpu.memory_space<vmem>>, vector<16xf32>,
        %get3A_398 = arith.index_cast %add3A_326 : i32 to index
        %get3A_399 = arith.constant 112 : index
        %get3A_400 = tpu.vector_load %arg13[%get3A_398, %get3A_399] {strides = array<i32>} : memref<64x128xf32, #tpu.memory_space<vmem>>, vector<16xf32>,
        %sub3A_401 = arith.subf %get3A_397, %get3A_400 : vector<16xf32>
        %abs3A_402 = math.absf %sub3A_401 : vector<16xf32>
        %add3A_403 = arith.addf %add3A_367, %abs3A_402 : vector<16xf32>
        %add3A_404 = arith.addf %add3A_376, %add3A_385 : vector<16xf32>
        %add3A_405 = arith.addf %add3A_394, %add3A_403 : vector<16xf32>
        %add3A_406 = arith.addf %add3A_404, %add3A_405 : vector<16xf32>
        %reduce_sum3A = arith.constant true
        %reduce_sum3A_407 = vector.broadcast %reduce_sum3A : i1 to vector<16xi1>
        %reduce_sum3A_408 = tpu.scan <sum>, %add3A_406 masked %reduce_sum3A_407 : vector<16xf32>, vector<16xi1> -> vector<16xf32>
        %reduce_sum3A_409 = vector.extract %reduce_sum3A_408[15] : f32 from vector<16xf32>
        %eq3A_410 = vector.broadcast %add3A_325 : i32 to vector<16xi32>
        %eq3A_411 = arith.cmpi eq, %iota3A, %eq3A_410 : vector<16xi32>
        %sub3A_412 = arith.constant 1.200000e+01 : f32
        %sub3A_413 = arith.subf %sub3A_412, %reduce_sum3A_409 : f32
        %broadcast_in_dim3A_414 = vector.broadcast %sub3A_413 : f32 to vector<16xf32>
        %select_n3A = arith.select %eq3A_411, %broadcast_in_dim3A_414, %scan3A_321 : vector<16xi1>, vector<16xf32>
        %mul3A_415 = arith.constant 4 : i32
        %mul3A_416 = arith.muli %scan3A_320, %mul3A_415 : i32
        %add3A_417 = arith.constant 1 : i32
        %add3A_418 = arith.addi %mul3A_416, %add3A_417 : i32
        %add3A_419 = arith.addi %mul3A_309, %add3A_418 : i32
        %broadcast_in_dim3A_420 = arith.constant 0.000000e+00 : f32
        %broadcast_in_dim3A_421 = vector.broadcast %broadcast_in_dim3A_420 : f32 to vector<16xf32>
        %broadcast_in_dim3A_422 = arith.constant 0.000000e+00 : f32
        %broadcast_in_dim3A_423 = vector.broadcast %broadcast_in_dim3A_422 : f32 to vector<16xf32>
        %broadcast_in_dim3A_424 = arith.constant 0.000000e+00 : f32
        %broadcast_in_dim3A_425 = vector.broadcast %broadcast_in_dim3A_424 : f32 to vector<16xf32>
        %broadcast_in_dim3A_426 = arith.constant 0.000000e+00 : f32
        %broadcast_in_dim3A_427 = vector.broadcast %broadcast_in_dim3A_426 : f32 to vector<16xf32>
        %get3A_428 = arith.index_cast %add3A_419 : i32 to index
        %get3A_429 = arith.constant 0 : index
        %get3A_430 = tpu.vector_load %arg10[%get3A_428, %get3A_429] {strides = array<i32>} : memref<64x128xf32, #tpu.memory_space<vmem>>, vector<16xf32>,
        %get3A_431 = arith.index_cast %add3A_419 : i32 to index
        %get3A_432 = arith.constant 0 : index
        %get3A_433 = tpu.vector_load %arg13[%get3A_431, %get3A_432] {strides = array<i32>} : memref<64x128xf32, #tpu.memory_space<vmem>>, vector<16xf32>,
        %sub3A_434 = arith.subf %get3A_430, %get3A_433 : vector<16xf32>
        %abs3A_435 = math.absf %sub3A_434 : vector<16xf32>
        %add3A_436 = arith.addf %broadcast_in_dim3A_421, %abs3A_435 : vector<16xf32>
        %get3A_437 = arith.index_cast %add3A_419 : i32 to index
        %get3A_438 = arith.constant 16 : index
        %get3A_439 = tpu.vector_load %arg10[%get3A_437, %get3A_438] {strides = array<i32>} : memref<64x128xf32, #tpu.memory_space<vmem>>, vector<16xf32>,
        %get3A_440 = arith.index_cast %add3A_419 : i32 to index
        %get3A_441 = arith.constant 16 : index
        %get3A_442 = tpu.vector_load %arg13[%get3A_440, %get3A_441] {strides = array<i32>} : memref<64x128xf32, #tpu.memory_space<vmem>>, vector<16xf32>,
        %sub3A_443 = arith.subf %get3A_439, %get3A_442 : vector<16xf32>
        %abs3A_444 = math.absf %sub3A_443 : vector<16xf32>
        %add3A_445 = arith.addf %broadcast_in_dim3A_423, %abs3A_444 : vector<16xf32>
        %get3A_446 = arith.index_cast %add3A_419 : i32 to index
        %get3A_447 = arith.constant 32 : index
        %get3A_448 = tpu.vector_load %arg10[%get3A_446, %get3A_447] {strides = array<i32>} : memref<64x128xf32, #tpu.memory_space<vmem>>, vector<16xf32>,
        %get3A_449 = arith.index_cast %add3A_419 : i32 to index
        %get3A_450 = arith.constant 32 : index
        %get3A_451 = tpu.vector_load %arg13[%get3A_449, %get3A_450] {strides = array<i32>} : memref<64x128xf32, #tpu.memory_space<vmem>>, vector<16xf32>,
        %sub3A_452 = arith.subf %get3A_448, %get3A_451 : vector<16xf32>
        %abs3A_453 = math.absf %sub3A_452 : vector<16xf32>
        %add3A_454 = arith.addf %broadcast_in_dim3A_425, %abs3A_453 : vector<16xf32>
        %get3A_455 = arith.index_cast %add3A_419 : i32 to index
        %get3A_456 = arith.constant 48 : index
        %get3A_457 = tpu.vector_load %arg10[%get3A_455, %get3A_456] {strides = array<i32>} : memref<64x128xf32, #tpu.memory_space<vmem>>, vector<16xf32>,
        %get3A_458 = arith.index_cast %add3A_419 : i32 to index
        %get3A_459 = arith.constant 48 : index
        %get3A_460 = tpu.vector_load %arg13[%get3A_458, %get3A_459] {strides = array<i32>} : memref<64x128xf32, #tpu.memory_space<vmem>>, vector<16xf32>,
        %sub3A_461 = arith.subf %get3A_457, %get3A_460 : vector<16xf32>
        %abs3A_462 = math.absf %sub3A_461 : vector<16xf32>
        %add3A_463 = arith.addf %broadcast_in_dim3A_427, %abs3A_462 : vector<16xf32>
        %get3A_464 = arith.index_cast %add3A_419 : i32 to index
        %get3A_465 = arith.constant 64 : index
        %get3A_466 = tpu.vector_load %arg10[%get3A_464, %get3A_465] {strides = array<i32>} : memref<64x128xf32, #tpu.memory_space<vmem>>, vector<16xf32>,
        %get3A_467 = arith.index_cast %add3A_419 : i32 to index
        %get3A_468 = arith.constant 64 : index
        %get3A_469 = tpu.vector_load %arg13[%get3A_467, %get3A_468] {strides = array<i32>} : memref<64x128xf32, #tpu.memory_space<vmem>>, vector<16xf32>,
        %sub3A_470 = arith.subf %get3A_466, %get3A_469 : vector<16xf32>
        %abs3A_471 = math.absf %sub3A_470 : vector<16xf32>
        %add3A_472 = arith.addf %add3A_436, %abs3A_471 : vector<16xf32>
        %get3A_473 = arith.index_cast %add3A_419 : i32 to index
        %get3A_474 = arith.constant 80 : index
        %get3A_475 = tpu.vector_load %arg10[%get3A_473, %get3A_474] {strides = array<i32>} : memref<64x128xf32, #tpu.memory_space<vmem>>, vector<16xf32>,
        %get3A_476 = arith.index_cast %add3A_419 : i32 to index
        %get3A_477 = arith.constant 80 : index
        %get3A_478 = tpu.vector_load %arg13[%get3A_476, %get3A_477] {strides = array<i32>} : memref<64x128xf32, #tpu.memory_space<vmem>>, vector<16xf32>,
        %sub3A_479 = arith.subf %get3A_475, %get3A_478 : vector<16xf32>
        %abs3A_480 = math.absf %sub3A_479 : vector<16xf32>
        %add3A_481 = arith.addf %add3A_445, %abs3A_480 : vector<16xf32>
        %get3A_482 = arith.index_cast %add3A_419 : i32 to index
        %get3A_483 = arith.constant 96 : index
        %get3A_484 = tpu.vector_load %arg10[%get3A_482, %get3A_483] {strides = array<i32>} : memref<64x128xf32, #tpu.memory_space<vmem>>, vector<16xf32>,
        %get3A_485 = arith.index_cast %add3A_419 : i32 to index
        %get3A_486 = arith.constant 96 : index
        %get3A_487 = tpu.vector_load %arg13[%get3A_485, %get3A_486] {strides = array<i32>} : memref<64x128xf32, #tpu.memory_space<vmem>>, vector<16xf32>,
        %sub3A_488 = arith.subf %get3A_484, %get3A_487 : vector<16xf32>
        %abs3A_489 = math.absf %sub3A_488 : vector<16xf32>
        %add3A_490 = arith.addf %add3A_454, %abs3A_489 : vector<16xf32>
        %get3A_491 = arith.index_cast %add3A_419 : i32 to index
        %get3A_492 = arith.constant 112 : index
        %get3A_493 = tpu.vector_load %arg10[%get3A_491, %get3A_492] {strides = array<i32>} : memref<64x128xf32, #tpu.memory_space<vmem>>, vector<16xf32>,
        %get3A_494 = arith.index_cast %add3A_419 : i32 to index
        %get3A_495 = arith.constant 112 : index
        %get3A_496 = tpu.vector_load %arg13[%get3A_494, %get3A_495] {strides = array<i32>} : memref<64x128xf32, #tpu.memory_space<vmem>>, vector<16xf32>,
        %sub3A_497 = arith.subf %get3A_493, %get3A_496 : vector<16xf32>
        %abs3A_498 = math.absf %sub3A_497 : vector<16xf32>
        %add3A_499 = arith.addf %add3A_463, %abs3A_498 : vector<16xf32>
        %add3A_500 = arith.addf %add3A_472, %add3A_481 : vector<16xf32>
        %add3A_501 = arith.addf %add3A_490, %add3A_499 : vector<16xf32>
        %add3A_502 = arith.addf %add3A_500, %add3A_501 : vector<16xf32>
        %reduce_sum3A_503 = arith.constant true
        %reduce_sum3A_504 = vector.broadcast %reduce_sum3A_503 : i1 to vector<16xi1>
        %reduce_sum3A_505 = tpu.scan <sum>, %add3A_502 masked %reduce_sum3A_504 : vector<16xf32>, vector<16xi1> -> vector<16xf32>
        %reduce_sum3A_506 = vector.extract %reduce_sum3A_505[15] : f32 from vector<16xf32>
        %eq3A_507 = vector.broadcast %add3A_418 : i32 to vector<16xi32>
        %eq3A_508 = arith.cmpi eq, %iota3A, %eq3A_507 : vector<16xi32>
        %sub3A_509 = arith.constant 1.200000e+01 : f32
        %sub3A_510 = arith.subf %sub3A_509, %reduce_sum3A_506 : f32
        %broadcast_in_dim3A_511 = vector.broadcast %sub3A_510 : f32 to vector<16xf32>
        %select_n3A_512 = arith.select %eq3A_508, %broadcast_in_dim3A_511, %select_n3A : vector<16xi1>, vector<16xf32>
        %mul3A_513 = arith.constant 4 : i32
        %mul3A_514 = arith.muli %scan3A_320, %mul3A_513 : i32
        %add3A_515 = arith.constant 2 : i32
        %add3A_516 = arith.addi %mul3A_514, %add3A_515 : i32
        %add3A_517 = arith.addi %mul3A_309, %add3A_516 : i32
        %broadcast_in_dim3A_518 = arith.constant 0.000000e+00 : f32
        %broadcast_in_dim3A_519 = vector.broadcast %broadcast_in_dim3A_518 : f32 to vector<16xf32>
        %broadcast_in_dim3A_520 = arith.constant 0.000000e+00 : f32
        %broadcast_in_dim3A_521 = vector.broadcast %broadcast_in_dim3A_520 : f32 to vector<16xf32>
        %broadcast_in_dim3A_522 = arith.constant 0.000000e+00 : f32
        %broadcast_in_dim3A_523 = vector.broadcast %broadcast_in_dim3A_522 : f32 to vector<16xf32>
        %broadcast_in_dim3A_524 = arith.constant 0.000000e+00 : f32
        %broadcast_in_dim3A_525 = vector.broadcast %broadcast_in_dim3A_524 : f32 to vector<16xf32>
        %get3A_526 = arith.index_cast %add3A_517 : i32 to index
        %get3A_527 = arith.constant 0 : index
        %get3A_528 = tpu.vector_load %arg10[%get3A_526, %get3A_527] {strides = array<i32>} : memref<64x128xf32, #tpu.memory_space<vmem>>, vector<16xf32>,
        %get3A_529 = arith.index_cast %add3A_517 : i32 to index
        %get3A_530 = arith.constant 0 : index
        %get3A_531 = tpu.vector_load %arg13[%get3A_529, %get3A_530] {strides = array<i32>} : memref<64x128xf32, #tpu.memory_space<vmem>>, vector<16xf32>,
        %sub3A_532 = arith.subf %get3A_528, %get3A_531 : vector<16xf32>
        %abs3A_533 = math.absf %sub3A_532 : vector<16xf32>
        %add3A_534 = arith.addf %broadcast_in_dim3A_519, %abs3A_533 : vector<16xf32>
        %get3A_535 = arith.index_cast %add3A_517 : i32 to index
        %get3A_536 = arith.constant 16 : index
        %get3A_537 = tpu.vector_load %arg10[%get3A_535, %get3A_536] {strides = array<i32>} : memref<64x128xf32, #tpu.memory_space<vmem>>, vector<16xf32>,
        %get3A_538 = arith.index_cast %add3A_517 : i32 to index
        %get3A_539 = arith.constant 16 : index
        %get3A_540 = tpu.vector_load %arg13[%get3A_538, %get3A_539] {strides = array<i32>} : memref<64x128xf32, #tpu.memory_space<vmem>>, vector<16xf32>,
        %sub3A_541 = arith.subf %get3A_537, %get3A_540 : vector<16xf32>
        %abs3A_542 = math.absf %sub3A_541 : vector<16xf32>
        %add3A_543 = arith.addf %broadcast_in_dim3A_521, %abs3A_542 : vector<16xf32>
        %get3A_544 = arith.index_cast %add3A_517 : i32 to index
        %get3A_545 = arith.constant 32 : index
        %get3A_546 = tpu.vector_load %arg10[%get3A_544, %get3A_545] {strides = array<i32>} : memref<64x128xf32, #tpu.memory_space<vmem>>, vector<16xf32>,
        %get3A_547 = arith.index_cast %add3A_517 : i32 to index
        %get3A_548 = arith.constant 32 : index
        %get3A_549 = tpu.vector_load %arg13[%get3A_547, %get3A_548] {strides = array<i32>} : memref<64x128xf32, #tpu.memory_space<vmem>>, vector<16xf32>,
        %sub3A_550 = arith.subf %get3A_546, %get3A_549 : vector<16xf32>
        %abs3A_551 = math.absf %sub3A_550 : vector<16xf32>
        %add3A_552 = arith.addf %broadcast_in_dim3A_523, %abs3A_551 : vector<16xf32>
        %get3A_553 = arith.index_cast %add3A_517 : i32 to index
        %get3A_554 = arith.constant 48 : index
        %get3A_555 = tpu.vector_load %arg10[%get3A_553, %get3A_554] {strides = array<i32>} : memref<64x128xf32, #tpu.memory_space<vmem>>, vector<16xf32>,
        %get3A_556 = arith.index_cast %add3A_517 : i32 to index
        %get3A_557 = arith.constant 48 : index
        %get3A_558 = tpu.vector_load %arg13[%get3A_556, %get3A_557] {strides = array<i32>} : memref<64x128xf32, #tpu.memory_space<vmem>>, vector<16xf32>,
        %sub3A_559 = arith.subf %get3A_555, %get3A_558 : vector<16xf32>
        %abs3A_560 = math.absf %sub3A_559 : vector<16xf32>
        %add3A_561 = arith.addf %broadcast_in_dim3A_525, %abs3A_560 : vector<16xf32>
        %get3A_562 = arith.index_cast %add3A_517 : i32 to index
        %get3A_563 = arith.constant 64 : index
        %get3A_564 = tpu.vector_load %arg10[%get3A_562, %get3A_563] {strides = array<i32>} : memref<64x128xf32, #tpu.memory_space<vmem>>, vector<16xf32>,
        %get3A_565 = arith.index_cast %add3A_517 : i32 to index
        %get3A_566 = arith.constant 64 : index
        %get3A_567 = tpu.vector_load %arg13[%get3A_565, %get3A_566] {strides = array<i32>} : memref<64x128xf32, #tpu.memory_space<vmem>>, vector<16xf32>,
        %sub3A_568 = arith.subf %get3A_564, %get3A_567 : vector<16xf32>
        %abs3A_569 = math.absf %sub3A_568 : vector<16xf32>
        %add3A_570 = arith.addf %add3A_534, %abs3A_569 : vector<16xf32>
        %get3A_571 = arith.index_cast %add3A_517 : i32 to index
        %get3A_572 = arith.constant 80 : index
        %get3A_573 = tpu.vector_load %arg10[%get3A_571, %get3A_572] {strides = array<i32>} : memref<64x128xf32, #tpu.memory_space<vmem>>, vector<16xf32>,
        %get3A_574 = arith.index_cast %add3A_517 : i32 to index
        %get3A_575 = arith.constant 80 : index
        %get3A_576 = tpu.vector_load %arg13[%get3A_574, %get3A_575] {strides = array<i32>} : memref<64x128xf32, #tpu.memory_space<vmem>>, vector<16xf32>,
        %sub3A_577 = arith.subf %get3A_573, %get3A_576 : vector<16xf32>
        %abs3A_578 = math.absf %sub3A_577 : vector<16xf32>
        %add3A_579 = arith.addf %add3A_543, %abs3A_578 : vector<16xf32>
        %get3A_580 = arith.index_cast %add3A_517 : i32 to index
        %get3A_581 = arith.constant 96 : index
        %get3A_582 = tpu.vector_load %arg10[%get3A_580, %get3A_581] {strides = array<i32>} : memref<64x128xf32, #tpu.memory_space<vmem>>, vector<16xf32>,
        %get3A_583 = arith.index_cast %add3A_517 : i32 to index
        %get3A_584 = arith.constant 96 : index
        %get3A_585 = tpu.vector_load %arg13[%get3A_583, %get3A_584] {strides = array<i32>} : memref<64x128xf32, #tpu.memory_space<vmem>>, vector<16xf32>,
        %sub3A_586 = arith.subf %get3A_582, %get3A_585 : vector<16xf32>
        %abs3A_587 = math.absf %sub3A_586 : vector<16xf32>
        %add3A_588 = arith.addf %add3A_552, %abs3A_587 : vector<16xf32>
        %get3A_589 = arith.index_cast %add3A_517 : i32 to index
        %get3A_590 = arith.constant 112 : index
        %get3A_591 = tpu.vector_load %arg10[%get3A_589, %get3A_590] {strides = array<i32>} : memref<64x128xf32, #tpu.memory_space<vmem>>, vector<16xf32>,
        %get3A_592 = arith.index_cast %add3A_517 : i32 to index
        %get3A_593 = arith.constant 112 : index
        %get3A_594 = tpu.vector_load %arg13[%get3A_592, %get3A_593] {strides = array<i32>} : memref<64x128xf32, #tpu.memory_space<vmem>>, vector<16xf32>,
        %sub3A_595 = arith.subf %get3A_591, %get3A_594 : vector<16xf32>
        %abs3A_596 = math.absf %sub3A_595 : vector<16xf32>
        %add3A_597 = arith.addf %add3A_561, %abs3A_596 : vector<16xf32>
        %add3A_598 = arith.addf %add3A_570, %add3A_579 : vector<16xf32>
        %add3A_599 = arith.addf %add3A_588, %add3A_597 : vector<16xf32>
        %add3A_600 = arith.addf %add3A_598, %add3A_599 : vector<16xf32>
        %reduce_sum3A_601 = arith.constant true
        %reduce_sum3A_602 = vector.broadcast %reduce_sum3A_601 : i1 to vector<16xi1>
        %reduce_sum3A_603 = tpu.scan <sum>, %add3A_600 masked %reduce_sum3A_602 : vector<16xf32>, vector<16xi1> -> vector<16xf32>
        %reduce_sum3A_604 = vector.extract %reduce_sum3A_603[15] : f32 from vector<16xf32>
        %eq3A_605 = vector.broadcast %add3A_516 : i32 to vector<16xi32>
        %eq3A_606 = arith.cmpi eq, %iota3A, %eq3A_605 : vector<16xi32>
        %sub3A_607 = arith.constant 1.200000e+01 : f32
        %sub3A_608 = arith.subf %sub3A_607, %reduce_sum3A_604 : f32
        %broadcast_in_dim3A_609 = vector.broadcast %sub3A_608 : f32 to vector<16xf32>
        %select_n3A_610 = arith.select %eq3A_606, %broadcast_in_dim3A_609, %select_n3A_512 : vector<16xi1>, vector<16xf32>
        %mul3A_611 = arith.constant 4 : i32
        %mul3A_612 = arith.muli %scan3A_320, %mul3A_611 : i32
        %add3A_613 = arith.constant 3 : i32
        %add3A_614 = arith.addi %mul3A_612, %add3A_613 : i32
        %add3A_615 = arith.addi %mul3A_309, %add3A_614 : i32
        %broadcast_in_dim3A_616 = arith.constant 0.000000e+00 : f32
        %broadcast_in_dim3A_617 = vector.broadcast %broadcast_in_dim3A_616 : f32 to vector<16xf32>
        %broadcast_in_dim3A_618 = arith.constant 0.000000e+00 : f32
        %broadcast_in_dim3A_619 = vector.broadcast %broadcast_in_dim3A_618 : f32 to vector<16xf32>
        %broadcast_in_dim3A_620 = arith.constant 0.000000e+00 : f32
        %broadcast_in_dim3A_621 = vector.broadcast %broadcast_in_dim3A_620 : f32 to vector<16xf32>
        %broadcast_in_dim3A_622 = arith.constant 0.000000e+00 : f32
        %broadcast_in_dim3A_623 = vector.broadcast %broadcast_in_dim3A_622 : f32 to vector<16xf32>
        %get3A_624 = arith.index_cast %add3A_615 : i32 to index
        %get3A_625 = arith.constant 0 : index
        %get3A_626 = tpu.vector_load %arg10[%get3A_624, %get3A_625] {strides = array<i32>} : memref<64x128xf32, #tpu.memory_space<vmem>>, vector<16xf32>,
        %get3A_627 = arith.index_cast %add3A_615 : i32 to index
        %get3A_628 = arith.constant 0 : index
        %get3A_629 = tpu.vector_load %arg13[%get3A_627, %get3A_628] {strides = array<i32>} : memref<64x128xf32, #tpu.memory_space<vmem>>, vector<16xf32>,
        %sub3A_630 = arith.subf %get3A_626, %get3A_629 : vector<16xf32>
        %abs3A_631 = math.absf %sub3A_630 : vector<16xf32>
        %add3A_632 = arith.addf %broadcast_in_dim3A_617, %abs3A_631 : vector<16xf32>
        %get3A_633 = arith.index_cast %add3A_615 : i32 to index
        %get3A_634 = arith.constant 16 : index
        %get3A_635 = tpu.vector_load %arg10[%get3A_633, %get3A_634] {strides = array<i32>} : memref<64x128xf32, #tpu.memory_space<vmem>>, vector<16xf32>,
        %get3A_636 = arith.index_cast %add3A_615 : i32 to index
        %get3A_637 = arith.constant 16 : index
        %get3A_638 = tpu.vector_load %arg13[%get3A_636, %get3A_637] {strides = array<i32>} : memref<64x128xf32, #tpu.memory_space<vmem>>, vector<16xf32>,
        %sub3A_639 = arith.subf %get3A_635, %get3A_638 : vector<16xf32>
        %abs3A_640 = math.absf %sub3A_639 : vector<16xf32>
        %add3A_641 = arith.addf %broadcast_in_dim3A_619, %abs3A_640 : vector<16xf32>
        %get3A_642 = arith.index_cast %add3A_615 : i32 to index
        %get3A_643 = arith.constant 32 : index
        %get3A_644 = tpu.vector_load %arg10[%get3A_642, %get3A_643] {strides = array<i32>} : memref<64x128xf32, #tpu.memory_space<vmem>>, vector<16xf32>,
        %get3A_645 = arith.index_cast %add3A_615 : i32 to index
        %get3A_646 = arith.constant 32 : index
        %get3A_647 = tpu.vector_load %arg13[%get3A_645, %get3A_646] {strides = array<i32>} : memref<64x128xf32, #tpu.memory_space<vmem>>, vector<16xf32>,
        %sub3A_648 = arith.subf %get3A_644, %get3A_647 : vector<16xf32>
        %abs3A_649 = math.absf %sub3A_648 : vector<16xf32>
        %add3A_650 = arith.addf %broadcast_in_dim3A_621, %abs3A_649 : vector<16xf32>
        %get3A_651 = arith.index_cast %add3A_615 : i32 to index
        %get3A_652 = arith.constant 48 : index
        %get3A_653 = tpu.vector_load %arg10[%get3A_651, %get3A_652] {strides = array<i32>} : memref<64x128xf32, #tpu.memory_space<vmem>>, vector<16xf32>,
        %get3A_654 = arith.index_cast %add3A_615 : i32 to index
        %get3A_655 = arith.constant 48 : index
        %get3A_656 = tpu.vector_load %arg13[%get3A_654, %get3A_655] {strides = array<i32>} : memref<64x128xf32, #tpu.memory_space<vmem>>, vector<16xf32>,
        %sub3A_657 = arith.subf %get3A_653, %get3A_656 : vector<16xf32>
        %abs3A_658 = math.absf %sub3A_657 : vector<16xf32>
        %add3A_659 = arith.addf %broadcast_in_dim3A_623, %abs3A_658 : vector<16xf32>
        %get3A_660 = arith.index_cast %add3A_615 : i32 to index
        %get3A_661 = arith.constant 64 : index
        %get3A_662 = tpu.vector_load %arg10[%get3A_660, %get3A_661] {strides = array<i32>} : memref<64x128xf32, #tpu.memory_space<vmem>>, vector<16xf32>,
        %get3A_663 = arith.index_cast %add3A_615 : i32 to index
        %get3A_664 = arith.constant 64 : index
        %get3A_665 = tpu.vector_load %arg13[%get3A_663, %get3A_664] {strides = array<i32>} : memref<64x128xf32, #tpu.memory_space<vmem>>, vector<16xf32>,
        %sub3A_666 = arith.subf %get3A_662, %get3A_665 : vector<16xf32>
        %abs3A_667 = math.absf %sub3A_666 : vector<16xf32>
        %add3A_668 = arith.addf %add3A_632, %abs3A_667 : vector<16xf32>
        %get3A_669 = arith.index_cast %add3A_615 : i32 to index
        %get3A_670 = arith.constant 80 : index
        %get3A_671 = tpu.vector_load %arg10[%get3A_669, %get3A_670] {strides = array<i32>} : memref<64x128xf32, #tpu.memory_space<vmem>>, vector<16xf32>,
        %get3A_672 = arith.index_cast %add3A_615 : i32 to index
        %get3A_673 = arith.constant 80 : index
        %get3A_674 = tpu.vector_load %arg13[%get3A_672, %get3A_673] {strides = array<i32>} : memref<64x128xf32, #tpu.memory_space<vmem>>, vector<16xf32>,
        %sub3A_675 = arith.subf %get3A_671, %get3A_674 : vector<16xf32>
        %abs3A_676 = math.absf %sub3A_675 : vector<16xf32>
        %add3A_677 = arith.addf %add3A_641, %abs3A_676 : vector<16xf32>
        %get3A_678 = arith.index_cast %add3A_615 : i32 to index
        %get3A_679 = arith.constant 96 : index
        %get3A_680 = tpu.vector_load %arg10[%get3A_678, %get3A_679] {strides = array<i32>} : memref<64x128xf32, #tpu.memory_space<vmem>>, vector<16xf32>,
        %get3A_681 = arith.index_cast %add3A_615 : i32 to index
        %get3A_682 = arith.constant 96 : index
        %get3A_683 = tpu.vector_load %arg13[%get3A_681, %get3A_682] {strides = array<i32>} : memref<64x128xf32, #tpu.memory_space<vmem>>, vector<16xf32>,
        %sub3A_684 = arith.subf %get3A_680, %get3A_683 : vector<16xf32>
        %abs3A_685 = math.absf %sub3A_684 : vector<16xf32>
        %add3A_686 = arith.addf %add3A_650, %abs3A_685 : vector<16xf32>
        %get3A_687 = arith.index_cast %add3A_615 : i32 to index
        %get3A_688 = arith.constant 112 : index
        %get3A_689 = tpu.vector_load %arg10[%get3A_687, %get3A_688] {strides = array<i32>} : memref<64x128xf32, #tpu.memory_space<vmem>>, vector<16xf32>,
        %get3A_690 = arith.index_cast %add3A_615 : i32 to index
        %get3A_691 = arith.constant 112 : index
        %get3A_692 = tpu.vector_load %arg13[%get3A_690, %get3A_691] {strides = array<i32>} : memref<64x128xf32, #tpu.memory_space<vmem>>, vector<16xf32>,
        %sub3A_693 = arith.subf %get3A_689, %get3A_692 : vector<16xf32>
        %abs3A_694 = math.absf %sub3A_693 : vector<16xf32>
        %add3A_695 = arith.addf %add3A_659, %abs3A_694 : vector<16xf32>
        %add3A_696 = arith.addf %add3A_668, %add3A_677 : vector<16xf32>
        %add3A_697 = arith.addf %add3A_686, %add3A_695 : vector<16xf32>
        %add3A_698 = arith.addf %add3A_696, %add3A_697 : vector<16xf32>
        %reduce_sum3A_699 = arith.constant true
        %reduce_sum3A_700 = vector.broadcast %reduce_sum3A_699 : i1 to vector<16xi1>
        %reduce_sum3A_701 = tpu.scan <sum>, %add3A_698 masked %reduce_sum3A_700 : vector<16xf32>, vector<16xi1> -> vector<16xf32>
        %reduce_sum3A_702 = vector.extract %reduce_sum3A_701[15] : f32 from vector<16xf32>
        %eq3A_703 = vector.broadcast %add3A_614 : i32 to vector<16xi32>
        %eq3A_704 = arith.cmpi eq, %iota3A, %eq3A_703 : vector<16xi32>
        %sub3A_705 = arith.constant 1.200000e+01 : f32
        %sub3A_706 = arith.subf %sub3A_705, %reduce_sum3A_702 : f32
        %broadcast_in_dim3A_707 = vector.broadcast %sub3A_706 : f32 to vector<16xf32>
        %select_n3A_708 = arith.select %eq3A_704, %broadcast_in_dim3A_707, %select_n3A_610 : vector<16xi1>, vector<16xf32>
        scf.yield %select_n3A_708 : vector<16xf32>
      }
      %scan3A_316 = arith.constant 4 : i32
      %add3A_317 = arith.constant 0 : i32
      %add3A_318 = arith.addi %add3A_317, %mul3A_309 : i32
      %swap3A = arith.index_cast %add3A_318 : i32 to index
      %swap3A_319 = tpu.vector_load %arg16[%swap3A] {strides = array<i32>} : memref<512xf32, #tpu.memory_space<vmem>>, vector<16xf32>,
      tpu.vector_store %arg16[%swap3A], %scan3A_315 {strides = array<i32>} : memref<512xf32, #tpu.memory_space<vmem>>, vector<16xf32>,
    }
    %scan3A_84 = arith.constant 4 : i32
    %dma_start3A_85 = arith.constant 192 : i32
    %dma_start3A_86 = tpu.memref_slice %arg7[%dma_start3A_85] : memref<512xi32, #tpu.memory_space<vmem>> -> memref<64xi32, #tpu.memory_space<vmem>>
    %dma_start3A_87 = arith.constant 0 : i32
    %dma_start3A_88 = arith.constant 0 : i32
    %dma_start3A_89 = tpu.memref_slice %arg2[%dma_start3A_87, %dma_start3A_88] : memref<100000x128xf32, #tpu.memory_space<hbm>> -> memref<100000x128xf32, #tpu.memory_space<hbm>>
    tpu.enqueue_indirect_dma source(%dma_start3A_89 : memref<100000x128xf32, #tpu.memory_space<hbm>>) target(%arg10 : memref<64x128xf32, #tpu.memory_space<vmem>>) offsets(%dma_start3A_86 : memref<64xi32, #tpu.memory_space<vmem>>) semaphore(%arg18 : memref<!tpu.dma_semaphore, #tpu.memory_space<semaphore_mem>>)
    %dma_start3A_90 = arith.constant 192 : i32
    %dma_start3A_91 = tpu.memref_slice %arg9[%dma_start3A_90] : memref<512xi32, #tpu.memory_space<vmem>> -> memref<64xi32, #tpu.memory_space<vmem>>
    %dma_start3A_92 = arith.constant 0 : i32
    %dma_start3A_93 = arith.constant 0 : i32
    %dma_start3A_94 = tpu.memref_slice %arg2[%dma_start3A_92, %dma_start3A_93] : memref<100000x128xf32, #tpu.memory_space<hbm>> -> memref<100000x128xf32, #tpu.memory_space<hbm>>
    tpu.enqueue_indirect_dma source(%dma_start3A_94 : memref<100000x128xf32, #tpu.memory_space<hbm>>) target(%arg13 : memref<64x128xf32, #tpu.memory_space<vmem>>) offsets(%dma_start3A_91 : memref<64xi32, #tpu.memory_space<vmem>>) semaphore(%arg21 : memref<!tpu.dma_semaphore, #tpu.memory_space<semaphore_mem>>)
    %dma_wait3A_95 = arith.constant 128 : i32
    %dma_wait3A_96 = tpu.memref_slice %arg7[%dma_wait3A_95] : memref<512xi32, #tpu.memory_space<vmem>> -> memref<64xi32, #tpu.memory_space<vmem>>
    %dma_wait3A_97 = arith.constant 0 : i32
    %dma_wait3A_98 = arith.constant 0 : i32
    %dma_wait3A_99 = tpu.memref_slice %arg2[%dma_wait3A_97, %dma_wait3A_98] : memref<100000x128xf32, #tpu.memory_space<hbm>> -> memref<100000x128xf32, #tpu.memory_space<hbm>>
    tpu.wait_indirect_dma semaphore(%arg20 : memref<!tpu.dma_semaphore, #tpu.memory_space<semaphore_mem>>) src(%dma_wait3A_99 : memref<100000x128xf32, #tpu.memory_space<hbm>>) dst(%arg12 : memref<64x128xf32, #tpu.memory_space<vmem>>)
    %dma_start3A_100 = arith.constant 128 : i32
    %dma_start3A_101 = tpu.memref_slice %arg8[%dma_start3A_100] : memref<512xi32, #tpu.memory_space<vmem>> -> memref<64xi32, #tpu.memory_space<vmem>>
    %dma_start3A_102 = arith.constant 0 : i32
    %dma_start3A_103 = arith.constant 0 : i32
    %dma_start3A_104 = tpu.memref_slice %arg17[%dma_start3A_102, %dma_start3A_103] : memref<1000x128xf32, #tpu.memory_space<vmem_shared>> -> memref<1000x128xf32, #tpu.memory_space<vmem_shared>>
    tpu.enqueue_indirect_dma source(%dma_start3A_104 : memref<1000x128xf32, #tpu.memory_space<vmem_shared>>) target(%arg12 : memref<64x128xf32, #tpu.memory_space<vmem>>) offsets(%dma_start3A_101 : memref<64xi32, #tpu.memory_space<vmem>>) semaphore(%arg20 : memref<!tpu.dma_semaphore, #tpu.memory_space<semaphore_mem>>) {add = true}
    %dma_wait3A_105 = arith.constant 64 : i32
    %dma_wait3A_106 = tpu.memref_slice %arg8[%dma_wait3A_105] : memref<512xi32, #tpu.memory_space<vmem>> -> memref<64xi32, #tpu.memory_space<vmem>>
    %dma_wait3A_107 = arith.constant 0 : i32
    %dma_wait3A_108 = arith.constant 0 : i32
    %dma_wait3A_109 = tpu.memref_slice %arg17[%dma_wait3A_107, %dma_wait3A_108] : memref<1000x128xf32, #tpu.memory_space<vmem_shared>> -> memref<1000x128xf32, #tpu.memory_space<vmem_shared>>
    tpu.wait_indirect_dma semaphore(%arg19 : memref<!tpu.dma_semaphore, #tpu.memory_space<semaphore_mem>>) src(%dma_wait3A_109 : memref<1000x128xf32, #tpu.memory_space<vmem_shared>>) dst(%arg11 : memref<64x128xf32, #tpu.memory_space<vmem>>)
    %dma_wait3A_110 = arith.constant 64 : i32
    %dma_wait3A_111 = tpu.memref_slice %arg9[%dma_wait3A_110] : memref<512xi32, #tpu.memory_space<vmem>> -> memref<64xi32, #tpu.memory_space<vmem>>
    %dma_wait3A_112 = arith.constant 0 : i32
    %dma_wait3A_113 = arith.constant 0 : i32
    %dma_wait3A_114 = tpu.memref_slice %arg2[%dma_wait3A_112, %dma_wait3A_113] : memref<100000x128xf32, #tpu.memory_space<hbm>> -> memref<100000x128xf32, #tpu.memory_space<hbm>>
    tpu.wait_indirect_dma semaphore(%arg22 : memref<!tpu.dma_semaphore, #tpu.memory_space<semaphore_mem>>) src(%dma_wait3A_114 : memref<100000x128xf32, #tpu.memory_space<hbm>>) dst(%arg14 : memref<64x128xf32, #tpu.memory_space<vmem>>)
    %scan3A_115 = arith.constant 0 : i32
    %scan3A_116 = arith.constant 0 : i32
    %scan3A_117 = arith.constant 4 : i32
    %scan3A_118 = arith.addi %scan3A_116, %scan3A_117 : i32
    %scan3A_119 = arith.constant 1 : i32
    scf.for %scan3A_307 = %scan3A_116 to %scan3A_118 step %scan3A_119  : i32 {
      %mul3A_308 = arith.constant 16 : i32
      %mul3A_309 = arith.muli %scan3A_307, %mul3A_308 : i32
      %broadcast_in_dim3A = arith.constant 0.000000e+00 : f32
      %broadcast_in_dim3A_310 = vector.broadcast %broadcast_in_dim3A : f32 to vector<16xf32>
      %scan3A_311 = arith.constant 0 : i32
      %scan3A_312 = arith.constant 4 : i32
      %scan3A_313 = arith.addi %scan3A_311, %scan3A_312 : i32
      %scan3A_314 = arith.constant 1 : i32
      %scan3A_315 = scf.for %scan3A_320 = %scan3A_311 to %scan3A_313 step %scan3A_314 iter_args(%scan3A_321 = %broadcast_in_dim3A_310) -> (vector<16xf32>)  : i32 {
        %mul3A_322 = arith.constant 4 : i32
        %mul3A_323 = arith.muli %scan3A_320, %mul3A_322 : i32
        %add3A_324 = arith.constant 0 : i32
        %add3A_325 = arith.addi %mul3A_323, %add3A_324 : i32
        %add3A_326 = arith.addi %mul3A_309, %add3A_325 : i32
        %broadcast_in_dim3A_327 = arith.constant 0.000000e+00 : f32
        %broadcast_in_dim3A_328 = vector.broadcast %broadcast_in_dim3A_327 : f32 to vector<16xf32>
        %broadcast_in_dim3A_329 = arith.constant 0.000000e+00 : f32
        %broadcast_in_dim3A_330 = vector.broadcast %broadcast_in_dim3A_329 : f32 to vector<16xf32>
        %broadcast_in_dim3A_331 = arith.constant 0.000000e+00 : f32
        %broadcast_in_dim3A_332 = vector.broadcast %broadcast_in_dim3A_331 : f32 to vector<16xf32>
        %broadcast_in_dim3A_333 = arith.constant 0.000000e+00 : f32
        %broadcast_in_dim3A_334 = vector.broadcast %broadcast_in_dim3A_333 : f32 to vector<16xf32>
        %get3A = arith.index_cast %add3A_326 : i32 to index
        %get3A_335 = arith.constant 0 : index
        %get3A_336 = tpu.vector_load %arg11[%get3A, %get3A_335] {strides = array<i32>} : memref<64x128xf32, #tpu.memory_space<vmem>>, vector<16xf32>,
        %get3A_337 = arith.index_cast %add3A_326 : i32 to index
        %get3A_338 = arith.constant 0 : index
        %get3A_339 = tpu.vector_load %arg14[%get3A_337, %get3A_338] {strides = array<i32>} : memref<64x128xf32, #tpu.memory_space<vmem>>, vector<16xf32>,
        %sub3A = arith.subf %get3A_336, %get3A_339 : vector<16xf32>
        %abs3A = math.absf %sub3A : vector<16xf32>
        %add3A_340 = arith.addf %broadcast_in_dim3A_328, %abs3A : vector<16xf32>
        %get3A_341 = arith.index_cast %add3A_326 : i32 to index
        %get3A_342 = arith.constant 16 : index
        %get3A_343 = tpu.vector_load %arg11[%get3A_341, %get3A_342] {strides = array<i32>} : memref<64x128xf32, #tpu.memory_space<vmem>>, vector<16xf32>,
        %get3A_344 = arith.index_cast %add3A_326 : i32 to index
        %get3A_345 = arith.constant 16 : index
        %get3A_346 = tpu.vector_load %arg14[%get3A_344, %get3A_345] {strides = array<i32>} : memref<64x128xf32, #tpu.memory_space<vmem>>, vector<16xf32>,
        %sub3A_347 = arith.subf %get3A_343, %get3A_346 : vector<16xf32>
        %abs3A_348 = math.absf %sub3A_347 : vector<16xf32>
        %add3A_349 = arith.addf %broadcast_in_dim3A_330, %abs3A_348 : vector<16xf32>
        %get3A_350 = arith.index_cast %add3A_326 : i32 to index
        %get3A_351 = arith.constant 32 : index
        %get3A_352 = tpu.vector_load %arg11[%get3A_350, %get3A_351] {strides = array<i32>} : memref<64x128xf32, #tpu.memory_space<vmem>>, vector<16xf32>,
        %get3A_353 = arith.index_cast %add3A_326 : i32 to index
        %get3A_354 = arith.constant 32 : index
        %get3A_355 = tpu.vector_load %arg14[%get3A_353, %get3A_354] {strides = array<i32>} : memref<64x128xf32, #tpu.memory_space<vmem>>, vector<16xf32>,
        %sub3A_356 = arith.subf %get3A_352, %get3A_355 : vector<16xf32>
        %abs3A_357 = math.absf %sub3A_356 : vector<16xf32>
        %add3A_358 = arith.addf %broadcast_in_dim3A_332, %abs3A_357 : vector<16xf32>
        %get3A_359 = arith.index_cast %add3A_326 : i32 to index
        %get3A_360 = arith.constant 48 : index
        %get3A_361 = tpu.vector_load %arg11[%get3A_359, %get3A_360] {strides = array<i32>} : memref<64x128xf32, #tpu.memory_space<vmem>>, vector<16xf32>,
        %get3A_362 = arith.index_cast %add3A_326 : i32 to index
        %get3A_363 = arith.constant 48 : index
        %get3A_364 = tpu.vector_load %arg14[%get3A_362, %get3A_363] {strides = array<i32>} : memref<64x128xf32, #tpu.memory_space<vmem>>, vector<16xf32>,
        %sub3A_365 = arith.subf %get3A_361, %get3A_364 : vector<16xf32>
        %abs3A_366 = math.absf %sub3A_365 : vector<16xf32>
        %add3A_367 = arith.addf %broadcast_in_dim3A_334, %abs3A_366 : vector<16xf32>
        %get3A_368 = arith.index_cast %add3A_326 : i32 to index
        %get3A_369 = arith.constant 64 : index
        %get3A_370 = tpu.vector_load %arg11[%get3A_368, %get3A_369] {strides = array<i32>} : memref<64x128xf32, #tpu.memory_space<vmem>>, vector<16xf32>,
        %get3A_371 = arith.index_cast %add3A_326 : i32 to index
        %get3A_372 = arith.constant 64 : index
        %get3A_373 = tpu.vector_load %arg14[%get3A_371, %get3A_372] {strides = array<i32>} : memref<64x128xf32, #tpu.memory_space<vmem>>, vector<16xf32>,
        %sub3A_374 = arith.subf %get3A_370, %get3A_373 : vector<16xf32>
        %abs3A_375 = math.absf %sub3A_374 : vector<16xf32>
        %add3A_376 = arith.addf %add3A_340, %abs3A_375 : vector<16xf32>
        %get3A_377 = arith.index_cast %add3A_326 : i32 to index
        %get3A_378 = arith.constant 80 : index
        %get3A_379 = tpu.vector_load %arg11[%get3A_377, %get3A_378] {strides = array<i32>} : memref<64x128xf32, #tpu.memory_space<vmem>>, vector<16xf32>,
        %get3A_380 = arith.index_cast %add3A_326 : i32 to index
        %get3A_381 = arith.constant 80 : index
        %get3A_382 = tpu.vector_load %arg14[%get3A_380, %get3A_381] {strides = array<i32>} : memref<64x128xf32, #tpu.memory_space<vmem>>, vector<16xf32>,
        %sub3A_383 = arith.subf %get3A_379, %get3A_382 : vector<16xf32>
        %abs3A_384 = math.absf %sub3A_383 : vector<16xf32>
        %add3A_385 = arith.addf %add3A_349, %abs3A_384 : vector<16xf32>
        %get3A_386 = arith.index_cast %add3A_326 : i32 to index
        %get3A_387 = arith.constant 96 : index
        %get3A_388 = tpu.vector_load %arg11[%get3A_386, %get3A_387] {strides = array<i32>} : memref<64x128xf32, #tpu.memory_space<vmem>>, vector<16xf32>,
        %get3A_389 = arith.index_cast %add3A_326 : i32 to index
        %get3A_390 = arith.constant 96 : index
        %get3A_391 = tpu.vector_load %arg14[%get3A_389, %get3A_390] {strides = array<i32>} : memref<64x128xf32, #tpu.memory_space<vmem>>, vector<16xf32>,
        %sub3A_392 = arith.subf %get3A_388, %get3A_391 : vector<16xf32>
        %abs3A_393 = math.absf %sub3A_392 : vector<16xf32>
        %add3A_394 = arith.addf %add3A_358, %abs3A_393 : vector<16xf32>
        %get3A_395 = arith.index_cast %add3A_326 : i32 to index
        %get3A_396 = arith.constant 112 : index
        %get3A_397 = tpu.vector_load %arg11[%get3A_395, %get3A_396] {strides = array<i32>} : memref<64x128xf32, #tpu.memory_space<vmem>>, vector<16xf32>,
        %get3A_398 = arith.index_cast %add3A_326 : i32 to index
        %get3A_399 = arith.constant 112 : index
        %get3A_400 = tpu.vector_load %arg14[%get3A_398, %get3A_399] {strides = array<i32>} : memref<64x128xf32, #tpu.memory_space<vmem>>, vector<16xf32>,
        %sub3A_401 = arith.subf %get3A_397, %get3A_400 : vector<16xf32>
        %abs3A_402 = math.absf %sub3A_401 : vector<16xf32>
        %add3A_403 = arith.addf %add3A_367, %abs3A_402 : vector<16xf32>
        %add3A_404 = arith.addf %add3A_376, %add3A_385 : vector<16xf32>
        %add3A_405 = arith.addf %add3A_394, %add3A_403 : vector<16xf32>
        %add3A_406 = arith.addf %add3A_404, %add3A_405 : vector<16xf32>
        %reduce_sum3A = arith.constant true
        %reduce_sum3A_407 = vector.broadcast %reduce_sum3A : i1 to vector<16xi1>
        %reduce_sum3A_408 = tpu.scan <sum>, %add3A_406 masked %reduce_sum3A_407 : vector<16xf32>, vector<16xi1> -> vector<16xf32>
        %reduce_sum3A_409 = vector.extract %reduce_sum3A_408[15] : f32 from vector<16xf32>
        %eq3A_410 = vector.broadcast %add3A_325 : i32 to vector<16xi32>
        %eq3A_411 = arith.cmpi eq, %iota3A, %eq3A_410 : vector<16xi32>
        %sub3A_412 = arith.constant 1.200000e+01 : f32
        %sub3A_413 = arith.subf %sub3A_412, %reduce_sum3A_409 : f32
        %broadcast_in_dim3A_414 = vector.broadcast %sub3A_413 : f32 to vector<16xf32>
        %select_n3A = arith.select %eq3A_411, %broadcast_in_dim3A_414, %scan3A_321 : vector<16xi1>, vector<16xf32>
        %mul3A_415 = arith.constant 4 : i32
        %mul3A_416 = arith.muli %scan3A_320, %mul3A_415 : i32
        %add3A_417 = arith.constant 1 : i32
        %add3A_418 = arith.addi %mul3A_416, %add3A_417 : i32
        %add3A_419 = arith.addi %mul3A_309, %add3A_418 : i32
        %broadcast_in_dim3A_420 = arith.constant 0.000000e+00 : f32
        %broadcast_in_dim3A_421 = vector.broadcast %broadcast_in_dim3A_420 : f32 to vector<16xf32>
        %broadcast_in_dim3A_422 = arith.constant 0.000000e+00 : f32
        %broadcast_in_dim3A_423 = vector.broadcast %broadcast_in_dim3A_422 : f32 to vector<16xf32>
        %broadcast_in_dim3A_424 = arith.constant 0.000000e+00 : f32
        %broadcast_in_dim3A_425 = vector.broadcast %broadcast_in_dim3A_424 : f32 to vector<16xf32>
        %broadcast_in_dim3A_426 = arith.constant 0.000000e+00 : f32
        %broadcast_in_dim3A_427 = vector.broadcast %broadcast_in_dim3A_426 : f32 to vector<16xf32>
        %get3A_428 = arith.index_cast %add3A_419 : i32 to index
        %get3A_429 = arith.constant 0 : index
        %get3A_430 = tpu.vector_load %arg11[%get3A_428, %get3A_429] {strides = array<i32>} : memref<64x128xf32, #tpu.memory_space<vmem>>, vector<16xf32>,
        %get3A_431 = arith.index_cast %add3A_419 : i32 to index
        %get3A_432 = arith.constant 0 : index
        %get3A_433 = tpu.vector_load %arg14[%get3A_431, %get3A_432] {strides = array<i32>} : memref<64x128xf32, #tpu.memory_space<vmem>>, vector<16xf32>,
        %sub3A_434 = arith.subf %get3A_430, %get3A_433 : vector<16xf32>
        %abs3A_435 = math.absf %sub3A_434 : vector<16xf32>
        %add3A_436 = arith.addf %broadcast_in_dim3A_421, %abs3A_435 : vector<16xf32>
        %get3A_437 = arith.index_cast %add3A_419 : i32 to index
        %get3A_438 = arith.constant 16 : index
        %get3A_439 = tpu.vector_load %arg11[%get3A_437, %get3A_438] {strides = array<i32>} : memref<64x128xf32, #tpu.memory_space<vmem>>, vector<16xf32>,
        %get3A_440 = arith.index_cast %add3A_419 : i32 to index
        %get3A_441 = arith.constant 16 : index
        %get3A_442 = tpu.vector_load %arg14[%get3A_440, %get3A_441] {strides = array<i32>} : memref<64x128xf32, #tpu.memory_space<vmem>>, vector<16xf32>,
        %sub3A_443 = arith.subf %get3A_439, %get3A_442 : vector<16xf32>
        %abs3A_444 = math.absf %sub3A_443 : vector<16xf32>
        %add3A_445 = arith.addf %broadcast_in_dim3A_423, %abs3A_444 : vector<16xf32>
        %get3A_446 = arith.index_cast %add3A_419 : i32 to index
        %get3A_447 = arith.constant 32 : index
        %get3A_448 = tpu.vector_load %arg11[%get3A_446, %get3A_447] {strides = array<i32>} : memref<64x128xf32, #tpu.memory_space<vmem>>, vector<16xf32>,
        %get3A_449 = arith.index_cast %add3A_419 : i32 to index
        %get3A_450 = arith.constant 32 : index
        %get3A_451 = tpu.vector_load %arg14[%get3A_449, %get3A_450] {strides = array<i32>} : memref<64x128xf32, #tpu.memory_space<vmem>>, vector<16xf32>,
        %sub3A_452 = arith.subf %get3A_448, %get3A_451 : vector<16xf32>
        %abs3A_453 = math.absf %sub3A_452 : vector<16xf32>
        %add3A_454 = arith.addf %broadcast_in_dim3A_425, %abs3A_453 : vector<16xf32>
        %get3A_455 = arith.index_cast %add3A_419 : i32 to index
        %get3A_456 = arith.constant 48 : index
        %get3A_457 = tpu.vector_load %arg11[%get3A_455, %get3A_456] {strides = array<i32>} : memref<64x128xf32, #tpu.memory_space<vmem>>, vector<16xf32>,
        %get3A_458 = arith.index_cast %add3A_419 : i32 to index
        %get3A_459 = arith.constant 48 : index
        %get3A_460 = tpu.vector_load %arg14[%get3A_458, %get3A_459] {strides = array<i32>} : memref<64x128xf32, #tpu.memory_space<vmem>>, vector<16xf32>,
        %sub3A_461 = arith.subf %get3A_457, %get3A_460 : vector<16xf32>
        %abs3A_462 = math.absf %sub3A_461 : vector<16xf32>
        %add3A_463 = arith.addf %broadcast_in_dim3A_427, %abs3A_462 : vector<16xf32>
        %get3A_464 = arith.index_cast %add3A_419 : i32 to index
        %get3A_465 = arith.constant 64 : index
        %get3A_466 = tpu.vector_load %arg11[%get3A_464, %get3A_465] {strides = array<i32>} : memref<64x128xf32, #tpu.memory_space<vmem>>, vector<16xf32>,
        %get3A_467 = arith.index_cast %add3A_419 : i32 to index
        %get3A_468 = arith.constant 64 : index
        %get3A_469 = tpu.vector_load %arg14[%get3A_467, %get3A_468] {strides = array<i32>} : memref<64x128xf32, #tpu.memory_space<vmem>>, vector<16xf32>,
        %sub3A_470 = arith.subf %get3A_466, %get3A_469 : vector<16xf32>
        %abs3A_471 = math.absf %sub3A_470 : vector<16xf32>
        %add3A_472 = arith.addf %add3A_436, %abs3A_471 : vector<16xf32>
        %get3A_473 = arith.index_cast %add3A_419 : i32 to index
        %get3A_474 = arith.constant 80 : index
        %get3A_475 = tpu.vector_load %arg11[%get3A_473, %get3A_474] {strides = array<i32>} : memref<64x128xf32, #tpu.memory_space<vmem>>, vector<16xf32>,
        %get3A_476 = arith.index_cast %add3A_419 : i32 to index
        %get3A_477 = arith.constant 80 : index
        %get3A_478 = tpu.vector_load %arg14[%get3A_476, %get3A_477] {strides = array<i32>} : memref<64x128xf32, #tpu.memory_space<vmem>>, vector<16xf32>,
        %sub3A_479 = arith.subf %get3A_475, %get3A_478 : vector<16xf32>
        %abs3A_480 = math.absf %sub3A_479 : vector<16xf32>
        %add3A_481 = arith.addf %add3A_445, %abs3A_480 : vector<16xf32>
        %get3A_482 = arith.index_cast %add3A_419 : i32 to index
        %get3A_483 = arith.constant 96 : index
        %get3A_484 = tpu.vector_load %arg11[%get3A_482, %get3A_483] {strides = array<i32>} : memref<64x128xf32, #tpu.memory_space<vmem>>, vector<16xf32>,
        %get3A_485 = arith.index_cast %add3A_419 : i32 to index
        %get3A_486 = arith.constant 96 : index
        %get3A_487 = tpu.vector_load %arg14[%get3A_485, %get3A_486] {strides = array<i32>} : memref<64x128xf32, #tpu.memory_space<vmem>>, vector<16xf32>,
        %sub3A_488 = arith.subf %get3A_484, %get3A_487 : vector<16xf32>
        %abs3A_489 = math.absf %sub3A_488 : vector<16xf32>
        %add3A_490 = arith.addf %add3A_454, %abs3A_489 : vector<16xf32>
        %get3A_491 = arith.index_cast %add3A_419 : i32 to index
        %get3A_492 = arith.constant 112 : index
        %get3A_493 = tpu.vector_load %arg11[%get3A_491, %get3A_492] {strides = array<i32>} : memref<64x128xf32, #tpu.memory_space<vmem>>, vector<16xf32>,
        %get3A_494 = arith.index_cast %add3A_419 : i32 to index
        %get3A_495 = arith.constant 112 : index
        %get3A_496 = tpu.vector_load %arg14[%get3A_494, %get3A_495] {strides = array<i32>} : memref<64x128xf32, #tpu.memory_space<vmem>>, vector<16xf32>,
        %sub3A_497 = arith.subf %get3A_493, %get3A_496 : vector<16xf32>
        %abs3A_498 = math.absf %sub3A_497 : vector<16xf32>
        %add3A_499 = arith.addf %add3A_463, %abs3A_498 : vector<16xf32>
        %add3A_500 = arith.addf %add3A_472, %add3A_481 : vector<16xf32>
        %add3A_501 = arith.addf %add3A_490, %add3A_499 : vector<16xf32>
        %add3A_502 = arith.addf %add3A_500, %add3A_501 : vector<16xf32>
        %reduce_sum3A_503 = arith.constant true
        %reduce_sum3A_504 = vector.broadcast %reduce_sum3A_503 : i1 to vector<16xi1>
        %reduce_sum3A_505 = tpu.scan <sum>, %add3A_502 masked %reduce_sum3A_504 : vector<16xf32>, vector<16xi1> -> vector<16xf32>
        %reduce_sum3A_506 = vector.extract %reduce_sum3A_505[15] : f32 from vector<16xf32>
        %eq3A_507 = vector.broadcast %add3A_418 : i32 to vector<16xi32>
        %eq3A_508 = arith.cmpi eq, %iota3A, %eq3A_507 : vector<16xi32>
        %sub3A_509 = arith.constant 1.200000e+01 : f32
        %sub3A_510 = arith.subf %sub3A_509, %reduce_sum3A_506 : f32
        %broadcast_in_dim3A_511 = vector.broadcast %sub3A_510 : f32 to vector<16xf32>
        %select_n3A_512 = arith.select %eq3A_508, %broadcast_in_dim3A_511, %select_n3A : vector<16xi1>, vector<16xf32>
        %mul3A_513 = arith.constant 4 : i32
        %mul3A_514 = arith.muli %scan3A_320, %mul3A_513 : i32
        %add3A_515 = arith.constant 2 : i32
        %add3A_516 = arith.addi %mul3A_514, %add3A_515 : i32
        %add3A_517 = arith.addi %mul3A_309, %add3A_516 : i32
        %broadcast_in_dim3A_518 = arith.constant 0.000000e+00 : f32
        %broadcast_in_dim3A_519 = vector.broadcast %broadcast_in_dim3A_518 : f32 to vector<16xf32>
        %broadcast_in_dim3A_520 = arith.constant 0.000000e+00 : f32
        %broadcast_in_dim3A_521 = vector.broadcast %broadcast_in_dim3A_520 : f32 to vector<16xf32>
        %broadcast_in_dim3A_522 = arith.constant 0.000000e+00 : f32
        %broadcast_in_dim3A_523 = vector.broadcast %broadcast_in_dim3A_522 : f32 to vector<16xf32>
        %broadcast_in_dim3A_524 = arith.constant 0.000000e+00 : f32
        %broadcast_in_dim3A_525 = vector.broadcast %broadcast_in_dim3A_524 : f32 to vector<16xf32>
        %get3A_526 = arith.index_cast %add3A_517 : i32 to index
        %get3A_527 = arith.constant 0 : index
        %get3A_528 = tpu.vector_load %arg11[%get3A_526, %get3A_527] {strides = array<i32>} : memref<64x128xf32, #tpu.memory_space<vmem>>, vector<16xf32>,
        %get3A_529 = arith.index_cast %add3A_517 : i32 to index
        %get3A_530 = arith.constant 0 : index
        %get3A_531 = tpu.vector_load %arg14[%get3A_529, %get3A_530] {strides = array<i32>} : memref<64x128xf32, #tpu.memory_space<vmem>>, vector<16xf32>,
        %sub3A_532 = arith.subf %get3A_528, %get3A_531 : vector<16xf32>
        %abs3A_533 = math.absf %sub3A_532 : vector<16xf32>
        %add3A_534 = arith.addf %broadcast_in_dim3A_519, %abs3A_533 : vector<16xf32>
        %get3A_535 = arith.index_cast %add3A_517 : i32 to index
        %get3A_536 = arith.constant 16 : index
        %get3A_537 = tpu.vector_load %arg11[%get3A_535, %get3A_536] {strides = array<i32>} : memref<64x128xf32, #tpu.memory_space<vmem>>, vector<16xf32>,
        %get3A_538 = arith.index_cast %add3A_517 : i32 to index
        %get3A_539 = arith.constant 16 : index
        %get3A_540 = tpu.vector_load %arg14[%get3A_538, %get3A_539] {strides = array<i32>} : memref<64x128xf32, #tpu.memory_space<vmem>>, vector<16xf32>,
        %sub3A_541 = arith.subf %get3A_537, %get3A_540 : vector<16xf32>
        %abs3A_542 = math.absf %sub3A_541 : vector<16xf32>
        %add3A_543 = arith.addf %broadcast_in_dim3A_521, %abs3A_542 : vector<16xf32>
        %get3A_544 = arith.index_cast %add3A_517 : i32 to index
        %get3A_545 = arith.constant 32 : index
        %get3A_546 = tpu.vector_load %arg11[%get3A_544, %get3A_545] {strides = array<i32>} : memref<64x128xf32, #tpu.memory_space<vmem>>, vector<16xf32>,
        %get3A_547 = arith.index_cast %add3A_517 : i32 to index
        %get3A_548 = arith.constant 32 : index
        %get3A_549 = tpu.vector_load %arg14[%get3A_547, %get3A_548] {strides = array<i32>} : memref<64x128xf32, #tpu.memory_space<vmem>>, vector<16xf32>,
        %sub3A_550 = arith.subf %get3A_546, %get3A_549 : vector<16xf32>
        %abs3A_551 = math.absf %sub3A_550 : vector<16xf32>
        %add3A_552 = arith.addf %broadcast_in_dim3A_523, %abs3A_551 : vector<16xf32>
        %get3A_553 = arith.index_cast %add3A_517 : i32 to index
        %get3A_554 = arith.constant 48 : index
        %get3A_555 = tpu.vector_load %arg11[%get3A_553, %get3A_554] {strides = array<i32>} : memref<64x128xf32, #tpu.memory_space<vmem>>, vector<16xf32>,
        %get3A_556 = arith.index_cast %add3A_517 : i32 to index
        %get3A_557 = arith.constant 48 : index
        %get3A_558 = tpu.vector_load %arg14[%get3A_556, %get3A_557] {strides = array<i32>} : memref<64x128xf32, #tpu.memory_space<vmem>>, vector<16xf32>,
        %sub3A_559 = arith.subf %get3A_555, %get3A_558 : vector<16xf32>
        %abs3A_560 = math.absf %sub3A_559 : vector<16xf32>
        %add3A_561 = arith.addf %broadcast_in_dim3A_525, %abs3A_560 : vector<16xf32>
        %get3A_562 = arith.index_cast %add3A_517 : i32 to index
        %get3A_563 = arith.constant 64 : index
        %get3A_564 = tpu.vector_load %arg11[%get3A_562, %get3A_563] {strides = array<i32>} : memref<64x128xf32, #tpu.memory_space<vmem>>, vector<16xf32>,
        %get3A_565 = arith.index_cast %add3A_517 : i32 to index
        %get3A_566 = arith.constant 64 : index
        %get3A_567 = tpu.vector_load %arg14[%get3A_565, %get3A_566] {strides = array<i32>} : memref<64x128xf32, #tpu.memory_space<vmem>>, vector<16xf32>,
        %sub3A_568 = arith.subf %get3A_564, %get3A_567 : vector<16xf32>
        %abs3A_569 = math.absf %sub3A_568 : vector<16xf32>
        %add3A_570 = arith.addf %add3A_534, %abs3A_569 : vector<16xf32>
        %get3A_571 = arith.index_cast %add3A_517 : i32 to index
        %get3A_572 = arith.constant 80 : index
        %get3A_573 = tpu.vector_load %arg11[%get3A_571, %get3A_572] {strides = array<i32>} : memref<64x128xf32, #tpu.memory_space<vmem>>, vector<16xf32>,
        %get3A_574 = arith.index_cast %add3A_517 : i32 to index
        %get3A_575 = arith.constant 80 : index
        %get3A_576 = tpu.vector_load %arg14[%get3A_574, %get3A_575] {strides = array<i32>} : memref<64x128xf32, #tpu.memory_space<vmem>>, vector<16xf32>,
        %sub3A_577 = arith.subf %get3A_573, %get3A_576 : vector<16xf32>
        %abs3A_578 = math.absf %sub3A_577 : vector<16xf32>
        %add3A_579 = arith.addf %add3A_543, %abs3A_578 : vector<16xf32>
        %get3A_580 = arith.index_cast %add3A_517 : i32 to index
        %get3A_581 = arith.constant 96 : index
        %get3A_582 = tpu.vector_load %arg11[%get3A_580, %get3A_581] {strides = array<i32>} : memref<64x128xf32, #tpu.memory_space<vmem>>, vector<16xf32>,
        %get3A_583 = arith.index_cast %add3A_517 : i32 to index
        %get3A_584 = arith.constant 96 : index
        %get3A_585 = tpu.vector_load %arg14[%get3A_583, %get3A_584] {strides = array<i32>} : memref<64x128xf32, #tpu.memory_space<vmem>>, vector<16xf32>,
        %sub3A_586 = arith.subf %get3A_582, %get3A_585 : vector<16xf32>
        %abs3A_587 = math.absf %sub3A_586 : vector<16xf32>
        %add3A_588 = arith.addf %add3A_552, %abs3A_587 : vector<16xf32>
        %get3A_589 = arith.index_cast %add3A_517 : i32 to index
        %get3A_590 = arith.constant 112 : index
        %get3A_591 = tpu.vector_load %arg11[%get3A_589, %get3A_590] {strides = array<i32>} : memref<64x128xf32, #tpu.memory_space<vmem>>, vector<16xf32>,
        %get3A_592 = arith.index_cast %add3A_517 : i32 to index
        %get3A_593 = arith.constant 112 : index
        %get3A_594 = tpu.vector_load %arg14[%get3A_592, %get3A_593] {strides = array<i32>} : memref<64x128xf32, #tpu.memory_space<vmem>>, vector<16xf32>,
        %sub3A_595 = arith.subf %get3A_591, %get3A_594 : vector<16xf32>
        %abs3A_596 = math.absf %sub3A_595 : vector<16xf32>
        %add3A_597 = arith.addf %add3A_561, %abs3A_596 : vector<16xf32>
        %add3A_598 = arith.addf %add3A_570, %add3A_579 : vector<16xf32>
        %add3A_599 = arith.addf %add3A_588, %add3A_597 : vector<16xf32>
        %add3A_600 = arith.addf %add3A_598, %add3A_599 : vector<16xf32>
        %reduce_sum3A_601 = arith.constant true
        %reduce_sum3A_602 = vector.broadcast %reduce_sum3A_601 : i1 to vector<16xi1>
        %reduce_sum3A_603 = tpu.scan <sum>, %add3A_600 masked %reduce_sum3A_602 : vector<16xf32>, vector<16xi1> -> vector<16xf32>
        %reduce_sum3A_604 = vector.extract %reduce_sum3A_603[15] : f32 from vector<16xf32>
        %eq3A_605 = vector.broadcast %add3A_516 : i32 to vector<16xi32>
        %eq3A_606 = arith.cmpi eq, %iota3A, %eq3A_605 : vector<16xi32>
        %sub3A_607 = arith.constant 1.200000e+01 : f32
        %sub3A_608 = arith.subf %sub3A_607, %reduce_sum3A_604 : f32
        %broadcast_in_dim3A_609 = vector.broadcast %sub3A_608 : f32 to vector<16xf32>
        %select_n3A_610 = arith.select %eq3A_606, %broadcast_in_dim3A_609, %select_n3A_512 : vector<16xi1>, vector<16xf32>
        %mul3A_611 = arith.constant 4 : i32
        %mul3A_612 = arith.muli %scan3A_320, %mul3A_611 : i32
        %add3A_613 = arith.constant 3 : i32
        %add3A_614 = arith.addi %mul3A_612, %add3A_613 : i32
        %add3A_615 = arith.addi %mul3A_309, %add3A_614 : i32
        %broadcast_in_dim3A_616 = arith.constant 0.000000e+00 : f32
        %broadcast_in_dim3A_617 = vector.broadcast %broadcast_in_dim3A_616 : f32 to vector<16xf32>
        %broadcast_in_dim3A_618 = arith.constant 0.000000e+00 : f32
        %broadcast_in_dim3A_619 = vector.broadcast %broadcast_in_dim3A_618 : f32 to vector<16xf32>
        %broadcast_in_dim3A_620 = arith.constant 0.000000e+00 : f32
        %broadcast_in_dim3A_621 = vector.broadcast %broadcast_in_dim3A_620 : f32 to vector<16xf32>
        %broadcast_in_dim3A_622 = arith.constant 0.000000e+00 : f32
        %broadcast_in_dim3A_623 = vector.broadcast %broadcast_in_dim3A_622 : f32 to vector<16xf32>
        %get3A_624 = arith.index_cast %add3A_615 : i32 to index
        %get3A_625 = arith.constant 0 : index
        %get3A_626 = tpu.vector_load %arg11[%get3A_624, %get3A_625] {strides = array<i32>} : memref<64x128xf32, #tpu.memory_space<vmem>>, vector<16xf32>,
        %get3A_627 = arith.index_cast %add3A_615 : i32 to index
        %get3A_628 = arith.constant 0 : index
        %get3A_629 = tpu.vector_load %arg14[%get3A_627, %get3A_628] {strides = array<i32>} : memref<64x128xf32, #tpu.memory_space<vmem>>, vector<16xf32>,
        %sub3A_630 = arith.subf %get3A_626, %get3A_629 : vector<16xf32>
        %abs3A_631 = math.absf %sub3A_630 : vector<16xf32>
        %add3A_632 = arith.addf %broadcast_in_dim3A_617, %abs3A_631 : vector<16xf32>
        %get3A_633 = arith.index_cast %add3A_615 : i32 to index
        %get3A_634 = arith.constant 16 : index
        %get3A_635 = tpu.vector_load %arg11[%get3A_633, %get3A_634] {strides = array<i32>} : memref<64x128xf32, #tpu.memory_space<vmem>>, vector<16xf32>,
        %get3A_636 = arith.index_cast %add3A_615 : i32 to index
        %get3A_637 = arith.constant 16 : index
        %get3A_638 = tpu.vector_load %arg14[%get3A_636, %get3A_637] {strides = array<i32>} : memref<64x128xf32, #tpu.memory_space<vmem>>, vector<16xf32>,
        %sub3A_639 = arith.subf %get3A_635, %get3A_638 : vector<16xf32>
        %abs3A_640 = math.absf %sub3A_639 : vector<16xf32>
        %add3A_641 = arith.addf %broadcast_in_dim3A_619, %abs3A_640 : vector<16xf32>
        %get3A_642 = arith.index_cast %add3A_615 : i32 to index
        %get3A_643 = arith.constant 32 : index
        %get3A_644 = tpu.vector_load %arg11[%get3A_642, %get3A_643] {strides = array<i32>} : memref<64x128xf32, #tpu.memory_space<vmem>>, vector<16xf32>,
        %get3A_645 = arith.index_cast %add3A_615 : i32 to index
        %get3A_646 = arith.constant 32 : index
        %get3A_647 = tpu.vector_load %arg14[%get3A_645, %get3A_646] {strides = array<i32>} : memref<64x128xf32, #tpu.memory_space<vmem>>, vector<16xf32>,
        %sub3A_648 = arith.subf %get3A_644, %get3A_647 : vector<16xf32>
        %abs3A_649 = math.absf %sub3A_648 : vector<16xf32>
        %add3A_650 = arith.addf %broadcast_in_dim3A_621, %abs3A_649 : vector<16xf32>
        %get3A_651 = arith.index_cast %add3A_615 : i32 to index
        %get3A_652 = arith.constant 48 : index
        %get3A_653 = tpu.vector_load %arg11[%get3A_651, %get3A_652] {strides = array<i32>} : memref<64x128xf32, #tpu.memory_space<vmem>>, vector<16xf32>,
        %get3A_654 = arith.index_cast %add3A_615 : i32 to index
        %get3A_655 = arith.constant 48 : index
        %get3A_656 = tpu.vector_load %arg14[%get3A_654, %get3A_655] {strides = array<i32>} : memref<64x128xf32, #tpu.memory_space<vmem>>, vector<16xf32>,
        %sub3A_657 = arith.subf %get3A_653, %get3A_656 : vector<16xf32>
        %abs3A_658 = math.absf %sub3A_657 : vector<16xf32>
        %add3A_659 = arith.addf %broadcast_in_dim3A_623, %abs3A_658 : vector<16xf32>
        %get3A_660 = arith.index_cast %add3A_615 : i32 to index
        %get3A_661 = arith.constant 64 : index
        %get3A_662 = tpu.vector_load %arg11[%get3A_660, %get3A_661] {strides = array<i32>} : memref<64x128xf32, #tpu.memory_space<vmem>>, vector<16xf32>,
        %get3A_663 = arith.index_cast %add3A_615 : i32 to index
        %get3A_664 = arith.constant 64 : index
        %get3A_665 = tpu.vector_load %arg14[%get3A_663, %get3A_664] {strides = array<i32>} : memref<64x128xf32, #tpu.memory_space<vmem>>, vector<16xf32>,
        %sub3A_666 = arith.subf %get3A_662, %get3A_665 : vector<16xf32>
        %abs3A_667 = math.absf %sub3A_666 : vector<16xf32>
        %add3A_668 = arith.addf %add3A_632, %abs3A_667 : vector<16xf32>
        %get3A_669 = arith.index_cast %add3A_615 : i32 to index
        %get3A_670 = arith.constant 80 : index
        %get3A_671 = tpu.vector_load %arg11[%get3A_669, %get3A_670] {strides = array<i32>} : memref<64x128xf32, #tpu.memory_space<vmem>>, vector<16xf32>,
        %get3A_672 = arith.index_cast %add3A_615 : i32 to index
        %get3A_673 = arith.constant 80 : index
        %get3A_674 = tpu.vector_load %arg14[%get3A_672, %get3A_673] {strides = array<i32>} : memref<64x128xf32, #tpu.memory_space<vmem>>, vector<16xf32>,
        %sub3A_675 = arith.subf %get3A_671, %get3A_674 : vector<16xf32>
        %abs3A_676 = math.absf %sub3A_675 : vector<16xf32>
        %add3A_677 = arith.addf %add3A_641, %abs3A_676 : vector<16xf32>
        %get3A_678 = arith.index_cast %add3A_615 : i32 to index
        %get3A_679 = arith.constant 96 : index
        %get3A_680 = tpu.vector_load %arg11[%get3A_678, %get3A_679] {strides = array<i32>} : memref<64x128xf32, #tpu.memory_space<vmem>>, vector<16xf32>,
        %get3A_681 = arith.index_cast %add3A_615 : i32 to index
        %get3A_682 = arith.constant 96 : index
        %get3A_683 = tpu.vector_load %arg14[%get3A_681, %get3A_682] {strides = array<i32>} : memref<64x128xf32, #tpu.memory_space<vmem>>, vector<16xf32>,
        %sub3A_684 = arith.subf %get3A_680, %get3A_683 : vector<16xf32>
        %abs3A_685 = math.absf %sub3A_684 : vector<16xf32>
        %add3A_686 = arith.addf %add3A_650, %abs3A_685 : vector<16xf32>
        %get3A_687 = arith.index_cast %add3A_615 : i32 to index
        %get3A_688 = arith.constant 112 : index
        %get3A_689 = tpu.vector_load %arg11[%get3A_687, %get3A_688] {strides = array<i32>} : memref<64x128xf32, #tpu.memory_space<vmem>>, vector<16xf32>,
        %get3A_690 = arith.index_cast %add3A_615 : i32 to index
        %get3A_691 = arith.constant 112 : index
        %get3A_692 = tpu.vector_load %arg14[%get3A_690, %get3A_691] {strides = array<i32>} : memref<64x128xf32, #tpu.memory_space<vmem>>, vector<16xf32>,
        %sub3A_693 = arith.subf %get3A_689, %get3A_692 : vector<16xf32>
        %abs3A_694 = math.absf %sub3A_693 : vector<16xf32>
        %add3A_695 = arith.addf %add3A_659, %abs3A_694 : vector<16xf32>
        %add3A_696 = arith.addf %add3A_668, %add3A_677 : vector<16xf32>
        %add3A_697 = arith.addf %add3A_686, %add3A_695 : vector<16xf32>
        %add3A_698 = arith.addf %add3A_696, %add3A_697 : vector<16xf32>
        %reduce_sum3A_699 = arith.constant true
        %reduce_sum3A_700 = vector.broadcast %reduce_sum3A_699 : i1 to vector<16xi1>
        %reduce_sum3A_701 = tpu.scan <sum>, %add3A_698 masked %reduce_sum3A_700 : vector<16xf32>, vector<16xi1> -> vector<16xf32>
        %reduce_sum3A_702 = vector.extract %reduce_sum3A_701[15] : f32 from vector<16xf32>
        %eq3A_703 = vector.broadcast %add3A_614 : i32 to vector<16xi32>
        %eq3A_704 = arith.cmpi eq, %iota3A, %eq3A_703 : vector<16xi32>
        %sub3A_705 = arith.constant 1.200000e+01 : f32
        %sub3A_706 = arith.subf %sub3A_705, %reduce_sum3A_702 : f32
        %broadcast_in_dim3A_707 = vector.broadcast %sub3A_706 : f32 to vector<16xf32>
        %select_n3A_708 = arith.select %eq3A_704, %broadcast_in_dim3A_707, %select_n3A_610 : vector<16xi1>, vector<16xf32>
        scf.yield %select_n3A_708 : vector<16xf32>
      }
      %scan3A_316 = arith.constant 4 : i32
      %add3A_317 = arith.constant 64 : i32
      %add3A_318 = arith.addi %add3A_317, %mul3A_309 : i32
      %swap3A = arith.index_cast %add3A_318 : i32 to index
      %swap3A_319 = tpu.vector_load %arg16[%swap3A] {strides = array<i32>} : memref<512xf32, #tpu.memory_space<vmem>>, vector<16xf32>,
      tpu.vector_store %arg16[%swap3A], %scan3A_315 {strides = array<i32>} : memref<512xf32, #tpu.memory_space<vmem>>, vector<16xf32>,
    }
    %scan3A_120 = arith.constant 4 : i32
    %dma_start3A_121 = arith.constant 256 : i32
    %dma_start3A_122 = tpu.memref_slice %arg7[%dma_start3A_121] : memref<512xi32, #tpu.memory_space<vmem>> -> memref<64xi32, #tpu.memory_space<vmem>>
    %dma_start3A_123 = arith.constant 0 : i32
    %dma_start3A_124 = arith.constant 0 : i32
    %dma_start3A_125 = tpu.memref_slice %arg2[%dma_start3A_123, %dma_start3A_124] : memref<100000x128xf32, #tpu.memory_space<hbm>> -> memref<100000x128xf32, #tpu.memory_space<hbm>>
    tpu.enqueue_indirect_dma source(%dma_start3A_125 : memref<100000x128xf32, #tpu.memory_space<hbm>>) target(%arg11 : memref<64x128xf32, #tpu.memory_space<vmem>>) offsets(%dma_start3A_122 : memref<64xi32, #tpu.memory_space<vmem>>) semaphore(%arg19 : memref<!tpu.dma_semaphore, #tpu.memory_space<semaphore_mem>>)
    %dma_start3A_126 = arith.constant 256 : i32
    %dma_start3A_127 = tpu.memref_slice %arg9[%dma_start3A_126] : memref<512xi32, #tpu.memory_space<vmem>> -> memref<64xi32, #tpu.memory_space<vmem>>
    %dma_start3A_128 = arith.constant 0 : i32
    %dma_start3A_129 = arith.constant 0 : i32
    %dma_start3A_130 = tpu.memref_slice %arg2[%dma_start3A_128, %dma_start3A_129] : memref<100000x128xf32, #tpu.memory_space<hbm>> -> memref<100000x128xf32, #tpu.memory_space<hbm>>
    tpu.enqueue_indirect_dma source(%dma_start3A_130 : memref<100000x128xf32, #tpu.memory_space<hbm>>) target(%arg14 : memref<64x128xf32, #tpu.memory_space<vmem>>) offsets(%dma_start3A_127 : memref<64xi32, #tpu.memory_space<vmem>>) semaphore(%arg22 : memref<!tpu.dma_semaphore, #tpu.memory_space<semaphore_mem>>)
    %dma_wait3A_131 = arith.constant 192 : i32
    %dma_wait3A_132 = tpu.memref_slice %arg7[%dma_wait3A_131] : memref<512xi32, #tpu.memory_space<vmem>> -> memref<64xi32, #tpu.memory_space<vmem>>
    %dma_wait3A_133 = arith.constant 0 : i32
    %dma_wait3A_134 = arith.constant 0 : i32
    %dma_wait3A_135 = tpu.memref_slice %arg2[%dma_wait3A_133, %dma_wait3A_134] : memref<100000x128xf32, #tpu.memory_space<hbm>> -> memref<100000x128xf32, #tpu.memory_space<hbm>>
    tpu.wait_indirect_dma semaphore(%arg18 : memref<!tpu.dma_semaphore, #tpu.memory_space<semaphore_mem>>) src(%dma_wait3A_135 : memref<100000x128xf32, #tpu.memory_space<hbm>>) dst(%arg10 : memref<64x128xf32, #tpu.memory_space<vmem>>)
    %dma_start3A_136 = arith.constant 192 : i32
    %dma_start3A_137 = tpu.memref_slice %arg8[%dma_start3A_136] : memref<512xi32, #tpu.memory_space<vmem>> -> memref<64xi32, #tpu.memory_space<vmem>>
    %dma_start3A_138 = arith.constant 0 : i32
    %dma_start3A_139 = arith.constant 0 : i32
    %dma_start3A_140 = tpu.memref_slice %arg17[%dma_start3A_138, %dma_start3A_139] : memref<1000x128xf32, #tpu.memory_space<vmem_shared>> -> memref<1000x128xf32, #tpu.memory_space<vmem_shared>>
    tpu.enqueue_indirect_dma source(%dma_start3A_140 : memref<1000x128xf32, #tpu.memory_space<vmem_shared>>) target(%arg10 : memref<64x128xf32, #tpu.memory_space<vmem>>) offsets(%dma_start3A_137 : memref<64xi32, #tpu.memory_space<vmem>>) semaphore(%arg18 : memref<!tpu.dma_semaphore, #tpu.memory_space<semaphore_mem>>) {add = true}
    %dma_wait3A_141 = arith.constant 128 : i32
    %dma_wait3A_142 = tpu.memref_slice %arg8[%dma_wait3A_141] : memref<512xi32, #tpu.memory_space<vmem>> -> memref<64xi32, #tpu.memory_space<vmem>>
    %dma_wait3A_143 = arith.constant 0 : i32
    %dma_wait3A_144 = arith.constant 0 : i32
    %dma_wait3A_145 = tpu.memref_slice %arg17[%dma_wait3A_143, %dma_wait3A_144] : memref<1000x128xf32, #tpu.memory_space<vmem_shared>> -> memref<1000x128xf32, #tpu.memory_space<vmem_shared>>
    tpu.wait_indirect_dma semaphore(%arg20 : memref<!tpu.dma_semaphore, #tpu.memory_space<semaphore_mem>>) src(%dma_wait3A_145 : memref<1000x128xf32, #tpu.memory_space<vmem_shared>>) dst(%arg12 : memref<64x128xf32, #tpu.memory_space<vmem>>)
    %dma_wait3A_146 = arith.constant 128 : i32
    %dma_wait3A_147 = tpu.memref_slice %arg9[%dma_wait3A_146] : memref<512xi32, #tpu.memory_space<vmem>> -> memref<64xi32, #tpu.memory_space<vmem>>
    %dma_wait3A_148 = arith.constant 0 : i32
    %dma_wait3A_149 = arith.constant 0 : i32
    %dma_wait3A_150 = tpu.memref_slice %arg2[%dma_wait3A_148, %dma_wait3A_149] : memref<100000x128xf32, #tpu.memory_space<hbm>> -> memref<100000x128xf32, #tpu.memory_space<hbm>>
    tpu.wait_indirect_dma semaphore(%arg23 : memref<!tpu.dma_semaphore, #tpu.memory_space<semaphore_mem>>) src(%dma_wait3A_150 : memref<100000x128xf32, #tpu.memory_space<hbm>>) dst(%arg15 : memref<64x128xf32, #tpu.memory_space<vmem>>)
    %scan3A_151 = arith.constant 0 : i32
    %scan3A_152 = arith.constant 0 : i32
    %scan3A_153 = arith.constant 4 : i32
    %scan3A_154 = arith.addi %scan3A_152, %scan3A_153 : i32
    %scan3A_155 = arith.constant 1 : i32
    scf.for %scan3A_307 = %scan3A_152 to %scan3A_154 step %scan3A_155  : i32 {
      %mul3A_308 = arith.constant 16 : i32
      %mul3A_309 = arith.muli %scan3A_307, %mul3A_308 : i32
      %broadcast_in_dim3A = arith.constant 0.000000e+00 : f32
      %broadcast_in_dim3A_310 = vector.broadcast %broadcast_in_dim3A : f32 to vector<16xf32>
      %scan3A_311 = arith.constant 0 : i32
      %scan3A_312 = arith.constant 4 : i32
      %scan3A_313 = arith.addi %scan3A_311, %scan3A_312 : i32
      %scan3A_314 = arith.constant 1 : i32
      %scan3A_315 = scf.for %scan3A_320 = %scan3A_311 to %scan3A_313 step %scan3A_314 iter_args(%scan3A_321 = %broadcast_in_dim3A_310) -> (vector<16xf32>)  : i32 {
        %mul3A_322 = arith.constant 4 : i32
        %mul3A_323 = arith.muli %scan3A_320, %mul3A_322 : i32
        %add3A_324 = arith.constant 0 : i32
        %add3A_325 = arith.addi %mul3A_323, %add3A_324 : i32
        %add3A_326 = arith.addi %mul3A_309, %add3A_325 : i32
        %broadcast_in_dim3A_327 = arith.constant 0.000000e+00 : f32
        %broadcast_in_dim3A_328 = vector.broadcast %broadcast_in_dim3A_327 : f32 to vector<16xf32>
        %broadcast_in_dim3A_329 = arith.constant 0.000000e+00 : f32
        %broadcast_in_dim3A_330 = vector.broadcast %broadcast_in_dim3A_329 : f32 to vector<16xf32>
        %broadcast_in_dim3A_331 = arith.constant 0.000000e+00 : f32
        %broadcast_in_dim3A_332 = vector.broadcast %broadcast_in_dim3A_331 : f32 to vector<16xf32>
        %broadcast_in_dim3A_333 = arith.constant 0.000000e+00 : f32
        %broadcast_in_dim3A_334 = vector.broadcast %broadcast_in_dim3A_333 : f32 to vector<16xf32>
        %get3A = arith.index_cast %add3A_326 : i32 to index
        %get3A_335 = arith.constant 0 : index
        %get3A_336 = tpu.vector_load %arg12[%get3A, %get3A_335] {strides = array<i32>} : memref<64x128xf32, #tpu.memory_space<vmem>>, vector<16xf32>,
        %get3A_337 = arith.index_cast %add3A_326 : i32 to index
        %get3A_338 = arith.constant 0 : index
        %get3A_339 = tpu.vector_load %arg15[%get3A_337, %get3A_338] {strides = array<i32>} : memref<64x128xf32, #tpu.memory_space<vmem>>, vector<16xf32>,
        %sub3A = arith.subf %get3A_336, %get3A_339 : vector<16xf32>
        %abs3A = math.absf %sub3A : vector<16xf32>
        %add3A_340 = arith.addf %broadcast_in_dim3A_328, %abs3A : vector<16xf32>
        %get3A_341 = arith.index_cast %add3A_326 : i32 to index
        %get3A_342 = arith.constant 16 : index
        %get3A_343 = tpu.vector_load %arg12[%get3A_341, %get3A_342] {strides = array<i32>} : memref<64x128xf32, #tpu.memory_space<vmem>>, vector<16xf32>,
        %get3A_344 = arith.index_cast %add3A_326 : i32 to index
        %get3A_345 = arith.constant 16 : index
        %get3A_346 = tpu.vector_load %arg15[%get3A_344, %get3A_345] {strides = array<i32>} : memref<64x128xf32, #tpu.memory_space<vmem>>, vector<16xf32>,
        %sub3A_347 = arith.subf %get3A_343, %get3A_346 : vector<16xf32>
        %abs3A_348 = math.absf %sub3A_347 : vector<16xf32>
        %add3A_349 = arith.addf %broadcast_in_dim3A_330, %abs3A_348 : vector<16xf32>
        %get3A_350 = arith.index_cast %add3A_326 : i32 to index
        %get3A_351 = arith.constant 32 : index
        %get3A_352 = tpu.vector_load %arg12[%get3A_350, %get3A_351] {strides = array<i32>} : memref<64x128xf32, #tpu.memory_space<vmem>>, vector<16xf32>,
        %get3A_353 = arith.index_cast %add3A_326 : i32 to index
        %get3A_354 = arith.constant 32 : index
        %get3A_355 = tpu.vector_load %arg15[%get3A_353, %get3A_354] {strides = array<i32>} : memref<64x128xf32, #tpu.memory_space<vmem>>, vector<16xf32>,
        %sub3A_356 = arith.subf %get3A_352, %get3A_355 : vector<16xf32>
        %abs3A_357 = math.absf %sub3A_356 : vector<16xf32>
        %add3A_358 = arith.addf %broadcast_in_dim3A_332, %abs3A_357 : vector<16xf32>
        %get3A_359 = arith.index_cast %add3A_326 : i32 to index
        %get3A_360 = arith.constant 48 : index
        %get3A_361 = tpu.vector_load %arg12[%get3A_359, %get3A_360] {strides = array<i32>} : memref<64x128xf32, #tpu.memory_space<vmem>>, vector<16xf32>,
        %get3A_362 = arith.index_cast %add3A_326 : i32 to index
        %get3A_363 = arith.constant 48 : index
        %get3A_364 = tpu.vector_load %arg15[%get3A_362, %get3A_363] {strides = array<i32>} : memref<64x128xf32, #tpu.memory_space<vmem>>, vector<16xf32>,
        %sub3A_365 = arith.subf %get3A_361, %get3A_364 : vector<16xf32>
        %abs3A_366 = math.absf %sub3A_365 : vector<16xf32>
        %add3A_367 = arith.addf %broadcast_in_dim3A_334, %abs3A_366 : vector<16xf32>
        %get3A_368 = arith.index_cast %add3A_326 : i32 to index
        %get3A_369 = arith.constant 64 : index
        %get3A_370 = tpu.vector_load %arg12[%get3A_368, %get3A_369] {strides = array<i32>} : memref<64x128xf32, #tpu.memory_space<vmem>>, vector<16xf32>,
        %get3A_371 = arith.index_cast %add3A_326 : i32 to index
        %get3A_372 = arith.constant 64 : index
        %get3A_373 = tpu.vector_load %arg15[%get3A_371, %get3A_372] {strides = array<i32>} : memref<64x128xf32, #tpu.memory_space<vmem>>, vector<16xf32>,
        %sub3A_374 = arith.subf %get3A_370, %get3A_373 : vector<16xf32>
        %abs3A_375 = math.absf %sub3A_374 : vector<16xf32>
        %add3A_376 = arith.addf %add3A_340, %abs3A_375 : vector<16xf32>
        %get3A_377 = arith.index_cast %add3A_326 : i32 to index
        %get3A_378 = arith.constant 80 : index
        %get3A_379 = tpu.vector_load %arg12[%get3A_377, %get3A_378] {strides = array<i32>} : memref<64x128xf32, #tpu.memory_space<vmem>>, vector<16xf32>,
        %get3A_380 = arith.index_cast %add3A_326 : i32 to index
        %get3A_381 = arith.constant 80 : index
        %get3A_382 = tpu.vector_load %arg15[%get3A_380, %get3A_381] {strides = array<i32>} : memref<64x128xf32, #tpu.memory_space<vmem>>, vector<16xf32>,
        %sub3A_383 = arith.subf %get3A_379, %get3A_382 : vector<16xf32>
        %abs3A_384 = math.absf %sub3A_383 : vector<16xf32>
        %add3A_385 = arith.addf %add3A_349, %abs3A_384 : vector<16xf32>
        %get3A_386 = arith.index_cast %add3A_326 : i32 to index
        %get3A_387 = arith.constant 96 : index
        %get3A_388 = tpu.vector_load %arg12[%get3A_386, %get3A_387] {strides = array<i32>} : memref<64x128xf32, #tpu.memory_space<vmem>>, vector<16xf32>,
        %get3A_389 = arith.index_cast %add3A_326 : i32 to index
        %get3A_390 = arith.constant 96 : index
        %get3A_391 = tpu.vector_load %arg15[%get3A_389, %get3A_390] {strides = array<i32>} : memref<64x128xf32, #tpu.memory_space<vmem>>, vector<16xf32>,
        %sub3A_392 = arith.subf %get3A_388, %get3A_391 : vector<16xf32>
        %abs3A_393 = math.absf %sub3A_392 : vector<16xf32>
        %add3A_394 = arith.addf %add3A_358, %abs3A_393 : vector<16xf32>
        %get3A_395 = arith.index_cast %add3A_326 : i32 to index
        %get3A_396 = arith.constant 112 : index
        %get3A_397 = tpu.vector_load %arg12[%get3A_395, %get3A_396] {strides = array<i32>} : memref<64x128xf32, #tpu.memory_space<vmem>>, vector<16xf32>,
        %get3A_398 = arith.index_cast %add3A_326 : i32 to index
        %get3A_399 = arith.constant 112 : index
        %get3A_400 = tpu.vector_load %arg15[%get3A_398, %get3A_399] {strides = array<i32>} : memref<64x128xf32, #tpu.memory_space<vmem>>, vector<16xf32>,
        %sub3A_401 = arith.subf %get3A_397, %get3A_400 : vector<16xf32>
        %abs3A_402 = math.absf %sub3A_401 : vector<16xf32>
        %add3A_403 = arith.addf %add3A_367, %abs3A_402 : vector<16xf32>
        %add3A_404 = arith.addf %add3A_376, %add3A_385 : vector<16xf32>
        %add3A_405 = arith.addf %add3A_394, %add3A_403 : vector<16xf32>
        %add3A_406 = arith.addf %add3A_404, %add3A_405 : vector<16xf32>
        %reduce_sum3A = arith.constant true
        %reduce_sum3A_407 = vector.broadcast %reduce_sum3A : i1 to vector<16xi1>
        %reduce_sum3A_408 = tpu.scan <sum>, %add3A_406 masked %reduce_sum3A_407 : vector<16xf32>, vector<16xi1> -> vector<16xf32>
        %reduce_sum3A_409 = vector.extract %reduce_sum3A_408[15] : f32 from vector<16xf32>
        %eq3A_410 = vector.broadcast %add3A_325 : i32 to vector<16xi32>
        %eq3A_411 = arith.cmpi eq, %iota3A, %eq3A_410 : vector<16xi32>
        %sub3A_412 = arith.constant 1.200000e+01 : f32
        %sub3A_413 = arith.subf %sub3A_412, %reduce_sum3A_409 : f32
        %broadcast_in_dim3A_414 = vector.broadcast %sub3A_413 : f32 to vector<16xf32>
        %select_n3A = arith.select %eq3A_411, %broadcast_in_dim3A_414, %scan3A_321 : vector<16xi1>, vector<16xf32>
        %mul3A_415 = arith.constant 4 : i32
        %mul3A_416 = arith.muli %scan3A_320, %mul3A_415 : i32
        %add3A_417 = arith.constant 1 : i32
        %add3A_418 = arith.addi %mul3A_416, %add3A_417 : i32
        %add3A_419 = arith.addi %mul3A_309, %add3A_418 : i32
        %broadcast_in_dim3A_420 = arith.constant 0.000000e+00 : f32
        %broadcast_in_dim3A_421 = vector.broadcast %broadcast_in_dim3A_420 : f32 to vector<16xf32>
        %broadcast_in_dim3A_422 = arith.constant 0.000000e+00 : f32
        %broadcast_in_dim3A_423 = vector.broadcast %broadcast_in_dim3A_422 : f32 to vector<16xf32>
        %broadcast_in_dim3A_424 = arith.constant 0.000000e+00 : f32
        %broadcast_in_dim3A_425 = vector.broadcast %broadcast_in_dim3A_424 : f32 to vector<16xf32>
        %broadcast_in_dim3A_426 = arith.constant 0.000000e+00 : f32
        %broadcast_in_dim3A_427 = vector.broadcast %broadcast_in_dim3A_426 : f32 to vector<16xf32>
        %get3A_428 = arith.index_cast %add3A_419 : i32 to index
        %get3A_429 = arith.constant 0 : index
        %get3A_430 = tpu.vector_load %arg12[%get3A_428, %get3A_429] {strides = array<i32>} : memref<64x128xf32, #tpu.memory_space<vmem>>, vector<16xf32>,
        %get3A_431 = arith.index_cast %add3A_419 : i32 to index
        %get3A_432 = arith.constant 0 : index
        %get3A_433 = tpu.vector_load %arg15[%get3A_431, %get3A_432] {strides = array<i32>} : memref<64x128xf32, #tpu.memory_space<vmem>>, vector<16xf32>,
        %sub3A_434 = arith.subf %get3A_430, %get3A_433 : vector<16xf32>
        %abs3A_435 = math.absf %sub3A_434 : vector<16xf32>
        %add3A_436 = arith.addf %broadcast_in_dim3A_421, %abs3A_435 : vector<16xf32>
        %get3A_437 = arith.index_cast %add3A_419 : i32 to index
        %get3A_438 = arith.constant 16 : index
        %get3A_439 = tpu.vector_load %arg12[%get3A_437, %get3A_438] {strides = array<i32>} : memref<64x128xf32, #tpu.memory_space<vmem>>, vector<16xf32>,
        %get3A_440 = arith.index_cast %add3A_419 : i32 to index
        %get3A_441 = arith.constant 16 : index
        %get3A_442 = tpu.vector_load %arg15[%get3A_440, %get3A_441] {strides = array<i32>} : memref<64x128xf32, #tpu.memory_space<vmem>>, vector<16xf32>,
        %sub3A_443 = arith.subf %get3A_439, %get3A_442 : vector<16xf32>
        %abs3A_444 = math.absf %sub3A_443 : vector<16xf32>
        %add3A_445 = arith.addf %broadcast_in_dim3A_423, %abs3A_444 : vector<16xf32>
        %get3A_446 = arith.index_cast %add3A_419 : i32 to index
        %get3A_447 = arith.constant 32 : index
        %get3A_448 = tpu.vector_load %arg12[%get3A_446, %get3A_447] {strides = array<i32>} : memref<64x128xf32, #tpu.memory_space<vmem>>, vector<16xf32>,
        %get3A_449 = arith.index_cast %add3A_419 : i32 to index
        %get3A_450 = arith.constant 32 : index
        %get3A_451 = tpu.vector_load %arg15[%get3A_449, %get3A_450] {strides = array<i32>} : memref<64x128xf32, #tpu.memory_space<vmem>>, vector<16xf32>,
        %sub3A_452 = arith.subf %get3A_448, %get3A_451 : vector<16xf32>
        %abs3A_453 = math.absf %sub3A_452 : vector<16xf32>
        %add3A_454 = arith.addf %broadcast_in_dim3A_425, %abs3A_453 : vector<16xf32>
        %get3A_455 = arith.index_cast %add3A_419 : i32 to index
        %get3A_456 = arith.constant 48 : index
        %get3A_457 = tpu.vector_load %arg12[%get3A_455, %get3A_456] {strides = array<i32>} : memref<64x128xf32, #tpu.memory_space<vmem>>, vector<16xf32>,
        %get3A_458 = arith.index_cast %add3A_419 : i32 to index
        %get3A_459 = arith.constant 48 : index
        %get3A_460 = tpu.vector_load %arg15[%get3A_458, %get3A_459] {strides = array<i32>} : memref<64x128xf32, #tpu.memory_space<vmem>>, vector<16xf32>,
        %sub3A_461 = arith.subf %get3A_457, %get3A_460 : vector<16xf32>
        %abs3A_462 = math.absf %sub3A_461 : vector<16xf32>
        %add3A_463 = arith.addf %broadcast_in_dim3A_427, %abs3A_462 : vector<16xf32>
        %get3A_464 = arith.index_cast %add3A_419 : i32 to index
        %get3A_465 = arith.constant 64 : index
        %get3A_466 = tpu.vector_load %arg12[%get3A_464, %get3A_465] {strides = array<i32>} : memref<64x128xf32, #tpu.memory_space<vmem>>, vector<16xf32>,
        %get3A_467 = arith.index_cast %add3A_419 : i32 to index
        %get3A_468 = arith.constant 64 : index
        %get3A_469 = tpu.vector_load %arg15[%get3A_467, %get3A_468] {strides = array<i32>} : memref<64x128xf32, #tpu.memory_space<vmem>>, vector<16xf32>,
        %sub3A_470 = arith.subf %get3A_466, %get3A_469 : vector<16xf32>
        %abs3A_471 = math.absf %sub3A_470 : vector<16xf32>
        %add3A_472 = arith.addf %add3A_436, %abs3A_471 : vector<16xf32>
        %get3A_473 = arith.index_cast %add3A_419 : i32 to index
        %get3A_474 = arith.constant 80 : index
        %get3A_475 = tpu.vector_load %arg12[%get3A_473, %get3A_474] {strides = array<i32>} : memref<64x128xf32, #tpu.memory_space<vmem>>, vector<16xf32>,
        %get3A_476 = arith.index_cast %add3A_419 : i32 to index
        %get3A_477 = arith.constant 80 : index
        %get3A_478 = tpu.vector_load %arg15[%get3A_476, %get3A_477] {strides = array<i32>} : memref<64x128xf32, #tpu.memory_space<vmem>>, vector<16xf32>,
        %sub3A_479 = arith.subf %get3A_475, %get3A_478 : vector<16xf32>
        %abs3A_480 = math.absf %sub3A_479 : vector<16xf32>
        %add3A_481 = arith.addf %add3A_445, %abs3A_480 : vector<16xf32>
        %get3A_482 = arith.index_cast %add3A_419 : i32 to index
        %get3A_483 = arith.constant 96 : index
        %get3A_484 = tpu.vector_load %arg12[%get3A_482, %get3A_483] {strides = array<i32>} : memref<64x128xf32, #tpu.memory_space<vmem>>, vector<16xf32>,
        %get3A_485 = arith.index_cast %add3A_419 : i32 to index
        %get3A_486 = arith.constant 96 : index
        %get3A_487 = tpu.vector_load %arg15[%get3A_485, %get3A_486] {strides = array<i32>} : memref<64x128xf32, #tpu.memory_space<vmem>>, vector<16xf32>,
        %sub3A_488 = arith.subf %get3A_484, %get3A_487 : vector<16xf32>
        %abs3A_489 = math.absf %sub3A_488 : vector<16xf32>
        %add3A_490 = arith.addf %add3A_454, %abs3A_489 : vector<16xf32>
        %get3A_491 = arith.index_cast %add3A_419 : i32 to index
        %get3A_492 = arith.constant 112 : index
        %get3A_493 = tpu.vector_load %arg12[%get3A_491, %get3A_492] {strides = array<i32>} : memref<64x128xf32, #tpu.memory_space<vmem>>, vector<16xf32>,
        %get3A_494 = arith.index_cast %add3A_419 : i32 to index
        %get3A_495 = arith.constant 112 : index
        %get3A_496 = tpu.vector_load %arg15[%get3A_494, %get3A_495] {strides = array<i32>} : memref<64x128xf32, #tpu.memory_space<vmem>>, vector<16xf32>,
        %sub3A_497 = arith.subf %get3A_493, %get3A_496 : vector<16xf32>
        %abs3A_498 = math.absf %sub3A_497 : vector<16xf32>
        %add3A_499 = arith.addf %add3A_463, %abs3A_498 : vector<16xf32>
        %add3A_500 = arith.addf %add3A_472, %add3A_481 : vector<16xf32>
        %add3A_501 = arith.addf %add3A_490, %add3A_499 : vector<16xf32>
        %add3A_502 = arith.addf %add3A_500, %add3A_501 : vector<16xf32>
        %reduce_sum3A_503 = arith.constant true
        %reduce_sum3A_504 = vector.broadcast %reduce_sum3A_503 : i1 to vector<16xi1>
        %reduce_sum3A_505 = tpu.scan <sum>, %add3A_502 masked %reduce_sum3A_504 : vector<16xf32>, vector<16xi1> -> vector<16xf32>
        %reduce_sum3A_506 = vector.extract %reduce_sum3A_505[15] : f32 from vector<16xf32>
        %eq3A_507 = vector.broadcast %add3A_418 : i32 to vector<16xi32>
        %eq3A_508 = arith.cmpi eq, %iota3A, %eq3A_507 : vector<16xi32>
        %sub3A_509 = arith.constant 1.200000e+01 : f32
        %sub3A_510 = arith.subf %sub3A_509, %reduce_sum3A_506 : f32
        %broadcast_in_dim3A_511 = vector.broadcast %sub3A_510 : f32 to vector<16xf32>
        %select_n3A_512 = arith.select %eq3A_508, %broadcast_in_dim3A_511, %select_n3A : vector<16xi1>, vector<16xf32>
        %mul3A_513 = arith.constant 4 : i32
        %mul3A_514 = arith.muli %scan3A_320, %mul3A_513 : i32
        %add3A_515 = arith.constant 2 : i32
        %add3A_516 = arith.addi %mul3A_514, %add3A_515 : i32
        %add3A_517 = arith.addi %mul3A_309, %add3A_516 : i32
        %broadcast_in_dim3A_518 = arith.constant 0.000000e+00 : f32
        %broadcast_in_dim3A_519 = vector.broadcast %broadcast_in_dim3A_518 : f32 to vector<16xf32>
        %broadcast_in_dim3A_520 = arith.constant 0.000000e+00 : f32
        %broadcast_in_dim3A_521 = vector.broadcast %broadcast_in_dim3A_520 : f32 to vector<16xf32>
        %broadcast_in_dim3A_522 = arith.constant 0.000000e+00 : f32
        %broadcast_in_dim3A_523 = vector.broadcast %broadcast_in_dim3A_522 : f32 to vector<16xf32>
        %broadcast_in_dim3A_524 = arith.constant 0.000000e+00 : f32
        %broadcast_in_dim3A_525 = vector.broadcast %broadcast_in_dim3A_524 : f32 to vector<16xf32>
        %get3A_526 = arith.index_cast %add3A_517 : i32 to index
        %get3A_527 = arith.constant 0 : index
        %get3A_528 = tpu.vector_load %arg12[%get3A_526, %get3A_527] {strides = array<i32>} : memref<64x128xf32, #tpu.memory_space<vmem>>, vector<16xf32>,
        %get3A_529 = arith.index_cast %add3A_517 : i32 to index
        %get3A_530 = arith.constant 0 : index
        %get3A_531 = tpu.vector_load %arg15[%get3A_529, %get3A_530] {strides = array<i32>} : memref<64x128xf32, #tpu.memory_space<vmem>>, vector<16xf32>,
        %sub3A_532 = arith.subf %get3A_528, %get3A_531 : vector<16xf32>
        %abs3A_533 = math.absf %sub3A_532 : vector<16xf32>
        %add3A_534 = arith.addf %broadcast_in_dim3A_519, %abs3A_533 : vector<16xf32>
        %get3A_535 = arith.index_cast %add3A_517 : i32 to index
        %get3A_536 = arith.constant 16 : index
        %get3A_537 = tpu.vector_load %arg12[%get3A_535, %get3A_536] {strides = array<i32>} : memref<64x128xf32, #tpu.memory_space<vmem>>, vector<16xf32>,
        %get3A_538 = arith.index_cast %add3A_517 : i32 to index
        %get3A_539 = arith.constant 16 : index
        %get3A_540 = tpu.vector_load %arg15[%get3A_538, %get3A_539] {strides = array<i32>} : memref<64x128xf32, #tpu.memory_space<vmem>>, vector<16xf32>,
        %sub3A_541 = arith.subf %get3A_537, %get3A_540 : vector<16xf32>
        %abs3A_542 = math.absf %sub3A_541 : vector<16xf32>
        %add3A_543 = arith.addf %broadcast_in_dim3A_521, %abs3A_542 : vector<16xf32>
        %get3A_544 = arith.index_cast %add3A_517 : i32 to index
        %get3A_545 = arith.constant 32 : index
        %get3A_546 = tpu.vector_load %arg12[%get3A_544, %get3A_545] {strides = array<i32>} : memref<64x128xf32, #tpu.memory_space<vmem>>, vector<16xf32>,
        %get3A_547 = arith.index_cast %add3A_517 : i32 to index
        %get3A_548 = arith.constant 32 : index
        %get3A_549 = tpu.vector_load %arg15[%get3A_547, %get3A_548] {strides = array<i32>} : memref<64x128xf32, #tpu.memory_space<vmem>>, vector<16xf32>,
        %sub3A_550 = arith.subf %get3A_546, %get3A_549 : vector<16xf32>
        %abs3A_551 = math.absf %sub3A_550 : vector<16xf32>
        %add3A_552 = arith.addf %broadcast_in_dim3A_523, %abs3A_551 : vector<16xf32>
        %get3A_553 = arith.index_cast %add3A_517 : i32 to index
        %get3A_554 = arith.constant 48 : index
        %get3A_555 = tpu.vector_load %arg12[%get3A_553, %get3A_554] {strides = array<i32>} : memref<64x128xf32, #tpu.memory_space<vmem>>, vector<16xf32>,
        %get3A_556 = arith.index_cast %add3A_517 : i32 to index
        %get3A_557 = arith.constant 48 : index
        %get3A_558 = tpu.vector_load %arg15[%get3A_556, %get3A_557] {strides = array<i32>} : memref<64x128xf32, #tpu.memory_space<vmem>>, vector<16xf32>,
        %sub3A_559 = arith.subf %get3A_555, %get3A_558 : vector<16xf32>
        %abs3A_560 = math.absf %sub3A_559 : vector<16xf32>
        %add3A_561 = arith.addf %broadcast_in_dim3A_525, %abs3A_560 : vector<16xf32>
        %get3A_562 = arith.index_cast %add3A_517 : i32 to index
        %get3A_563 = arith.constant 64 : index
        %get3A_564 = tpu.vector_load %arg12[%get3A_562, %get3A_563] {strides = array<i32>} : memref<64x128xf32, #tpu.memory_space<vmem>>, vector<16xf32>,
        %get3A_565 = arith.index_cast %add3A_517 : i32 to index
        %get3A_566 = arith.constant 64 : index
        %get3A_567 = tpu.vector_load %arg15[%get3A_565, %get3A_566] {strides = array<i32>} : memref<64x128xf32, #tpu.memory_space<vmem>>, vector<16xf32>,
        %sub3A_568 = arith.subf %get3A_564, %get3A_567 : vector<16xf32>
        %abs3A_569 = math.absf %sub3A_568 : vector<16xf32>
        %add3A_570 = arith.addf %add3A_534, %abs3A_569 : vector<16xf32>
        %get3A_571 = arith.index_cast %add3A_517 : i32 to index
        %get3A_572 = arith.constant 80 : index
        %get3A_573 = tpu.vector_load %arg12[%get3A_571, %get3A_572] {strides = array<i32>} : memref<64x128xf32, #tpu.memory_space<vmem>>, vector<16xf32>,
        %get3A_574 = arith.index_cast %add3A_517 : i32 to index
        %get3A_575 = arith.constant 80 : index
        %get3A_576 = tpu.vector_load %arg15[%get3A_574, %get3A_575] {strides = array<i32>} : memref<64x128xf32, #tpu.memory_space<vmem>>, vector<16xf32>,
        %sub3A_577 = arith.subf %get3A_573, %get3A_576 : vector<16xf32>
        %abs3A_578 = math.absf %sub3A_577 : vector<16xf32>
        %add3A_579 = arith.addf %add3A_543, %abs3A_578 : vector<16xf32>
        %get3A_580 = arith.index_cast %add3A_517 : i32 to index
        %get3A_581 = arith.constant 96 : index
        %get3A_582 = tpu.vector_load %arg12[%get3A_580, %get3A_581] {strides = array<i32>} : memref<64x128xf32, #tpu.memory_space<vmem>>, vector<16xf32>,
        %get3A_583 = arith.index_cast %add3A_517 : i32 to index
        %get3A_584 = arith.constant 96 : index
        %get3A_585 = tpu.vector_load %arg15[%get3A_583, %get3A_584] {strides = array<i32>} : memref<64x128xf32, #tpu.memory_space<vmem>>, vector<16xf32>,
        %sub3A_586 = arith.subf %get3A_582, %get3A_585 : vector<16xf32>
        %abs3A_587 = math.absf %sub3A_586 : vector<16xf32>
        %add3A_588 = arith.addf %add3A_552, %abs3A_587 : vector<16xf32>
        %get3A_589 = arith.index_cast %add3A_517 : i32 to index
        %get3A_590 = arith.constant 112 : index
        %get3A_591 = tpu.vector_load %arg12[%get3A_589, %get3A_590] {strides = array<i32>} : memref<64x128xf32, #tpu.memory_space<vmem>>, vector<16xf32>,
        %get3A_592 = arith.index_cast %add3A_517 : i32 to index
        %get3A_593 = arith.constant 112 : index
        %get3A_594 = tpu.vector_load %arg15[%get3A_592, %get3A_593] {strides = array<i32>} : memref<64x128xf32, #tpu.memory_space<vmem>>, vector<16xf32>,
        %sub3A_595 = arith.subf %get3A_591, %get3A_594 : vector<16xf32>
        %abs3A_596 = math.absf %sub3A_595 : vector<16xf32>
        %add3A_597 = arith.addf %add3A_561, %abs3A_596 : vector<16xf32>
        %add3A_598 = arith.addf %add3A_570, %add3A_579 : vector<16xf32>
        %add3A_599 = arith.addf %add3A_588, %add3A_597 : vector<16xf32>
        %add3A_600 = arith.addf %add3A_598, %add3A_599 : vector<16xf32>
        %reduce_sum3A_601 = arith.constant true
        %reduce_sum3A_602 = vector.broadcast %reduce_sum3A_601 : i1 to vector<16xi1>
        %reduce_sum3A_603 = tpu.scan <sum>, %add3A_600 masked %reduce_sum3A_602 : vector<16xf32>, vector<16xi1> -> vector<16xf32>
        %reduce_sum3A_604 = vector.extract %reduce_sum3A_603[15] : f32 from vector<16xf32>
        %eq3A_605 = vector.broadcast %add3A_516 : i32 to vector<16xi32>
        %eq3A_606 = arith.cmpi eq, %iota3A, %eq3A_605 : vector<16xi32>
        %sub3A_607 = arith.constant 1.200000e+01 : f32
        %sub3A_608 = arith.subf %sub3A_607, %reduce_sum3A_604 : f32
        %broadcast_in_dim3A_609 = vector.broadcast %sub3A_608 : f32 to vector<16xf32>
        %select_n3A_610 = arith.select %eq3A_606, %broadcast_in_dim3A_609, %select_n3A_512 : vector<16xi1>, vector<16xf32>
        %mul3A_611 = arith.constant 4 : i32
        %mul3A_612 = arith.muli %scan3A_320, %mul3A_611 : i32
        %add3A_613 = arith.constant 3 : i32
        %add3A_614 = arith.addi %mul3A_612, %add3A_613 : i32
        %add3A_615 = arith.addi %mul3A_309, %add3A_614 : i32
        %broadcast_in_dim3A_616 = arith.constant 0.000000e+00 : f32
        %broadcast_in_dim3A_617 = vector.broadcast %broadcast_in_dim3A_616 : f32 to vector<16xf32>
        %broadcast_in_dim3A_618 = arith.constant 0.000000e+00 : f32
        %broadcast_in_dim3A_619 = vector.broadcast %broadcast_in_dim3A_618 : f32 to vector<16xf32>
        %broadcast_in_dim3A_620 = arith.constant 0.000000e+00 : f32
        %broadcast_in_dim3A_621 = vector.broadcast %broadcast_in_dim3A_620 : f32 to vector<16xf32>
        %broadcast_in_dim3A_622 = arith.constant 0.000000e+00 : f32
        %broadcast_in_dim3A_623 = vector.broadcast %broadcast_in_dim3A_622 : f32 to vector<16xf32>
        %get3A_624 = arith.index_cast %add3A_615 : i32 to index
        %get3A_625 = arith.constant 0 : index
        %get3A_626 = tpu.vector_load %arg12[%get3A_624, %get3A_625] {strides = array<i32>} : memref<64x128xf32, #tpu.memory_space<vmem>>, vector<16xf32>,
        %get3A_627 = arith.index_cast %add3A_615 : i32 to index
        %get3A_628 = arith.constant 0 : index
        %get3A_629 = tpu.vector_load %arg15[%get3A_627, %get3A_628] {strides = array<i32>} : memref<64x128xf32, #tpu.memory_space<vmem>>, vector<16xf32>,
        %sub3A_630 = arith.subf %get3A_626, %get3A_629 : vector<16xf32>
        %abs3A_631 = math.absf %sub3A_630 : vector<16xf32>
        %add3A_632 = arith.addf %broadcast_in_dim3A_617, %abs3A_631 : vector<16xf32>
        %get3A_633 = arith.index_cast %add3A_615 : i32 to index
        %get3A_634 = arith.constant 16 : index
        %get3A_635 = tpu.vector_load %arg12[%get3A_633, %get3A_634] {strides = array<i32>} : memref<64x128xf32, #tpu.memory_space<vmem>>, vector<16xf32>,
        %get3A_636 = arith.index_cast %add3A_615 : i32 to index
        %get3A_637 = arith.constant 16 : index
        %get3A_638 = tpu.vector_load %arg15[%get3A_636, %get3A_637] {strides = array<i32>} : memref<64x128xf32, #tpu.memory_space<vmem>>, vector<16xf32>,
        %sub3A_639 = arith.subf %get3A_635, %get3A_638 : vector<16xf32>
        %abs3A_640 = math.absf %sub3A_639 : vector<16xf32>
        %add3A_641 = arith.addf %broadcast_in_dim3A_619, %abs3A_640 : vector<16xf32>
        %get3A_642 = arith.index_cast %add3A_615 : i32 to index
        %get3A_643 = arith.constant 32 : index
        %get3A_644 = tpu.vector_load %arg12[%get3A_642, %get3A_643] {strides = array<i32>} : memref<64x128xf32, #tpu.memory_space<vmem>>, vector<16xf32>,
        %get3A_645 = arith.index_cast %add3A_615 : i32 to index
        %get3A_646 = arith.constant 32 : index
        %get3A_647 = tpu.vector_load %arg15[%get3A_645, %get3A_646] {strides = array<i32>} : memref<64x128xf32, #tpu.memory_space<vmem>>, vector<16xf32>,
        %sub3A_648 = arith.subf %get3A_644, %get3A_647 : vector<16xf32>
        %abs3A_649 = math.absf %sub3A_648 : vector<16xf32>
        %add3A_650 = arith.addf %broadcast_in_dim3A_621, %abs3A_649 : vector<16xf32>
        %get3A_651 = arith.index_cast %add3A_615 : i32 to index
        %get3A_652 = arith.constant 48 : index
        %get3A_653 = tpu.vector_load %arg12[%get3A_651, %get3A_652] {strides = array<i32>} : memref<64x128xf32, #tpu.memory_space<vmem>>, vector<16xf32>,
        %get3A_654 = arith.index_cast %add3A_615 : i32 to index
        %get3A_655 = arith.constant 48 : index
        %get3A_656 = tpu.vector_load %arg15[%get3A_654, %get3A_655] {strides = array<i32>} : memref<64x128xf32, #tpu.memory_space<vmem>>, vector<16xf32>,
        %sub3A_657 = arith.subf %get3A_653, %get3A_656 : vector<16xf32>
        %abs3A_658 = math.absf %sub3A_657 : vector<16xf32>
        %add3A_659 = arith.addf %broadcast_in_dim3A_623, %abs3A_658 : vector<16xf32>
        %get3A_660 = arith.index_cast %add3A_615 : i32 to index
        %get3A_661 = arith.constant 64 : index
        %get3A_662 = tpu.vector_load %arg12[%get3A_660, %get3A_661] {strides = array<i32>} : memref<64x128xf32, #tpu.memory_space<vmem>>, vector<16xf32>,
        %get3A_663 = arith.index_cast %add3A_615 : i32 to index
        %get3A_664 = arith.constant 64 : index
        %get3A_665 = tpu.vector_load %arg15[%get3A_663, %get3A_664] {strides = array<i32>} : memref<64x128xf32, #tpu.memory_space<vmem>>, vector<16xf32>,
        %sub3A_666 = arith.subf %get3A_662, %get3A_665 : vector<16xf32>
        %abs3A_667 = math.absf %sub3A_666 : vector<16xf32>
        %add3A_668 = arith.addf %add3A_632, %abs3A_667 : vector<16xf32>
        %get3A_669 = arith.index_cast %add3A_615 : i32 to index
        %get3A_670 = arith.constant 80 : index
        %get3A_671 = tpu.vector_load %arg12[%get3A_669, %get3A_670] {strides = array<i32>} : memref<64x128xf32, #tpu.memory_space<vmem>>, vector<16xf32>,
        %get3A_672 = arith.index_cast %add3A_615 : i32 to index
        %get3A_673 = arith.constant 80 : index
        %get3A_674 = tpu.vector_load %arg15[%get3A_672, %get3A_673] {strides = array<i32>} : memref<64x128xf32, #tpu.memory_space<vmem>>, vector<16xf32>,
        %sub3A_675 = arith.subf %get3A_671, %get3A_674 : vector<16xf32>
        %abs3A_676 = math.absf %sub3A_675 : vector<16xf32>
        %add3A_677 = arith.addf %add3A_641, %abs3A_676 : vector<16xf32>
        %get3A_678 = arith.index_cast %add3A_615 : i32 to index
        %get3A_679 = arith.constant 96 : index
        %get3A_680 = tpu.vector_load %arg12[%get3A_678, %get3A_679] {strides = array<i32>} : memref<64x128xf32, #tpu.memory_space<vmem>>, vector<16xf32>,
        %get3A_681 = arith.index_cast %add3A_615 : i32 to index
        %get3A_682 = arith.constant 96 : index
        %get3A_683 = tpu.vector_load %arg15[%get3A_681, %get3A_682] {strides = array<i32>} : memref<64x128xf32, #tpu.memory_space<vmem>>, vector<16xf32>,
        %sub3A_684 = arith.subf %get3A_680, %get3A_683 : vector<16xf32>
        %abs3A_685 = math.absf %sub3A_684 : vector<16xf32>
        %add3A_686 = arith.addf %add3A_650, %abs3A_685 : vector<16xf32>
        %get3A_687 = arith.index_cast %add3A_615 : i32 to index
        %get3A_688 = arith.constant 112 : index
        %get3A_689 = tpu.vector_load %arg12[%get3A_687, %get3A_688] {strides = array<i32>} : memref<64x128xf32, #tpu.memory_space<vmem>>, vector<16xf32>,
        %get3A_690 = arith.index_cast %add3A_615 : i32 to index
        %get3A_691 = arith.constant 112 : index
        %get3A_692 = tpu.vector_load %arg15[%get3A_690, %get3A_691] {strides = array<i32>} : memref<64x128xf32, #tpu.memory_space<vmem>>, vector<16xf32>,
        %sub3A_693 = arith.subf %get3A_689, %get3A_692 : vector<16xf32>
        %abs3A_694 = math.absf %sub3A_693 : vector<16xf32>
        %add3A_695 = arith.addf %add3A_659, %abs3A_694 : vector<16xf32>
        %add3A_696 = arith.addf %add3A_668, %add3A_677 : vector<16xf32>
        %add3A_697 = arith.addf %add3A_686, %add3A_695 : vector<16xf32>
        %add3A_698 = arith.addf %add3A_696, %add3A_697 : vector<16xf32>
        %reduce_sum3A_699 = arith.constant true
        %reduce_sum3A_700 = vector.broadcast %reduce_sum3A_699 : i1 to vector<16xi1>
        %reduce_sum3A_701 = tpu.scan <sum>, %add3A_698 masked %reduce_sum3A_700 : vector<16xf32>, vector<16xi1> -> vector<16xf32>
        %reduce_sum3A_702 = vector.extract %reduce_sum3A_701[15] : f32 from vector<16xf32>
        %eq3A_703 = vector.broadcast %add3A_614 : i32 to vector<16xi32>
        %eq3A_704 = arith.cmpi eq, %iota3A, %eq3A_703 : vector<16xi32>
        %sub3A_705 = arith.constant 1.200000e+01 : f32
        %sub3A_706 = arith.subf %sub3A_705, %reduce_sum3A_702 : f32
        %broadcast_in_dim3A_707 = vector.broadcast %sub3A_706 : f32 to vector<16xf32>
        %select_n3A_708 = arith.select %eq3A_704, %broadcast_in_dim3A_707, %select_n3A_610 : vector<16xi1>, vector<16xf32>
        scf.yield %select_n3A_708 : vector<16xf32>
      }
      %scan3A_316 = arith.constant 4 : i32
      %add3A_317 = arith.constant 128 : i32
      %add3A_318 = arith.addi %add3A_317, %mul3A_309 : i32
      %swap3A = arith.index_cast %add3A_318 : i32 to index
      %swap3A_319 = tpu.vector_load %arg16[%swap3A] {strides = array<i32>} : memref<512xf32, #tpu.memory_space<vmem>>, vector<16xf32>,
      tpu.vector_store %arg16[%swap3A], %scan3A_315 {strides = array<i32>} : memref<512xf32, #tpu.memory_space<vmem>>, vector<16xf32>,
    }
    %scan3A_156 = arith.constant 4 : i32
    %dma_start3A_157 = arith.constant 320 : i32
    %dma_start3A_158 = tpu.memref_slice %arg7[%dma_start3A_157] : memref<512xi32, #tpu.memory_space<vmem>> -> memref<64xi32, #tpu.memory_space<vmem>>
    %dma_start3A_159 = arith.constant 0 : i32
    %dma_start3A_160 = arith.constant 0 : i32
    %dma_start3A_161 = tpu.memref_slice %arg2[%dma_start3A_159, %dma_start3A_160] : memref<100000x128xf32, #tpu.memory_space<hbm>> -> memref<100000x128xf32, #tpu.memory_space<hbm>>
    tpu.enqueue_indirect_dma source(%dma_start3A_161 : memref<100000x128xf32, #tpu.memory_space<hbm>>) target(%arg12 : memref<64x128xf32, #tpu.memory_space<vmem>>) offsets(%dma_start3A_158 : memref<64xi32, #tpu.memory_space<vmem>>) semaphore(%arg20 : memref<!tpu.dma_semaphore, #tpu.memory_space<semaphore_mem>>)
    %dma_start3A_162 = arith.constant 320 : i32
    %dma_start3A_163 = tpu.memref_slice %arg9[%dma_start3A_162] : memref<512xi32, #tpu.memory_space<vmem>> -> memref<64xi32, #tpu.memory_space<vmem>>
    %dma_start3A_164 = arith.constant 0 : i32
    %dma_start3A_165 = arith.constant 0 : i32
    %dma_start3A_166 = tpu.memref_slice %arg2[%dma_start3A_164, %dma_start3A_165] : memref<100000x128xf32, #tpu.memory_space<hbm>> -> memref<100000x128xf32, #tpu.memory_space<hbm>>
    tpu.enqueue_indirect_dma source(%dma_start3A_166 : memref<100000x128xf32, #tpu.memory_space<hbm>>) target(%arg15 : memref<64x128xf32, #tpu.memory_space<vmem>>) offsets(%dma_start3A_163 : memref<64xi32, #tpu.memory_space<vmem>>) semaphore(%arg23 : memref<!tpu.dma_semaphore, #tpu.memory_space<semaphore_mem>>)
    %dma_wait3A_167 = arith.constant 256 : i32
    %dma_wait3A_168 = tpu.memref_slice %arg7[%dma_wait3A_167] : memref<512xi32, #tpu.memory_space<vmem>> -> memref<64xi32, #tpu.memory_space<vmem>>
    %dma_wait3A_169 = arith.constant 0 : i32
    %dma_wait3A_170 = arith.constant 0 : i32
    %dma_wait3A_171 = tpu.memref_slice %arg2[%dma_wait3A_169, %dma_wait3A_170] : memref<100000x128xf32, #tpu.memory_space<hbm>> -> memref<100000x128xf32, #tpu.memory_space<hbm>>
    tpu.wait_indirect_dma semaphore(%arg19 : memref<!tpu.dma_semaphore, #tpu.memory_space<semaphore_mem>>) src(%dma_wait3A_171 : memref<100000x128xf32, #tpu.memory_space<hbm>>) dst(%arg11 : memref<64x128xf32, #tpu.memory_space<vmem>>)
    %dma_start3A_172 = arith.constant 256 : i32
    %dma_start3A_173 = tpu.memref_slice %arg8[%dma_start3A_172] : memref<512xi32, #tpu.memory_space<vmem>> -> memref<64xi32, #tpu.memory_space<vmem>>
    %dma_start3A_174 = arith.constant 0 : i32
    %dma_start3A_175 = arith.constant 0 : i32
    %dma_start3A_176 = tpu.memref_slice %arg17[%dma_start3A_174, %dma_start3A_175] : memref<1000x128xf32, #tpu.memory_space<vmem_shared>> -> memref<1000x128xf32, #tpu.memory_space<vmem_shared>>
    tpu.enqueue_indirect_dma source(%dma_start3A_176 : memref<1000x128xf32, #tpu.memory_space<vmem_shared>>) target(%arg11 : memref<64x128xf32, #tpu.memory_space<vmem>>) offsets(%dma_start3A_173 : memref<64xi32, #tpu.memory_space<vmem>>) semaphore(%arg19 : memref<!tpu.dma_semaphore, #tpu.memory_space<semaphore_mem>>) {add = true}
    %dma_wait3A_177 = arith.constant 192 : i32
    %dma_wait3A_178 = tpu.memref_slice %arg8[%dma_wait3A_177] : memref<512xi32, #tpu.memory_space<vmem>> -> memref<64xi32, #tpu.memory_space<vmem>>
    %dma_wait3A_179 = arith.constant 0 : i32
    %dma_wait3A_180 = arith.constant 0 : i32
    %dma_wait3A_181 = tpu.memref_slice %arg17[%dma_wait3A_179, %dma_wait3A_180] : memref<1000x128xf32, #tpu.memory_space<vmem_shared>> -> memref<1000x128xf32, #tpu.memory_space<vmem_shared>>
    tpu.wait_indirect_dma semaphore(%arg18 : memref<!tpu.dma_semaphore, #tpu.memory_space<semaphore_mem>>) src(%dma_wait3A_181 : memref<1000x128xf32, #tpu.memory_space<vmem_shared>>) dst(%arg10 : memref<64x128xf32, #tpu.memory_space<vmem>>)
    %dma_wait3A_182 = arith.constant 192 : i32
    %dma_wait3A_183 = tpu.memref_slice %arg9[%dma_wait3A_182] : memref<512xi32, #tpu.memory_space<vmem>> -> memref<64xi32, #tpu.memory_space<vmem>>
    %dma_wait3A_184 = arith.constant 0 : i32
    %dma_wait3A_185 = arith.constant 0 : i32
    %dma_wait3A_186 = tpu.memref_slice %arg2[%dma_wait3A_184, %dma_wait3A_185] : memref<100000x128xf32, #tpu.memory_space<hbm>> -> memref<100000x128xf32, #tpu.memory_space<hbm>>
    tpu.wait_indirect_dma semaphore(%arg21 : memref<!tpu.dma_semaphore, #tpu.memory_space<semaphore_mem>>) src(%dma_wait3A_186 : memref<100000x128xf32, #tpu.memory_space<hbm>>) dst(%arg13 : memref<64x128xf32, #tpu.memory_space<vmem>>)
    %scan3A_187 = arith.constant 0 : i32
    %scan3A_188 = arith.constant 0 : i32
    %scan3A_189 = arith.constant 4 : i32
    %scan3A_190 = arith.addi %scan3A_188, %scan3A_189 : i32
    %scan3A_191 = arith.constant 1 : i32
    scf.for %scan3A_307 = %scan3A_188 to %scan3A_190 step %scan3A_191  : i32 {
      %mul3A_308 = arith.constant 16 : i32
      %mul3A_309 = arith.muli %scan3A_307, %mul3A_308 : i32
      %broadcast_in_dim3A = arith.constant 0.000000e+00 : f32
      %broadcast_in_dim3A_310 = vector.broadcast %broadcast_in_dim3A : f32 to vector<16xf32>
      %scan3A_311 = arith.constant 0 : i32
      %scan3A_312 = arith.constant 4 : i32
      %scan3A_313 = arith.addi %scan3A_311, %scan3A_312 : i32
      %scan3A_314 = arith.constant 1 : i32
      %scan3A_315 = scf.for %scan3A_320 = %scan3A_311 to %scan3A_313 step %scan3A_314 iter_args(%scan3A_321 = %broadcast_in_dim3A_310) -> (vector<16xf32>)  : i32 {
        %mul3A_322 = arith.constant 4 : i32
        %mul3A_323 = arith.muli %scan3A_320, %mul3A_322 : i32
        %add3A_324 = arith.constant 0 : i32
        %add3A_325 = arith.addi %mul3A_323, %add3A_324 : i32
        %add3A_326 = arith.addi %mul3A_309, %add3A_325 : i32
        %broadcast_in_dim3A_327 = arith.constant 0.000000e+00 : f32
        %broadcast_in_dim3A_328 = vector.broadcast %broadcast_in_dim3A_327 : f32 to vector<16xf32>
        %broadcast_in_dim3A_329 = arith.constant 0.000000e+00 : f32
        %broadcast_in_dim3A_330 = vector.broadcast %broadcast_in_dim3A_329 : f32 to vector<16xf32>
        %broadcast_in_dim3A_331 = arith.constant 0.000000e+00 : f32
        %broadcast_in_dim3A_332 = vector.broadcast %broadcast_in_dim3A_331 : f32 to vector<16xf32>
        %broadcast_in_dim3A_333 = arith.constant 0.000000e+00 : f32
        %broadcast_in_dim3A_334 = vector.broadcast %broadcast_in_dim3A_333 : f32 to vector<16xf32>
        %get3A = arith.index_cast %add3A_326 : i32 to index
        %get3A_335 = arith.constant 0 : index
        %get3A_336 = tpu.vector_load %arg10[%get3A, %get3A_335] {strides = array<i32>} : memref<64x128xf32, #tpu.memory_space<vmem>>, vector<16xf32>,
        %get3A_337 = arith.index_cast %add3A_326 : i32 to index
        %get3A_338 = arith.constant 0 : index
        %get3A_339 = tpu.vector_load %arg13[%get3A_337, %get3A_338] {strides = array<i32>} : memref<64x128xf32, #tpu.memory_space<vmem>>, vector<16xf32>,
        %sub3A = arith.subf %get3A_336, %get3A_339 : vector<16xf32>
        %abs3A = math.absf %sub3A : vector<16xf32>
        %add3A_340 = arith.addf %broadcast_in_dim3A_328, %abs3A : vector<16xf32>
        %get3A_341 = arith.index_cast %add3A_326 : i32 to index
        %get3A_342 = arith.constant 16 : index
        %get3A_343 = tpu.vector_load %arg10[%get3A_341, %get3A_342] {strides = array<i32>} : memref<64x128xf32, #tpu.memory_space<vmem>>, vector<16xf32>,
        %get3A_344 = arith.index_cast %add3A_326 : i32 to index
        %get3A_345 = arith.constant 16 : index
        %get3A_346 = tpu.vector_load %arg13[%get3A_344, %get3A_345] {strides = array<i32>} : memref<64x128xf32, #tpu.memory_space<vmem>>, vector<16xf32>,
        %sub3A_347 = arith.subf %get3A_343, %get3A_346 : vector<16xf32>
        %abs3A_348 = math.absf %sub3A_347 : vector<16xf32>
        %add3A_349 = arith.addf %broadcast_in_dim3A_330, %abs3A_348 : vector<16xf32>
        %get3A_350 = arith.index_cast %add3A_326 : i32 to index
        %get3A_351 = arith.constant 32 : index
        %get3A_352 = tpu.vector_load %arg10[%get3A_350, %get3A_351] {strides = array<i32>} : memref<64x128xf32, #tpu.memory_space<vmem>>, vector<16xf32>,
        %get3A_353 = arith.index_cast %add3A_326 : i32 to index
        %get3A_354 = arith.constant 32 : index
        %get3A_355 = tpu.vector_load %arg13[%get3A_353, %get3A_354] {strides = array<i32>} : memref<64x128xf32, #tpu.memory_space<vmem>>, vector<16xf32>,
        %sub3A_356 = arith.subf %get3A_352, %get3A_355 : vector<16xf32>
        %abs3A_357 = math.absf %sub3A_356 : vector<16xf32>
        %add3A_358 = arith.addf %broadcast_in_dim3A_332, %abs3A_357 : vector<16xf32>
        %get3A_359 = arith.index_cast %add3A_326 : i32 to index
        %get3A_360 = arith.constant 48 : index
        %get3A_361 = tpu.vector_load %arg10[%get3A_359, %get3A_360] {strides = array<i32>} : memref<64x128xf32, #tpu.memory_space<vmem>>, vector<16xf32>,
        %get3A_362 = arith.index_cast %add3A_326 : i32 to index
        %get3A_363 = arith.constant 48 : index
        %get3A_364 = tpu.vector_load %arg13[%get3A_362, %get3A_363] {strides = array<i32>} : memref<64x128xf32, #tpu.memory_space<vmem>>, vector<16xf32>,
        %sub3A_365 = arith.subf %get3A_361, %get3A_364 : vector<16xf32>
        %abs3A_366 = math.absf %sub3A_365 : vector<16xf32>
        %add3A_367 = arith.addf %broadcast_in_dim3A_334, %abs3A_366 : vector<16xf32>
        %get3A_368 = arith.index_cast %add3A_326 : i32 to index
        %get3A_369 = arith.constant 64 : index
        %get3A_370 = tpu.vector_load %arg10[%get3A_368, %get3A_369] {strides = array<i32>} : memref<64x128xf32, #tpu.memory_space<vmem>>, vector<16xf32>,
        %get3A_371 = arith.index_cast %add3A_326 : i32 to index
        %get3A_372 = arith.constant 64 : index
        %get3A_373 = tpu.vector_load %arg13[%get3A_371, %get3A_372] {strides = array<i32>} : memref<64x128xf32, #tpu.memory_space<vmem>>, vector<16xf32>,
        %sub3A_374 = arith.subf %get3A_370, %get3A_373 : vector<16xf32>
        %abs3A_375 = math.absf %sub3A_374 : vector<16xf32>
        %add3A_376 = arith.addf %add3A_340, %abs3A_375 : vector<16xf32>
        %get3A_377 = arith.index_cast %add3A_326 : i32 to index
        %get3A_378 = arith.constant 80 : index
        %get3A_379 = tpu.vector_load %arg10[%get3A_377, %get3A_378] {strides = array<i32>} : memref<64x128xf32, #tpu.memory_space<vmem>>, vector<16xf32>,
        %get3A_380 = arith.index_cast %add3A_326 : i32 to index
        %get3A_381 = arith.constant 80 : index
        %get3A_382 = tpu.vector_load %arg13[%get3A_380, %get3A_381] {strides = array<i32>} : memref<64x128xf32, #tpu.memory_space<vmem>>, vector<16xf32>,
        %sub3A_383 = arith.subf %get3A_379, %get3A_382 : vector<16xf32>
        %abs3A_384 = math.absf %sub3A_383 : vector<16xf32>
        %add3A_385 = arith.addf %add3A_349, %abs3A_384 : vector<16xf32>
        %get3A_386 = arith.index_cast %add3A_326 : i32 to index
        %get3A_387 = arith.constant 96 : index
        %get3A_388 = tpu.vector_load %arg10[%get3A_386, %get3A_387] {strides = array<i32>} : memref<64x128xf32, #tpu.memory_space<vmem>>, vector<16xf32>,
        %get3A_389 = arith.index_cast %add3A_326 : i32 to index
        %get3A_390 = arith.constant 96 : index
        %get3A_391 = tpu.vector_load %arg13[%get3A_389, %get3A_390] {strides = array<i32>} : memref<64x128xf32, #tpu.memory_space<vmem>>, vector<16xf32>,
        %sub3A_392 = arith.subf %get3A_388, %get3A_391 : vector<16xf32>
        %abs3A_393 = math.absf %sub3A_392 : vector<16xf32>
        %add3A_394 = arith.addf %add3A_358, %abs3A_393 : vector<16xf32>
        %get3A_395 = arith.index_cast %add3A_326 : i32 to index
        %get3A_396 = arith.constant 112 : index
        %get3A_397 = tpu.vector_load %arg10[%get3A_395, %get3A_396] {strides = array<i32>} : memref<64x128xf32, #tpu.memory_space<vmem>>, vector<16xf32>,
        %get3A_398 = arith.index_cast %add3A_326 : i32 to index
        %get3A_399 = arith.constant 112 : index
        %get3A_400 = tpu.vector_load %arg13[%get3A_398, %get3A_399] {strides = array<i32>} : memref<64x128xf32, #tpu.memory_space<vmem>>, vector<16xf32>,
        %sub3A_401 = arith.subf %get3A_397, %get3A_400 : vector<16xf32>
        %abs3A_402 = math.absf %sub3A_401 : vector<16xf32>
        %add3A_403 = arith.addf %add3A_367, %abs3A_402 : vector<16xf32>
        %add3A_404 = arith.addf %add3A_376, %add3A_385 : vector<16xf32>
        %add3A_405 = arith.addf %add3A_394, %add3A_403 : vector<16xf32>
        %add3A_406 = arith.addf %add3A_404, %add3A_405 : vector<16xf32>
        %reduce_sum3A = arith.constant true
        %reduce_sum3A_407 = vector.broadcast %reduce_sum3A : i1 to vector<16xi1>
        %reduce_sum3A_408 = tpu.scan <sum>, %add3A_406 masked %reduce_sum3A_407 : vector<16xf32>, vector<16xi1> -> vector<16xf32>
        %reduce_sum3A_409 = vector.extract %reduce_sum3A_408[15] : f32 from vector<16xf32>
        %eq3A_410 = vector.broadcast %add3A_325 : i32 to vector<16xi32>
        %eq3A_411 = arith.cmpi eq, %iota3A, %eq3A_410 : vector<16xi32>
        %sub3A_412 = arith.constant 1.200000e+01 : f32
        %sub3A_413 = arith.subf %sub3A_412, %reduce_sum3A_409 : f32
        %broadcast_in_dim3A_414 = vector.broadcast %sub3A_413 : f32 to vector<16xf32>
        %select_n3A = arith.select %eq3A_411, %broadcast_in_dim3A_414, %scan3A_321 : vector<16xi1>, vector<16xf32>
        %mul3A_415 = arith.constant 4 : i32
        %mul3A_416 = arith.muli %scan3A_320, %mul3A_415 : i32
        %add3A_417 = arith.constant 1 : i32
        %add3A_418 = arith.addi %mul3A_416, %add3A_417 : i32
        %add3A_419 = arith.addi %mul3A_309, %add3A_418 : i32
        %broadcast_in_dim3A_420 = arith.constant 0.000000e+00 : f32
        %broadcast_in_dim3A_421 = vector.broadcast %broadcast_in_dim3A_420 : f32 to vector<16xf32>
        %broadcast_in_dim3A_422 = arith.constant 0.000000e+00 : f32
        %broadcast_in_dim3A_423 = vector.broadcast %broadcast_in_dim3A_422 : f32 to vector<16xf32>
        %broadcast_in_dim3A_424 = arith.constant 0.000000e+00 : f32
        %broadcast_in_dim3A_425 = vector.broadcast %broadcast_in_dim3A_424 : f32 to vector<16xf32>
        %broadcast_in_dim3A_426 = arith.constant 0.000000e+00 : f32
        %broadcast_in_dim3A_427 = vector.broadcast %broadcast_in_dim3A_426 : f32 to vector<16xf32>
        %get3A_428 = arith.index_cast %add3A_419 : i32 to index
        %get3A_429 = arith.constant 0 : index
        %get3A_430 = tpu.vector_load %arg10[%get3A_428, %get3A_429] {strides = array<i32>} : memref<64x128xf32, #tpu.memory_space<vmem>>, vector<16xf32>,
        %get3A_431 = arith.index_cast %add3A_419 : i32 to index
        %get3A_432 = arith.constant 0 : index
        %get3A_433 = tpu.vector_load %arg13[%get3A_431, %get3A_432] {strides = array<i32>} : memref<64x128xf32, #tpu.memory_space<vmem>>, vector<16xf32>,
        %sub3A_434 = arith.subf %get3A_430, %get3A_433 : vector<16xf32>
        %abs3A_435 = math.absf %sub3A_434 : vector<16xf32>
        %add3A_436 = arith.addf %broadcast_in_dim3A_421, %abs3A_435 : vector<16xf32>
        %get3A_437 = arith.index_cast %add3A_419 : i32 to index
        %get3A_438 = arith.constant 16 : index
        %get3A_439 = tpu.vector_load %arg10[%get3A_437, %get3A_438] {strides = array<i32>} : memref<64x128xf32, #tpu.memory_space<vmem>>, vector<16xf32>,
        %get3A_440 = arith.index_cast %add3A_419 : i32 to index
        %get3A_441 = arith.constant 16 : index
        %get3A_442 = tpu.vector_load %arg13[%get3A_440, %get3A_441] {strides = array<i32>} : memref<64x128xf32, #tpu.memory_space<vmem>>, vector<16xf32>,
        %sub3A_443 = arith.subf %get3A_439, %get3A_442 : vector<16xf32>
        %abs3A_444 = math.absf %sub3A_443 : vector<16xf32>
        %add3A_445 = arith.addf %broadcast_in_dim3A_423, %abs3A_444 : vector<16xf32>
        %get3A_446 = arith.index_cast %add3A_419 : i32 to index
        %get3A_447 = arith.constant 32 : index
        %get3A_448 = tpu.vector_load %arg10[%get3A_446, %get3A_447] {strides = array<i32>} : memref<64x128xf32, #tpu.memory_space<vmem>>, vector<16xf32>,
        %get3A_449 = arith.index_cast %add3A_419 : i32 to index
        %get3A_450 = arith.constant 32 : index
        %get3A_451 = tpu.vector_load %arg13[%get3A_449, %get3A_450] {strides = array<i32>} : memref<64x128xf32, #tpu.memory_space<vmem>>, vector<16xf32>,
        %sub3A_452 = arith.subf %get3A_448, %get3A_451 : vector<16xf32>
        %abs3A_453 = math.absf %sub3A_452 : vector<16xf32>
        %add3A_454 = arith.addf %broadcast_in_dim3A_425, %abs3A_453 : vector<16xf32>
        %get3A_455 = arith.index_cast %add3A_419 : i32 to index
        %get3A_456 = arith.constant 48 : index
        %get3A_457 = tpu.vector_load %arg10[%get3A_455, %get3A_456] {strides = array<i32>} : memref<64x128xf32, #tpu.memory_space<vmem>>, vector<16xf32>,
        %get3A_458 = arith.index_cast %add3A_419 : i32 to index
        %get3A_459 = arith.constant 48 : index
        %get3A_460 = tpu.vector_load %arg13[%get3A_458, %get3A_459] {strides = array<i32>} : memref<64x128xf32, #tpu.memory_space<vmem>>, vector<16xf32>,
        %sub3A_461 = arith.subf %get3A_457, %get3A_460 : vector<16xf32>
        %abs3A_462 = math.absf %sub3A_461 : vector<16xf32>
        %add3A_463 = arith.addf %broadcast_in_dim3A_427, %abs3A_462 : vector<16xf32>
        %get3A_464 = arith.index_cast %add3A_419 : i32 to index
        %get3A_465 = arith.constant 64 : index
        %get3A_466 = tpu.vector_load %arg10[%get3A_464, %get3A_465] {strides = array<i32>} : memref<64x128xf32, #tpu.memory_space<vmem>>, vector<16xf32>,
        %get3A_467 = arith.index_cast %add3A_419 : i32 to index
        %get3A_468 = arith.constant 64 : index
        %get3A_469 = tpu.vector_load %arg13[%get3A_467, %get3A_468] {strides = array<i32>} : memref<64x128xf32, #tpu.memory_space<vmem>>, vector<16xf32>,
        %sub3A_470 = arith.subf %get3A_466, %get3A_469 : vector<16xf32>
        %abs3A_471 = math.absf %sub3A_470 : vector<16xf32>
        %add3A_472 = arith.addf %add3A_436, %abs3A_471 : vector<16xf32>
        %get3A_473 = arith.index_cast %add3A_419 : i32 to index
        %get3A_474 = arith.constant 80 : index
        %get3A_475 = tpu.vector_load %arg10[%get3A_473, %get3A_474] {strides = array<i32>} : memref<64x128xf32, #tpu.memory_space<vmem>>, vector<16xf32>,
        %get3A_476 = arith.index_cast %add3A_419 : i32 to index
        %get3A_477 = arith.constant 80 : index
        %get3A_478 = tpu.vector_load %arg13[%get3A_476, %get3A_477] {strides = array<i32>} : memref<64x128xf32, #tpu.memory_space<vmem>>, vector<16xf32>,
        %sub3A_479 = arith.subf %get3A_475, %get3A_478 : vector<16xf32>
        %abs3A_480 = math.absf %sub3A_479 : vector<16xf32>
        %add3A_481 = arith.addf %add3A_445, %abs3A_480 : vector<16xf32>
        %get3A_482 = arith.index_cast %add3A_419 : i32 to index
        %get3A_483 = arith.constant 96 : index
        %get3A_484 = tpu.vector_load %arg10[%get3A_482, %get3A_483] {strides = array<i32>} : memref<64x128xf32, #tpu.memory_space<vmem>>, vector<16xf32>,
        %get3A_485 = arith.index_cast %add3A_419 : i32 to index
        %get3A_486 = arith.constant 96 : index
        %get3A_487 = tpu.vector_load %arg13[%get3A_485, %get3A_486] {strides = array<i32>} : memref<64x128xf32, #tpu.memory_space<vmem>>, vector<16xf32>,
        %sub3A_488 = arith.subf %get3A_484, %get3A_487 : vector<16xf32>
        %abs3A_489 = math.absf %sub3A_488 : vector<16xf32>
        %add3A_490 = arith.addf %add3A_454, %abs3A_489 : vector<16xf32>
        %get3A_491 = arith.index_cast %add3A_419 : i32 to index
        %get3A_492 = arith.constant 112 : index
        %get3A_493 = tpu.vector_load %arg10[%get3A_491, %get3A_492] {strides = array<i32>} : memref<64x128xf32, #tpu.memory_space<vmem>>, vector<16xf32>,
        %get3A_494 = arith.index_cast %add3A_419 : i32 to index
        %get3A_495 = arith.constant 112 : index
        %get3A_496 = tpu.vector_load %arg13[%get3A_494, %get3A_495] {strides = array<i32>} : memref<64x128xf32, #tpu.memory_space<vmem>>, vector<16xf32>,
        %sub3A_497 = arith.subf %get3A_493, %get3A_496 : vector<16xf32>
        %abs3A_498 = math.absf %sub3A_497 : vector<16xf32>
        %add3A_499 = arith.addf %add3A_463, %abs3A_498 : vector<16xf32>
        %add3A_500 = arith.addf %add3A_472, %add3A_481 : vector<16xf32>
        %add3A_501 = arith.addf %add3A_490, %add3A_499 : vector<16xf32>
        %add3A_502 = arith.addf %add3A_500, %add3A_501 : vector<16xf32>
        %reduce_sum3A_503 = arith.constant true
        %reduce_sum3A_504 = vector.broadcast %reduce_sum3A_503 : i1 to vector<16xi1>
        %reduce_sum3A_505 = tpu.scan <sum>, %add3A_502 masked %reduce_sum3A_504 : vector<16xf32>, vector<16xi1> -> vector<16xf32>
        %reduce_sum3A_506 = vector.extract %reduce_sum3A_505[15] : f32 from vector<16xf32>
        %eq3A_507 = vector.broadcast %add3A_418 : i32 to vector<16xi32>
        %eq3A_508 = arith.cmpi eq, %iota3A, %eq3A_507 : vector<16xi32>
        %sub3A_509 = arith.constant 1.200000e+01 : f32
        %sub3A_510 = arith.subf %sub3A_509, %reduce_sum3A_506 : f32
        %broadcast_in_dim3A_511 = vector.broadcast %sub3A_510 : f32 to vector<16xf32>
        %select_n3A_512 = arith.select %eq3A_508, %broadcast_in_dim3A_511, %select_n3A : vector<16xi1>, vector<16xf32>
        %mul3A_513 = arith.constant 4 : i32
        %mul3A_514 = arith.muli %scan3A_320, %mul3A_513 : i32
        %add3A_515 = arith.constant 2 : i32
        %add3A_516 = arith.addi %mul3A_514, %add3A_515 : i32
        %add3A_517 = arith.addi %mul3A_309, %add3A_516 : i32
        %broadcast_in_dim3A_518 = arith.constant 0.000000e+00 : f32
        %broadcast_in_dim3A_519 = vector.broadcast %broadcast_in_dim3A_518 : f32 to vector<16xf32>
        %broadcast_in_dim3A_520 = arith.constant 0.000000e+00 : f32
        %broadcast_in_dim3A_521 = vector.broadcast %broadcast_in_dim3A_520 : f32 to vector<16xf32>
        %broadcast_in_dim3A_522 = arith.constant 0.000000e+00 : f32
        %broadcast_in_dim3A_523 = vector.broadcast %broadcast_in_dim3A_522 : f32 to vector<16xf32>
        %broadcast_in_dim3A_524 = arith.constant 0.000000e+00 : f32
        %broadcast_in_dim3A_525 = vector.broadcast %broadcast_in_dim3A_524 : f32 to vector<16xf32>
        %get3A_526 = arith.index_cast %add3A_517 : i32 to index
        %get3A_527 = arith.constant 0 : index
        %get3A_528 = tpu.vector_load %arg10[%get3A_526, %get3A_527] {strides = array<i32>} : memref<64x128xf32, #tpu.memory_space<vmem>>, vector<16xf32>,
        %get3A_529 = arith.index_cast %add3A_517 : i32 to index
        %get3A_530 = arith.constant 0 : index
        %get3A_531 = tpu.vector_load %arg13[%get3A_529, %get3A_530] {strides = array<i32>} : memref<64x128xf32, #tpu.memory_space<vmem>>, vector<16xf32>,
        %sub3A_532 = arith.subf %get3A_528, %get3A_531 : vector<16xf32>
        %abs3A_533 = math.absf %sub3A_532 : vector<16xf32>
        %add3A_534 = arith.addf %broadcast_in_dim3A_519, %abs3A_533 : vector<16xf32>
        %get3A_535 = arith.index_cast %add3A_517 : i32 to index
        %get3A_536 = arith.constant 16 : index
        %get3A_537 = tpu.vector_load %arg10[%get3A_535, %get3A_536] {strides = array<i32>} : memref<64x128xf32, #tpu.memory_space<vmem>>, vector<16xf32>,
        %get3A_538 = arith.index_cast %add3A_517 : i32 to index
        %get3A_539 = arith.constant 16 : index
        %get3A_540 = tpu.vector_load %arg13[%get3A_538, %get3A_539] {strides = array<i32>} : memref<64x128xf32, #tpu.memory_space<vmem>>, vector<16xf32>,
        %sub3A_541 = arith.subf %get3A_537, %get3A_540 : vector<16xf32>
        %abs3A_542 = math.absf %sub3A_541 : vector<16xf32>
        %add3A_543 = arith.addf %broadcast_in_dim3A_521, %abs3A_542 : vector<16xf32>
        %get3A_544 = arith.index_cast %add3A_517 : i32 to index
        %get3A_545 = arith.constant 32 : index
        %get3A_546 = tpu.vector_load %arg10[%get3A_544, %get3A_545] {strides = array<i32>} : memref<64x128xf32, #tpu.memory_space<vmem>>, vector<16xf32>,
        %get3A_547 = arith.index_cast %add3A_517 : i32 to index
        %get3A_548 = arith.constant 32 : index
        %get3A_549 = tpu.vector_load %arg13[%get3A_547, %get3A_548] {strides = array<i32>} : memref<64x128xf32, #tpu.memory_space<vmem>>, vector<16xf32>,
        %sub3A_550 = arith.subf %get3A_546, %get3A_549 : vector<16xf32>
        %abs3A_551 = math.absf %sub3A_550 : vector<16xf32>
        %add3A_552 = arith.addf %broadcast_in_dim3A_523, %abs3A_551 : vector<16xf32>
        %get3A_553 = arith.index_cast %add3A_517 : i32 to index
        %get3A_554 = arith.constant 48 : index
        %get3A_555 = tpu.vector_load %arg10[%get3A_553, %get3A_554] {strides = array<i32>} : memref<64x128xf32, #tpu.memory_space<vmem>>, vector<16xf32>,
        %get3A_556 = arith.index_cast %add3A_517 : i32 to index
        %get3A_557 = arith.constant 48 : index
        %get3A_558 = tpu.vector_load %arg13[%get3A_556, %get3A_557] {strides = array<i32>} : memref<64x128xf32, #tpu.memory_space<vmem>>, vector<16xf32>,
        %sub3A_559 = arith.subf %get3A_555, %get3A_558 : vector<16xf32>
        %abs3A_560 = math.absf %sub3A_559 : vector<16xf32>
        %add3A_561 = arith.addf %broadcast_in_dim3A_525, %abs3A_560 : vector<16xf32>
        %get3A_562 = arith.index_cast %add3A_517 : i32 to index
        %get3A_563 = arith.constant 64 : index
        %get3A_564 = tpu.vector_load %arg10[%get3A_562, %get3A_563] {strides = array<i32>} : memref<64x128xf32, #tpu.memory_space<vmem>>, vector<16xf32>,
        %get3A_565 = arith.index_cast %add3A_517 : i32 to index
        %get3A_566 = arith.constant 64 : index
        %get3A_567 = tpu.vector_load %arg13[%get3A_565, %get3A_566] {strides = array<i32>} : memref<64x128xf32, #tpu.memory_space<vmem>>, vector<16xf32>,
        %sub3A_568 = arith.subf %get3A_564, %get3A_567 : vector<16xf32>
        %abs3A_569 = math.absf %sub3A_568 : vector<16xf32>
        %add3A_570 = arith.addf %add3A_534, %abs3A_569 : vector<16xf32>
        %get3A_571 = arith.index_cast %add3A_517 : i32 to index
        %get3A_572 = arith.constant 80 : index
        %get3A_573 = tpu.vector_load %arg10[%get3A_571, %get3A_572] {strides = array<i32>} : memref<64x128xf32, #tpu.memory_space<vmem>>, vector<16xf32>,
        %get3A_574 = arith.index_cast %add3A_517 : i32 to index
        %get3A_575 = arith.constant 80 : index
        %get3A_576 = tpu.vector_load %arg13[%get3A_574, %get3A_575] {strides = array<i32>} : memref<64x128xf32, #tpu.memory_space<vmem>>, vector<16xf32>,
        %sub3A_577 = arith.subf %get3A_573, %get3A_576 : vector<16xf32>
        %abs3A_578 = math.absf %sub3A_577 : vector<16xf32>
        %add3A_579 = arith.addf %add3A_543, %abs3A_578 : vector<16xf32>
        %get3A_580 = arith.index_cast %add3A_517 : i32 to index
        %get3A_581 = arith.constant 96 : index
        %get3A_582 = tpu.vector_load %arg10[%get3A_580, %get3A_581] {strides = array<i32>} : memref<64x128xf32, #tpu.memory_space<vmem>>, vector<16xf32>,
        %get3A_583 = arith.index_cast %add3A_517 : i32 to index
        %get3A_584 = arith.constant 96 : index
        %get3A_585 = tpu.vector_load %arg13[%get3A_583, %get3A_584] {strides = array<i32>} : memref<64x128xf32, #tpu.memory_space<vmem>>, vector<16xf32>,
        %sub3A_586 = arith.subf %get3A_582, %get3A_585 : vector<16xf32>
        %abs3A_587 = math.absf %sub3A_586 : vector<16xf32>
        %add3A_588 = arith.addf %add3A_552, %abs3A_587 : vector<16xf32>
        %get3A_589 = arith.index_cast %add3A_517 : i32 to index
        %get3A_590 = arith.constant 112 : index
        %get3A_591 = tpu.vector_load %arg10[%get3A_589, %get3A_590] {strides = array<i32>} : memref<64x128xf32, #tpu.memory_space<vmem>>, vector<16xf32>,
        %get3A_592 = arith.index_cast %add3A_517 : i32 to index
        %get3A_593 = arith.constant 112 : index
        %get3A_594 = tpu.vector_load %arg13[%get3A_592, %get3A_593] {strides = array<i32>} : memref<64x128xf32, #tpu.memory_space<vmem>>, vector<16xf32>,
        %sub3A_595 = arith.subf %get3A_591, %get3A_594 : vector<16xf32>
        %abs3A_596 = math.absf %sub3A_595 : vector<16xf32>
        %add3A_597 = arith.addf %add3A_561, %abs3A_596 : vector<16xf32>
        %add3A_598 = arith.addf %add3A_570, %add3A_579 : vector<16xf32>
        %add3A_599 = arith.addf %add3A_588, %add3A_597 : vector<16xf32>
        %add3A_600 = arith.addf %add3A_598, %add3A_599 : vector<16xf32>
        %reduce_sum3A_601 = arith.constant true
        %reduce_sum3A_602 = vector.broadcast %reduce_sum3A_601 : i1 to vector<16xi1>
        %reduce_sum3A_603 = tpu.scan <sum>, %add3A_600 masked %reduce_sum3A_602 : vector<16xf32>, vector<16xi1> -> vector<16xf32>
        %reduce_sum3A_604 = vector.extract %reduce_sum3A_603[15] : f32 from vector<16xf32>
        %eq3A_605 = vector.broadcast %add3A_516 : i32 to vector<16xi32>
        %eq3A_606 = arith.cmpi eq, %iota3A, %eq3A_605 : vector<16xi32>
        %sub3A_607 = arith.constant 1.200000e+01 : f32
        %sub3A_608 = arith.subf %sub3A_607, %reduce_sum3A_604 : f32
        %broadcast_in_dim3A_609 = vector.broadcast %sub3A_608 : f32 to vector<16xf32>
        %select_n3A_610 = arith.select %eq3A_606, %broadcast_in_dim3A_609, %select_n3A_512 : vector<16xi1>, vector<16xf32>
        %mul3A_611 = arith.constant 4 : i32
        %mul3A_612 = arith.muli %scan3A_320, %mul3A_611 : i32
        %add3A_613 = arith.constant 3 : i32
        %add3A_614 = arith.addi %mul3A_612, %add3A_613 : i32
        %add3A_615 = arith.addi %mul3A_309, %add3A_614 : i32
        %broadcast_in_dim3A_616 = arith.constant 0.000000e+00 : f32
        %broadcast_in_dim3A_617 = vector.broadcast %broadcast_in_dim3A_616 : f32 to vector<16xf32>
        %broadcast_in_dim3A_618 = arith.constant 0.000000e+00 : f32
        %broadcast_in_dim3A_619 = vector.broadcast %broadcast_in_dim3A_618 : f32 to vector<16xf32>
        %broadcast_in_dim3A_620 = arith.constant 0.000000e+00 : f32
        %broadcast_in_dim3A_621 = vector.broadcast %broadcast_in_dim3A_620 : f32 to vector<16xf32>
        %broadcast_in_dim3A_622 = arith.constant 0.000000e+00 : f32
        %broadcast_in_dim3A_623 = vector.broadcast %broadcast_in_dim3A_622 : f32 to vector<16xf32>
        %get3A_624 = arith.index_cast %add3A_615 : i32 to index
        %get3A_625 = arith.constant 0 : index
        %get3A_626 = tpu.vector_load %arg10[%get3A_624, %get3A_625] {strides = array<i32>} : memref<64x128xf32, #tpu.memory_space<vmem>>, vector<16xf32>,
        %get3A_627 = arith.index_cast %add3A_615 : i32 to index
        %get3A_628 = arith.constant 0 : index
        %get3A_629 = tpu.vector_load %arg13[%get3A_627, %get3A_628] {strides = array<i32>} : memref<64x128xf32, #tpu.memory_space<vmem>>, vector<16xf32>,
        %sub3A_630 = arith.subf %get3A_626, %get3A_629 : vector<16xf32>
        %abs3A_631 = math.absf %sub3A_630 : vector<16xf32>
        %add3A_632 = arith.addf %broadcast_in_dim3A_617, %abs3A_631 : vector<16xf32>
        %get3A_633 = arith.index_cast %add3A_615 : i32 to index
        %get3A_634 = arith.constant 16 : index
        %get3A_635 = tpu.vector_load %arg10[%get3A_633, %get3A_634] {strides = array<i32>} : memref<64x128xf32, #tpu.memory_space<vmem>>, vector<16xf32>,
        %get3A_636 = arith.index_cast %add3A_615 : i32 to index
        %get3A_637 = arith.constant 16 : index
        %get3A_638 = tpu.vector_load %arg13[%get3A_636, %get3A_637] {strides = array<i32>} : memref<64x128xf32, #tpu.memory_space<vmem>>, vector<16xf32>,
        %sub3A_639 = arith.subf %get3A_635, %get3A_638 : vector<16xf32>
        %abs3A_640 = math.absf %sub3A_639 : vector<16xf32>
        %add3A_641 = arith.addf %broadcast_in_dim3A_619, %abs3A_640 : vector<16xf32>
        %get3A_642 = arith.index_cast %add3A_615 : i32 to index
        %get3A_643 = arith.constant 32 : index
        %get3A_644 = tpu.vector_load %arg10[%get3A_642, %get3A_643] {strides = array<i32>} : memref<64x128xf32, #tpu.memory_space<vmem>>, vector<16xf32>,
        %get3A_645 = arith.index_cast %add3A_615 : i32 to index
        %get3A_646 = arith.constant 32 : index
        %get3A_647 = tpu.vector_load %arg13[%get3A_645, %get3A_646] {strides = array<i32>} : memref<64x128xf32, #tpu.memory_space<vmem>>, vector<16xf32>,
        %sub3A_648 = arith.subf %get3A_644, %get3A_647 : vector<16xf32>
        %abs3A_649 = math.absf %sub3A_648 : vector<16xf32>
        %add3A_650 = arith.addf %broadcast_in_dim3A_621, %abs3A_649 : vector<16xf32>
        %get3A_651 = arith.index_cast %add3A_615 : i32 to index
        %get3A_652 = arith.constant 48 : index
        %get3A_653 = tpu.vector_load %arg10[%get3A_651, %get3A_652] {strides = array<i32>} : memref<64x128xf32, #tpu.memory_space<vmem>>, vector<16xf32>,
        %get3A_654 = arith.index_cast %add3A_615 : i32 to index
        %get3A_655 = arith.constant 48 : index
        %get3A_656 = tpu.vector_load %arg13[%get3A_654, %get3A_655] {strides = array<i32>} : memref<64x128xf32, #tpu.memory_space<vmem>>, vector<16xf32>,
        %sub3A_657 = arith.subf %get3A_653, %get3A_656 : vector<16xf32>
        %abs3A_658 = math.absf %sub3A_657 : vector<16xf32>
        %add3A_659 = arith.addf %broadcast_in_dim3A_623, %abs3A_658 : vector<16xf32>
        %get3A_660 = arith.index_cast %add3A_615 : i32 to index
        %get3A_661 = arith.constant 64 : index
        %get3A_662 = tpu.vector_load %arg10[%get3A_660, %get3A_661] {strides = array<i32>} : memref<64x128xf32, #tpu.memory_space<vmem>>, vector<16xf32>,
        %get3A_663 = arith.index_cast %add3A_615 : i32 to index
        %get3A_664 = arith.constant 64 : index
        %get3A_665 = tpu.vector_load %arg13[%get3A_663, %get3A_664] {strides = array<i32>} : memref<64x128xf32, #tpu.memory_space<vmem>>, vector<16xf32>,
        %sub3A_666 = arith.subf %get3A_662, %get3A_665 : vector<16xf32>
        %abs3A_667 = math.absf %sub3A_666 : vector<16xf32>
        %add3A_668 = arith.addf %add3A_632, %abs3A_667 : vector<16xf32>
        %get3A_669 = arith.index_cast %add3A_615 : i32 to index
        %get3A_670 = arith.constant 80 : index
        %get3A_671 = tpu.vector_load %arg10[%get3A_669, %get3A_670] {strides = array<i32>} : memref<64x128xf32, #tpu.memory_space<vmem>>, vector<16xf32>,
        %get3A_672 = arith.index_cast %add3A_615 : i32 to index
        %get3A_673 = arith.constant 80 : index
        %get3A_674 = tpu.vector_load %arg13[%get3A_672, %get3A_673] {strides = array<i32>} : memref<64x128xf32, #tpu.memory_space<vmem>>, vector<16xf32>,
        %sub3A_675 = arith.subf %get3A_671, %get3A_674 : vector<16xf32>
        %abs3A_676 = math.absf %sub3A_675 : vector<16xf32>
        %add3A_677 = arith.addf %add3A_641, %abs3A_676 : vector<16xf32>
        %get3A_678 = arith.index_cast %add3A_615 : i32 to index
        %get3A_679 = arith.constant 96 : index
        %get3A_680 = tpu.vector_load %arg10[%get3A_678, %get3A_679] {strides = array<i32>} : memref<64x128xf32, #tpu.memory_space<vmem>>, vector<16xf32>,
        %get3A_681 = arith.index_cast %add3A_615 : i32 to index
        %get3A_682 = arith.constant 96 : index
        %get3A_683 = tpu.vector_load %arg13[%get3A_681, %get3A_682] {strides = array<i32>} : memref<64x128xf32, #tpu.memory_space<vmem>>, vector<16xf32>,
        %sub3A_684 = arith.subf %get3A_680, %get3A_683 : vector<16xf32>
        %abs3A_685 = math.absf %sub3A_684 : vector<16xf32>
        %add3A_686 = arith.addf %add3A_650, %abs3A_685 : vector<16xf32>
        %get3A_687 = arith.index_cast %add3A_615 : i32 to index
        %get3A_688 = arith.constant 112 : index
        %get3A_689 = tpu.vector_load %arg10[%get3A_687, %get3A_688] {strides = array<i32>} : memref<64x128xf32, #tpu.memory_space<vmem>>, vector<16xf32>,
        %get3A_690 = arith.index_cast %add3A_615 : i32 to index
        %get3A_691 = arith.constant 112 : index
        %get3A_692 = tpu.vector_load %arg13[%get3A_690, %get3A_691] {strides = array<i32>} : memref<64x128xf32, #tpu.memory_space<vmem>>, vector<16xf32>,
        %sub3A_693 = arith.subf %get3A_689, %get3A_692 : vector<16xf32>
        %abs3A_694 = math.absf %sub3A_693 : vector<16xf32>
        %add3A_695 = arith.addf %add3A_659, %abs3A_694 : vector<16xf32>
        %add3A_696 = arith.addf %add3A_668, %add3A_677 : vector<16xf32>
        %add3A_697 = arith.addf %add3A_686, %add3A_695 : vector<16xf32>
        %add3A_698 = arith.addf %add3A_696, %add3A_697 : vector<16xf32>
        %reduce_sum3A_699 = arith.constant true
        %reduce_sum3A_700 = vector.broadcast %reduce_sum3A_699 : i1 to vector<16xi1>
        %reduce_sum3A_701 = tpu.scan <sum>, %add3A_698 masked %reduce_sum3A_700 : vector<16xf32>, vector<16xi1> -> vector<16xf32>
        %reduce_sum3A_702 = vector.extract %reduce_sum3A_701[15] : f32 from vector<16xf32>
        %eq3A_703 = vector.broadcast %add3A_614 : i32 to vector<16xi32>
        %eq3A_704 = arith.cmpi eq, %iota3A, %eq3A_703 : vector<16xi32>
        %sub3A_705 = arith.constant 1.200000e+01 : f32
        %sub3A_706 = arith.subf %sub3A_705, %reduce_sum3A_702 : f32
        %broadcast_in_dim3A_707 = vector.broadcast %sub3A_706 : f32 to vector<16xf32>
        %select_n3A_708 = arith.select %eq3A_704, %broadcast_in_dim3A_707, %select_n3A_610 : vector<16xi1>, vector<16xf32>
        scf.yield %select_n3A_708 : vector<16xf32>
      }
      %scan3A_316 = arith.constant 4 : i32
      %add3A_317 = arith.constant 192 : i32
      %add3A_318 = arith.addi %add3A_317, %mul3A_309 : i32
      %swap3A = arith.index_cast %add3A_318 : i32 to index
      %swap3A_319 = tpu.vector_load %arg16[%swap3A] {strides = array<i32>} : memref<512xf32, #tpu.memory_space<vmem>>, vector<16xf32>,
      tpu.vector_store %arg16[%swap3A], %scan3A_315 {strides = array<i32>} : memref<512xf32, #tpu.memory_space<vmem>>, vector<16xf32>,
    }
    %scan3A_192 = arith.constant 4 : i32
    %dma_start3A_193 = arith.constant 384 : i32
    %dma_start3A_194 = tpu.memref_slice %arg7[%dma_start3A_193] : memref<512xi32, #tpu.memory_space<vmem>> -> memref<64xi32, #tpu.memory_space<vmem>>
    %dma_start3A_195 = arith.constant 0 : i32
    %dma_start3A_196 = arith.constant 0 : i32
    %dma_start3A_197 = tpu.memref_slice %arg2[%dma_start3A_195, %dma_start3A_196] : memref<100000x128xf32, #tpu.memory_space<hbm>> -> memref<100000x128xf32, #tpu.memory_space<hbm>>
    tpu.enqueue_indirect_dma source(%dma_start3A_197 : memref<100000x128xf32, #tpu.memory_space<hbm>>) target(%arg10 : memref<64x128xf32, #tpu.memory_space<vmem>>) offsets(%dma_start3A_194 : memref<64xi32, #tpu.memory_space<vmem>>) semaphore(%arg18 : memref<!tpu.dma_semaphore, #tpu.memory_space<semaphore_mem>>)
    %dma_start3A_198 = arith.constant 384 : i32
    %dma_start3A_199 = tpu.memref_slice %arg9[%dma_start3A_198] : memref<512xi32, #tpu.memory_space<vmem>> -> memref<64xi32, #tpu.memory_space<vmem>>
    %dma_start3A_200 = arith.constant 0 : i32
    %dma_start3A_201 = arith.constant 0 : i32
    %dma_start3A_202 = tpu.memref_slice %arg2[%dma_start3A_200, %dma_start3A_201] : memref<100000x128xf32, #tpu.memory_space<hbm>> -> memref<100000x128xf32, #tpu.memory_space<hbm>>
    tpu.enqueue_indirect_dma source(%dma_start3A_202 : memref<100000x128xf32, #tpu.memory_space<hbm>>) target(%arg13 : memref<64x128xf32, #tpu.memory_space<vmem>>) offsets(%dma_start3A_199 : memref<64xi32, #tpu.memory_space<vmem>>) semaphore(%arg21 : memref<!tpu.dma_semaphore, #tpu.memory_space<semaphore_mem>>)
    %dma_wait3A_203 = arith.constant 320 : i32
    %dma_wait3A_204 = tpu.memref_slice %arg7[%dma_wait3A_203] : memref<512xi32, #tpu.memory_space<vmem>> -> memref<64xi32, #tpu.memory_space<vmem>>
    %dma_wait3A_205 = arith.constant 0 : i32
    %dma_wait3A_206 = arith.constant 0 : i32
    %dma_wait3A_207 = tpu.memref_slice %arg2[%dma_wait3A_205, %dma_wait3A_206] : memref<100000x128xf32, #tpu.memory_space<hbm>> -> memref<100000x128xf32, #tpu.memory_space<hbm>>
    tpu.wait_indirect_dma semaphore(%arg20 : memref<!tpu.dma_semaphore, #tpu.memory_space<semaphore_mem>>) src(%dma_wait3A_207 : memref<100000x128xf32, #tpu.memory_space<hbm>>) dst(%arg12 : memref<64x128xf32, #tpu.memory_space<vmem>>)
    %dma_start3A_208 = arith.constant 320 : i32
    %dma_start3A_209 = tpu.memref_slice %arg8[%dma_start3A_208] : memref<512xi32, #tpu.memory_space<vmem>> -> memref<64xi32, #tpu.memory_space<vmem>>
    %dma_start3A_210 = arith.constant 0 : i32
    %dma_start3A_211 = arith.constant 0 : i32
    %dma_start3A_212 = tpu.memref_slice %arg17[%dma_start3A_210, %dma_start3A_211] : memref<1000x128xf32, #tpu.memory_space<vmem_shared>> -> memref<1000x128xf32, #tpu.memory_space<vmem_shared>>
    tpu.enqueue_indirect_dma source(%dma_start3A_212 : memref<1000x128xf32, #tpu.memory_space<vmem_shared>>) target(%arg12 : memref<64x128xf32, #tpu.memory_space<vmem>>) offsets(%dma_start3A_209 : memref<64xi32, #tpu.memory_space<vmem>>) semaphore(%arg20 : memref<!tpu.dma_semaphore, #tpu.memory_space<semaphore_mem>>) {add = true}
    %dma_wait3A_213 = arith.constant 256 : i32
    %dma_wait3A_214 = tpu.memref_slice %arg8[%dma_wait3A_213] : memref<512xi32, #tpu.memory_space<vmem>> -> memref<64xi32, #tpu.memory_space<vmem>>
    %dma_wait3A_215 = arith.constant 0 : i32
    %dma_wait3A_216 = arith.constant 0 : i32
    %dma_wait3A_217 = tpu.memref_slice %arg17[%dma_wait3A_215, %dma_wait3A_216] : memref<1000x128xf32, #tpu.memory_space<vmem_shared>> -> memref<1000x128xf32, #tpu.memory_space<vmem_shared>>
    tpu.wait_indirect_dma semaphore(%arg19 : memref<!tpu.dma_semaphore, #tpu.memory_space<semaphore_mem>>) src(%dma_wait3A_217 : memref<1000x128xf32, #tpu.memory_space<vmem_shared>>) dst(%arg11 : memref<64x128xf32, #tpu.memory_space<vmem>>)
    %dma_wait3A_218 = arith.constant 256 : i32
    %dma_wait3A_219 = tpu.memref_slice %arg9[%dma_wait3A_218] : memref<512xi32, #tpu.memory_space<vmem>> -> memref<64xi32, #tpu.memory_space<vmem>>
    %dma_wait3A_220 = arith.constant 0 : i32
    %dma_wait3A_221 = arith.constant 0 : i32
    %dma_wait3A_222 = tpu.memref_slice %arg2[%dma_wait3A_220, %dma_wait3A_221] : memref<100000x128xf32, #tpu.memory_space<hbm>> -> memref<100000x128xf32, #tpu.memory_space<hbm>>
    tpu.wait_indirect_dma semaphore(%arg22 : memref<!tpu.dma_semaphore, #tpu.memory_space<semaphore_mem>>) src(%dma_wait3A_222 : memref<100000x128xf32, #tpu.memory_space<hbm>>) dst(%arg14 : memref<64x128xf32, #tpu.memory_space<vmem>>)
    %scan3A_223 = arith.constant 0 : i32
    %scan3A_224 = arith.constant 0 : i32
    %scan3A_225 = arith.constant 4 : i32
    %scan3A_226 = arith.addi %scan3A_224, %scan3A_225 : i32
    %scan3A_227 = arith.constant 1 : i32
    scf.for %scan3A_307 = %scan3A_224 to %scan3A_226 step %scan3A_227  : i32 {
      %mul3A_308 = arith.constant 16 : i32
      %mul3A_309 = arith.muli %scan3A_307, %mul3A_308 : i32
      %broadcast_in_dim3A = arith.constant 0.000000e+00 : f32
      %broadcast_in_dim3A_310 = vector.broadcast %broadcast_in_dim3A : f32 to vector<16xf32>
      %scan3A_311 = arith.constant 0 : i32
      %scan3A_312 = arith.constant 4 : i32
      %scan3A_313 = arith.addi %scan3A_311, %scan3A_312 : i32
      %scan3A_314 = arith.constant 1 : i32
      %scan3A_315 = scf.for %scan3A_320 = %scan3A_311 to %scan3A_313 step %scan3A_314 iter_args(%scan3A_321 = %broadcast_in_dim3A_310) -> (vector<16xf32>)  : i32 {
        %mul3A_322 = arith.constant 4 : i32
        %mul3A_323 = arith.muli %scan3A_320, %mul3A_322 : i32
        %add3A_324 = arith.constant 0 : i32
        %add3A_325 = arith.addi %mul3A_323, %add3A_324 : i32
        %add3A_326 = arith.addi %mul3A_309, %add3A_325 : i32
        %broadcast_in_dim3A_327 = arith.constant 0.000000e+00 : f32
        %broadcast_in_dim3A_328 = vector.broadcast %broadcast_in_dim3A_327 : f32 to vector<16xf32>
        %broadcast_in_dim3A_329 = arith.constant 0.000000e+00 : f32
        %broadcast_in_dim3A_330 = vector.broadcast %broadcast_in_dim3A_329 : f32 to vector<16xf32>
        %broadcast_in_dim3A_331 = arith.constant 0.000000e+00 : f32
        %broadcast_in_dim3A_332 = vector.broadcast %broadcast_in_dim3A_331 : f32 to vector<16xf32>
        %broadcast_in_dim3A_333 = arith.constant 0.000000e+00 : f32
        %broadcast_in_dim3A_334 = vector.broadcast %broadcast_in_dim3A_333 : f32 to vector<16xf32>
        %get3A = arith.index_cast %add3A_326 : i32 to index
        %get3A_335 = arith.constant 0 : index
        %get3A_336 = tpu.vector_load %arg11[%get3A, %get3A_335] {strides = array<i32>} : memref<64x128xf32, #tpu.memory_space<vmem>>, vector<16xf32>,
        %get3A_337 = arith.index_cast %add3A_326 : i32 to index
        %get3A_338 = arith.constant 0 : index
        %get3A_339 = tpu.vector_load %arg14[%get3A_337, %get3A_338] {strides = array<i32>} : memref<64x128xf32, #tpu.memory_space<vmem>>, vector<16xf32>,
        %sub3A = arith.subf %get3A_336, %get3A_339 : vector<16xf32>
        %abs3A = math.absf %sub3A : vector<16xf32>
        %add3A_340 = arith.addf %broadcast_in_dim3A_328, %abs3A : vector<16xf32>
        %get3A_341 = arith.index_cast %add3A_326 : i32 to index
        %get3A_342 = arith.constant 16 : index
        %get3A_343 = tpu.vector_load %arg11[%get3A_341, %get3A_342] {strides = array<i32>} : memref<64x128xf32, #tpu.memory_space<vmem>>, vector<16xf32>,
        %get3A_344 = arith.index_cast %add3A_326 : i32 to index
        %get3A_345 = arith.constant 16 : index
        %get3A_346 = tpu.vector_load %arg14[%get3A_344, %get3A_345] {strides = array<i32>} : memref<64x128xf32, #tpu.memory_space<vmem>>, vector<16xf32>,
        %sub3A_347 = arith.subf %get3A_343, %get3A_346 : vector<16xf32>
        %abs3A_348 = math.absf %sub3A_347 : vector<16xf32>
        %add3A_349 = arith.addf %broadcast_in_dim3A_330, %abs3A_348 : vector<16xf32>
        %get3A_350 = arith.index_cast %add3A_326 : i32 to index
        %get3A_351 = arith.constant 32 : index
        %get3A_352 = tpu.vector_load %arg11[%get3A_350, %get3A_351] {strides = array<i32>} : memref<64x128xf32, #tpu.memory_space<vmem>>, vector<16xf32>,
        %get3A_353 = arith.index_cast %add3A_326 : i32 to index
        %get3A_354 = arith.constant 32 : index
        %get3A_355 = tpu.vector_load %arg14[%get3A_353, %get3A_354] {strides = array<i32>} : memref<64x128xf32, #tpu.memory_space<vmem>>, vector<16xf32>,
        %sub3A_356 = arith.subf %get3A_352, %get3A_355 : vector<16xf32>
        %abs3A_357 = math.absf %sub3A_356 : vector<16xf32>
        %add3A_358 = arith.addf %broadcast_in_dim3A_332, %abs3A_357 : vector<16xf32>
        %get3A_359 = arith.index_cast %add3A_326 : i32 to index
        %get3A_360 = arith.constant 48 : index
        %get3A_361 = tpu.vector_load %arg11[%get3A_359, %get3A_360] {strides = array<i32>} : memref<64x128xf32, #tpu.memory_space<vmem>>, vector<16xf32>,
        %get3A_362 = arith.index_cast %add3A_326 : i32 to index
        %get3A_363 = arith.constant 48 : index
        %get3A_364 = tpu.vector_load %arg14[%get3A_362, %get3A_363] {strides = array<i32>} : memref<64x128xf32, #tpu.memory_space<vmem>>, vector<16xf32>,
        %sub3A_365 = arith.subf %get3A_361, %get3A_364 : vector<16xf32>
        %abs3A_366 = math.absf %sub3A_365 : vector<16xf32>
        %add3A_367 = arith.addf %broadcast_in_dim3A_334, %abs3A_366 : vector<16xf32>
        %get3A_368 = arith.index_cast %add3A_326 : i32 to index
        %get3A_369 = arith.constant 64 : index
        %get3A_370 = tpu.vector_load %arg11[%get3A_368, %get3A_369] {strides = array<i32>} : memref<64x128xf32, #tpu.memory_space<vmem>>, vector<16xf32>,
        %get3A_371 = arith.index_cast %add3A_326 : i32 to index
        %get3A_372 = arith.constant 64 : index
        %get3A_373 = tpu.vector_load %arg14[%get3A_371, %get3A_372] {strides = array<i32>} : memref<64x128xf32, #tpu.memory_space<vmem>>, vector<16xf32>,
        %sub3A_374 = arith.subf %get3A_370, %get3A_373 : vector<16xf32>
        %abs3A_375 = math.absf %sub3A_374 : vector<16xf32>
        %add3A_376 = arith.addf %add3A_340, %abs3A_375 : vector<16xf32>
        %get3A_377 = arith.index_cast %add3A_326 : i32 to index
        %get3A_378 = arith.constant 80 : index
        %get3A_379 = tpu.vector_load %arg11[%get3A_377, %get3A_378] {strides = array<i32>} : memref<64x128xf32, #tpu.memory_space<vmem>>, vector<16xf32>,
        %get3A_380 = arith.index_cast %add3A_326 : i32 to index
        %get3A_381 = arith.constant 80 : index
        %get3A_382 = tpu.vector_load %arg14[%get3A_380, %get3A_381] {strides = array<i32>} : memref<64x128xf32, #tpu.memory_space<vmem>>, vector<16xf32>,
        %sub3A_383 = arith.subf %get3A_379, %get3A_382 : vector<16xf32>
        %abs3A_384 = math.absf %sub3A_383 : vector<16xf32>
        %add3A_385 = arith.addf %add3A_349, %abs3A_384 : vector<16xf32>
        %get3A_386 = arith.index_cast %add3A_326 : i32 to index
        %get3A_387 = arith.constant 96 : index
        %get3A_388 = tpu.vector_load %arg11[%get3A_386, %get3A_387] {strides = array<i32>} : memref<64x128xf32, #tpu.memory_space<vmem>>, vector<16xf32>,
        %get3A_389 = arith.index_cast %add3A_326 : i32 to index
        %get3A_390 = arith.constant 96 : index
        %get3A_391 = tpu.vector_load %arg14[%get3A_389, %get3A_390] {strides = array<i32>} : memref<64x128xf32, #tpu.memory_space<vmem>>, vector<16xf32>,
        %sub3A_392 = arith.subf %get3A_388, %get3A_391 : vector<16xf32>
        %abs3A_393 = math.absf %sub3A_392 : vector<16xf32>
        %add3A_394 = arith.addf %add3A_358, %abs3A_393 : vector<16xf32>
        %get3A_395 = arith.index_cast %add3A_326 : i32 to index
        %get3A_396 = arith.constant 112 : index
        %get3A_397 = tpu.vector_load %arg11[%get3A_395, %get3A_396] {strides = array<i32>} : memref<64x128xf32, #tpu.memory_space<vmem>>, vector<16xf32>,
        %get3A_398 = arith.index_cast %add3A_326 : i32 to index
        %get3A_399 = arith.constant 112 : index
        %get3A_400 = tpu.vector_load %arg14[%get3A_398, %get3A_399] {strides = array<i32>} : memref<64x128xf32, #tpu.memory_space<vmem>>, vector<16xf32>,
        %sub3A_401 = arith.subf %get3A_397, %get3A_400 : vector<16xf32>
        %abs3A_402 = math.absf %sub3A_401 : vector<16xf32>
        %add3A_403 = arith.addf %add3A_367, %abs3A_402 : vector<16xf32>
        %add3A_404 = arith.addf %add3A_376, %add3A_385 : vector<16xf32>
        %add3A_405 = arith.addf %add3A_394, %add3A_403 : vector<16xf32>
        %add3A_406 = arith.addf %add3A_404, %add3A_405 : vector<16xf32>
        %reduce_sum3A = arith.constant true
        %reduce_sum3A_407 = vector.broadcast %reduce_sum3A : i1 to vector<16xi1>
        %reduce_sum3A_408 = tpu.scan <sum>, %add3A_406 masked %reduce_sum3A_407 : vector<16xf32>, vector<16xi1> -> vector<16xf32>
        %reduce_sum3A_409 = vector.extract %reduce_sum3A_408[15] : f32 from vector<16xf32>
        %eq3A_410 = vector.broadcast %add3A_325 : i32 to vector<16xi32>
        %eq3A_411 = arith.cmpi eq, %iota3A, %eq3A_410 : vector<16xi32>
        %sub3A_412 = arith.constant 1.200000e+01 : f32
        %sub3A_413 = arith.subf %sub3A_412, %reduce_sum3A_409 : f32
        %broadcast_in_dim3A_414 = vector.broadcast %sub3A_413 : f32 to vector<16xf32>
        %select_n3A = arith.select %eq3A_411, %broadcast_in_dim3A_414, %scan3A_321 : vector<16xi1>, vector<16xf32>
        %mul3A_415 = arith.constant 4 : i32
        %mul3A_416 = arith.muli %scan3A_320, %mul3A_415 : i32
        %add3A_417 = arith.constant 1 : i32
        %add3A_418 = arith.addi %mul3A_416, %add3A_417 : i32
        %add3A_419 = arith.addi %mul3A_309, %add3A_418 : i32
        %broadcast_in_dim3A_420 = arith.constant 0.000000e+00 : f32
        %broadcast_in_dim3A_421 = vector.broadcast %broadcast_in_dim3A_420 : f32 to vector<16xf32>
        %broadcast_in_dim3A_422 = arith.constant 0.000000e+00 : f32
        %broadcast_in_dim3A_423 = vector.broadcast %broadcast_in_dim3A_422 : f32 to vector<16xf32>
        %broadcast_in_dim3A_424 = arith.constant 0.000000e+00 : f32
        %broadcast_in_dim3A_425 = vector.broadcast %broadcast_in_dim3A_424 : f32 to vector<16xf32>
        %broadcast_in_dim3A_426 = arith.constant 0.000000e+00 : f32
        %broadcast_in_dim3A_427 = vector.broadcast %broadcast_in_dim3A_426 : f32 to vector<16xf32>
        %get3A_428 = arith.index_cast %add3A_419 : i32 to index
        %get3A_429 = arith.constant 0 : index
        %get3A_430 = tpu.vector_load %arg11[%get3A_428, %get3A_429] {strides = array<i32>} : memref<64x128xf32, #tpu.memory_space<vmem>>, vector<16xf32>,
        %get3A_431 = arith.index_cast %add3A_419 : i32 to index
        %get3A_432 = arith.constant 0 : index
        %get3A_433 = tpu.vector_load %arg14[%get3A_431, %get3A_432] {strides = array<i32>} : memref<64x128xf32, #tpu.memory_space<vmem>>, vector<16xf32>,
        %sub3A_434 = arith.subf %get3A_430, %get3A_433 : vector<16xf32>
        %abs3A_435 = math.absf %sub3A_434 : vector<16xf32>
        %add3A_436 = arith.addf %broadcast_in_dim3A_421, %abs3A_435 : vector<16xf32>
        %get3A_437 = arith.index_cast %add3A_419 : i32 to index
        %get3A_438 = arith.constant 16 : index
        %get3A_439 = tpu.vector_load %arg11[%get3A_437, %get3A_438] {strides = array<i32>} : memref<64x128xf32, #tpu.memory_space<vmem>>, vector<16xf32>,
        %get3A_440 = arith.index_cast %add3A_419 : i32 to index
        %get3A_441 = arith.constant 16 : index
        %get3A_442 = tpu.vector_load %arg14[%get3A_440, %get3A_441] {strides = array<i32>} : memref<64x128xf32, #tpu.memory_space<vmem>>, vector<16xf32>,
        %sub3A_443 = arith.subf %get3A_439, %get3A_442 : vector<16xf32>
        %abs3A_444 = math.absf %sub3A_443 : vector<16xf32>
        %add3A_445 = arith.addf %broadcast_in_dim3A_423, %abs3A_444 : vector<16xf32>
        %get3A_446 = arith.index_cast %add3A_419 : i32 to index
        %get3A_447 = arith.constant 32 : index
        %get3A_448 = tpu.vector_load %arg11[%get3A_446, %get3A_447] {strides = array<i32>} : memref<64x128xf32, #tpu.memory_space<vmem>>, vector<16xf32>,
        %get3A_449 = arith.index_cast %add3A_419 : i32 to index
        %get3A_450 = arith.constant 32 : index
        %get3A_451 = tpu.vector_load %arg14[%get3A_449, %get3A_450] {strides = array<i32>} : memref<64x128xf32, #tpu.memory_space<vmem>>, vector<16xf32>,
        %sub3A_452 = arith.subf %get3A_448, %get3A_451 : vector<16xf32>
        %abs3A_453 = math.absf %sub3A_452 : vector<16xf32>
        %add3A_454 = arith.addf %broadcast_in_dim3A_425, %abs3A_453 : vector<16xf32>
        %get3A_455 = arith.index_cast %add3A_419 : i32 to index
        %get3A_456 = arith.constant 48 : index
        %get3A_457 = tpu.vector_load %arg11[%get3A_455, %get3A_456] {strides = array<i32>} : memref<64x128xf32, #tpu.memory_space<vmem>>, vector<16xf32>,
        %get3A_458 = arith.index_cast %add3A_419 : i32 to index
        %get3A_459 = arith.constant 48 : index
        %get3A_460 = tpu.vector_load %arg14[%get3A_458, %get3A_459] {strides = array<i32>} : memref<64x128xf32, #tpu.memory_space<vmem>>, vector<16xf32>,
        %sub3A_461 = arith.subf %get3A_457, %get3A_460 : vector<16xf32>
        %abs3A_462 = math.absf %sub3A_461 : vector<16xf32>
        %add3A_463 = arith.addf %broadcast_in_dim3A_427, %abs3A_462 : vector<16xf32>
        %get3A_464 = arith.index_cast %add3A_419 : i32 to index
        %get3A_465 = arith.constant 64 : index
        %get3A_466 = tpu.vector_load %arg11[%get3A_464, %get3A_465] {strides = array<i32>} : memref<64x128xf32, #tpu.memory_space<vmem>>, vector<16xf32>,
        %get3A_467 = arith.index_cast %add3A_419 : i32 to index
        %get3A_468 = arith.constant 64 : index
        %get3A_469 = tpu.vector_load %arg14[%get3A_467, %get3A_468] {strides = array<i32>} : memref<64x128xf32, #tpu.memory_space<vmem>>, vector<16xf32>,
        %sub3A_470 = arith.subf %get3A_466, %get3A_469 : vector<16xf32>
        %abs3A_471 = math.absf %sub3A_470 : vector<16xf32>
        %add3A_472 = arith.addf %add3A_436, %abs3A_471 : vector<16xf32>
        %get3A_473 = arith.index_cast %add3A_419 : i32 to index
        %get3A_474 = arith.constant 80 : index
        %get3A_475 = tpu.vector_load %arg11[%get3A_473, %get3A_474] {strides = array<i32>} : memref<64x128xf32, #tpu.memory_space<vmem>>, vector<16xf32>,
        %get3A_476 = arith.index_cast %add3A_419 : i32 to index
        %get3A_477 = arith.constant 80 : index
        %get3A_478 = tpu.vector_load %arg14[%get3A_476, %get3A_477] {strides = array<i32>} : memref<64x128xf32, #tpu.memory_space<vmem>>, vector<16xf32>,
        %sub3A_479 = arith.subf %get3A_475, %get3A_478 : vector<16xf32>
        %abs3A_480 = math.absf %sub3A_479 : vector<16xf32>
        %add3A_481 = arith.addf %add3A_445, %abs3A_480 : vector<16xf32>
        %get3A_482 = arith.index_cast %add3A_419 : i32 to index
        %get3A_483 = arith.constant 96 : index
        %get3A_484 = tpu.vector_load %arg11[%get3A_482, %get3A_483] {strides = array<i32>} : memref<64x128xf32, #tpu.memory_space<vmem>>, vector<16xf32>,
        %get3A_485 = arith.index_cast %add3A_419 : i32 to index
        %get3A_486 = arith.constant 96 : index
        %get3A_487 = tpu.vector_load %arg14[%get3A_485, %get3A_486] {strides = array<i32>} : memref<64x128xf32, #tpu.memory_space<vmem>>, vector<16xf32>,
        %sub3A_488 = arith.subf %get3A_484, %get3A_487 : vector<16xf32>
        %abs3A_489 = math.absf %sub3A_488 : vector<16xf32>
        %add3A_490 = arith.addf %add3A_454, %abs3A_489 : vector<16xf32>
        %get3A_491 = arith.index_cast %add3A_419 : i32 to index
        %get3A_492 = arith.constant 112 : index
        %get3A_493 = tpu.vector_load %arg11[%get3A_491, %get3A_492] {strides = array<i32>} : memref<64x128xf32, #tpu.memory_space<vmem>>, vector<16xf32>,
        %get3A_494 = arith.index_cast %add3A_419 : i32 to index
        %get3A_495 = arith.constant 112 : index
        %get3A_496 = tpu.vector_load %arg14[%get3A_494, %get3A_495] {strides = array<i32>} : memref<64x128xf32, #tpu.memory_space<vmem>>, vector<16xf32>,
        %sub3A_497 = arith.subf %get3A_493, %get3A_496 : vector<16xf32>
        %abs3A_498 = math.absf %sub3A_497 : vector<16xf32>
        %add3A_499 = arith.addf %add3A_463, %abs3A_498 : vector<16xf32>
        %add3A_500 = arith.addf %add3A_472, %add3A_481 : vector<16xf32>
        %add3A_501 = arith.addf %add3A_490, %add3A_499 : vector<16xf32>
        %add3A_502 = arith.addf %add3A_500, %add3A_501 : vector<16xf32>
        %reduce_sum3A_503 = arith.constant true
        %reduce_sum3A_504 = vector.broadcast %reduce_sum3A_503 : i1 to vector<16xi1>
        %reduce_sum3A_505 = tpu.scan <sum>, %add3A_502 masked %reduce_sum3A_504 : vector<16xf32>, vector<16xi1> -> vector<16xf32>
        %reduce_sum3A_506 = vector.extract %reduce_sum3A_505[15] : f32 from vector<16xf32>
        %eq3A_507 = vector.broadcast %add3A_418 : i32 to vector<16xi32>
        %eq3A_508 = arith.cmpi eq, %iota3A, %eq3A_507 : vector<16xi32>
        %sub3A_509 = arith.constant 1.200000e+01 : f32
        %sub3A_510 = arith.subf %sub3A_509, %reduce_sum3A_506 : f32
        %broadcast_in_dim3A_511 = vector.broadcast %sub3A_510 : f32 to vector<16xf32>
        %select_n3A_512 = arith.select %eq3A_508, %broadcast_in_dim3A_511, %select_n3A : vector<16xi1>, vector<16xf32>
        %mul3A_513 = arith.constant 4 : i32
        %mul3A_514 = arith.muli %scan3A_320, %mul3A_513 : i32
        %add3A_515 = arith.constant 2 : i32
        %add3A_516 = arith.addi %mul3A_514, %add3A_515 : i32
        %add3A_517 = arith.addi %mul3A_309, %add3A_516 : i32
        %broadcast_in_dim3A_518 = arith.constant 0.000000e+00 : f32
        %broadcast_in_dim3A_519 = vector.broadcast %broadcast_in_dim3A_518 : f32 to vector<16xf32>
        %broadcast_in_dim3A_520 = arith.constant 0.000000e+00 : f32
        %broadcast_in_dim3A_521 = vector.broadcast %broadcast_in_dim3A_520 : f32 to vector<16xf32>
        %broadcast_in_dim3A_522 = arith.constant 0.000000e+00 : f32
        %broadcast_in_dim3A_523 = vector.broadcast %broadcast_in_dim3A_522 : f32 to vector<16xf32>
        %broadcast_in_dim3A_524 = arith.constant 0.000000e+00 : f32
        %broadcast_in_dim3A_525 = vector.broadcast %broadcast_in_dim3A_524 : f32 to vector<16xf32>
        %get3A_526 = arith.index_cast %add3A_517 : i32 to index
        %get3A_527 = arith.constant 0 : index
        %get3A_528 = tpu.vector_load %arg11[%get3A_526, %get3A_527] {strides = array<i32>} : memref<64x128xf32, #tpu.memory_space<vmem>>, vector<16xf32>,
        %get3A_529 = arith.index_cast %add3A_517 : i32 to index
        %get3A_530 = arith.constant 0 : index
        %get3A_531 = tpu.vector_load %arg14[%get3A_529, %get3A_530] {strides = array<i32>} : memref<64x128xf32, #tpu.memory_space<vmem>>, vector<16xf32>,
        %sub3A_532 = arith.subf %get3A_528, %get3A_531 : vector<16xf32>
        %abs3A_533 = math.absf %sub3A_532 : vector<16xf32>
        %add3A_534 = arith.addf %broadcast_in_dim3A_519, %abs3A_533 : vector<16xf32>
        %get3A_535 = arith.index_cast %add3A_517 : i32 to index
        %get3A_536 = arith.constant 16 : index
        %get3A_537 = tpu.vector_load %arg11[%get3A_535, %get3A_536] {strides = array<i32>} : memref<64x128xf32, #tpu.memory_space<vmem>>, vector<16xf32>,
        %get3A_538 = arith.index_cast %add3A_517 : i32 to index
        %get3A_539 = arith.constant 16 : index
        %get3A_540 = tpu.vector_load %arg14[%get3A_538, %get3A_539] {strides = array<i32>} : memref<64x128xf32, #tpu.memory_space<vmem>>, vector<16xf32>,
        %sub3A_541 = arith.subf %get3A_537, %get3A_540 : vector<16xf32>
        %abs3A_542 = math.absf %sub3A_541 : vector<16xf32>
        %add3A_543 = arith.addf %broadcast_in_dim3A_521, %abs3A_542 : vector<16xf32>
        %get3A_544 = arith.index_cast %add3A_517 : i32 to index
        %get3A_545 = arith.constant 32 : index
        %get3A_546 = tpu.vector_load %arg11[%get3A_544, %get3A_545] {strides = array<i32>} : memref<64x128xf32, #tpu.memory_space<vmem>>, vector<16xf32>,
        %get3A_547 = arith.index_cast %add3A_517 : i32 to index
        %get3A_548 = arith.constant 32 : index
        %get3A_549 = tpu.vector_load %arg14[%get3A_547, %get3A_548] {strides = array<i32>} : memref<64x128xf32, #tpu.memory_space<vmem>>, vector<16xf32>,
        %sub3A_550 = arith.subf %get3A_546, %get3A_549 : vector<16xf32>
        %abs3A_551 = math.absf %sub3A_550 : vector<16xf32>
        %add3A_552 = arith.addf %broadcast_in_dim3A_523, %abs3A_551 : vector<16xf32>
        %get3A_553 = arith.index_cast %add3A_517 : i32 to index
        %get3A_554 = arith.constant 48 : index
        %get3A_555 = tpu.vector_load %arg11[%get3A_553, %get3A_554] {strides = array<i32>} : memref<64x128xf32, #tpu.memory_space<vmem>>, vector<16xf32>,
        %get3A_556 = arith.index_cast %add3A_517 : i32 to index
        %get3A_557 = arith.constant 48 : index
        %get3A_558 = tpu.vector_load %arg14[%get3A_556, %get3A_557] {strides = array<i32>} : memref<64x128xf32, #tpu.memory_space<vmem>>, vector<16xf32>,
        %sub3A_559 = arith.subf %get3A_555, %get3A_558 : vector<16xf32>
        %abs3A_560 = math.absf %sub3A_559 : vector<16xf32>
        %add3A_561 = arith.addf %broadcast_in_dim3A_525, %abs3A_560 : vector<16xf32>
        %get3A_562 = arith.index_cast %add3A_517 : i32 to index
        %get3A_563 = arith.constant 64 : index
        %get3A_564 = tpu.vector_load %arg11[%get3A_562, %get3A_563] {strides = array<i32>} : memref<64x128xf32, #tpu.memory_space<vmem>>, vector<16xf32>,
        %get3A_565 = arith.index_cast %add3A_517 : i32 to index
        %get3A_566 = arith.constant 64 : index
        %get3A_567 = tpu.vector_load %arg14[%get3A_565, %get3A_566] {strides = array<i32>} : memref<64x128xf32, #tpu.memory_space<vmem>>, vector<16xf32>,
        %sub3A_568 = arith.subf %get3A_564, %get3A_567 : vector<16xf32>
        %abs3A_569 = math.absf %sub3A_568 : vector<16xf32>
        %add3A_570 = arith.addf %add3A_534, %abs3A_569 : vector<16xf32>
        %get3A_571 = arith.index_cast %add3A_517 : i32 to index
        %get3A_572 = arith.constant 80 : index
        %get3A_573 = tpu.vector_load %arg11[%get3A_571, %get3A_572] {strides = array<i32>} : memref<64x128xf32, #tpu.memory_space<vmem>>, vector<16xf32>,
        %get3A_574 = arith.index_cast %add3A_517 : i32 to index
        %get3A_575 = arith.constant 80 : index
        %get3A_576 = tpu.vector_load %arg14[%get3A_574, %get3A_575] {strides = array<i32>} : memref<64x128xf32, #tpu.memory_space<vmem>>, vector<16xf32>,
        %sub3A_577 = arith.subf %get3A_573, %get3A_576 : vector<16xf32>
        %abs3A_578 = math.absf %sub3A_577 : vector<16xf32>
        %add3A_579 = arith.addf %add3A_543, %abs3A_578 : vector<16xf32>
        %get3A_580 = arith.index_cast %add3A_517 : i32 to index
        %get3A_581 = arith.constant 96 : index
        %get3A_582 = tpu.vector_load %arg11[%get3A_580, %get3A_581] {strides = array<i32>} : memref<64x128xf32, #tpu.memory_space<vmem>>, vector<16xf32>,
        %get3A_583 = arith.index_cast %add3A_517 : i32 to index
        %get3A_584 = arith.constant 96 : index
        %get3A_585 = tpu.vector_load %arg14[%get3A_583, %get3A_584] {strides = array<i32>} : memref<64x128xf32, #tpu.memory_space<vmem>>, vector<16xf32>,
        %sub3A_586 = arith.subf %get3A_582, %get3A_585 : vector<16xf32>
        %abs3A_587 = math.absf %sub3A_586 : vector<16xf32>
        %add3A_588 = arith.addf %add3A_552, %abs3A_587 : vector<16xf32>
        %get3A_589 = arith.index_cast %add3A_517 : i32 to index
        %get3A_590 = arith.constant 112 : index
        %get3A_591 = tpu.vector_load %arg11[%get3A_589, %get3A_590] {strides = array<i32>} : memref<64x128xf32, #tpu.memory_space<vmem>>, vector<16xf32>,
        %get3A_592 = arith.index_cast %add3A_517 : i32 to index
        %get3A_593 = arith.constant 112 : index
        %get3A_594 = tpu.vector_load %arg14[%get3A_592, %get3A_593] {strides = array<i32>} : memref<64x128xf32, #tpu.memory_space<vmem>>, vector<16xf32>,
        %sub3A_595 = arith.subf %get3A_591, %get3A_594 : vector<16xf32>
        %abs3A_596 = math.absf %sub3A_595 : vector<16xf32>
        %add3A_597 = arith.addf %add3A_561, %abs3A_596 : vector<16xf32>
        %add3A_598 = arith.addf %add3A_570, %add3A_579 : vector<16xf32>
        %add3A_599 = arith.addf %add3A_588, %add3A_597 : vector<16xf32>
        %add3A_600 = arith.addf %add3A_598, %add3A_599 : vector<16xf32>
        %reduce_sum3A_601 = arith.constant true
        %reduce_sum3A_602 = vector.broadcast %reduce_sum3A_601 : i1 to vector<16xi1>
        %reduce_sum3A_603 = tpu.scan <sum>, %add3A_600 masked %reduce_sum3A_602 : vector<16xf32>, vector<16xi1> -> vector<16xf32>
        %reduce_sum3A_604 = vector.extract %reduce_sum3A_603[15] : f32 from vector<16xf32>
        %eq3A_605 = vector.broadcast %add3A_516 : i32 to vector<16xi32>
        %eq3A_606 = arith.cmpi eq, %iota3A, %eq3A_605 : vector<16xi32>
        %sub3A_607 = arith.constant 1.200000e+01 : f32
        %sub3A_608 = arith.subf %sub3A_607, %reduce_sum3A_604 : f32
        %broadcast_in_dim3A_609 = vector.broadcast %sub3A_608 : f32 to vector<16xf32>
        %select_n3A_610 = arith.select %eq3A_606, %broadcast_in_dim3A_609, %select_n3A_512 : vector<16xi1>, vector<16xf32>
        %mul3A_611 = arith.constant 4 : i32
        %mul3A_612 = arith.muli %scan3A_320, %mul3A_611 : i32
        %add3A_613 = arith.constant 3 : i32
        %add3A_614 = arith.addi %mul3A_612, %add3A_613 : i32
        %add3A_615 = arith.addi %mul3A_309, %add3A_614 : i32
        %broadcast_in_dim3A_616 = arith.constant 0.000000e+00 : f32
        %broadcast_in_dim3A_617 = vector.broadcast %broadcast_in_dim3A_616 : f32 to vector<16xf32>
        %broadcast_in_dim3A_618 = arith.constant 0.000000e+00 : f32
        %broadcast_in_dim3A_619 = vector.broadcast %broadcast_in_dim3A_618 : f32 to vector<16xf32>
        %broadcast_in_dim3A_620 = arith.constant 0.000000e+00 : f32
        %broadcast_in_dim3A_621 = vector.broadcast %broadcast_in_dim3A_620 : f32 to vector<16xf32>
        %broadcast_in_dim3A_622 = arith.constant 0.000000e+00 : f32
        %broadcast_in_dim3A_623 = vector.broadcast %broadcast_in_dim3A_622 : f32 to vector<16xf32>
        %get3A_624 = arith.index_cast %add3A_615 : i32 to index
        %get3A_625 = arith.constant 0 : index
        %get3A_626 = tpu.vector_load %arg11[%get3A_624, %get3A_625] {strides = array<i32>} : memref<64x128xf32, #tpu.memory_space<vmem>>, vector<16xf32>,
        %get3A_627 = arith.index_cast %add3A_615 : i32 to index
        %get3A_628 = arith.constant 0 : index
        %get3A_629 = tpu.vector_load %arg14[%get3A_627, %get3A_628] {strides = array<i32>} : memref<64x128xf32, #tpu.memory_space<vmem>>, vector<16xf32>,
        %sub3A_630 = arith.subf %get3A_626, %get3A_629 : vector<16xf32>
        %abs3A_631 = math.absf %sub3A_630 : vector<16xf32>
        %add3A_632 = arith.addf %broadcast_in_dim3A_617, %abs3A_631 : vector<16xf32>
        %get3A_633 = arith.index_cast %add3A_615 : i32 to index
        %get3A_634 = arith.constant 16 : index
        %get3A_635 = tpu.vector_load %arg11[%get3A_633, %get3A_634] {strides = array<i32>} : memref<64x128xf32, #tpu.memory_space<vmem>>, vector<16xf32>,
        %get3A_636 = arith.index_cast %add3A_615 : i32 to index
        %get3A_637 = arith.constant 16 : index
        %get3A_638 = tpu.vector_load %arg14[%get3A_636, %get3A_637] {strides = array<i32>} : memref<64x128xf32, #tpu.memory_space<vmem>>, vector<16xf32>,
        %sub3A_639 = arith.subf %get3A_635, %get3A_638 : vector<16xf32>
        %abs3A_640 = math.absf %sub3A_639 : vector<16xf32>
        %add3A_641 = arith.addf %broadcast_in_dim3A_619, %abs3A_640 : vector<16xf32>
        %get3A_642 = arith.index_cast %add3A_615 : i32 to index
        %get3A_643 = arith.constant 32 : index
        %get3A_644 = tpu.vector_load %arg11[%get3A_642, %get3A_643] {strides = array<i32>} : memref<64x128xf32, #tpu.memory_space<vmem>>, vector<16xf32>,
        %get3A_645 = arith.index_cast %add3A_615 : i32 to index
        %get3A_646 = arith.constant 32 : index
        %get3A_647 = tpu.vector_load %arg14[%get3A_645, %get3A_646] {strides = array<i32>} : memref<64x128xf32, #tpu.memory_space<vmem>>, vector<16xf32>,
        %sub3A_648 = arith.subf %get3A_644, %get3A_647 : vector<16xf32>
        %abs3A_649 = math.absf %sub3A_648 : vector<16xf32>
        %add3A_650 = arith.addf %broadcast_in_dim3A_621, %abs3A_649 : vector<16xf32>
        %get3A_651 = arith.index_cast %add3A_615 : i32 to index
        %get3A_652 = arith.constant 48 : index
        %get3A_653 = tpu.vector_load %arg11[%get3A_651, %get3A_652] {strides = array<i32>} : memref<64x128xf32, #tpu.memory_space<vmem>>, vector<16xf32>,
        %get3A_654 = arith.index_cast %add3A_615 : i32 to index
        %get3A_655 = arith.constant 48 : index
        %get3A_656 = tpu.vector_load %arg14[%get3A_654, %get3A_655] {strides = array<i32>} : memref<64x128xf32, #tpu.memory_space<vmem>>, vector<16xf32>,
        %sub3A_657 = arith.subf %get3A_653, %get3A_656 : vector<16xf32>
        %abs3A_658 = math.absf %sub3A_657 : vector<16xf32>
        %add3A_659 = arith.addf %broadcast_in_dim3A_623, %abs3A_658 : vector<16xf32>
        %get3A_660 = arith.index_cast %add3A_615 : i32 to index
        %get3A_661 = arith.constant 64 : index
        %get3A_662 = tpu.vector_load %arg11[%get3A_660, %get3A_661] {strides = array<i32>} : memref<64x128xf32, #tpu.memory_space<vmem>>, vector<16xf32>,
        %get3A_663 = arith.index_cast %add3A_615 : i32 to index
        %get3A_664 = arith.constant 64 : index
        %get3A_665 = tpu.vector_load %arg14[%get3A_663, %get3A_664] {strides = array<i32>} : memref<64x128xf32, #tpu.memory_space<vmem>>, vector<16xf32>,
        %sub3A_666 = arith.subf %get3A_662, %get3A_665 : vector<16xf32>
        %abs3A_667 = math.absf %sub3A_666 : vector<16xf32>
        %add3A_668 = arith.addf %add3A_632, %abs3A_667 : vector<16xf32>
        %get3A_669 = arith.index_cast %add3A_615 : i32 to index
        %get3A_670 = arith.constant 80 : index
        %get3A_671 = tpu.vector_load %arg11[%get3A_669, %get3A_670] {strides = array<i32>} : memref<64x128xf32, #tpu.memory_space<vmem>>, vector<16xf32>,
        %get3A_672 = arith.index_cast %add3A_615 : i32 to index
        %get3A_673 = arith.constant 80 : index
        %get3A_674 = tpu.vector_load %arg14[%get3A_672, %get3A_673] {strides = array<i32>} : memref<64x128xf32, #tpu.memory_space<vmem>>, vector<16xf32>,
        %sub3A_675 = arith.subf %get3A_671, %get3A_674 : vector<16xf32>
        %abs3A_676 = math.absf %sub3A_675 : vector<16xf32>
        %add3A_677 = arith.addf %add3A_641, %abs3A_676 : vector<16xf32>
        %get3A_678 = arith.index_cast %add3A_615 : i32 to index
        %get3A_679 = arith.constant 96 : index
        %get3A_680 = tpu.vector_load %arg11[%get3A_678, %get3A_679] {strides = array<i32>} : memref<64x128xf32, #tpu.memory_space<vmem>>, vector<16xf32>,
        %get3A_681 = arith.index_cast %add3A_615 : i32 to index
        %get3A_682 = arith.constant 96 : index
        %get3A_683 = tpu.vector_load %arg14[%get3A_681, %get3A_682] {strides = array<i32>} : memref<64x128xf32, #tpu.memory_space<vmem>>, vector<16xf32>,
        %sub3A_684 = arith.subf %get3A_680, %get3A_683 : vector<16xf32>
        %abs3A_685 = math.absf %sub3A_684 : vector<16xf32>
        %add3A_686 = arith.addf %add3A_650, %abs3A_685 : vector<16xf32>
        %get3A_687 = arith.index_cast %add3A_615 : i32 to index
        %get3A_688 = arith.constant 112 : index
        %get3A_689 = tpu.vector_load %arg11[%get3A_687, %get3A_688] {strides = array<i32>} : memref<64x128xf32, #tpu.memory_space<vmem>>, vector<16xf32>,
        %get3A_690 = arith.index_cast %add3A_615 : i32 to index
        %get3A_691 = arith.constant 112 : index
        %get3A_692 = tpu.vector_load %arg14[%get3A_690, %get3A_691] {strides = array<i32>} : memref<64x128xf32, #tpu.memory_space<vmem>>, vector<16xf32>,
        %sub3A_693 = arith.subf %get3A_689, %get3A_692 : vector<16xf32>
        %abs3A_694 = math.absf %sub3A_693 : vector<16xf32>
        %add3A_695 = arith.addf %add3A_659, %abs3A_694 : vector<16xf32>
        %add3A_696 = arith.addf %add3A_668, %add3A_677 : vector<16xf32>
        %add3A_697 = arith.addf %add3A_686, %add3A_695 : vector<16xf32>
        %add3A_698 = arith.addf %add3A_696, %add3A_697 : vector<16xf32>
        %reduce_sum3A_699 = arith.constant true
        %reduce_sum3A_700 = vector.broadcast %reduce_sum3A_699 : i1 to vector<16xi1>
        %reduce_sum3A_701 = tpu.scan <sum>, %add3A_698 masked %reduce_sum3A_700 : vector<16xf32>, vector<16xi1> -> vector<16xf32>
        %reduce_sum3A_702 = vector.extract %reduce_sum3A_701[15] : f32 from vector<16xf32>
        %eq3A_703 = vector.broadcast %add3A_614 : i32 to vector<16xi32>
        %eq3A_704 = arith.cmpi eq, %iota3A, %eq3A_703 : vector<16xi32>
        %sub3A_705 = arith.constant 1.200000e+01 : f32
        %sub3A_706 = arith.subf %sub3A_705, %reduce_sum3A_702 : f32
        %broadcast_in_dim3A_707 = vector.broadcast %sub3A_706 : f32 to vector<16xf32>
        %select_n3A_708 = arith.select %eq3A_704, %broadcast_in_dim3A_707, %select_n3A_610 : vector<16xi1>, vector<16xf32>
        scf.yield %select_n3A_708 : vector<16xf32>
      }
      %scan3A_316 = arith.constant 4 : i32
      %add3A_317 = arith.constant 256 : i32
      %add3A_318 = arith.addi %add3A_317, %mul3A_309 : i32
      %swap3A = arith.index_cast %add3A_318 : i32 to index
      %swap3A_319 = tpu.vector_load %arg16[%swap3A] {strides = array<i32>} : memref<512xf32, #tpu.memory_space<vmem>>, vector<16xf32>,
      tpu.vector_store %arg16[%swap3A], %scan3A_315 {strides = array<i32>} : memref<512xf32, #tpu.memory_space<vmem>>, vector<16xf32>,
    }
    %scan3A_228 = arith.constant 4 : i32
    %dma_start3A_229 = arith.constant 448 : i32
    %dma_start3A_230 = tpu.memref_slice %arg7[%dma_start3A_229] : memref<512xi32, #tpu.memory_space<vmem>> -> memref<64xi32, #tpu.memory_space<vmem>>
    %dma_start3A_231 = arith.constant 0 : i32
    %dma_start3A_232 = arith.constant 0 : i32
    %dma_start3A_233 = tpu.memref_slice %arg2[%dma_start3A_231, %dma_start3A_232] : memref<100000x128xf32, #tpu.memory_space<hbm>> -> memref<100000x128xf32, #tpu.memory_space<hbm>>
    tpu.enqueue_indirect_dma source(%dma_start3A_233 : memref<100000x128xf32, #tpu.memory_space<hbm>>) target(%arg11 : memref<64x128xf32, #tpu.memory_space<vmem>>) offsets(%dma_start3A_230 : memref<64xi32, #tpu.memory_space<vmem>>) semaphore(%arg19 : memref<!tpu.dma_semaphore, #tpu.memory_space<semaphore_mem>>)
    %dma_start3A_234 = arith.constant 448 : i32
    %dma_start3A_235 = tpu.memref_slice %arg9[%dma_start3A_234] : memref<512xi32, #tpu.memory_space<vmem>> -> memref<64xi32, #tpu.memory_space<vmem>>
    %dma_start3A_236 = arith.constant 0 : i32
    %dma_start3A_237 = arith.constant 0 : i32
    %dma_start3A_238 = tpu.memref_slice %arg2[%dma_start3A_236, %dma_start3A_237] : memref<100000x128xf32, #tpu.memory_space<hbm>> -> memref<100000x128xf32, #tpu.memory_space<hbm>>
    tpu.enqueue_indirect_dma source(%dma_start3A_238 : memref<100000x128xf32, #tpu.memory_space<hbm>>) target(%arg14 : memref<64x128xf32, #tpu.memory_space<vmem>>) offsets(%dma_start3A_235 : memref<64xi32, #tpu.memory_space<vmem>>) semaphore(%arg22 : memref<!tpu.dma_semaphore, #tpu.memory_space<semaphore_mem>>)
    %dma_wait3A_239 = arith.constant 384 : i32
    %dma_wait3A_240 = tpu.memref_slice %arg7[%dma_wait3A_239] : memref<512xi32, #tpu.memory_space<vmem>> -> memref<64xi32, #tpu.memory_space<vmem>>
    %dma_wait3A_241 = arith.constant 0 : i32
    %dma_wait3A_242 = arith.constant 0 : i32
    %dma_wait3A_243 = tpu.memref_slice %arg2[%dma_wait3A_241, %dma_wait3A_242] : memref<100000x128xf32, #tpu.memory_space<hbm>> -> memref<100000x128xf32, #tpu.memory_space<hbm>>
    tpu.wait_indirect_dma semaphore(%arg18 : memref<!tpu.dma_semaphore, #tpu.memory_space<semaphore_mem>>) src(%dma_wait3A_243 : memref<100000x128xf32, #tpu.memory_space<hbm>>) dst(%arg10 : memref<64x128xf32, #tpu.memory_space<vmem>>)
    %dma_start3A_244 = arith.constant 384 : i32
    %dma_start3A_245 = tpu.memref_slice %arg8[%dma_start3A_244] : memref<512xi32, #tpu.memory_space<vmem>> -> memref<64xi32, #tpu.memory_space<vmem>>
    %dma_start3A_246 = arith.constant 0 : i32
    %dma_start3A_247 = arith.constant 0 : i32
    %dma_start3A_248 = tpu.memref_slice %arg17[%dma_start3A_246, %dma_start3A_247] : memref<1000x128xf32, #tpu.memory_space<vmem_shared>> -> memref<1000x128xf32, #tpu.memory_space<vmem_shared>>
    tpu.enqueue_indirect_dma source(%dma_start3A_248 : memref<1000x128xf32, #tpu.memory_space<vmem_shared>>) target(%arg10 : memref<64x128xf32, #tpu.memory_space<vmem>>) offsets(%dma_start3A_245 : memref<64xi32, #tpu.memory_space<vmem>>) semaphore(%arg18 : memref<!tpu.dma_semaphore, #tpu.memory_space<semaphore_mem>>) {add = true}
    %dma_wait3A_249 = arith.constant 320 : i32
    %dma_wait3A_250 = tpu.memref_slice %arg8[%dma_wait3A_249] : memref<512xi32, #tpu.memory_space<vmem>> -> memref<64xi32, #tpu.memory_space<vmem>>
    %dma_wait3A_251 = arith.constant 0 : i32
    %dma_wait3A_252 = arith.constant 0 : i32
    %dma_wait3A_253 = tpu.memref_slice %arg17[%dma_wait3A_251, %dma_wait3A_252] : memref<1000x128xf32, #tpu.memory_space<vmem_shared>> -> memref<1000x128xf32, #tpu.memory_space<vmem_shared>>
    tpu.wait_indirect_dma semaphore(%arg20 : memref<!tpu.dma_semaphore, #tpu.memory_space<semaphore_mem>>) src(%dma_wait3A_253 : memref<1000x128xf32, #tpu.memory_space<vmem_shared>>) dst(%arg12 : memref<64x128xf32, #tpu.memory_space<vmem>>)
    %dma_wait3A_254 = arith.constant 320 : i32
    %dma_wait3A_255 = tpu.memref_slice %arg9[%dma_wait3A_254] : memref<512xi32, #tpu.memory_space<vmem>> -> memref<64xi32, #tpu.memory_space<vmem>>
    %dma_wait3A_256 = arith.constant 0 : i32
    %dma_wait3A_257 = arith.constant 0 : i32
    %dma_wait3A_258 = tpu.memref_slice %arg2[%dma_wait3A_256, %dma_wait3A_257] : memref<100000x128xf32, #tpu.memory_space<hbm>> -> memref<100000x128xf32, #tpu.memory_space<hbm>>
    tpu.wait_indirect_dma semaphore(%arg23 : memref<!tpu.dma_semaphore, #tpu.memory_space<semaphore_mem>>) src(%dma_wait3A_258 : memref<100000x128xf32, #tpu.memory_space<hbm>>) dst(%arg15 : memref<64x128xf32, #tpu.memory_space<vmem>>)
    %scan3A_259 = arith.constant 0 : i32
    %scan3A_260 = arith.constant 0 : i32
    %scan3A_261 = arith.constant 4 : i32
    %scan3A_262 = arith.addi %scan3A_260, %scan3A_261 : i32
    %scan3A_263 = arith.constant 1 : i32
    scf.for %scan3A_307 = %scan3A_260 to %scan3A_262 step %scan3A_263  : i32 {
      %mul3A_308 = arith.constant 16 : i32
      %mul3A_309 = arith.muli %scan3A_307, %mul3A_308 : i32
      %broadcast_in_dim3A = arith.constant 0.000000e+00 : f32
      %broadcast_in_dim3A_310 = vector.broadcast %broadcast_in_dim3A : f32 to vector<16xf32>
      %scan3A_311 = arith.constant 0 : i32
      %scan3A_312 = arith.constant 4 : i32
      %scan3A_313 = arith.addi %scan3A_311, %scan3A_312 : i32
      %scan3A_314 = arith.constant 1 : i32
      %scan3A_315 = scf.for %scan3A_320 = %scan3A_311 to %scan3A_313 step %scan3A_314 iter_args(%scan3A_321 = %broadcast_in_dim3A_310) -> (vector<16xf32>)  : i32 {
        %mul3A_322 = arith.constant 4 : i32
        %mul3A_323 = arith.muli %scan3A_320, %mul3A_322 : i32
        %add3A_324 = arith.constant 0 : i32
        %add3A_325 = arith.addi %mul3A_323, %add3A_324 : i32
        %add3A_326 = arith.addi %mul3A_309, %add3A_325 : i32
        %broadcast_in_dim3A_327 = arith.constant 0.000000e+00 : f32
        %broadcast_in_dim3A_328 = vector.broadcast %broadcast_in_dim3A_327 : f32 to vector<16xf32>
        %broadcast_in_dim3A_329 = arith.constant 0.000000e+00 : f32
        %broadcast_in_dim3A_330 = vector.broadcast %broadcast_in_dim3A_329 : f32 to vector<16xf32>
        %broadcast_in_dim3A_331 = arith.constant 0.000000e+00 : f32
        %broadcast_in_dim3A_332 = vector.broadcast %broadcast_in_dim3A_331 : f32 to vector<16xf32>
        %broadcast_in_dim3A_333 = arith.constant 0.000000e+00 : f32
        %broadcast_in_dim3A_334 = vector.broadcast %broadcast_in_dim3A_333 : f32 to vector<16xf32>
        %get3A = arith.index_cast %add3A_326 : i32 to index
        %get3A_335 = arith.constant 0 : index
        %get3A_336 = tpu.vector_load %arg12[%get3A, %get3A_335] {strides = array<i32>} : memref<64x128xf32, #tpu.memory_space<vmem>>, vector<16xf32>,
        %get3A_337 = arith.index_cast %add3A_326 : i32 to index
        %get3A_338 = arith.constant 0 : index
        %get3A_339 = tpu.vector_load %arg15[%get3A_337, %get3A_338] {strides = array<i32>} : memref<64x128xf32, #tpu.memory_space<vmem>>, vector<16xf32>,
        %sub3A = arith.subf %get3A_336, %get3A_339 : vector<16xf32>
        %abs3A = math.absf %sub3A : vector<16xf32>
        %add3A_340 = arith.addf %broadcast_in_dim3A_328, %abs3A : vector<16xf32>
        %get3A_341 = arith.index_cast %add3A_326 : i32 to index
        %get3A_342 = arith.constant 16 : index
        %get3A_343 = tpu.vector_load %arg12[%get3A_341, %get3A_342] {strides = array<i32>} : memref<64x128xf32, #tpu.memory_space<vmem>>, vector<16xf32>,
        %get3A_344 = arith.index_cast %add3A_326 : i32 to index
        %get3A_345 = arith.constant 16 : index
        %get3A_346 = tpu.vector_load %arg15[%get3A_344, %get3A_345] {strides = array<i32>} : memref<64x128xf32, #tpu.memory_space<vmem>>, vector<16xf32>,
        %sub3A_347 = arith.subf %get3A_343, %get3A_346 : vector<16xf32>
        %abs3A_348 = math.absf %sub3A_347 : vector<16xf32>
        %add3A_349 = arith.addf %broadcast_in_dim3A_330, %abs3A_348 : vector<16xf32>
        %get3A_350 = arith.index_cast %add3A_326 : i32 to index
        %get3A_351 = arith.constant 32 : index
        %get3A_352 = tpu.vector_load %arg12[%get3A_350, %get3A_351] {strides = array<i32>} : memref<64x128xf32, #tpu.memory_space<vmem>>, vector<16xf32>,
        %get3A_353 = arith.index_cast %add3A_326 : i32 to index
        %get3A_354 = arith.constant 32 : index
        %get3A_355 = tpu.vector_load %arg15[%get3A_353, %get3A_354] {strides = array<i32>} : memref<64x128xf32, #tpu.memory_space<vmem>>, vector<16xf32>,
        %sub3A_356 = arith.subf %get3A_352, %get3A_355 : vector<16xf32>
        %abs3A_357 = math.absf %sub3A_356 : vector<16xf32>
        %add3A_358 = arith.addf %broadcast_in_dim3A_332, %abs3A_357 : vector<16xf32>
        %get3A_359 = arith.index_cast %add3A_326 : i32 to index
        %get3A_360 = arith.constant 48 : index
        %get3A_361 = tpu.vector_load %arg12[%get3A_359, %get3A_360] {strides = array<i32>} : memref<64x128xf32, #tpu.memory_space<vmem>>, vector<16xf32>,
        %get3A_362 = arith.index_cast %add3A_326 : i32 to index
        %get3A_363 = arith.constant 48 : index
        %get3A_364 = tpu.vector_load %arg15[%get3A_362, %get3A_363] {strides = array<i32>} : memref<64x128xf32, #tpu.memory_space<vmem>>, vector<16xf32>,
        %sub3A_365 = arith.subf %get3A_361, %get3A_364 : vector<16xf32>
        %abs3A_366 = math.absf %sub3A_365 : vector<16xf32>
        %add3A_367 = arith.addf %broadcast_in_dim3A_334, %abs3A_366 : vector<16xf32>
        %get3A_368 = arith.index_cast %add3A_326 : i32 to index
        %get3A_369 = arith.constant 64 : index
        %get3A_370 = tpu.vector_load %arg12[%get3A_368, %get3A_369] {strides = array<i32>} : memref<64x128xf32, #tpu.memory_space<vmem>>, vector<16xf32>,
        %get3A_371 = arith.index_cast %add3A_326 : i32 to index
        %get3A_372 = arith.constant 64 : index
        %get3A_373 = tpu.vector_load %arg15[%get3A_371, %get3A_372] {strides = array<i32>} : memref<64x128xf32, #tpu.memory_space<vmem>>, vector<16xf32>,
        %sub3A_374 = arith.subf %get3A_370, %get3A_373 : vector<16xf32>
        %abs3A_375 = math.absf %sub3A_374 : vector<16xf32>
        %add3A_376 = arith.addf %add3A_340, %abs3A_375 : vector<16xf32>
        %get3A_377 = arith.index_cast %add3A_326 : i32 to index
        %get3A_378 = arith.constant 80 : index
        %get3A_379 = tpu.vector_load %arg12[%get3A_377, %get3A_378] {strides = array<i32>} : memref<64x128xf32, #tpu.memory_space<vmem>>, vector<16xf32>,
        %get3A_380 = arith.index_cast %add3A_326 : i32 to index
        %get3A_381 = arith.constant 80 : index
        %get3A_382 = tpu.vector_load %arg15[%get3A_380, %get3A_381] {strides = array<i32>} : memref<64x128xf32, #tpu.memory_space<vmem>>, vector<16xf32>,
        %sub3A_383 = arith.subf %get3A_379, %get3A_382 : vector<16xf32>
        %abs3A_384 = math.absf %sub3A_383 : vector<16xf32>
        %add3A_385 = arith.addf %add3A_349, %abs3A_384 : vector<16xf32>
        %get3A_386 = arith.index_cast %add3A_326 : i32 to index
        %get3A_387 = arith.constant 96 : index
        %get3A_388 = tpu.vector_load %arg12[%get3A_386, %get3A_387] {strides = array<i32>} : memref<64x128xf32, #tpu.memory_space<vmem>>, vector<16xf32>,
        %get3A_389 = arith.index_cast %add3A_326 : i32 to index
        %get3A_390 = arith.constant 96 : index
        %get3A_391 = tpu.vector_load %arg15[%get3A_389, %get3A_390] {strides = array<i32>} : memref<64x128xf32, #tpu.memory_space<vmem>>, vector<16xf32>,
        %sub3A_392 = arith.subf %get3A_388, %get3A_391 : vector<16xf32>
        %abs3A_393 = math.absf %sub3A_392 : vector<16xf32>
        %add3A_394 = arith.addf %add3A_358, %abs3A_393 : vector<16xf32>
        %get3A_395 = arith.index_cast %add3A_326 : i32 to index
        %get3A_396 = arith.constant 112 : index
        %get3A_397 = tpu.vector_load %arg12[%get3A_395, %get3A_396] {strides = array<i32>} : memref<64x128xf32, #tpu.memory_space<vmem>>, vector<16xf32>,
        %get3A_398 = arith.index_cast %add3A_326 : i32 to index
        %get3A_399 = arith.constant 112 : index
        %get3A_400 = tpu.vector_load %arg15[%get3A_398, %get3A_399] {strides = array<i32>} : memref<64x128xf32, #tpu.memory_space<vmem>>, vector<16xf32>,
        %sub3A_401 = arith.subf %get3A_397, %get3A_400 : vector<16xf32>
        %abs3A_402 = math.absf %sub3A_401 : vector<16xf32>
        %add3A_403 = arith.addf %add3A_367, %abs3A_402 : vector<16xf32>
        %add3A_404 = arith.addf %add3A_376, %add3A_385 : vector<16xf32>
        %add3A_405 = arith.addf %add3A_394, %add3A_403 : vector<16xf32>
        %add3A_406 = arith.addf %add3A_404, %add3A_405 : vector<16xf32>
        %reduce_sum3A = arith.constant true
        %reduce_sum3A_407 = vector.broadcast %reduce_sum3A : i1 to vector<16xi1>
        %reduce_sum3A_408 = tpu.scan <sum>, %add3A_406 masked %reduce_sum3A_407 : vector<16xf32>, vector<16xi1> -> vector<16xf32>
        %reduce_sum3A_409 = vector.extract %reduce_sum3A_408[15] : f32 from vector<16xf32>
        %eq3A_410 = vector.broadcast %add3A_325 : i32 to vector<16xi32>
        %eq3A_411 = arith.cmpi eq, %iota3A, %eq3A_410 : vector<16xi32>
        %sub3A_412 = arith.constant 1.200000e+01 : f32
        %sub3A_413 = arith.subf %sub3A_412, %reduce_sum3A_409 : f32
        %broadcast_in_dim3A_414 = vector.broadcast %sub3A_413 : f32 to vector<16xf32>
        %select_n3A = arith.select %eq3A_411, %broadcast_in_dim3A_414, %scan3A_321 : vector<16xi1>, vector<16xf32>
        %mul3A_415 = arith.constant 4 : i32
        %mul3A_416 = arith.muli %scan3A_320, %mul3A_415 : i32
        %add3A_417 = arith.constant 1 : i32
        %add3A_418 = arith.addi %mul3A_416, %add3A_417 : i32
        %add3A_419 = arith.addi %mul3A_309, %add3A_418 : i32
        %broadcast_in_dim3A_420 = arith.constant 0.000000e+00 : f32
        %broadcast_in_dim3A_421 = vector.broadcast %broadcast_in_dim3A_420 : f32 to vector<16xf32>
        %broadcast_in_dim3A_422 = arith.constant 0.000000e+00 : f32
        %broadcast_in_dim3A_423 = vector.broadcast %broadcast_in_dim3A_422 : f32 to vector<16xf32>
        %broadcast_in_dim3A_424 = arith.constant 0.000000e+00 : f32
        %broadcast_in_dim3A_425 = vector.broadcast %broadcast_in_dim3A_424 : f32 to vector<16xf32>
        %broadcast_in_dim3A_426 = arith.constant 0.000000e+00 : f32
        %broadcast_in_dim3A_427 = vector.broadcast %broadcast_in_dim3A_426 : f32 to vector<16xf32>
        %get3A_428 = arith.index_cast %add3A_419 : i32 to index
        %get3A_429 = arith.constant 0 : index
        %get3A_430 = tpu.vector_load %arg12[%get3A_428, %get3A_429] {strides = array<i32>} : memref<64x128xf32, #tpu.memory_space<vmem>>, vector<16xf32>,
        %get3A_431 = arith.index_cast %add3A_419 : i32 to index
        %get3A_432 = arith.constant 0 : index
        %get3A_433 = tpu.vector_load %arg15[%get3A_431, %get3A_432] {strides = array<i32>} : memref<64x128xf32, #tpu.memory_space<vmem>>, vector<16xf32>,
        %sub3A_434 = arith.subf %get3A_430, %get3A_433 : vector<16xf32>
        %abs3A_435 = math.absf %sub3A_434 : vector<16xf32>
        %add3A_436 = arith.addf %broadcast_in_dim3A_421, %abs3A_435 : vector<16xf32>
        %get3A_437 = arith.index_cast %add3A_419 : i32 to index
        %get3A_438 = arith.constant 16 : index
        %get3A_439 = tpu.vector_load %arg12[%get3A_437, %get3A_438] {strides = array<i32>} : memref<64x128xf32, #tpu.memory_space<vmem>>, vector<16xf32>,
        %get3A_440 = arith.index_cast %add3A_419 : i32 to index
        %get3A_441 = arith.constant 16 : index
        %get3A_442 = tpu.vector_load %arg15[%get3A_440, %get3A_441] {strides = array<i32>} : memref<64x128xf32, #tpu.memory_space<vmem>>, vector<16xf32>,
        %sub3A_443 = arith.subf %get3A_439, %get3A_442 : vector<16xf32>
        %abs3A_444 = math.absf %sub3A_443 : vector<16xf32>
        %add3A_445 = arith.addf %broadcast_in_dim3A_423, %abs3A_444 : vector<16xf32>
        %get3A_446 = arith.index_cast %add3A_419 : i32 to index
        %get3A_447 = arith.constant 32 : index
        %get3A_448 = tpu.vector_load %arg12[%get3A_446, %get3A_447] {strides = array<i32>} : memref<64x128xf32, #tpu.memory_space<vmem>>, vector<16xf32>,
        %get3A_449 = arith.index_cast %add3A_419 : i32 to index
        %get3A_450 = arith.constant 32 : index
        %get3A_451 = tpu.vector_load %arg15[%get3A_449, %get3A_450] {strides = array<i32>} : memref<64x128xf32, #tpu.memory_space<vmem>>, vector<16xf32>,
        %sub3A_452 = arith.subf %get3A_448, %get3A_451 : vector<16xf32>
        %abs3A_453 = math.absf %sub3A_452 : vector<16xf32>
        %add3A_454 = arith.addf %broadcast_in_dim3A_425, %abs3A_453 : vector<16xf32>
        %get3A_455 = arith.index_cast %add3A_419 : i32 to index
        %get3A_456 = arith.constant 48 : index
        %get3A_457 = tpu.vector_load %arg12[%get3A_455, %get3A_456] {strides = array<i32>} : memref<64x128xf32, #tpu.memory_space<vmem>>, vector<16xf32>,
        %get3A_458 = arith.index_cast %add3A_419 : i32 to index
        %get3A_459 = arith.constant 48 : index
        %get3A_460 = tpu.vector_load %arg15[%get3A_458, %get3A_459] {strides = array<i32>} : memref<64x128xf32, #tpu.memory_space<vmem>>, vector<16xf32>,
        %sub3A_461 = arith.subf %get3A_457, %get3A_460 : vector<16xf32>
        %abs3A_462 = math.absf %sub3A_461 : vector<16xf32>
        %add3A_463 = arith.addf %broadcast_in_dim3A_427, %abs3A_462 : vector<16xf32>
        %get3A_464 = arith.index_cast %add3A_419 : i32 to index
        %get3A_465 = arith.constant 64 : index
        %get3A_466 = tpu.vector_load %arg12[%get3A_464, %get3A_465] {strides = array<i32>} : memref<64x128xf32, #tpu.memory_space<vmem>>, vector<16xf32>,
        %get3A_467 = arith.index_cast %add3A_419 : i32 to index
        %get3A_468 = arith.constant 64 : index
        %get3A_469 = tpu.vector_load %arg15[%get3A_467, %get3A_468] {strides = array<i32>} : memref<64x128xf32, #tpu.memory_space<vmem>>, vector<16xf32>,
        %sub3A_470 = arith.subf %get3A_466, %get3A_469 : vector<16xf32>
        %abs3A_471 = math.absf %sub3A_470 : vector<16xf32>
        %add3A_472 = arith.addf %add3A_436, %abs3A_471 : vector<16xf32>
        %get3A_473 = arith.index_cast %add3A_419 : i32 to index
        %get3A_474 = arith.constant 80 : index
        %get3A_475 = tpu.vector_load %arg12[%get3A_473, %get3A_474] {strides = array<i32>} : memref<64x128xf32, #tpu.memory_space<vmem>>, vector<16xf32>,
        %get3A_476 = arith.index_cast %add3A_419 : i32 to index
        %get3A_477 = arith.constant 80 : index
        %get3A_478 = tpu.vector_load %arg15[%get3A_476, %get3A_477] {strides = array<i32>} : memref<64x128xf32, #tpu.memory_space<vmem>>, vector<16xf32>,
        %sub3A_479 = arith.subf %get3A_475, %get3A_478 : vector<16xf32>
        %abs3A_480 = math.absf %sub3A_479 : vector<16xf32>
        %add3A_481 = arith.addf %add3A_445, %abs3A_480 : vector<16xf32>
        %get3A_482 = arith.index_cast %add3A_419 : i32 to index
        %get3A_483 = arith.constant 96 : index
        %get3A_484 = tpu.vector_load %arg12[%get3A_482, %get3A_483] {strides = array<i32>} : memref<64x128xf32, #tpu.memory_space<vmem>>, vector<16xf32>,
        %get3A_485 = arith.index_cast %add3A_419 : i32 to index
        %get3A_486 = arith.constant 96 : index
        %get3A_487 = tpu.vector_load %arg15[%get3A_485, %get3A_486] {strides = array<i32>} : memref<64x128xf32, #tpu.memory_space<vmem>>, vector<16xf32>,
        %sub3A_488 = arith.subf %get3A_484, %get3A_487 : vector<16xf32>
        %abs3A_489 = math.absf %sub3A_488 : vector<16xf32>
        %add3A_490 = arith.addf %add3A_454, %abs3A_489 : vector<16xf32>
        %get3A_491 = arith.index_cast %add3A_419 : i32 to index
        %get3A_492 = arith.constant 112 : index
        %get3A_493 = tpu.vector_load %arg12[%get3A_491, %get3A_492] {strides = array<i32>} : memref<64x128xf32, #tpu.memory_space<vmem>>, vector<16xf32>,
        %get3A_494 = arith.index_cast %add3A_419 : i32 to index
        %get3A_495 = arith.constant 112 : index
        %get3A_496 = tpu.vector_load %arg15[%get3A_494, %get3A_495] {strides = array<i32>} : memref<64x128xf32, #tpu.memory_space<vmem>>, vector<16xf32>,
        %sub3A_497 = arith.subf %get3A_493, %get3A_496 : vector<16xf32>
        %abs3A_498 = math.absf %sub3A_497 : vector<16xf32>
        %add3A_499 = arith.addf %add3A_463, %abs3A_498 : vector<16xf32>
        %add3A_500 = arith.addf %add3A_472, %add3A_481 : vector<16xf32>
        %add3A_501 = arith.addf %add3A_490, %add3A_499 : vector<16xf32>
        %add3A_502 = arith.addf %add3A_500, %add3A_501 : vector<16xf32>
        %reduce_sum3A_503 = arith.constant true
        %reduce_sum3A_504 = vector.broadcast %reduce_sum3A_503 : i1 to vector<16xi1>
        %reduce_sum3A_505 = tpu.scan <sum>, %add3A_502 masked %reduce_sum3A_504 : vector<16xf32>, vector<16xi1> -> vector<16xf32>
        %reduce_sum3A_506 = vector.extract %reduce_sum3A_505[15] : f32 from vector<16xf32>
        %eq3A_507 = vector.broadcast %add3A_418 : i32 to vector<16xi32>
        %eq3A_508 = arith.cmpi eq, %iota3A, %eq3A_507 : vector<16xi32>
        %sub3A_509 = arith.constant 1.200000e+01 : f32
        %sub3A_510 = arith.subf %sub3A_509, %reduce_sum3A_506 : f32
        %broadcast_in_dim3A_511 = vector.broadcast %sub3A_510 : f32 to vector<16xf32>
        %select_n3A_512 = arith.select %eq3A_508, %broadcast_in_dim3A_511, %select_n3A : vector<16xi1>, vector<16xf32>
        %mul3A_513 = arith.constant 4 : i32
        %mul3A_514 = arith.muli %scan3A_320, %mul3A_513 : i32
        %add3A_515 = arith.constant 2 : i32
        %add3A_516 = arith.addi %mul3A_514, %add3A_515 : i32
        %add3A_517 = arith.addi %mul3A_309, %add3A_516 : i32
        %broadcast_in_dim3A_518 = arith.constant 0.000000e+00 : f32
        %broadcast_in_dim3A_519 = vector.broadcast %broadcast_in_dim3A_518 : f32 to vector<16xf32>
        %broadcast_in_dim3A_520 = arith.constant 0.000000e+00 : f32
        %broadcast_in_dim3A_521 = vector.broadcast %broadcast_in_dim3A_520 : f32 to vector<16xf32>
        %broadcast_in_dim3A_522 = arith.constant 0.000000e+00 : f32
        %broadcast_in_dim3A_523 = vector.broadcast %broadcast_in_dim3A_522 : f32 to vector<16xf32>
        %broadcast_in_dim3A_524 = arith.constant 0.000000e+00 : f32
        %broadcast_in_dim3A_525 = vector.broadcast %broadcast_in_dim3A_524 : f32 to vector<16xf32>
        %get3A_526 = arith.index_cast %add3A_517 : i32 to index
        %get3A_527 = arith.constant 0 : index
        %get3A_528 = tpu.vector_load %arg12[%get3A_526, %get3A_527] {strides = array<i32>} : memref<64x128xf32, #tpu.memory_space<vmem>>, vector<16xf32>,
        %get3A_529 = arith.index_cast %add3A_517 : i32 to index
        %get3A_530 = arith.constant 0 : index
        %get3A_531 = tpu.vector_load %arg15[%get3A_529, %get3A_530] {strides = array<i32>} : memref<64x128xf32, #tpu.memory_space<vmem>>, vector<16xf32>,
        %sub3A_532 = arith.subf %get3A_528, %get3A_531 : vector<16xf32>
        %abs3A_533 = math.absf %sub3A_532 : vector<16xf32>
        %add3A_534 = arith.addf %broadcast_in_dim3A_519, %abs3A_533 : vector<16xf32>
        %get3A_535 = arith.index_cast %add3A_517 : i32 to index
        %get3A_536 = arith.constant 16 : index
        %get3A_537 = tpu.vector_load %arg12[%get3A_535, %get3A_536] {strides = array<i32>} : memref<64x128xf32, #tpu.memory_space<vmem>>, vector<16xf32>,
        %get3A_538 = arith.index_cast %add3A_517 : i32 to index
        %get3A_539 = arith.constant 16 : index
        %get3A_540 = tpu.vector_load %arg15[%get3A_538, %get3A_539] {strides = array<i32>} : memref<64x128xf32, #tpu.memory_space<vmem>>, vector<16xf32>,
        %sub3A_541 = arith.subf %get3A_537, %get3A_540 : vector<16xf32>
        %abs3A_542 = math.absf %sub3A_541 : vector<16xf32>
        %add3A_543 = arith.addf %broadcast_in_dim3A_521, %abs3A_542 : vector<16xf32>
        %get3A_544 = arith.index_cast %add3A_517 : i32 to index
        %get3A_545 = arith.constant 32 : index
        %get3A_546 = tpu.vector_load %arg12[%get3A_544, %get3A_545] {strides = array<i32>} : memref<64x128xf32, #tpu.memory_space<vmem>>, vector<16xf32>,
        %get3A_547 = arith.index_cast %add3A_517 : i32 to index
        %get3A_548 = arith.constant 32 : index
        %get3A_549 = tpu.vector_load %arg15[%get3A_547, %get3A_548] {strides = array<i32>} : memref<64x128xf32, #tpu.memory_space<vmem>>, vector<16xf32>,
        %sub3A_550 = arith.subf %get3A_546, %get3A_549 : vector<16xf32>
        %abs3A_551 = math.absf %sub3A_550 : vector<16xf32>
        %add3A_552 = arith.addf %broadcast_in_dim3A_523, %abs3A_551 : vector<16xf32>
        %get3A_553 = arith.index_cast %add3A_517 : i32 to index
        %get3A_554 = arith.constant 48 : index
        %get3A_555 = tpu.vector_load %arg12[%get3A_553, %get3A_554] {strides = array<i32>} : memref<64x128xf32, #tpu.memory_space<vmem>>, vector<16xf32>,
        %get3A_556 = arith.index_cast %add3A_517 : i32 to index
        %get3A_557 = arith.constant 48 : index
        %get3A_558 = tpu.vector_load %arg15[%get3A_556, %get3A_557] {strides = array<i32>} : memref<64x128xf32, #tpu.memory_space<vmem>>, vector<16xf32>,
        %sub3A_559 = arith.subf %get3A_555, %get3A_558 : vector<16xf32>
        %abs3A_560 = math.absf %sub3A_559 : vector<16xf32>
        %add3A_561 = arith.addf %broadcast_in_dim3A_525, %abs3A_560 : vector<16xf32>
        %get3A_562 = arith.index_cast %add3A_517 : i32 to index
        %get3A_563 = arith.constant 64 : index
        %get3A_564 = tpu.vector_load %arg12[%get3A_562, %get3A_563] {strides = array<i32>} : memref<64x128xf32, #tpu.memory_space<vmem>>, vector<16xf32>,
        %get3A_565 = arith.index_cast %add3A_517 : i32 to index
        %get3A_566 = arith.constant 64 : index
        %get3A_567 = tpu.vector_load %arg15[%get3A_565, %get3A_566] {strides = array<i32>} : memref<64x128xf32, #tpu.memory_space<vmem>>, vector<16xf32>,
        %sub3A_568 = arith.subf %get3A_564, %get3A_567 : vector<16xf32>
        %abs3A_569 = math.absf %sub3A_568 : vector<16xf32>
        %add3A_570 = arith.addf %add3A_534, %abs3A_569 : vector<16xf32>
        %get3A_571 = arith.index_cast %add3A_517 : i32 to index
        %get3A_572 = arith.constant 80 : index
        %get3A_573 = tpu.vector_load %arg12[%get3A_571, %get3A_572] {strides = array<i32>} : memref<64x128xf32, #tpu.memory_space<vmem>>, vector<16xf32>,
        %get3A_574 = arith.index_cast %add3A_517 : i32 to index
        %get3A_575 = arith.constant 80 : index
        %get3A_576 = tpu.vector_load %arg15[%get3A_574, %get3A_575] {strides = array<i32>} : memref<64x128xf32, #tpu.memory_space<vmem>>, vector<16xf32>,
        %sub3A_577 = arith.subf %get3A_573, %get3A_576 : vector<16xf32>
        %abs3A_578 = math.absf %sub3A_577 : vector<16xf32>
        %add3A_579 = arith.addf %add3A_543, %abs3A_578 : vector<16xf32>
        %get3A_580 = arith.index_cast %add3A_517 : i32 to index
        %get3A_581 = arith.constant 96 : index
        %get3A_582 = tpu.vector_load %arg12[%get3A_580, %get3A_581] {strides = array<i32>} : memref<64x128xf32, #tpu.memory_space<vmem>>, vector<16xf32>,
        %get3A_583 = arith.index_cast %add3A_517 : i32 to index
        %get3A_584 = arith.constant 96 : index
        %get3A_585 = tpu.vector_load %arg15[%get3A_583, %get3A_584] {strides = array<i32>} : memref<64x128xf32, #tpu.memory_space<vmem>>, vector<16xf32>,
        %sub3A_586 = arith.subf %get3A_582, %get3A_585 : vector<16xf32>
        %abs3A_587 = math.absf %sub3A_586 : vector<16xf32>
        %add3A_588 = arith.addf %add3A_552, %abs3A_587 : vector<16xf32>
        %get3A_589 = arith.index_cast %add3A_517 : i32 to index
        %get3A_590 = arith.constant 112 : index
        %get3A_591 = tpu.vector_load %arg12[%get3A_589, %get3A_590] {strides = array<i32>} : memref<64x128xf32, #tpu.memory_space<vmem>>, vector<16xf32>,
        %get3A_592 = arith.index_cast %add3A_517 : i32 to index
        %get3A_593 = arith.constant 112 : index
        %get3A_594 = tpu.vector_load %arg15[%get3A_592, %get3A_593] {strides = array<i32>} : memref<64x128xf32, #tpu.memory_space<vmem>>, vector<16xf32>,
        %sub3A_595 = arith.subf %get3A_591, %get3A_594 : vector<16xf32>
        %abs3A_596 = math.absf %sub3A_595 : vector<16xf32>
        %add3A_597 = arith.addf %add3A_561, %abs3A_596 : vector<16xf32>
        %add3A_598 = arith.addf %add3A_570, %add3A_579 : vector<16xf32>
        %add3A_599 = arith.addf %add3A_588, %add3A_597 : vector<16xf32>
        %add3A_600 = arith.addf %add3A_598, %add3A_599 : vector<16xf32>
        %reduce_sum3A_601 = arith.constant true
        %reduce_sum3A_602 = vector.broadcast %reduce_sum3A_601 : i1 to vector<16xi1>
        %reduce_sum3A_603 = tpu.scan <sum>, %add3A_600 masked %reduce_sum3A_602 : vector<16xf32>, vector<16xi1> -> vector<16xf32>
        %reduce_sum3A_604 = vector.extract %reduce_sum3A_603[15] : f32 from vector<16xf32>
        %eq3A_605 = vector.broadcast %add3A_516 : i32 to vector<16xi32>
        %eq3A_606 = arith.cmpi eq, %iota3A, %eq3A_605 : vector<16xi32>
        %sub3A_607 = arith.constant 1.200000e+01 : f32
        %sub3A_608 = arith.subf %sub3A_607, %reduce_sum3A_604 : f32
        %broadcast_in_dim3A_609 = vector.broadcast %sub3A_608 : f32 to vector<16xf32>
        %select_n3A_610 = arith.select %eq3A_606, %broadcast_in_dim3A_609, %select_n3A_512 : vector<16xi1>, vector<16xf32>
        %mul3A_611 = arith.constant 4 : i32
        %mul3A_612 = arith.muli %scan3A_320, %mul3A_611 : i32
        %add3A_613 = arith.constant 3 : i32
        %add3A_614 = arith.addi %mul3A_612, %add3A_613 : i32
        %add3A_615 = arith.addi %mul3A_309, %add3A_614 : i32
        %broadcast_in_dim3A_616 = arith.constant 0.000000e+00 : f32
        %broadcast_in_dim3A_617 = vector.broadcast %broadcast_in_dim3A_616 : f32 to vector<16xf32>
        %broadcast_in_dim3A_618 = arith.constant 0.000000e+00 : f32
        %broadcast_in_dim3A_619 = vector.broadcast %broadcast_in_dim3A_618 : f32 to vector<16xf32>
        %broadcast_in_dim3A_620 = arith.constant 0.000000e+00 : f32
        %broadcast_in_dim3A_621 = vector.broadcast %broadcast_in_dim3A_620 : f32 to vector<16xf32>
        %broadcast_in_dim3A_622 = arith.constant 0.000000e+00 : f32
        %broadcast_in_dim3A_623 = vector.broadcast %broadcast_in_dim3A_622 : f32 to vector<16xf32>
        %get3A_624 = arith.index_cast %add3A_615 : i32 to index
        %get3A_625 = arith.constant 0 : index
        %get3A_626 = tpu.vector_load %arg12[%get3A_624, %get3A_625] {strides = array<i32>} : memref<64x128xf32, #tpu.memory_space<vmem>>, vector<16xf32>,
        %get3A_627 = arith.index_cast %add3A_615 : i32 to index
        %get3A_628 = arith.constant 0 : index
        %get3A_629 = tpu.vector_load %arg15[%get3A_627, %get3A_628] {strides = array<i32>} : memref<64x128xf32, #tpu.memory_space<vmem>>, vector<16xf32>,
        %sub3A_630 = arith.subf %get3A_626, %get3A_629 : vector<16xf32>
        %abs3A_631 = math.absf %sub3A_630 : vector<16xf32>
        %add3A_632 = arith.addf %broadcast_in_dim3A_617, %abs3A_631 : vector<16xf32>
        %get3A_633 = arith.index_cast %add3A_615 : i32 to index
        %get3A_634 = arith.constant 16 : index
        %get3A_635 = tpu.vector_load %arg12[%get3A_633, %get3A_634] {strides = array<i32>} : memref<64x128xf32, #tpu.memory_space<vmem>>, vector<16xf32>,
        %get3A_636 = arith.index_cast %add3A_615 : i32 to index
        %get3A_637 = arith.constant 16 : index
        %get3A_638 = tpu.vector_load %arg15[%get3A_636, %get3A_637] {strides = array<i32>} : memref<64x128xf32, #tpu.memory_space<vmem>>, vector<16xf32>,
        %sub3A_639 = arith.subf %get3A_635, %get3A_638 : vector<16xf32>
        %abs3A_640 = math.absf %sub3A_639 : vector<16xf32>
        %add3A_641 = arith.addf %broadcast_in_dim3A_619, %abs3A_640 : vector<16xf32>
        %get3A_642 = arith.index_cast %add3A_615 : i32 to index
        %get3A_643 = arith.constant 32 : index
        %get3A_644 = tpu.vector_load %arg12[%get3A_642, %get3A_643] {strides = array<i32>} : memref<64x128xf32, #tpu.memory_space<vmem>>, vector<16xf32>,
        %get3A_645 = arith.index_cast %add3A_615 : i32 to index
        %get3A_646 = arith.constant 32 : index
        %get3A_647 = tpu.vector_load %arg15[%get3A_645, %get3A_646] {strides = array<i32>} : memref<64x128xf32, #tpu.memory_space<vmem>>, vector<16xf32>,
        %sub3A_648 = arith.subf %get3A_644, %get3A_647 : vector<16xf32>
        %abs3A_649 = math.absf %sub3A_648 : vector<16xf32>
        %add3A_650 = arith.addf %broadcast_in_dim3A_621, %abs3A_649 : vector<16xf32>
        %get3A_651 = arith.index_cast %add3A_615 : i32 to index
        %get3A_652 = arith.constant 48 : index
        %get3A_653 = tpu.vector_load %arg12[%get3A_651, %get3A_652] {strides = array<i32>} : memref<64x128xf32, #tpu.memory_space<vmem>>, vector<16xf32>,
        %get3A_654 = arith.index_cast %add3A_615 : i32 to index
        %get3A_655 = arith.constant 48 : index
        %get3A_656 = tpu.vector_load %arg15[%get3A_654, %get3A_655] {strides = array<i32>} : memref<64x128xf32, #tpu.memory_space<vmem>>, vector<16xf32>,
        %sub3A_657 = arith.subf %get3A_653, %get3A_656 : vector<16xf32>
        %abs3A_658 = math.absf %sub3A_657 : vector<16xf32>
        %add3A_659 = arith.addf %broadcast_in_dim3A_623, %abs3A_658 : vector<16xf32>
        %get3A_660 = arith.index_cast %add3A_615 : i32 to index
        %get3A_661 = arith.constant 64 : index
        %get3A_662 = tpu.vector_load %arg12[%get3A_660, %get3A_661] {strides = array<i32>} : memref<64x128xf32, #tpu.memory_space<vmem>>, vector<16xf32>,
        %get3A_663 = arith.index_cast %add3A_615 : i32 to index
        %get3A_664 = arith.constant 64 : index
        %get3A_665 = tpu.vector_load %arg15[%get3A_663, %get3A_664] {strides = array<i32>} : memref<64x128xf32, #tpu.memory_space<vmem>>, vector<16xf32>,
        %sub3A_666 = arith.subf %get3A_662, %get3A_665 : vector<16xf32>
        %abs3A_667 = math.absf %sub3A_666 : vector<16xf32>
        %add3A_668 = arith.addf %add3A_632, %abs3A_667 : vector<16xf32>
        %get3A_669 = arith.index_cast %add3A_615 : i32 to index
        %get3A_670 = arith.constant 80 : index
        %get3A_671 = tpu.vector_load %arg12[%get3A_669, %get3A_670] {strides = array<i32>} : memref<64x128xf32, #tpu.memory_space<vmem>>, vector<16xf32>,
        %get3A_672 = arith.index_cast %add3A_615 : i32 to index
        %get3A_673 = arith.constant 80 : index
        %get3A_674 = tpu.vector_load %arg15[%get3A_672, %get3A_673] {strides = array<i32>} : memref<64x128xf32, #tpu.memory_space<vmem>>, vector<16xf32>,
        %sub3A_675 = arith.subf %get3A_671, %get3A_674 : vector<16xf32>
        %abs3A_676 = math.absf %sub3A_675 : vector<16xf32>
        %add3A_677 = arith.addf %add3A_641, %abs3A_676 : vector<16xf32>
        %get3A_678 = arith.index_cast %add3A_615 : i32 to index
        %get3A_679 = arith.constant 96 : index
        %get3A_680 = tpu.vector_load %arg12[%get3A_678, %get3A_679] {strides = array<i32>} : memref<64x128xf32, #tpu.memory_space<vmem>>, vector<16xf32>,
        %get3A_681 = arith.index_cast %add3A_615 : i32 to index
        %get3A_682 = arith.constant 96 : index
        %get3A_683 = tpu.vector_load %arg15[%get3A_681, %get3A_682] {strides = array<i32>} : memref<64x128xf32, #tpu.memory_space<vmem>>, vector<16xf32>,
        %sub3A_684 = arith.subf %get3A_680, %get3A_683 : vector<16xf32>
        %abs3A_685 = math.absf %sub3A_684 : vector<16xf32>
        %add3A_686 = arith.addf %add3A_650, %abs3A_685 : vector<16xf32>
        %get3A_687 = arith.index_cast %add3A_615 : i32 to index
        %get3A_688 = arith.constant 112 : index
        %get3A_689 = tpu.vector_load %arg12[%get3A_687, %get3A_688] {strides = array<i32>} : memref<64x128xf32, #tpu.memory_space<vmem>>, vector<16xf32>,
        %get3A_690 = arith.index_cast %add3A_615 : i32 to index
        %get3A_691 = arith.constant 112 : index
        %get3A_692 = tpu.vector_load %arg15[%get3A_690, %get3A_691] {strides = array<i32>} : memref<64x128xf32, #tpu.memory_space<vmem>>, vector<16xf32>,
        %sub3A_693 = arith.subf %get3A_689, %get3A_692 : vector<16xf32>
        %abs3A_694 = math.absf %sub3A_693 : vector<16xf32>
        %add3A_695 = arith.addf %add3A_659, %abs3A_694 : vector<16xf32>
        %add3A_696 = arith.addf %add3A_668, %add3A_677 : vector<16xf32>
        %add3A_697 = arith.addf %add3A_686, %add3A_695 : vector<16xf32>
        %add3A_698 = arith.addf %add3A_696, %add3A_697 : vector<16xf32>
        %reduce_sum3A_699 = arith.constant true
        %reduce_sum3A_700 = vector.broadcast %reduce_sum3A_699 : i1 to vector<16xi1>
        %reduce_sum3A_701 = tpu.scan <sum>, %add3A_698 masked %reduce_sum3A_700 : vector<16xf32>, vector<16xi1> -> vector<16xf32>
        %reduce_sum3A_702 = vector.extract %reduce_sum3A_701[15] : f32 from vector<16xf32>
        %eq3A_703 = vector.broadcast %add3A_614 : i32 to vector<16xi32>
        %eq3A_704 = arith.cmpi eq, %iota3A, %eq3A_703 : vector<16xi32>
        %sub3A_705 = arith.constant 1.200000e+01 : f32
        %sub3A_706 = arith.subf %sub3A_705, %reduce_sum3A_702 : f32
        %broadcast_in_dim3A_707 = vector.broadcast %sub3A_706 : f32 to vector<16xf32>
        %select_n3A_708 = arith.select %eq3A_704, %broadcast_in_dim3A_707, %select_n3A_610 : vector<16xi1>, vector<16xf32>
        scf.yield %select_n3A_708 : vector<16xf32>
      }
      %scan3A_316 = arith.constant 4 : i32
      %add3A_317 = arith.constant 320 : i32
      %add3A_318 = arith.addi %add3A_317, %mul3A_309 : i32
      %swap3A = arith.index_cast %add3A_318 : i32 to index
      %swap3A_319 = tpu.vector_load %arg16[%swap3A] {strides = array<i32>} : memref<512xf32, #tpu.memory_space<vmem>>, vector<16xf32>,
      tpu.vector_store %arg16[%swap3A], %scan3A_315 {strides = array<i32>} : memref<512xf32, #tpu.memory_space<vmem>>, vector<16xf32>,
    }
    %scan3A_264 = arith.constant 4 : i32
    %dma_wait3A_265 = arith.constant 448 : i32
    %dma_wait3A_266 = tpu.memref_slice %arg7[%dma_wait3A_265] : memref<512xi32, #tpu.memory_space<vmem>> -> memref<64xi32, #tpu.memory_space<vmem>>
    %dma_wait3A_267 = arith.constant 0 : i32
    %dma_wait3A_268 = arith.constant 0 : i32
    %dma_wait3A_269 = tpu.memref_slice %arg2[%dma_wait3A_267, %dma_wait3A_268] : memref<100000x128xf32, #tpu.memory_space<hbm>> -> memref<100000x128xf32, #tpu.memory_space<hbm>>
    tpu.wait_indirect_dma semaphore(%arg19 : memref<!tpu.dma_semaphore, #tpu.memory_space<semaphore_mem>>) src(%dma_wait3A_269 : memref<100000x128xf32, #tpu.memory_space<hbm>>) dst(%arg11 : memref<64x128xf32, #tpu.memory_space<vmem>>)
    %dma_start3A_270 = arith.constant 448 : i32
    %dma_start3A_271 = tpu.memref_slice %arg8[%dma_start3A_270] : memref<512xi32, #tpu.memory_space<vmem>> -> memref<64xi32, #tpu.memory_space<vmem>>
    %dma_start3A_272 = arith.constant 0 : i32
    %dma_start3A_273 = arith.constant 0 : i32
    %dma_start3A_274 = tpu.memref_slice %arg17[%dma_start3A_272, %dma_start3A_273] : memref<1000x128xf32, #tpu.memory_space<vmem_shared>> -> memref<1000x128xf32, #tpu.memory_space<vmem_shared>>
    tpu.enqueue_indirect_dma source(%dma_start3A_274 : memref<1000x128xf32, #tpu.memory_space<vmem_shared>>) target(%arg11 : memref<64x128xf32, #tpu.memory_space<vmem>>) offsets(%dma_start3A_271 : memref<64xi32, #tpu.memory_space<vmem>>) semaphore(%arg19 : memref<!tpu.dma_semaphore, #tpu.memory_space<semaphore_mem>>) {add = true}
    %dma_wait3A_275 = arith.constant 384 : i32
    %dma_wait3A_276 = tpu.memref_slice %arg8[%dma_wait3A_275] : memref<512xi32, #tpu.memory_space<vmem>> -> memref<64xi32, #tpu.memory_space<vmem>>
    %dma_wait3A_277 = arith.constant 0 : i32
    %dma_wait3A_278 = arith.constant 0 : i32
    %dma_wait3A_279 = tpu.memref_slice %arg17[%dma_wait3A_277, %dma_wait3A_278] : memref<1000x128xf32, #tpu.memory_space<vmem_shared>> -> memref<1000x128xf32, #tpu.memory_space<vmem_shared>>
    tpu.wait_indirect_dma semaphore(%arg18 : memref<!tpu.dma_semaphore, #tpu.memory_space<semaphore_mem>>) src(%dma_wait3A_279 : memref<1000x128xf32, #tpu.memory_space<vmem_shared>>) dst(%arg10 : memref<64x128xf32, #tpu.memory_space<vmem>>)
    %dma_wait3A_280 = arith.constant 384 : i32
    %dma_wait3A_281 = tpu.memref_slice %arg9[%dma_wait3A_280] : memref<512xi32, #tpu.memory_space<vmem>> -> memref<64xi32, #tpu.memory_space<vmem>>
    %dma_wait3A_282 = arith.constant 0 : i32
    %dma_wait3A_283 = arith.constant 0 : i32
    %dma_wait3A_284 = tpu.memref_slice %arg2[%dma_wait3A_282, %dma_wait3A_283] : memref<100000x128xf32, #tpu.memory_space<hbm>> -> memref<100000x128xf32, #tpu.memory_space<hbm>>
    tpu.wait_indirect_dma semaphore(%arg21 : memref<!tpu.dma_semaphore, #tpu.memory_space<semaphore_mem>>) src(%dma_wait3A_284 : memref<100000x128xf32, #tpu.memory_space<hbm>>) dst(%arg13 : memref<64x128xf32, #tpu.memory_space<vmem>>)
    %scan3A_285 = arith.constant 0 : i32
    %scan3A_286 = arith.constant 0 : i32
    %scan3A_287 = arith.constant 4 : i32
    %scan3A_288 = arith.addi %scan3A_286, %scan3A_287 : i32
    %scan3A_289 = arith.constant 1 : i32
    scf.for %scan3A_307 = %scan3A_286 to %scan3A_288 step %scan3A_289  : i32 {
      %mul3A_308 = arith.constant 16 : i32
      %mul3A_309 = arith.muli %scan3A_307, %mul3A_308 : i32
      %broadcast_in_dim3A = arith.constant 0.000000e+00 : f32
      %broadcast_in_dim3A_310 = vector.broadcast %broadcast_in_dim3A : f32 to vector<16xf32>
      %scan3A_311 = arith.constant 0 : i32
      %scan3A_312 = arith.constant 4 : i32
      %scan3A_313 = arith.addi %scan3A_311, %scan3A_312 : i32
      %scan3A_314 = arith.constant 1 : i32
      %scan3A_315 = scf.for %scan3A_320 = %scan3A_311 to %scan3A_313 step %scan3A_314 iter_args(%scan3A_321 = %broadcast_in_dim3A_310) -> (vector<16xf32>)  : i32 {
        %mul3A_322 = arith.constant 4 : i32
        %mul3A_323 = arith.muli %scan3A_320, %mul3A_322 : i32
        %add3A_324 = arith.constant 0 : i32
        %add3A_325 = arith.addi %mul3A_323, %add3A_324 : i32
        %add3A_326 = arith.addi %mul3A_309, %add3A_325 : i32
        %broadcast_in_dim3A_327 = arith.constant 0.000000e+00 : f32
        %broadcast_in_dim3A_328 = vector.broadcast %broadcast_in_dim3A_327 : f32 to vector<16xf32>
        %broadcast_in_dim3A_329 = arith.constant 0.000000e+00 : f32
        %broadcast_in_dim3A_330 = vector.broadcast %broadcast_in_dim3A_329 : f32 to vector<16xf32>
        %broadcast_in_dim3A_331 = arith.constant 0.000000e+00 : f32
        %broadcast_in_dim3A_332 = vector.broadcast %broadcast_in_dim3A_331 : f32 to vector<16xf32>
        %broadcast_in_dim3A_333 = arith.constant 0.000000e+00 : f32
        %broadcast_in_dim3A_334 = vector.broadcast %broadcast_in_dim3A_333 : f32 to vector<16xf32>
        %get3A = arith.index_cast %add3A_326 : i32 to index
        %get3A_335 = arith.constant 0 : index
        %get3A_336 = tpu.vector_load %arg10[%get3A, %get3A_335] {strides = array<i32>} : memref<64x128xf32, #tpu.memory_space<vmem>>, vector<16xf32>,
        %get3A_337 = arith.index_cast %add3A_326 : i32 to index
        %get3A_338 = arith.constant 0 : index
        %get3A_339 = tpu.vector_load %arg13[%get3A_337, %get3A_338] {strides = array<i32>} : memref<64x128xf32, #tpu.memory_space<vmem>>, vector<16xf32>,
        %sub3A = arith.subf %get3A_336, %get3A_339 : vector<16xf32>
        %abs3A = math.absf %sub3A : vector<16xf32>
        %add3A_340 = arith.addf %broadcast_in_dim3A_328, %abs3A : vector<16xf32>
        %get3A_341 = arith.index_cast %add3A_326 : i32 to index
        %get3A_342 = arith.constant 16 : index
        %get3A_343 = tpu.vector_load %arg10[%get3A_341, %get3A_342] {strides = array<i32>} : memref<64x128xf32, #tpu.memory_space<vmem>>, vector<16xf32>,
        %get3A_344 = arith.index_cast %add3A_326 : i32 to index
        %get3A_345 = arith.constant 16 : index
        %get3A_346 = tpu.vector_load %arg13[%get3A_344, %get3A_345] {strides = array<i32>} : memref<64x128xf32, #tpu.memory_space<vmem>>, vector<16xf32>,
        %sub3A_347 = arith.subf %get3A_343, %get3A_346 : vector<16xf32>
        %abs3A_348 = math.absf %sub3A_347 : vector<16xf32>
        %add3A_349 = arith.addf %broadcast_in_dim3A_330, %abs3A_348 : vector<16xf32>
        %get3A_350 = arith.index_cast %add3A_326 : i32 to index
        %get3A_351 = arith.constant 32 : index
        %get3A_352 = tpu.vector_load %arg10[%get3A_350, %get3A_351] {strides = array<i32>} : memref<64x128xf32, #tpu.memory_space<vmem>>, vector<16xf32>,
        %get3A_353 = arith.index_cast %add3A_326 : i32 to index
        %get3A_354 = arith.constant 32 : index
        %get3A_355 = tpu.vector_load %arg13[%get3A_353, %get3A_354] {strides = array<i32>} : memref<64x128xf32, #tpu.memory_space<vmem>>, vector<16xf32>,
        %sub3A_356 = arith.subf %get3A_352, %get3A_355 : vector<16xf32>
        %abs3A_357 = math.absf %sub3A_356 : vector<16xf32>
        %add3A_358 = arith.addf %broadcast_in_dim3A_332, %abs3A_357 : vector<16xf32>
        %get3A_359 = arith.index_cast %add3A_326 : i32 to index
        %get3A_360 = arith.constant 48 : index
        %get3A_361 = tpu.vector_load %arg10[%get3A_359, %get3A_360] {strides = array<i32>} : memref<64x128xf32, #tpu.memory_space<vmem>>, vector<16xf32>,
        %get3A_362 = arith.index_cast %add3A_326 : i32 to index
        %get3A_363 = arith.constant 48 : index
        %get3A_364 = tpu.vector_load %arg13[%get3A_362, %get3A_363] {strides = array<i32>} : memref<64x128xf32, #tpu.memory_space<vmem>>, vector<16xf32>,
        %sub3A_365 = arith.subf %get3A_361, %get3A_364 : vector<16xf32>
        %abs3A_366 = math.absf %sub3A_365 : vector<16xf32>
        %add3A_367 = arith.addf %broadcast_in_dim3A_334, %abs3A_366 : vector<16xf32>
        %get3A_368 = arith.index_cast %add3A_326 : i32 to index
        %get3A_369 = arith.constant 64 : index
        %get3A_370 = tpu.vector_load %arg10[%get3A_368, %get3A_369] {strides = array<i32>} : memref<64x128xf32, #tpu.memory_space<vmem>>, vector<16xf32>,
        %get3A_371 = arith.index_cast %add3A_326 : i32 to index
        %get3A_372 = arith.constant 64 : index
        %get3A_373 = tpu.vector_load %arg13[%get3A_371, %get3A_372] {strides = array<i32>} : memref<64x128xf32, #tpu.memory_space<vmem>>, vector<16xf32>,
        %sub3A_374 = arith.subf %get3A_370, %get3A_373 : vector<16xf32>
        %abs3A_375 = math.absf %sub3A_374 : vector<16xf32>
        %add3A_376 = arith.addf %add3A_340, %abs3A_375 : vector<16xf32>
        %get3A_377 = arith.index_cast %add3A_326 : i32 to index
        %get3A_378 = arith.constant 80 : index
        %get3A_379 = tpu.vector_load %arg10[%get3A_377, %get3A_378] {strides = array<i32>} : memref<64x128xf32, #tpu.memory_space<vmem>>, vector<16xf32>,
        %get3A_380 = arith.index_cast %add3A_326 : i32 to index
        %get3A_381 = arith.constant 80 : index
        %get3A_382 = tpu.vector_load %arg13[%get3A_380, %get3A_381] {strides = array<i32>} : memref<64x128xf32, #tpu.memory_space<vmem>>, vector<16xf32>,
        %sub3A_383 = arith.subf %get3A_379, %get3A_382 : vector<16xf32>
        %abs3A_384 = math.absf %sub3A_383 : vector<16xf32>
        %add3A_385 = arith.addf %add3A_349, %abs3A_384 : vector<16xf32>
        %get3A_386 = arith.index_cast %add3A_326 : i32 to index
        %get3A_387 = arith.constant 96 : index
        %get3A_388 = tpu.vector_load %arg10[%get3A_386, %get3A_387] {strides = array<i32>} : memref<64x128xf32, #tpu.memory_space<vmem>>, vector<16xf32>,
        %get3A_389 = arith.index_cast %add3A_326 : i32 to index
        %get3A_390 = arith.constant 96 : index
        %get3A_391 = tpu.vector_load %arg13[%get3A_389, %get3A_390] {strides = array<i32>} : memref<64x128xf32, #tpu.memory_space<vmem>>, vector<16xf32>,
        %sub3A_392 = arith.subf %get3A_388, %get3A_391 : vector<16xf32>
        %abs3A_393 = math.absf %sub3A_392 : vector<16xf32>
        %add3A_394 = arith.addf %add3A_358, %abs3A_393 : vector<16xf32>
        %get3A_395 = arith.index_cast %add3A_326 : i32 to index
        %get3A_396 = arith.constant 112 : index
        %get3A_397 = tpu.vector_load %arg10[%get3A_395, %get3A_396] {strides = array<i32>} : memref<64x128xf32, #tpu.memory_space<vmem>>, vector<16xf32>,
        %get3A_398 = arith.index_cast %add3A_326 : i32 to index
        %get3A_399 = arith.constant 112 : index
        %get3A_400 = tpu.vector_load %arg13[%get3A_398, %get3A_399] {strides = array<i32>} : memref<64x128xf32, #tpu.memory_space<vmem>>, vector<16xf32>,
        %sub3A_401 = arith.subf %get3A_397, %get3A_400 : vector<16xf32>
        %abs3A_402 = math.absf %sub3A_401 : vector<16xf32>
        %add3A_403 = arith.addf %add3A_367, %abs3A_402 : vector<16xf32>
        %add3A_404 = arith.addf %add3A_376, %add3A_385 : vector<16xf32>
        %add3A_405 = arith.addf %add3A_394, %add3A_403 : vector<16xf32>
        %add3A_406 = arith.addf %add3A_404, %add3A_405 : vector<16xf32>
        %reduce_sum3A = arith.constant true
        %reduce_sum3A_407 = vector.broadcast %reduce_sum3A : i1 to vector<16xi1>
        %reduce_sum3A_408 = tpu.scan <sum>, %add3A_406 masked %reduce_sum3A_407 : vector<16xf32>, vector<16xi1> -> vector<16xf32>
        %reduce_sum3A_409 = vector.extract %reduce_sum3A_408[15] : f32 from vector<16xf32>
        %eq3A_410 = vector.broadcast %add3A_325 : i32 to vector<16xi32>
        %eq3A_411 = arith.cmpi eq, %iota3A, %eq3A_410 : vector<16xi32>
        %sub3A_412 = arith.constant 1.200000e+01 : f32
        %sub3A_413 = arith.subf %sub3A_412, %reduce_sum3A_409 : f32
        %broadcast_in_dim3A_414 = vector.broadcast %sub3A_413 : f32 to vector<16xf32>
        %select_n3A = arith.select %eq3A_411, %broadcast_in_dim3A_414, %scan3A_321 : vector<16xi1>, vector<16xf32>
        %mul3A_415 = arith.constant 4 : i32
        %mul3A_416 = arith.muli %scan3A_320, %mul3A_415 : i32
        %add3A_417 = arith.constant 1 : i32
        %add3A_418 = arith.addi %mul3A_416, %add3A_417 : i32
        %add3A_419 = arith.addi %mul3A_309, %add3A_418 : i32
        %broadcast_in_dim3A_420 = arith.constant 0.000000e+00 : f32
        %broadcast_in_dim3A_421 = vector.broadcast %broadcast_in_dim3A_420 : f32 to vector<16xf32>
        %broadcast_in_dim3A_422 = arith.constant 0.000000e+00 : f32
        %broadcast_in_dim3A_423 = vector.broadcast %broadcast_in_dim3A_422 : f32 to vector<16xf32>
        %broadcast_in_dim3A_424 = arith.constant 0.000000e+00 : f32
        %broadcast_in_dim3A_425 = vector.broadcast %broadcast_in_dim3A_424 : f32 to vector<16xf32>
        %broadcast_in_dim3A_426 = arith.constant 0.000000e+00 : f32
        %broadcast_in_dim3A_427 = vector.broadcast %broadcast_in_dim3A_426 : f32 to vector<16xf32>
        %get3A_428 = arith.index_cast %add3A_419 : i32 to index
        %get3A_429 = arith.constant 0 : index
        %get3A_430 = tpu.vector_load %arg10[%get3A_428, %get3A_429] {strides = array<i32>} : memref<64x128xf32, #tpu.memory_space<vmem>>, vector<16xf32>,
        %get3A_431 = arith.index_cast %add3A_419 : i32 to index
        %get3A_432 = arith.constant 0 : index
        %get3A_433 = tpu.vector_load %arg13[%get3A_431, %get3A_432] {strides = array<i32>} : memref<64x128xf32, #tpu.memory_space<vmem>>, vector<16xf32>,
        %sub3A_434 = arith.subf %get3A_430, %get3A_433 : vector<16xf32>
        %abs3A_435 = math.absf %sub3A_434 : vector<16xf32>
        %add3A_436 = arith.addf %broadcast_in_dim3A_421, %abs3A_435 : vector<16xf32>
        %get3A_437 = arith.index_cast %add3A_419 : i32 to index
        %get3A_438 = arith.constant 16 : index
        %get3A_439 = tpu.vector_load %arg10[%get3A_437, %get3A_438] {strides = array<i32>} : memref<64x128xf32, #tpu.memory_space<vmem>>, vector<16xf32>,
        %get3A_440 = arith.index_cast %add3A_419 : i32 to index
        %get3A_441 = arith.constant 16 : index
        %get3A_442 = tpu.vector_load %arg13[%get3A_440, %get3A_441] {strides = array<i32>} : memref<64x128xf32, #tpu.memory_space<vmem>>, vector<16xf32>,
        %sub3A_443 = arith.subf %get3A_439, %get3A_442 : vector<16xf32>
        %abs3A_444 = math.absf %sub3A_443 : vector<16xf32>
        %add3A_445 = arith.addf %broadcast_in_dim3A_423, %abs3A_444 : vector<16xf32>
        %get3A_446 = arith.index_cast %add3A_419 : i32 to index
        %get3A_447 = arith.constant 32 : index
        %get3A_448 = tpu.vector_load %arg10[%get3A_446, %get3A_447] {strides = array<i32>} : memref<64x128xf32, #tpu.memory_space<vmem>>, vector<16xf32>,
        %get3A_449 = arith.index_cast %add3A_419 : i32 to index
        %get3A_450 = arith.constant 32 : index
        %get3A_451 = tpu.vector_load %arg13[%get3A_449, %get3A_450] {strides = array<i32>} : memref<64x128xf32, #tpu.memory_space<vmem>>, vector<16xf32>,
        %sub3A_452 = arith.subf %get3A_448, %get3A_451 : vector<16xf32>
        %abs3A_453 = math.absf %sub3A_452 : vector<16xf32>
        %add3A_454 = arith.addf %broadcast_in_dim3A_425, %abs3A_453 : vector<16xf32>
        %get3A_455 = arith.index_cast %add3A_419 : i32 to index
        %get3A_456 = arith.constant 48 : index
        %get3A_457 = tpu.vector_load %arg10[%get3A_455, %get3A_456] {strides = array<i32>} : memref<64x128xf32, #tpu.memory_space<vmem>>, vector<16xf32>,
        %get3A_458 = arith.index_cast %add3A_419 : i32 to index
        %get3A_459 = arith.constant 48 : index
        %get3A_460 = tpu.vector_load %arg13[%get3A_458, %get3A_459] {strides = array<i32>} : memref<64x128xf32, #tpu.memory_space<vmem>>, vector<16xf32>,
        %sub3A_461 = arith.subf %get3A_457, %get3A_460 : vector<16xf32>
        %abs3A_462 = math.absf %sub3A_461 : vector<16xf32>
        %add3A_463 = arith.addf %broadcast_in_dim3A_427, %abs3A_462 : vector<16xf32>
        %get3A_464 = arith.index_cast %add3A_419 : i32 to index
        %get3A_465 = arith.constant 64 : index
        %get3A_466 = tpu.vector_load %arg10[%get3A_464, %get3A_465] {strides = array<i32>} : memref<64x128xf32, #tpu.memory_space<vmem>>, vector<16xf32>,
        %get3A_467 = arith.index_cast %add3A_419 : i32 to index
        %get3A_468 = arith.constant 64 : index
        %get3A_469 = tpu.vector_load %arg13[%get3A_467, %get3A_468] {strides = array<i32>} : memref<64x128xf32, #tpu.memory_space<vmem>>, vector<16xf32>,
        %sub3A_470 = arith.subf %get3A_466, %get3A_469 : vector<16xf32>
        %abs3A_471 = math.absf %sub3A_470 : vector<16xf32>
        %add3A_472 = arith.addf %add3A_436, %abs3A_471 : vector<16xf32>
        %get3A_473 = arith.index_cast %add3A_419 : i32 to index
        %get3A_474 = arith.constant 80 : index
        %get3A_475 = tpu.vector_load %arg10[%get3A_473, %get3A_474] {strides = array<i32>} : memref<64x128xf32, #tpu.memory_space<vmem>>, vector<16xf32>,
        %get3A_476 = arith.index_cast %add3A_419 : i32 to index
        %get3A_477 = arith.constant 80 : index
        %get3A_478 = tpu.vector_load %arg13[%get3A_476, %get3A_477] {strides = array<i32>} : memref<64x128xf32, #tpu.memory_space<vmem>>, vector<16xf32>,
        %sub3A_479 = arith.subf %get3A_475, %get3A_478 : vector<16xf32>
        %abs3A_480 = math.absf %sub3A_479 : vector<16xf32>
        %add3A_481 = arith.addf %add3A_445, %abs3A_480 : vector<16xf32>
        %get3A_482 = arith.index_cast %add3A_419 : i32 to index
        %get3A_483 = arith.constant 96 : index
        %get3A_484 = tpu.vector_load %arg10[%get3A_482, %get3A_483] {strides = array<i32>} : memref<64x128xf32, #tpu.memory_space<vmem>>, vector<16xf32>,
        %get3A_485 = arith.index_cast %add3A_419 : i32 to index
        %get3A_486 = arith.constant 96 : index
        %get3A_487 = tpu.vector_load %arg13[%get3A_485, %get3A_486] {strides = array<i32>} : memref<64x128xf32, #tpu.memory_space<vmem>>, vector<16xf32>,
        %sub3A_488 = arith.subf %get3A_484, %get3A_487 : vector<16xf32>
        %abs3A_489 = math.absf %sub3A_488 : vector<16xf32>
        %add3A_490 = arith.addf %add3A_454, %abs3A_489 : vector<16xf32>
        %get3A_491 = arith.index_cast %add3A_419 : i32 to index
        %get3A_492 = arith.constant 112 : index
        %get3A_493 = tpu.vector_load %arg10[%get3A_491, %get3A_492] {strides = array<i32>} : memref<64x128xf32, #tpu.memory_space<vmem>>, vector<16xf32>,
        %get3A_494 = arith.index_cast %add3A_419 : i32 to index
        %get3A_495 = arith.constant 112 : index
        %get3A_496 = tpu.vector_load %arg13[%get3A_494, %get3A_495] {strides = array<i32>} : memref<64x128xf32, #tpu.memory_space<vmem>>, vector<16xf32>,
        %sub3A_497 = arith.subf %get3A_493, %get3A_496 : vector<16xf32>
        %abs3A_498 = math.absf %sub3A_497 : vector<16xf32>
        %add3A_499 = arith.addf %add3A_463, %abs3A_498 : vector<16xf32>
        %add3A_500 = arith.addf %add3A_472, %add3A_481 : vector<16xf32>
        %add3A_501 = arith.addf %add3A_490, %add3A_499 : vector<16xf32>
        %add3A_502 = arith.addf %add3A_500, %add3A_501 : vector<16xf32>
        %reduce_sum3A_503 = arith.constant true
        %reduce_sum3A_504 = vector.broadcast %reduce_sum3A_503 : i1 to vector<16xi1>
        %reduce_sum3A_505 = tpu.scan <sum>, %add3A_502 masked %reduce_sum3A_504 : vector<16xf32>, vector<16xi1> -> vector<16xf32>
        %reduce_sum3A_506 = vector.extract %reduce_sum3A_505[15] : f32 from vector<16xf32>
        %eq3A_507 = vector.broadcast %add3A_418 : i32 to vector<16xi32>
        %eq3A_508 = arith.cmpi eq, %iota3A, %eq3A_507 : vector<16xi32>
        %sub3A_509 = arith.constant 1.200000e+01 : f32
        %sub3A_510 = arith.subf %sub3A_509, %reduce_sum3A_506 : f32
        %broadcast_in_dim3A_511 = vector.broadcast %sub3A_510 : f32 to vector<16xf32>
        %select_n3A_512 = arith.select %eq3A_508, %broadcast_in_dim3A_511, %select_n3A : vector<16xi1>, vector<16xf32>
        %mul3A_513 = arith.constant 4 : i32
        %mul3A_514 = arith.muli %scan3A_320, %mul3A_513 : i32
        %add3A_515 = arith.constant 2 : i32
        %add3A_516 = arith.addi %mul3A_514, %add3A_515 : i32
        %add3A_517 = arith.addi %mul3A_309, %add3A_516 : i32
        %broadcast_in_dim3A_518 = arith.constant 0.000000e+00 : f32
        %broadcast_in_dim3A_519 = vector.broadcast %broadcast_in_dim3A_518 : f32 to vector<16xf32>
        %broadcast_in_dim3A_520 = arith.constant 0.000000e+00 : f32
        %broadcast_in_dim3A_521 = vector.broadcast %broadcast_in_dim3A_520 : f32 to vector<16xf32>
        %broadcast_in_dim3A_522 = arith.constant 0.000000e+00 : f32
        %broadcast_in_dim3A_523 = vector.broadcast %broadcast_in_dim3A_522 : f32 to vector<16xf32>
        %broadcast_in_dim3A_524 = arith.constant 0.000000e+00 : f32
        %broadcast_in_dim3A_525 = vector.broadcast %broadcast_in_dim3A_524 : f32 to vector<16xf32>
        %get3A_526 = arith.index_cast %add3A_517 : i32 to index
        %get3A_527 = arith.constant 0 : index
        %get3A_528 = tpu.vector_load %arg10[%get3A_526, %get3A_527] {strides = array<i32>} : memref<64x128xf32, #tpu.memory_space<vmem>>, vector<16xf32>,
        %get3A_529 = arith.index_cast %add3A_517 : i32 to index
        %get3A_530 = arith.constant 0 : index
        %get3A_531 = tpu.vector_load %arg13[%get3A_529, %get3A_530] {strides = array<i32>} : memref<64x128xf32, #tpu.memory_space<vmem>>, vector<16xf32>,
        %sub3A_532 = arith.subf %get3A_528, %get3A_531 : vector<16xf32>
        %abs3A_533 = math.absf %sub3A_532 : vector<16xf32>
        %add3A_534 = arith.addf %broadcast_in_dim3A_519, %abs3A_533 : vector<16xf32>
        %get3A_535 = arith.index_cast %add3A_517 : i32 to index
        %get3A_536 = arith.constant 16 : index
        %get3A_537 = tpu.vector_load %arg10[%get3A_535, %get3A_536] {strides = array<i32>} : memref<64x128xf32, #tpu.memory_space<vmem>>, vector<16xf32>,
        %get3A_538 = arith.index_cast %add3A_517 : i32 to index
        %get3A_539 = arith.constant 16 : index
        %get3A_540 = tpu.vector_load %arg13[%get3A_538, %get3A_539] {strides = array<i32>} : memref<64x128xf32, #tpu.memory_space<vmem>>, vector<16xf32>,
        %sub3A_541 = arith.subf %get3A_537, %get3A_540 : vector<16xf32>
        %abs3A_542 = math.absf %sub3A_541 : vector<16xf32>
        %add3A_543 = arith.addf %broadcast_in_dim3A_521, %abs3A_542 : vector<16xf32>
        %get3A_544 = arith.index_cast %add3A_517 : i32 to index
        %get3A_545 = arith.constant 32 : index
        %get3A_546 = tpu.vector_load %arg10[%get3A_544, %get3A_545] {strides = array<i32>} : memref<64x128xf32, #tpu.memory_space<vmem>>, vector<16xf32>,
        %get3A_547 = arith.index_cast %add3A_517 : i32 to index
        %get3A_548 = arith.constant 32 : index
        %get3A_549 = tpu.vector_load %arg13[%get3A_547, %get3A_548] {strides = array<i32>} : memref<64x128xf32, #tpu.memory_space<vmem>>, vector<16xf32>,
        %sub3A_550 = arith.subf %get3A_546, %get3A_549 : vector<16xf32>
        %abs3A_551 = math.absf %sub3A_550 : vector<16xf32>
        %add3A_552 = arith.addf %broadcast_in_dim3A_523, %abs3A_551 : vector<16xf32>
        %get3A_553 = arith.index_cast %add3A_517 : i32 to index
        %get3A_554 = arith.constant 48 : index
        %get3A_555 = tpu.vector_load %arg10[%get3A_553, %get3A_554] {strides = array<i32>} : memref<64x128xf32, #tpu.memory_space<vmem>>, vector<16xf32>,
        %get3A_556 = arith.index_cast %add3A_517 : i32 to index
        %get3A_557 = arith.constant 48 : index
        %get3A_558 = tpu.vector_load %arg13[%get3A_556, %get3A_557] {strides = array<i32>} : memref<64x128xf32, #tpu.memory_space<vmem>>, vector<16xf32>,
        %sub3A_559 = arith.subf %get3A_555, %get3A_558 : vector<16xf32>
        %abs3A_560 = math.absf %sub3A_559 : vector<16xf32>
        %add3A_561 = arith.addf %broadcast_in_dim3A_525, %abs3A_560 : vector<16xf32>
        %get3A_562 = arith.index_cast %add3A_517 : i32 to index
        %get3A_563 = arith.constant 64 : index
        %get3A_564 = tpu.vector_load %arg10[%get3A_562, %get3A_563] {strides = array<i32>} : memref<64x128xf32, #tpu.memory_space<vmem>>, vector<16xf32>,
        %get3A_565 = arith.index_cast %add3A_517 : i32 to index
        %get3A_566 = arith.constant 64 : index
        %get3A_567 = tpu.vector_load %arg13[%get3A_565, %get3A_566] {strides = array<i32>} : memref<64x128xf32, #tpu.memory_space<vmem>>, vector<16xf32>,
        %sub3A_568 = arith.subf %get3A_564, %get3A_567 : vector<16xf32>
        %abs3A_569 = math.absf %sub3A_568 : vector<16xf32>
        %add3A_570 = arith.addf %add3A_534, %abs3A_569 : vector<16xf32>
        %get3A_571 = arith.index_cast %add3A_517 : i32 to index
        %get3A_572 = arith.constant 80 : index
        %get3A_573 = tpu.vector_load %arg10[%get3A_571, %get3A_572] {strides = array<i32>} : memref<64x128xf32, #tpu.memory_space<vmem>>, vector<16xf32>,
        %get3A_574 = arith.index_cast %add3A_517 : i32 to index
        %get3A_575 = arith.constant 80 : index
        %get3A_576 = tpu.vector_load %arg13[%get3A_574, %get3A_575] {strides = array<i32>} : memref<64x128xf32, #tpu.memory_space<vmem>>, vector<16xf32>,
        %sub3A_577 = arith.subf %get3A_573, %get3A_576 : vector<16xf32>
        %abs3A_578 = math.absf %sub3A_577 : vector<16xf32>
        %add3A_579 = arith.addf %add3A_543, %abs3A_578 : vector<16xf32>
        %get3A_580 = arith.index_cast %add3A_517 : i32 to index
        %get3A_581 = arith.constant 96 : index
        %get3A_582 = tpu.vector_load %arg10[%get3A_580, %get3A_581] {strides = array<i32>} : memref<64x128xf32, #tpu.memory_space<vmem>>, vector<16xf32>,
        %get3A_583 = arith.index_cast %add3A_517 : i32 to index
        %get3A_584 = arith.constant 96 : index
        %get3A_585 = tpu.vector_load %arg13[%get3A_583, %get3A_584] {strides = array<i32>} : memref<64x128xf32, #tpu.memory_space<vmem>>, vector<16xf32>,
        %sub3A_586 = arith.subf %get3A_582, %get3A_585 : vector<16xf32>
        %abs3A_587 = math.absf %sub3A_586 : vector<16xf32>
        %add3A_588 = arith.addf %add3A_552, %abs3A_587 : vector<16xf32>
        %get3A_589 = arith.index_cast %add3A_517 : i32 to index
        %get3A_590 = arith.constant 112 : index
        %get3A_591 = tpu.vector_load %arg10[%get3A_589, %get3A_590] {strides = array<i32>} : memref<64x128xf32, #tpu.memory_space<vmem>>, vector<16xf32>,
        %get3A_592 = arith.index_cast %add3A_517 : i32 to index
        %get3A_593 = arith.constant 112 : index
        %get3A_594 = tpu.vector_load %arg13[%get3A_592, %get3A_593] {strides = array<i32>} : memref<64x128xf32, #tpu.memory_space<vmem>>, vector<16xf32>,
        %sub3A_595 = arith.subf %get3A_591, %get3A_594 : vector<16xf32>
        %abs3A_596 = math.absf %sub3A_595 : vector<16xf32>
        %add3A_597 = arith.addf %add3A_561, %abs3A_596 : vector<16xf32>
        %add3A_598 = arith.addf %add3A_570, %add3A_579 : vector<16xf32>
        %add3A_599 = arith.addf %add3A_588, %add3A_597 : vector<16xf32>
        %add3A_600 = arith.addf %add3A_598, %add3A_599 : vector<16xf32>
        %reduce_sum3A_601 = arith.constant true
        %reduce_sum3A_602 = vector.broadcast %reduce_sum3A_601 : i1 to vector<16xi1>
        %reduce_sum3A_603 = tpu.scan <sum>, %add3A_600 masked %reduce_sum3A_602 : vector<16xf32>, vector<16xi1> -> vector<16xf32>
        %reduce_sum3A_604 = vector.extract %reduce_sum3A_603[15] : f32 from vector<16xf32>
        %eq3A_605 = vector.broadcast %add3A_516 : i32 to vector<16xi32>
        %eq3A_606 = arith.cmpi eq, %iota3A, %eq3A_605 : vector<16xi32>
        %sub3A_607 = arith.constant 1.200000e+01 : f32
        %sub3A_608 = arith.subf %sub3A_607, %reduce_sum3A_604 : f32
        %broadcast_in_dim3A_609 = vector.broadcast %sub3A_608 : f32 to vector<16xf32>
        %select_n3A_610 = arith.select %eq3A_606, %broadcast_in_dim3A_609, %select_n3A_512 : vector<16xi1>, vector<16xf32>
        %mul3A_611 = arith.constant 4 : i32
        %mul3A_612 = arith.muli %scan3A_320, %mul3A_611 : i32
        %add3A_613 = arith.constant 3 : i32
        %add3A_614 = arith.addi %mul3A_612, %add3A_613 : i32
        %add3A_615 = arith.addi %mul3A_309, %add3A_614 : i32
        %broadcast_in_dim3A_616 = arith.constant 0.000000e+00 : f32
        %broadcast_in_dim3A_617 = vector.broadcast %broadcast_in_dim3A_616 : f32 to vector<16xf32>
        %broadcast_in_dim3A_618 = arith.constant 0.000000e+00 : f32
        %broadcast_in_dim3A_619 = vector.broadcast %broadcast_in_dim3A_618 : f32 to vector<16xf32>
        %broadcast_in_dim3A_620 = arith.constant 0.000000e+00 : f32
        %broadcast_in_dim3A_621 = vector.broadcast %broadcast_in_dim3A_620 : f32 to vector<16xf32>
        %broadcast_in_dim3A_622 = arith.constant 0.000000e+00 : f32
        %broadcast_in_dim3A_623 = vector.broadcast %broadcast_in_dim3A_622 : f32 to vector<16xf32>
        %get3A_624 = arith.index_cast %add3A_615 : i32 to index
        %get3A_625 = arith.constant 0 : index
        %get3A_626 = tpu.vector_load %arg10[%get3A_624, %get3A_625] {strides = array<i32>} : memref<64x128xf32, #tpu.memory_space<vmem>>, vector<16xf32>,
        %get3A_627 = arith.index_cast %add3A_615 : i32 to index
        %get3A_628 = arith.constant 0 : index
        %get3A_629 = tpu.vector_load %arg13[%get3A_627, %get3A_628] {strides = array<i32>} : memref<64x128xf32, #tpu.memory_space<vmem>>, vector<16xf32>,
        %sub3A_630 = arith.subf %get3A_626, %get3A_629 : vector<16xf32>
        %abs3A_631 = math.absf %sub3A_630 : vector<16xf32>
        %add3A_632 = arith.addf %broadcast_in_dim3A_617, %abs3A_631 : vector<16xf32>
        %get3A_633 = arith.index_cast %add3A_615 : i32 to index
        %get3A_634 = arith.constant 16 : index
        %get3A_635 = tpu.vector_load %arg10[%get3A_633, %get3A_634] {strides = array<i32>} : memref<64x128xf32, #tpu.memory_space<vmem>>, vector<16xf32>,
        %get3A_636 = arith.index_cast %add3A_615 : i32 to index
        %get3A_637 = arith.constant 16 : index
        %get3A_638 = tpu.vector_load %arg13[%get3A_636, %get3A_637] {strides = array<i32>} : memref<64x128xf32, #tpu.memory_space<vmem>>, vector<16xf32>,
        %sub3A_639 = arith.subf %get3A_635, %get3A_638 : vector<16xf32>
        %abs3A_640 = math.absf %sub3A_639 : vector<16xf32>
        %add3A_641 = arith.addf %broadcast_in_dim3A_619, %abs3A_640 : vector<16xf32>
        %get3A_642 = arith.index_cast %add3A_615 : i32 to index
        %get3A_643 = arith.constant 32 : index
        %get3A_644 = tpu.vector_load %arg10[%get3A_642, %get3A_643] {strides = array<i32>} : memref<64x128xf32, #tpu.memory_space<vmem>>, vector<16xf32>,
        %get3A_645 = arith.index_cast %add3A_615 : i32 to index
        %get3A_646 = arith.constant 32 : index
        %get3A_647 = tpu.vector_load %arg13[%get3A_645, %get3A_646] {strides = array<i32>} : memref<64x128xf32, #tpu.memory_space<vmem>>, vector<16xf32>,
        %sub3A_648 = arith.subf %get3A_644, %get3A_647 : vector<16xf32>
        %abs3A_649 = math.absf %sub3A_648 : vector<16xf32>
        %add3A_650 = arith.addf %broadcast_in_dim3A_621, %abs3A_649 : vector<16xf32>
        %get3A_651 = arith.index_cast %add3A_615 : i32 to index
        %get3A_652 = arith.constant 48 : index
        %get3A_653 = tpu.vector_load %arg10[%get3A_651, %get3A_652] {strides = array<i32>} : memref<64x128xf32, #tpu.memory_space<vmem>>, vector<16xf32>,
        %get3A_654 = arith.index_cast %add3A_615 : i32 to index
        %get3A_655 = arith.constant 48 : index
        %get3A_656 = tpu.vector_load %arg13[%get3A_654, %get3A_655] {strides = array<i32>} : memref<64x128xf32, #tpu.memory_space<vmem>>, vector<16xf32>,
        %sub3A_657 = arith.subf %get3A_653, %get3A_656 : vector<16xf32>
        %abs3A_658 = math.absf %sub3A_657 : vector<16xf32>
        %add3A_659 = arith.addf %broadcast_in_dim3A_623, %abs3A_658 : vector<16xf32>
        %get3A_660 = arith.index_cast %add3A_615 : i32 to index
        %get3A_661 = arith.constant 64 : index
        %get3A_662 = tpu.vector_load %arg10[%get3A_660, %get3A_661] {strides = array<i32>} : memref<64x128xf32, #tpu.memory_space<vmem>>, vector<16xf32>,
        %get3A_663 = arith.index_cast %add3A_615 : i32 to index
        %get3A_664 = arith.constant 64 : index
        %get3A_665 = tpu.vector_load %arg13[%get3A_663, %get3A_664] {strides = array<i32>} : memref<64x128xf32, #tpu.memory_space<vmem>>, vector<16xf32>,
        %sub3A_666 = arith.subf %get3A_662, %get3A_665 : vector<16xf32>
        %abs3A_667 = math.absf %sub3A_666 : vector<16xf32>
        %add3A_668 = arith.addf %add3A_632, %abs3A_667 : vector<16xf32>
        %get3A_669 = arith.index_cast %add3A_615 : i32 to index
        %get3A_670 = arith.constant 80 : index
        %get3A_671 = tpu.vector_load %arg10[%get3A_669, %get3A_670] {strides = array<i32>} : memref<64x128xf32, #tpu.memory_space<vmem>>, vector<16xf32>,
        %get3A_672 = arith.index_cast %add3A_615 : i32 to index
        %get3A_673 = arith.constant 80 : index
        %get3A_674 = tpu.vector_load %arg13[%get3A_672, %get3A_673] {strides = array<i32>} : memref<64x128xf32, #tpu.memory_space<vmem>>, vector<16xf32>,
        %sub3A_675 = arith.subf %get3A_671, %get3A_674 : vector<16xf32>
        %abs3A_676 = math.absf %sub3A_675 : vector<16xf32>
        %add3A_677 = arith.addf %add3A_641, %abs3A_676 : vector<16xf32>
        %get3A_678 = arith.index_cast %add3A_615 : i32 to index
        %get3A_679 = arith.constant 96 : index
        %get3A_680 = tpu.vector_load %arg10[%get3A_678, %get3A_679] {strides = array<i32>} : memref<64x128xf32, #tpu.memory_space<vmem>>, vector<16xf32>,
        %get3A_681 = arith.index_cast %add3A_615 : i32 to index
        %get3A_682 = arith.constant 96 : index
        %get3A_683 = tpu.vector_load %arg13[%get3A_681, %get3A_682] {strides = array<i32>} : memref<64x128xf32, #tpu.memory_space<vmem>>, vector<16xf32>,
        %sub3A_684 = arith.subf %get3A_680, %get3A_683 : vector<16xf32>
        %abs3A_685 = math.absf %sub3A_684 : vector<16xf32>
        %add3A_686 = arith.addf %add3A_650, %abs3A_685 : vector<16xf32>
        %get3A_687 = arith.index_cast %add3A_615 : i32 to index
        %get3A_688 = arith.constant 112 : index
        %get3A_689 = tpu.vector_load %arg10[%get3A_687, %get3A_688] {strides = array<i32>} : memref<64x128xf32, #tpu.memory_space<vmem>>, vector<16xf32>,
        %get3A_690 = arith.index_cast %add3A_615 : i32 to index
        %get3A_691 = arith.constant 112 : index
        %get3A_692 = tpu.vector_load %arg13[%get3A_690, %get3A_691] {strides = array<i32>} : memref<64x128xf32, #tpu.memory_space<vmem>>, vector<16xf32>,
        %sub3A_693 = arith.subf %get3A_689, %get3A_692 : vector<16xf32>
        %abs3A_694 = math.absf %sub3A_693 : vector<16xf32>
        %add3A_695 = arith.addf %add3A_659, %abs3A_694 : vector<16xf32>
        %add3A_696 = arith.addf %add3A_668, %add3A_677 : vector<16xf32>
        %add3A_697 = arith.addf %add3A_686, %add3A_695 : vector<16xf32>
        %add3A_698 = arith.addf %add3A_696, %add3A_697 : vector<16xf32>
        %reduce_sum3A_699 = arith.constant true
        %reduce_sum3A_700 = vector.broadcast %reduce_sum3A_699 : i1 to vector<16xi1>
        %reduce_sum3A_701 = tpu.scan <sum>, %add3A_698 masked %reduce_sum3A_700 : vector<16xf32>, vector<16xi1> -> vector<16xf32>
        %reduce_sum3A_702 = vector.extract %reduce_sum3A_701[15] : f32 from vector<16xf32>
        %eq3A_703 = vector.broadcast %add3A_614 : i32 to vector<16xi32>
        %eq3A_704 = arith.cmpi eq, %iota3A, %eq3A_703 : vector<16xi32>
        %sub3A_705 = arith.constant 1.200000e+01 : f32
        %sub3A_706 = arith.subf %sub3A_705, %reduce_sum3A_702 : f32
        %broadcast_in_dim3A_707 = vector.broadcast %sub3A_706 : f32 to vector<16xf32>
        %select_n3A_708 = arith.select %eq3A_704, %broadcast_in_dim3A_707, %select_n3A_610 : vector<16xi1>, vector<16xf32>
        scf.yield %select_n3A_708 : vector<16xf32>
      }
      %scan3A_316 = arith.constant 4 : i32
      %add3A_317 = arith.constant 384 : i32
      %add3A_318 = arith.addi %add3A_317, %mul3A_309 : i32
      %swap3A = arith.index_cast %add3A_318 : i32 to index
      %swap3A_319 = tpu.vector_load %arg16[%swap3A] {strides = array<i32>} : memref<512xf32, #tpu.memory_space<vmem>>, vector<16xf32>,
      tpu.vector_store %arg16[%swap3A], %scan3A_315 {strides = array<i32>} : memref<512xf32, #tpu.memory_space<vmem>>, vector<16xf32>,
    }
    %scan3A_290 = arith.constant 4 : i32
    %dma_wait3A_291 = arith.constant 448 : i32
    %dma_wait3A_292 = tpu.memref_slice %arg8[%dma_wait3A_291] : memref<512xi32, #tpu.memory_space<vmem>> -> memref<64xi32, #tpu.memory_space<vmem>>
    %dma_wait3A_293 = arith.constant 0 : i32
    %dma_wait3A_294 = arith.constant 0 : i32
    %dma_wait3A_295 = tpu.memref_slice %arg17[%dma_wait3A_293, %dma_wait3A_294] : memref<1000x128xf32, #tpu.memory_space<vmem_shared>> -> memref<1000x128xf32, #tpu.memory_space<vmem_shared>>
    tpu.wait_indirect_dma semaphore(%arg19 : memref<!tpu.dma_semaphore, #tpu.memory_space<semaphore_mem>>) src(%dma_wait3A_295 : memref<1000x128xf32, #tpu.memory_space<vmem_shared>>) dst(%arg11 : memref<64x128xf32, #tpu.memory_space<vmem>>)
    %dma_wait3A_296 = arith.constant 448 : i32
    %dma_wait3A_297 = tpu.memref_slice %arg9[%dma_wait3A_296] : memref<512xi32, #tpu.memory_space<vmem>> -> memref<64xi32, #tpu.memory_space<vmem>>
    %dma_wait3A_298 = arith.constant 0 : i32
    %dma_wait3A_299 = arith.constant 0 : i32
    %dma_wait3A_300 = tpu.memref_slice %arg2[%dma_wait3A_298, %dma_wait3A_299] : memref<100000x128xf32, #tpu.memory_space<hbm>> -> memref<100000x128xf32, #tpu.memory_space<hbm>>
    tpu.wait_indirect_dma semaphore(%arg22 : memref<!tpu.dma_semaphore, #tpu.memory_space<semaphore_mem>>) src(%dma_wait3A_300 : memref<100000x128xf32, #tpu.memory_space<hbm>>) dst(%arg14 : memref<64x128xf32, #tpu.memory_space<vmem>>)
    %scan3A_301 = arith.constant 0 : i32
    %scan3A_302 = arith.constant 0 : i32
    %scan3A_303 = arith.constant 4 : i32
    %scan3A_304 = arith.addi %scan3A_302, %scan3A_303 : i32
    %scan3A_305 = arith.constant 1 : i32
    scf.for %scan3A_307 = %scan3A_302 to %scan3A_304 step %scan3A_305  : i32 {
      %mul3A_308 = arith.constant 16 : i32
      %mul3A_309 = arith.muli %scan3A_307, %mul3A_308 : i32
      %broadcast_in_dim3A = arith.constant 0.000000e+00 : f32
      %broadcast_in_dim3A_310 = vector.broadcast %broadcast_in_dim3A : f32 to vector<16xf32>
      %scan3A_311 = arith.constant 0 : i32
      %scan3A_312 = arith.constant 4 : i32
      %scan3A_313 = arith.addi %scan3A_311, %scan3A_312 : i32
      %scan3A_314 = arith.constant 1 : i32
      %scan3A_315 = scf.for %scan3A_320 = %scan3A_311 to %scan3A_313 step %scan3A_314 iter_args(%scan3A_321 = %broadcast_in_dim3A_310) -> (vector<16xf32>)  : i32 {
        %mul3A_322 = arith.constant 4 : i32
        %mul3A_323 = arith.muli %scan3A_320, %mul3A_322 : i32
        %add3A_324 = arith.constant 0 : i32
        %add3A_325 = arith.addi %mul3A_323, %add3A_324 : i32
        %add3A_326 = arith.addi %mul3A_309, %add3A_325 : i32
        %broadcast_in_dim3A_327 = arith.constant 0.000000e+00 : f32
        %broadcast_in_dim3A_328 = vector.broadcast %broadcast_in_dim3A_327 : f32 to vector<16xf32>
        %broadcast_in_dim3A_329 = arith.constant 0.000000e+00 : f32
        %broadcast_in_dim3A_330 = vector.broadcast %broadcast_in_dim3A_329 : f32 to vector<16xf32>
        %broadcast_in_dim3A_331 = arith.constant 0.000000e+00 : f32
        %broadcast_in_dim3A_332 = vector.broadcast %broadcast_in_dim3A_331 : f32 to vector<16xf32>
        %broadcast_in_dim3A_333 = arith.constant 0.000000e+00 : f32
        %broadcast_in_dim3A_334 = vector.broadcast %broadcast_in_dim3A_333 : f32 to vector<16xf32>
        %get3A = arith.index_cast %add3A_326 : i32 to index
        %get3A_335 = arith.constant 0 : index
        %get3A_336 = tpu.vector_load %arg11[%get3A, %get3A_335] {strides = array<i32>} : memref<64x128xf32, #tpu.memory_space<vmem>>, vector<16xf32>,
        %get3A_337 = arith.index_cast %add3A_326 : i32 to index
        %get3A_338 = arith.constant 0 : index
        %get3A_339 = tpu.vector_load %arg14[%get3A_337, %get3A_338] {strides = array<i32>} : memref<64x128xf32, #tpu.memory_space<vmem>>, vector<16xf32>,
        %sub3A = arith.subf %get3A_336, %get3A_339 : vector<16xf32>
        %abs3A = math.absf %sub3A : vector<16xf32>
        %add3A_340 = arith.addf %broadcast_in_dim3A_328, %abs3A : vector<16xf32>
        %get3A_341 = arith.index_cast %add3A_326 : i32 to index
        %get3A_342 = arith.constant 16 : index
        %get3A_343 = tpu.vector_load %arg11[%get3A_341, %get3A_342] {strides = array<i32>} : memref<64x128xf32, #tpu.memory_space<vmem>>, vector<16xf32>,
        %get3A_344 = arith.index_cast %add3A_326 : i32 to index
        %get3A_345 = arith.constant 16 : index
        %get3A_346 = tpu.vector_load %arg14[%get3A_344, %get3A_345] {strides = array<i32>} : memref<64x128xf32, #tpu.memory_space<vmem>>, vector<16xf32>,
        %sub3A_347 = arith.subf %get3A_343, %get3A_346 : vector<16xf32>
        %abs3A_348 = math.absf %sub3A_347 : vector<16xf32>
        %add3A_349 = arith.addf %broadcast_in_dim3A_330, %abs3A_348 : vector<16xf32>
        %get3A_350 = arith.index_cast %add3A_326 : i32 to index
        %get3A_351 = arith.constant 32 : index
        %get3A_352 = tpu.vector_load %arg11[%get3A_350, %get3A_351] {strides = array<i32>} : memref<64x128xf32, #tpu.memory_space<vmem>>, vector<16xf32>,
        %get3A_353 = arith.index_cast %add3A_326 : i32 to index
        %get3A_354 = arith.constant 32 : index
        %get3A_355 = tpu.vector_load %arg14[%get3A_353, %get3A_354] {strides = array<i32>} : memref<64x128xf32, #tpu.memory_space<vmem>>, vector<16xf32>,
        %sub3A_356 = arith.subf %get3A_352, %get3A_355 : vector<16xf32>
        %abs3A_357 = math.absf %sub3A_356 : vector<16xf32>
        %add3A_358 = arith.addf %broadcast_in_dim3A_332, %abs3A_357 : vector<16xf32>
        %get3A_359 = arith.index_cast %add3A_326 : i32 to index
        %get3A_360 = arith.constant 48 : index
        %get3A_361 = tpu.vector_load %arg11[%get3A_359, %get3A_360] {strides = array<i32>} : memref<64x128xf32, #tpu.memory_space<vmem>>, vector<16xf32>,
        %get3A_362 = arith.index_cast %add3A_326 : i32 to index
        %get3A_363 = arith.constant 48 : index
        %get3A_364 = tpu.vector_load %arg14[%get3A_362, %get3A_363] {strides = array<i32>} : memref<64x128xf32, #tpu.memory_space<vmem>>, vector<16xf32>,
        %sub3A_365 = arith.subf %get3A_361, %get3A_364 : vector<16xf32>
        %abs3A_366 = math.absf %sub3A_365 : vector<16xf32>
        %add3A_367 = arith.addf %broadcast_in_dim3A_334, %abs3A_366 : vector<16xf32>
        %get3A_368 = arith.index_cast %add3A_326 : i32 to index
        %get3A_369 = arith.constant 64 : index
        %get3A_370 = tpu.vector_load %arg11[%get3A_368, %get3A_369] {strides = array<i32>} : memref<64x128xf32, #tpu.memory_space<vmem>>, vector<16xf32>,
        %get3A_371 = arith.index_cast %add3A_326 : i32 to index
        %get3A_372 = arith.constant 64 : index
        %get3A_373 = tpu.vector_load %arg14[%get3A_371, %get3A_372] {strides = array<i32>} : memref<64x128xf32, #tpu.memory_space<vmem>>, vector<16xf32>,
        %sub3A_374 = arith.subf %get3A_370, %get3A_373 : vector<16xf32>
        %abs3A_375 = math.absf %sub3A_374 : vector<16xf32>
        %add3A_376 = arith.addf %add3A_340, %abs3A_375 : vector<16xf32>
        %get3A_377 = arith.index_cast %add3A_326 : i32 to index
        %get3A_378 = arith.constant 80 : index
        %get3A_379 = tpu.vector_load %arg11[%get3A_377, %get3A_378] {strides = array<i32>} : memref<64x128xf32, #tpu.memory_space<vmem>>, vector<16xf32>,
        %get3A_380 = arith.index_cast %add3A_326 : i32 to index
        %get3A_381 = arith.constant 80 : index
        %get3A_382 = tpu.vector_load %arg14[%get3A_380, %get3A_381] {strides = array<i32>} : memref<64x128xf32, #tpu.memory_space<vmem>>, vector<16xf32>,
        %sub3A_383 = arith.subf %get3A_379, %get3A_382 : vector<16xf32>
        %abs3A_384 = math.absf %sub3A_383 : vector<16xf32>
        %add3A_385 = arith.addf %add3A_349, %abs3A_384 : vector<16xf32>
        %get3A_386 = arith.index_cast %add3A_326 : i32 to index
        %get3A_387 = arith.constant 96 : index
        %get3A_388 = tpu.vector_load %arg11[%get3A_386, %get3A_387] {strides = array<i32>} : memref<64x128xf32, #tpu.memory_space<vmem>>, vector<16xf32>,
        %get3A_389 = arith.index_cast %add3A_326 : i32 to index
        %get3A_390 = arith.constant 96 : index
        %get3A_391 = tpu.vector_load %arg14[%get3A_389, %get3A_390] {strides = array<i32>} : memref<64x128xf32, #tpu.memory_space<vmem>>, vector<16xf32>,
        %sub3A_392 = arith.subf %get3A_388, %get3A_391 : vector<16xf32>
        %abs3A_393 = math.absf %sub3A_392 : vector<16xf32>
        %add3A_394 = arith.addf %add3A_358, %abs3A_393 : vector<16xf32>
        %get3A_395 = arith.index_cast %add3A_326 : i32 to index
        %get3A_396 = arith.constant 112 : index
        %get3A_397 = tpu.vector_load %arg11[%get3A_395, %get3A_396] {strides = array<i32>} : memref<64x128xf32, #tpu.memory_space<vmem>>, vector<16xf32>,
        %get3A_398 = arith.index_cast %add3A_326 : i32 to index
        %get3A_399 = arith.constant 112 : index
        %get3A_400 = tpu.vector_load %arg14[%get3A_398, %get3A_399] {strides = array<i32>} : memref<64x128xf32, #tpu.memory_space<vmem>>, vector<16xf32>,
        %sub3A_401 = arith.subf %get3A_397, %get3A_400 : vector<16xf32>
        %abs3A_402 = math.absf %sub3A_401 : vector<16xf32>
        %add3A_403 = arith.addf %add3A_367, %abs3A_402 : vector<16xf32>
        %add3A_404 = arith.addf %add3A_376, %add3A_385 : vector<16xf32>
        %add3A_405 = arith.addf %add3A_394, %add3A_403 : vector<16xf32>
        %add3A_406 = arith.addf %add3A_404, %add3A_405 : vector<16xf32>
        %reduce_sum3A = arith.constant true
        %reduce_sum3A_407 = vector.broadcast %reduce_sum3A : i1 to vector<16xi1>
        %reduce_sum3A_408 = tpu.scan <sum>, %add3A_406 masked %reduce_sum3A_407 : vector<16xf32>, vector<16xi1> -> vector<16xf32>
        %reduce_sum3A_409 = vector.extract %reduce_sum3A_408[15] : f32 from vector<16xf32>
        %eq3A_410 = vector.broadcast %add3A_325 : i32 to vector<16xi32>
        %eq3A_411 = arith.cmpi eq, %iota3A, %eq3A_410 : vector<16xi32>
        %sub3A_412 = arith.constant 1.200000e+01 : f32
        %sub3A_413 = arith.subf %sub3A_412, %reduce_sum3A_409 : f32
        %broadcast_in_dim3A_414 = vector.broadcast %sub3A_413 : f32 to vector<16xf32>
        %select_n3A = arith.select %eq3A_411, %broadcast_in_dim3A_414, %scan3A_321 : vector<16xi1>, vector<16xf32>
        %mul3A_415 = arith.constant 4 : i32
        %mul3A_416 = arith.muli %scan3A_320, %mul3A_415 : i32
        %add3A_417 = arith.constant 1 : i32
        %add3A_418 = arith.addi %mul3A_416, %add3A_417 : i32
        %add3A_419 = arith.addi %mul3A_309, %add3A_418 : i32
        %broadcast_in_dim3A_420 = arith.constant 0.000000e+00 : f32
        %broadcast_in_dim3A_421 = vector.broadcast %broadcast_in_dim3A_420 : f32 to vector<16xf32>
        %broadcast_in_dim3A_422 = arith.constant 0.000000e+00 : f32
        %broadcast_in_dim3A_423 = vector.broadcast %broadcast_in_dim3A_422 : f32 to vector<16xf32>
        %broadcast_in_dim3A_424 = arith.constant 0.000000e+00 : f32
        %broadcast_in_dim3A_425 = vector.broadcast %broadcast_in_dim3A_424 : f32 to vector<16xf32>
        %broadcast_in_dim3A_426 = arith.constant 0.000000e+00 : f32
        %broadcast_in_dim3A_427 = vector.broadcast %broadcast_in_dim3A_426 : f32 to vector<16xf32>
        %get3A_428 = arith.index_cast %add3A_419 : i32 to index
        %get3A_429 = arith.constant 0 : index
        %get3A_430 = tpu.vector_load %arg11[%get3A_428, %get3A_429] {strides = array<i32>} : memref<64x128xf32, #tpu.memory_space<vmem>>, vector<16xf32>,
        %get3A_431 = arith.index_cast %add3A_419 : i32 to index
        %get3A_432 = arith.constant 0 : index
        %get3A_433 = tpu.vector_load %arg14[%get3A_431, %get3A_432] {strides = array<i32>} : memref<64x128xf32, #tpu.memory_space<vmem>>, vector<16xf32>,
        %sub3A_434 = arith.subf %get3A_430, %get3A_433 : vector<16xf32>
        %abs3A_435 = math.absf %sub3A_434 : vector<16xf32>
        %add3A_436 = arith.addf %broadcast_in_dim3A_421, %abs3A_435 : vector<16xf32>
        %get3A_437 = arith.index_cast %add3A_419 : i32 to index
        %get3A_438 = arith.constant 16 : index
        %get3A_439 = tpu.vector_load %arg11[%get3A_437, %get3A_438] {strides = array<i32>} : memref<64x128xf32, #tpu.memory_space<vmem>>, vector<16xf32>,
        %get3A_440 = arith.index_cast %add3A_419 : i32 to index
        %get3A_441 = arith.constant 16 : index
        %get3A_442 = tpu.vector_load %arg14[%get3A_440, %get3A_441] {strides = array<i32>} : memref<64x128xf32, #tpu.memory_space<vmem>>, vector<16xf32>,
        %sub3A_443 = arith.subf %get3A_439, %get3A_442 : vector<16xf32>
        %abs3A_444 = math.absf %sub3A_443 : vector<16xf32>
        %add3A_445 = arith.addf %broadcast_in_dim3A_423, %abs3A_444 : vector<16xf32>
        %get3A_446 = arith.index_cast %add3A_419 : i32 to index
        %get3A_447 = arith.constant 32 : index
        %get3A_448 = tpu.vector_load %arg11[%get3A_446, %get3A_447] {strides = array<i32>} : memref<64x128xf32, #tpu.memory_space<vmem>>, vector<16xf32>,
        %get3A_449 = arith.index_cast %add3A_419 : i32 to index
        %get3A_450 = arith.constant 32 : index
        %get3A_451 = tpu.vector_load %arg14[%get3A_449, %get3A_450] {strides = array<i32>} : memref<64x128xf32, #tpu.memory_space<vmem>>, vector<16xf32>,
        %sub3A_452 = arith.subf %get3A_448, %get3A_451 : vector<16xf32>
        %abs3A_453 = math.absf %sub3A_452 : vector<16xf32>
        %add3A_454 = arith.addf %broadcast_in_dim3A_425, %abs3A_453 : vector<16xf32>
        %get3A_455 = arith.index_cast %add3A_419 : i32 to index
        %get3A_456 = arith.constant 48 : index
        %get3A_457 = tpu.vector_load %arg11[%get3A_455, %get3A_456] {strides = array<i32>} : memref<64x128xf32, #tpu.memory_space<vmem>>, vector<16xf32>,
        %get3A_458 = arith.index_cast %add3A_419 : i32 to index
        %get3A_459 = arith.constant 48 : index
        %get3A_460 = tpu.vector_load %arg14[%get3A_458, %get3A_459] {strides = array<i32>} : memref<64x128xf32, #tpu.memory_space<vmem>>, vector<16xf32>,
        %sub3A_461 = arith.subf %get3A_457, %get3A_460 : vector<16xf32>
        %abs3A_462 = math.absf %sub3A_461 : vector<16xf32>
        %add3A_463 = arith.addf %broadcast_in_dim3A_427, %abs3A_462 : vector<16xf32>
        %get3A_464 = arith.index_cast %add3A_419 : i32 to index
        %get3A_465 = arith.constant 64 : index
        %get3A_466 = tpu.vector_load %arg11[%get3A_464, %get3A_465] {strides = array<i32>} : memref<64x128xf32, #tpu.memory_space<vmem>>, vector<16xf32>,
        %get3A_467 = arith.index_cast %add3A_419 : i32 to index
        %get3A_468 = arith.constant 64 : index
        %get3A_469 = tpu.vector_load %arg14[%get3A_467, %get3A_468] {strides = array<i32>} : memref<64x128xf32, #tpu.memory_space<vmem>>, vector<16xf32>,
        %sub3A_470 = arith.subf %get3A_466, %get3A_469 : vector<16xf32>
        %abs3A_471 = math.absf %sub3A_470 : vector<16xf32>
        %add3A_472 = arith.addf %add3A_436, %abs3A_471 : vector<16xf32>
        %get3A_473 = arith.index_cast %add3A_419 : i32 to index
        %get3A_474 = arith.constant 80 : index
        %get3A_475 = tpu.vector_load %arg11[%get3A_473, %get3A_474] {strides = array<i32>} : memref<64x128xf32, #tpu.memory_space<vmem>>, vector<16xf32>,
        %get3A_476 = arith.index_cast %add3A_419 : i32 to index
        %get3A_477 = arith.constant 80 : index
        %get3A_478 = tpu.vector_load %arg14[%get3A_476, %get3A_477] {strides = array<i32>} : memref<64x128xf32, #tpu.memory_space<vmem>>, vector<16xf32>,
        %sub3A_479 = arith.subf %get3A_475, %get3A_478 : vector<16xf32>
        %abs3A_480 = math.absf %sub3A_479 : vector<16xf32>
        %add3A_481 = arith.addf %add3A_445, %abs3A_480 : vector<16xf32>
        %get3A_482 = arith.index_cast %add3A_419 : i32 to index
        %get3A_483 = arith.constant 96 : index
        %get3A_484 = tpu.vector_load %arg11[%get3A_482, %get3A_483] {strides = array<i32>} : memref<64x128xf32, #tpu.memory_space<vmem>>, vector<16xf32>,
        %get3A_485 = arith.index_cast %add3A_419 : i32 to index
        %get3A_486 = arith.constant 96 : index
        %get3A_487 = tpu.vector_load %arg14[%get3A_485, %get3A_486] {strides = array<i32>} : memref<64x128xf32, #tpu.memory_space<vmem>>, vector<16xf32>,
        %sub3A_488 = arith.subf %get3A_484, %get3A_487 : vector<16xf32>
        %abs3A_489 = math.absf %sub3A_488 : vector<16xf32>
        %add3A_490 = arith.addf %add3A_454, %abs3A_489 : vector<16xf32>
        %get3A_491 = arith.index_cast %add3A_419 : i32 to index
        %get3A_492 = arith.constant 112 : index
        %get3A_493 = tpu.vector_load %arg11[%get3A_491, %get3A_492] {strides = array<i32>} : memref<64x128xf32, #tpu.memory_space<vmem>>, vector<16xf32>,
        %get3A_494 = arith.index_cast %add3A_419 : i32 to index
        %get3A_495 = arith.constant 112 : index
        %get3A_496 = tpu.vector_load %arg14[%get3A_494, %get3A_495] {strides = array<i32>} : memref<64x128xf32, #tpu.memory_space<vmem>>, vector<16xf32>,
        %sub3A_497 = arith.subf %get3A_493, %get3A_496 : vector<16xf32>
        %abs3A_498 = math.absf %sub3A_497 : vector<16xf32>
        %add3A_499 = arith.addf %add3A_463, %abs3A_498 : vector<16xf32>
        %add3A_500 = arith.addf %add3A_472, %add3A_481 : vector<16xf32>
        %add3A_501 = arith.addf %add3A_490, %add3A_499 : vector<16xf32>
        %add3A_502 = arith.addf %add3A_500, %add3A_501 : vector<16xf32>
        %reduce_sum3A_503 = arith.constant true
        %reduce_sum3A_504 = vector.broadcast %reduce_sum3A_503 : i1 to vector<16xi1>
        %reduce_sum3A_505 = tpu.scan <sum>, %add3A_502 masked %reduce_sum3A_504 : vector<16xf32>, vector<16xi1> -> vector<16xf32>
        %reduce_sum3A_506 = vector.extract %reduce_sum3A_505[15] : f32 from vector<16xf32>
        %eq3A_507 = vector.broadcast %add3A_418 : i32 to vector<16xi32>
        %eq3A_508 = arith.cmpi eq, %iota3A, %eq3A_507 : vector<16xi32>
        %sub3A_509 = arith.constant 1.200000e+01 : f32
        %sub3A_510 = arith.subf %sub3A_509, %reduce_sum3A_506 : f32
        %broadcast_in_dim3A_511 = vector.broadcast %sub3A_510 : f32 to vector<16xf32>
        %select_n3A_512 = arith.select %eq3A_508, %broadcast_in_dim3A_511, %select_n3A : vector<16xi1>, vector<16xf32>
        %mul3A_513 = arith.constant 4 : i32
        %mul3A_514 = arith.muli %scan3A_320, %mul3A_513 : i32
        %add3A_515 = arith.constant 2 : i32
        %add3A_516 = arith.addi %mul3A_514, %add3A_515 : i32
        %add3A_517 = arith.addi %mul3A_309, %add3A_516 : i32
        %broadcast_in_dim3A_518 = arith.constant 0.000000e+00 : f32
        %broadcast_in_dim3A_519 = vector.broadcast %broadcast_in_dim3A_518 : f32 to vector<16xf32>
        %broadcast_in_dim3A_520 = arith.constant 0.000000e+00 : f32
        %broadcast_in_dim3A_521 = vector.broadcast %broadcast_in_dim3A_520 : f32 to vector<16xf32>
        %broadcast_in_dim3A_522 = arith.constant 0.000000e+00 : f32
        %broadcast_in_dim3A_523 = vector.broadcast %broadcast_in_dim3A_522 : f32 to vector<16xf32>
        %broadcast_in_dim3A_524 = arith.constant 0.000000e+00 : f32
        %broadcast_in_dim3A_525 = vector.broadcast %broadcast_in_dim3A_524 : f32 to vector<16xf32>
        %get3A_526 = arith.index_cast %add3A_517 : i32 to index
        %get3A_527 = arith.constant 0 : index
        %get3A_528 = tpu.vector_load %arg11[%get3A_526, %get3A_527] {strides = array<i32>} : memref<64x128xf32, #tpu.memory_space<vmem>>, vector<16xf32>,
        %get3A_529 = arith.index_cast %add3A_517 : i32 to index
        %get3A_530 = arith.constant 0 : index
        %get3A_531 = tpu.vector_load %arg14[%get3A_529, %get3A_530] {strides = array<i32>} : memref<64x128xf32, #tpu.memory_space<vmem>>, vector<16xf32>,
        %sub3A_532 = arith.subf %get3A_528, %get3A_531 : vector<16xf32>
        %abs3A_533 = math.absf %sub3A_532 : vector<16xf32>
        %add3A_534 = arith.addf %broadcast_in_dim3A_519, %abs3A_533 : vector<16xf32>
        %get3A_535 = arith.index_cast %add3A_517 : i32 to index
        %get3A_536 = arith.constant 16 : index
        %get3A_537 = tpu.vector_load %arg11[%get3A_535, %get3A_536] {strides = array<i32>} : memref<64x128xf32, #tpu.memory_space<vmem>>, vector<16xf32>,
        %get3A_538 = arith.index_cast %add3A_517 : i32 to index
        %get3A_539 = arith.constant 16 : index
        %get3A_540 = tpu.vector_load %arg14[%get3A_538, %get3A_539] {strides = array<i32>} : memref<64x128xf32, #tpu.memory_space<vmem>>, vector<16xf32>,
        %sub3A_541 = arith.subf %get3A_537, %get3A_540 : vector<16xf32>
        %abs3A_542 = math.absf %sub3A_541 : vector<16xf32>
        %add3A_543 = arith.addf %broadcast_in_dim3A_521, %abs3A_542 : vector<16xf32>
        %get3A_544 = arith.index_cast %add3A_517 : i32 to index
        %get3A_545 = arith.constant 32 : index
        %get3A_546 = tpu.vector_load %arg11[%get3A_544, %get3A_545] {strides = array<i32>} : memref<64x128xf32, #tpu.memory_space<vmem>>, vector<16xf32>,
        %get3A_547 = arith.index_cast %add3A_517 : i32 to index
        %get3A_548 = arith.constant 32 : index
        %get3A_549 = tpu.vector_load %arg14[%get3A_547, %get3A_548] {strides = array<i32>} : memref<64x128xf32, #tpu.memory_space<vmem>>, vector<16xf32>,
        %sub3A_550 = arith.subf %get3A_546, %get3A_549 : vector<16xf32>
        %abs3A_551 = math.absf %sub3A_550 : vector<16xf32>
        %add3A_552 = arith.addf %broadcast_in_dim3A_523, %abs3A_551 : vector<16xf32>
        %get3A_553 = arith.index_cast %add3A_517 : i32 to index
        %get3A_554 = arith.constant 48 : index
        %get3A_555 = tpu.vector_load %arg11[%get3A_553, %get3A_554] {strides = array<i32>} : memref<64x128xf32, #tpu.memory_space<vmem>>, vector<16xf32>,
        %get3A_556 = arith.index_cast %add3A_517 : i32 to index
        %get3A_557 = arith.constant 48 : index
        %get3A_558 = tpu.vector_load %arg14[%get3A_556, %get3A_557] {strides = array<i32>} : memref<64x128xf32, #tpu.memory_space<vmem>>, vector<16xf32>,
        %sub3A_559 = arith.subf %get3A_555, %get3A_558 : vector<16xf32>
        %abs3A_560 = math.absf %sub3A_559 : vector<16xf32>
        %add3A_561 = arith.addf %broadcast_in_dim3A_525, %abs3A_560 : vector<16xf32>
        %get3A_562 = arith.index_cast %add3A_517 : i32 to index
        %get3A_563 = arith.constant 64 : index
        %get3A_564 = tpu.vector_load %arg11[%get3A_562, %get3A_563] {strides = array<i32>} : memref<64x128xf32, #tpu.memory_space<vmem>>, vector<16xf32>,
        %get3A_565 = arith.index_cast %add3A_517 : i32 to index
        %get3A_566 = arith.constant 64 : index
        %get3A_567 = tpu.vector_load %arg14[%get3A_565, %get3A_566] {strides = array<i32>} : memref<64x128xf32, #tpu.memory_space<vmem>>, vector<16xf32>,
        %sub3A_568 = arith.subf %get3A_564, %get3A_567 : vector<16xf32>
        %abs3A_569 = math.absf %sub3A_568 : vector<16xf32>
        %add3A_570 = arith.addf %add3A_534, %abs3A_569 : vector<16xf32>
        %get3A_571 = arith.index_cast %add3A_517 : i32 to index
        %get3A_572 = arith.constant 80 : index
        %get3A_573 = tpu.vector_load %arg11[%get3A_571, %get3A_572] {strides = array<i32>} : memref<64x128xf32, #tpu.memory_space<vmem>>, vector<16xf32>,
        %get3A_574 = arith.index_cast %add3A_517 : i32 to index
        %get3A_575 = arith.constant 80 : index
        %get3A_576 = tpu.vector_load %arg14[%get3A_574, %get3A_575] {strides = array<i32>} : memref<64x128xf32, #tpu.memory_space<vmem>>, vector<16xf32>,
        %sub3A_577 = arith.subf %get3A_573, %get3A_576 : vector<16xf32>
        %abs3A_578 = math.absf %sub3A_577 : vector<16xf32>
        %add3A_579 = arith.addf %add3A_543, %abs3A_578 : vector<16xf32>
        %get3A_580 = arith.index_cast %add3A_517 : i32 to index
        %get3A_581 = arith.constant 96 : index
        %get3A_582 = tpu.vector_load %arg11[%get3A_580, %get3A_581] {strides = array<i32>} : memref<64x128xf32, #tpu.memory_space<vmem>>, vector<16xf32>,
        %get3A_583 = arith.index_cast %add3A_517 : i32 to index
        %get3A_584 = arith.constant 96 : index
        %get3A_585 = tpu.vector_load %arg14[%get3A_583, %get3A_584] {strides = array<i32>} : memref<64x128xf32, #tpu.memory_space<vmem>>, vector<16xf32>,
        %sub3A_586 = arith.subf %get3A_582, %get3A_585 : vector<16xf32>
        %abs3A_587 = math.absf %sub3A_586 : vector<16xf32>
        %add3A_588 = arith.addf %add3A_552, %abs3A_587 : vector<16xf32>
        %get3A_589 = arith.index_cast %add3A_517 : i32 to index
        %get3A_590 = arith.constant 112 : index
        %get3A_591 = tpu.vector_load %arg11[%get3A_589, %get3A_590] {strides = array<i32>} : memref<64x128xf32, #tpu.memory_space<vmem>>, vector<16xf32>,
        %get3A_592 = arith.index_cast %add3A_517 : i32 to index
        %get3A_593 = arith.constant 112 : index
        %get3A_594 = tpu.vector_load %arg14[%get3A_592, %get3A_593] {strides = array<i32>} : memref<64x128xf32, #tpu.memory_space<vmem>>, vector<16xf32>,
        %sub3A_595 = arith.subf %get3A_591, %get3A_594 : vector<16xf32>
        %abs3A_596 = math.absf %sub3A_595 : vector<16xf32>
        %add3A_597 = arith.addf %add3A_561, %abs3A_596 : vector<16xf32>
        %add3A_598 = arith.addf %add3A_570, %add3A_579 : vector<16xf32>
        %add3A_599 = arith.addf %add3A_588, %add3A_597 : vector<16xf32>
        %add3A_600 = arith.addf %add3A_598, %add3A_599 : vector<16xf32>
        %reduce_sum3A_601 = arith.constant true
        %reduce_sum3A_602 = vector.broadcast %reduce_sum3A_601 : i1 to vector<16xi1>
        %reduce_sum3A_603 = tpu.scan <sum>, %add3A_600 masked %reduce_sum3A_602 : vector<16xf32>, vector<16xi1> -> vector<16xf32>
        %reduce_sum3A_604 = vector.extract %reduce_sum3A_603[15] : f32 from vector<16xf32>
        %eq3A_605 = vector.broadcast %add3A_516 : i32 to vector<16xi32>
        %eq3A_606 = arith.cmpi eq, %iota3A, %eq3A_605 : vector<16xi32>
        %sub3A_607 = arith.constant 1.200000e+01 : f32
        %sub3A_608 = arith.subf %sub3A_607, %reduce_sum3A_604 : f32
        %broadcast_in_dim3A_609 = vector.broadcast %sub3A_608 : f32 to vector<16xf32>
        %select_n3A_610 = arith.select %eq3A_606, %broadcast_in_dim3A_609, %select_n3A_512 : vector<16xi1>, vector<16xf32>
        %mul3A_611 = arith.constant 4 : i32
        %mul3A_612 = arith.muli %scan3A_320, %mul3A_611 : i32
        %add3A_613 = arith.constant 3 : i32
        %add3A_614 = arith.addi %mul3A_612, %add3A_613 : i32
        %add3A_615 = arith.addi %mul3A_309, %add3A_614 : i32
        %broadcast_in_dim3A_616 = arith.constant 0.000000e+00 : f32
        %broadcast_in_dim3A_617 = vector.broadcast %broadcast_in_dim3A_616 : f32 to vector<16xf32>
        %broadcast_in_dim3A_618 = arith.constant 0.000000e+00 : f32
        %broadcast_in_dim3A_619 = vector.broadcast %broadcast_in_dim3A_618 : f32 to vector<16xf32>
        %broadcast_in_dim3A_620 = arith.constant 0.000000e+00 : f32
        %broadcast_in_dim3A_621 = vector.broadcast %broadcast_in_dim3A_620 : f32 to vector<16xf32>
        %broadcast_in_dim3A_622 = arith.constant 0.000000e+00 : f32
        %broadcast_in_dim3A_623 = vector.broadcast %broadcast_in_dim3A_622 : f32 to vector<16xf32>
        %get3A_624 = arith.index_cast %add3A_615 : i32 to index
        %get3A_625 = arith.constant 0 : index
        %get3A_626 = tpu.vector_load %arg11[%get3A_624, %get3A_625] {strides = array<i32>} : memref<64x128xf32, #tpu.memory_space<vmem>>, vector<16xf32>,
        %get3A_627 = arith.index_cast %add3A_615 : i32 to index
        %get3A_628 = arith.constant 0 : index
        %get3A_629 = tpu.vector_load %arg14[%get3A_627, %get3A_628] {strides = array<i32>} : memref<64x128xf32, #tpu.memory_space<vmem>>, vector<16xf32>,
        %sub3A_630 = arith.subf %get3A_626, %get3A_629 : vector<16xf32>
        %abs3A_631 = math.absf %sub3A_630 : vector<16xf32>
        %add3A_632 = arith.addf %broadcast_in_dim3A_617, %abs3A_631 : vector<16xf32>
        %get3A_633 = arith.index_cast %add3A_615 : i32 to index
        %get3A_634 = arith.constant 16 : index
        %get3A_635 = tpu.vector_load %arg11[%get3A_633, %get3A_634] {strides = array<i32>} : memref<64x128xf32, #tpu.memory_space<vmem>>, vector<16xf32>,
        %get3A_636 = arith.index_cast %add3A_615 : i32 to index
        %get3A_637 = arith.constant 16 : index
        %get3A_638 = tpu.vector_load %arg14[%get3A_636, %get3A_637] {strides = array<i32>} : memref<64x128xf32, #tpu.memory_space<vmem>>, vector<16xf32>,
        %sub3A_639 = arith.subf %get3A_635, %get3A_638 : vector<16xf32>
        %abs3A_640 = math.absf %sub3A_639 : vector<16xf32>
        %add3A_641 = arith.addf %broadcast_in_dim3A_619, %abs3A_640 : vector<16xf32>
        %get3A_642 = arith.index_cast %add3A_615 : i32 to index
        %get3A_643 = arith.constant 32 : index
        %get3A_644 = tpu.vector_load %arg11[%get3A_642, %get3A_643] {strides = array<i32>} : memref<64x128xf32, #tpu.memory_space<vmem>>, vector<16xf32>,
        %get3A_645 = arith.index_cast %add3A_615 : i32 to index
        %get3A_646 = arith.constant 32 : index
        %get3A_647 = tpu.vector_load %arg14[%get3A_645, %get3A_646] {strides = array<i32>} : memref<64x128xf32, #tpu.memory_space<vmem>>, vector<16xf32>,
        %sub3A_648 = arith.subf %get3A_644, %get3A_647 : vector<16xf32>
        %abs3A_649 = math.absf %sub3A_648 : vector<16xf32>
        %add3A_650 = arith.addf %broadcast_in_dim3A_621, %abs3A_649 : vector<16xf32>
        %get3A_651 = arith.index_cast %add3A_615 : i32 to index
        %get3A_652 = arith.constant 48 : index
        %get3A_653 = tpu.vector_load %arg11[%get3A_651, %get3A_652] {strides = array<i32>} : memref<64x128xf32, #tpu.memory_space<vmem>>, vector<16xf32>,
        %get3A_654 = arith.index_cast %add3A_615 : i32 to index
        %get3A_655 = arith.constant 48 : index
        %get3A_656 = tpu.vector_load %arg14[%get3A_654, %get3A_655] {strides = array<i32>} : memref<64x128xf32, #tpu.memory_space<vmem>>, vector<16xf32>,
        %sub3A_657 = arith.subf %get3A_653, %get3A_656 : vector<16xf32>
        %abs3A_658 = math.absf %sub3A_657 : vector<16xf32>
        %add3A_659 = arith.addf %broadcast_in_dim3A_623, %abs3A_658 : vector<16xf32>
        %get3A_660 = arith.index_cast %add3A_615 : i32 to index
        %get3A_661 = arith.constant 64 : index
        %get3A_662 = tpu.vector_load %arg11[%get3A_660, %get3A_661] {strides = array<i32>} : memref<64x128xf32, #tpu.memory_space<vmem>>, vector<16xf32>,
        %get3A_663 = arith.index_cast %add3A_615 : i32 to index
        %get3A_664 = arith.constant 64 : index
        %get3A_665 = tpu.vector_load %arg14[%get3A_663, %get3A_664] {strides = array<i32>} : memref<64x128xf32, #tpu.memory_space<vmem>>, vector<16xf32>,
        %sub3A_666 = arith.subf %get3A_662, %get3A_665 : vector<16xf32>
        %abs3A_667 = math.absf %sub3A_666 : vector<16xf32>
        %add3A_668 = arith.addf %add3A_632, %abs3A_667 : vector<16xf32>
        %get3A_669 = arith.index_cast %add3A_615 : i32 to index
        %get3A_670 = arith.constant 80 : index
        %get3A_671 = tpu.vector_load %arg11[%get3A_669, %get3A_670] {strides = array<i32>} : memref<64x128xf32, #tpu.memory_space<vmem>>, vector<16xf32>,
        %get3A_672 = arith.index_cast %add3A_615 : i32 to index
        %get3A_673 = arith.constant 80 : index
        %get3A_674 = tpu.vector_load %arg14[%get3A_672, %get3A_673] {strides = array<i32>} : memref<64x128xf32, #tpu.memory_space<vmem>>, vector<16xf32>,
        %sub3A_675 = arith.subf %get3A_671, %get3A_674 : vector<16xf32>
        %abs3A_676 = math.absf %sub3A_675 : vector<16xf32>
        %add3A_677 = arith.addf %add3A_641, %abs3A_676 : vector<16xf32>
        %get3A_678 = arith.index_cast %add3A_615 : i32 to index
        %get3A_679 = arith.constant 96 : index
        %get3A_680 = tpu.vector_load %arg11[%get3A_678, %get3A_679] {strides = array<i32>} : memref<64x128xf32, #tpu.memory_space<vmem>>, vector<16xf32>,
        %get3A_681 = arith.index_cast %add3A_615 : i32 to index
        %get3A_682 = arith.constant 96 : index
        %get3A_683 = tpu.vector_load %arg14[%get3A_681, %get3A_682] {strides = array<i32>} : memref<64x128xf32, #tpu.memory_space<vmem>>, vector<16xf32>,
        %sub3A_684 = arith.subf %get3A_680, %get3A_683 : vector<16xf32>
        %abs3A_685 = math.absf %sub3A_684 : vector<16xf32>
        %add3A_686 = arith.addf %add3A_650, %abs3A_685 : vector<16xf32>
        %get3A_687 = arith.index_cast %add3A_615 : i32 to index
        %get3A_688 = arith.constant 112 : index
        %get3A_689 = tpu.vector_load %arg11[%get3A_687, %get3A_688] {strides = array<i32>} : memref<64x128xf32, #tpu.memory_space<vmem>>, vector<16xf32>,
        %get3A_690 = arith.index_cast %add3A_615 : i32 to index
        %get3A_691 = arith.constant 112 : index
        %get3A_692 = tpu.vector_load %arg14[%get3A_690, %get3A_691] {strides = array<i32>} : memref<64x128xf32, #tpu.memory_space<vmem>>, vector<16xf32>,
        %sub3A_693 = arith.subf %get3A_689, %get3A_692 : vector<16xf32>
        %abs3A_694 = math.absf %sub3A_693 : vector<16xf32>
        %add3A_695 = arith.addf %add3A_659, %abs3A_694 : vector<16xf32>
        %add3A_696 = arith.addf %add3A_668, %add3A_677 : vector<16xf32>
        %add3A_697 = arith.addf %add3A_686, %add3A_695 : vector<16xf32>
        %add3A_698 = arith.addf %add3A_696, %add3A_697 : vector<16xf32>
        %reduce_sum3A_699 = arith.constant true
        %reduce_sum3A_700 = vector.broadcast %reduce_sum3A_699 : i1 to vector<16xi1>
        %reduce_sum3A_701 = tpu.scan <sum>, %add3A_698 masked %reduce_sum3A_700 : vector<16xf32>, vector<16xi1> -> vector<16xf32>
        %reduce_sum3A_702 = vector.extract %reduce_sum3A_701[15] : f32 from vector<16xf32>
        %eq3A_703 = vector.broadcast %add3A_614 : i32 to vector<16xi32>
        %eq3A_704 = arith.cmpi eq, %iota3A, %eq3A_703 : vector<16xi32>
        %sub3A_705 = arith.constant 1.200000e+01 : f32
        %sub3A_706 = arith.subf %sub3A_705, %reduce_sum3A_702 : f32
        %broadcast_in_dim3A_707 = vector.broadcast %sub3A_706 : f32 to vector<16xf32>
        %select_n3A_708 = arith.select %eq3A_704, %broadcast_in_dim3A_707, %select_n3A_610 : vector<16xi1>, vector<16xf32>
        scf.yield %select_n3A_708 : vector<16xf32>
      }
      %scan3A_316 = arith.constant 4 : i32
      %add3A_317 = arith.constant 448 : i32
      %add3A_318 = arith.addi %add3A_317, %mul3A_309 : i32
      %swap3A = arith.index_cast %add3A_318 : i32 to index
      %swap3A_319 = tpu.vector_load %arg16[%swap3A] {strides = array<i32>} : memref<512xf32, #tpu.memory_space<vmem>>, vector<16xf32>,
      tpu.vector_store %arg16[%swap3A], %scan3A_315 {strides = array<i32>} : memref<512xf32, #tpu.memory_space<vmem>>, vector<16xf32>,
    }
    %scan3A_306 = arith.constant 4 : i32
    "tpu.region"() ({
      %run_scoped3A = tpu.sem_alloc : memref<!tpu.dma_semaphore, #tpu.memory_space<semaphore_mem>>
      %dma_start3A_307 = tpu.memref_slice %arg5[%mul3A_2] : memref<16384xf32, #tpu.memory_space<hbm>> -> memref<512xf32, #tpu.memory_space<hbm>>
      %dma_start3A_308 = tpu.memref_slice %arg5[%mul3A_2] : memref<16384xf32, #tpu.memory_space<hbm>> -> memref<512xf32, #tpu.memory_space<hbm>>
      tpu.enqueue_dma source(%arg16 : memref<512xf32, #tpu.memory_space<vmem>>) target(%dma_start3A_308 : memref<512xf32, #tpu.memory_space<hbm>>) target_semaphore(%run_scoped3A : memref<!tpu.dma_semaphore, #tpu.memory_space<semaphore_mem>>)
      %dma_wait3A_309 = tpu.memref_slice %arg5[%mul3A_2] : memref<16384xf32, #tpu.memory_space<hbm>> -> memref<512xf32, #tpu.memory_space<hbm>>
      %dma_wait3A_310 = tpu.memref_slice %arg5[%mul3A_2] : memref<16384xf32, #tpu.memory_space<hbm>> -> memref<512xf32, #tpu.memory_space<hbm>>
      tpu.wait_dma2 semaphore(%run_scoped3A : memref<!tpu.dma_semaphore, #tpu.memory_space<semaphore_mem>>) src(%arg16 : memref<512xf32, #tpu.memory_space<vmem>>) dst(%dma_wait3A_310 : memref<512xf32, #tpu.memory_space<hbm>>)
      tpu.yield
    }) : () -> ()
    return
  }
}

</mosaic_0001>

<sc_bundles>
// kernel: kernel.3.cloned.1.call-start
scs
__scs_entry_jumppad:
0x0: {  	(pc) =	sbr.rel $0x88, $3  }
0x1: {  	(tag) =	ssettag $0x0;
	lr =	simm.s32 $0x1  }
0x2: {  	[smem:$0x3F9E] =	sst lr;
	_ =	strace $0xD0000000  }
0x3: {  	_ = 	snop  }
0x4: {  	_ = 	snop  }
0x5: {  	_ = 	snop  }
0x6: {  	_ = 	snop  }
0x7: {  	_ = 	snop  }
__scs_overlays_trampoline_lowered:
0x8: {  	[smem:$0x3FAD] =	sst s0  }
0x9: {  	[smem:$0x3FAE] =	sst s1  }
0xa: {  	[smem:$0x3FAF] =	sst s2  }
0xb: {  	[smem:$0x3FB0] =	sst s3  }
0xc: {  	[smem:$0x3FB1] =	sst s4  }
0xd: {  	[smem:$0x3FB2] =	sst s5  }
0xe: {  	[smem:$0x3FB3] =	sst s6  }
0xf: {  	[smem:$0x3FB4] =	sst s7  }
0x10: {  	[smem:$0x3FB5] =	sst s8  }
0x11: {  	[smem:$0x3FB6] =	sst s9;
	s0 =	simm.s32 @!p0 $0x0  }
0x12: {  	s1 =	sld [smem:$0x3F9C];
	s0 =	simm.s32 @p0 $0x1  }
0x13: {  	[smem:$0x3FB7] =	sst s0;
	s0 =	simm.s32 @!p1 $0x0  }
0x14: {  	s2 =	sld [smem:$0x3F9B];
	s0 =	simm.s32 @p1 $0x1  }
0x15: {  	[smem:$0x3FB8] =	sst s0;
	s0 =	simm.s32 @!p2 $0x0  }
0x16: {  	s3 =	sld [smem:$0x3FDB];
	s0 =	simm.s32 @p2 $0x1  }
0x17: {  	s4 =	simm.s32 $0x1BF5;
	[smem:$0x3FBA] =	sst s0  }
0x18: {  	s0 =	sld [smem:$0x3F9D];
	_ =	swait.ge [sflag:s4], $0x0  }
0x19: {  	s7 =	sld [smem:$0x3F9E]  }
0x1a: {  	s8 =	sadd.s32 $0xFFFFE003, lr  }
0x1b: {  	s9 =	sadd.s32 $0xFFFFFEF7, lr;
	s5 =	simm.s32 $0xFFFFFFFF;
	p2 =	slt.u32 s8, $0xFFFFF086  }
0x1c: {  	p1 =	slt.u32 s9, $0xF7A;
	s5 =	simm.s32 @!p2 $0x0  }
0x1d: {  	s5 =	simm.s32 @p1 $0x1;
	p0 =	seq.s32 s7, s2  }
0x1e: {  	s7 =	smul.u32 @!p0 $0xF7A, s2;
	p2 =	seq.s32 @!p0 s5, $0x0  }
0x1f: {  	s9 =	smul.u32 $0xF7A, s1;
	s8 =	simm.s32 @!p0 $0x1BF5;
	p2 =	por !p2, p0  }
0x20: {  	[sflag:s8] =	ssyncset.s32 @!p0 $0xFFFFF086;
	s6 =	sadd.s32 @!p0 s3, s7;
	s7 =	simm.s32 @!p0 $0x108  }
0x21: {  	s3 =	sadd.s32 s3, s9;
	s6 =	sadd.s32 @!p0 $0x88, s6;
	s7 =	simm.s32 @p2 $0x1082  }
0x22: {  	[simem:s7], [sflag:s8] =	dma.local @!p0 [hbm:s6], $0xF7A  }
0x23: {  	s9 =	sor.u32 $0xD0000000, s2;
	s6 =	simm.s32 $0x108;
	_ =	swait.ge @!p0 [sflag:s8], $0x0  }
0x24: {  	s3 =	sadd.s32 $0x88, s3;
	s6 =	simm.s32 @!p1 $0x1082;
	[sflag:s4] =	ssyncset.s32 $0xFFFFF086  }
0x25: {  	[simem:s6], [sflag:s4] =	dma.local [hbm:s3], $0xF7A  }
0x26: {  	[smem:$0x3F9E] =	sst s1;
	(tag) =	ssettag s2;
	_ =	strace s9  }
0x27: {  	s1 =	sld [smem:$0x3FAE]  }
0x28: {  	s2 =	sld [smem:$0x3FAF]  }
0x29: {  	s4 =	sld [smem:$0x3FB1]  }
0x2a: {  	p0 =	seq.s32 s5, $0x0;
	s5 =	sld [smem:$0x3FB2]  }
0x2b: {  	s6 =	sld [smem:$0x3FB3]  }
0x2c: {  	s7 =	sld [smem:$0x3FB4]  }
0x2d: {  	s3 =	simm.s32 $0x108;
	s8 =	sld [smem:$0x3FB5]  }
0x2e: {  	s3 =	simm.s32 @!p0 $0x1082;
	s9 =	sld [smem:$0x3FB6]  }
0x2f: {  	lr =	sadd.s32 s0, s3;
	s0 =	sld [smem:$0x3FAD]  }
0x30: {  	s3 =	sld [smem:$0x3FB0]  }
0x31: {  	[smem:$0x3FB9] =	sst s10  }
0x32: {  	s10 =	sld [smem:$0x3FB7];
	_ =	sdelay $0x3  }
0x33: {  	p0 =	seq.s32 s10, $0x1;
	s10 =	sld [smem:$0x3FB9];
	_ =	sdelay $0x3  }
0x34: {  	[smem:$0x3FB9] =	sst s10  }
0x35: {  	s10 =	sld [smem:$0x3FB8];
	_ =	sdelay $0x3  }
0x36: {  	p1 =	seq.s32 s10, $0x1;
	s10 =	sld [smem:$0x3FB9];
	_ =	sdelay $0x3  }
0x37: {  	[smem:$0x3FB9] =	sst s10  }
0x38: {  	s10 =	sld [smem:$0x3FBA]  }
0x39: {  	_ = 	snop;
	(pc) =	sbr.ind lr, $3  }
0x3a: {  	_ = 	snop  }
0x3b: {  	_ = 	snop  }
0x3c: {  	p2 =	seq.s32 s10, $0x1;
	s10 =	sld [smem:$0x3FB9]  }
0x3d: {  	_ =	shalt  }
0x3e: {  	_ =	shalt  }
0x3f: {  	_ =	shalt  }
0x40: {  	_ =	shalt  }
0x41: {  	_ =	shalt  }
0x42: {  	_ =	shalt  }
0x43: {  	_ =	shalt  }
0x44: {  	_ =	shalt  }
0x45: {  	_ =	shalt  }
0x46: {  	_ =	shalt  }
0x47: {  	_ =	shalt  }
0x48: {  	_ =	shalt  }
0x49: {  	_ =	shalt  }
0x4a: {  	_ =	shalt  }
0x4b: {  	_ =	shalt  }
0x4c: {  	_ =	shalt  }
0x4d: {  	_ =	shalt  }
0x4e: {  	_ =	shalt  }
0x4f: {  	_ =	shalt  }
0x50: {  	_ =	shalt  }
0x51: {  	_ =	shalt  }
0x52: {  	_ =	shalt  }
0x53: {  	_ =	shalt  }
0x54: {  	_ =	shalt  }
0x55: {  	_ =	shalt  }
0x56: {  	_ =	shalt  }
0x57: {  	_ =	shalt  }
0x58: {  	_ =	shalt  }
0x59: {  	_ =	shalt  }
0x5a: {  	_ =	shalt  }
0x5b: {  	_ =	shalt  }
0x5c: {  	_ =	shalt  }
0x5d: {  	_ =	shalt  }
0x5e: {  	_ =	shalt  }
0x5f: {  	_ =	shalt  }
0x60: {  	_ =	shalt  }
0x61: {  	_ =	shalt  }
0x62: {  	_ =	shalt  }
0x63: {  	_ =	shalt  }
0x64: {  	_ =	shalt  }
0x65: {  	_ =	shalt  }
0x66: {  	_ =	shalt  }
0x67: {  	_ =	shalt  }
0x68: {  	_ =	shalt  }
0x69: {  	_ =	shalt  }
0x6a: {  	_ =	shalt  }
0x6b: {  	_ =	shalt  }
0x6c: {  	_ =	shalt  }
0x6d: {  	_ =	shalt  }
0x6e: {  	_ =	shalt  }
0x6f: {  	_ =	shalt  }
0x70: {  	_ =	shalt  }
0x71: {  	_ =	shalt  }
0x72: {  	_ =	shalt  }
0x73: {  	_ =	shalt  }
0x74: {  	_ =	shalt  }
0x75: {  	_ =	shalt  }
0x76: {  	_ =	shalt  }
0x77: {  	_ =	shalt  }
0x78: {  	_ =	shalt  }
0x79: {  	_ =	shalt  }
0x7a: {  	_ =	shalt  }
0x7b: {  	_ =	shalt  }
0x7c: {  	_ =	shalt  }
0x7d: {  	_ =	shalt  }
0x7e: {  	_ =	shalt  }
0x7f: {  	_ =	shalt  }
0x80: {  	_ =	shalt  }
0x81: {  	_ =	shalt  }
0x82: {  	_ =	shalt  }
0x83: {  	_ =	shalt  }
0x84: {  	_ =	shalt  }
0x85: {  	_ =	shalt  }
0x86: {  	_ =	shalt  }
0x87: {  	_ =	shalt  }
.Lfunc_end0:
.L_simem_size_0:
called_computation_lowered:
.L_overlay_start_0:
0x88: {  	s2 =	sld [smem:$0x3FD9]  }
0x89: {  	s3 =	sld [smem:$0x3FFE];
	_ =	sdelay $0x1  }
0x8a: {  	s1 =	srdreg.scid  }
0x8b: {  	s0 =	sand.u32 $0x1, s1  }
0x8c: {  	s17 =	sshll.u32 s0, $0xA;
	s2 =	sadd.s32 s3, s2  }
0x8d: {  	s2 =	sadd.s32 s2, s17  }
0x8e: {  	[smem:$0x3FC5] =	sst s2  }
0x8f: {  	_ = 	snop  }
0x90: {  	s2 =	sld [smem:$0x3FC9]  }
0x91: {  	s18 =	sld [smem:$0x3FC8]  }
0x92: {  	s4 =	sld [smem:$0x3FD0];
	(tm) =	ssettm $0x1  }
0x93: {  	s5 =	sld [smem:$0x3FFB];
	_ =	sdelay $0x3  }
0x94: {  	_ =	strace s5  }
0x95: {  	s5 =	sld [smem:$0x3FFC];
	_ =	sdelay $0x3  }
0x96: {  	_ =	strace s5  }
0x97: {  	s5 =	sld [smem:$0x3FFD];
	_ =	sdelay $0x3  }
0x98: {  	_ =	strace s5  }
0x99: {  	_ =	strace $0x8FFFFFFF  }
0x9a: {  	s19 =	sld [smem:$0x3FDB];
	_ =	sdelay $0x1  }
0x9b: {  	s6 =	simm.s32 $_scs_section_size  }
0x9c: {  	s7 =	simm.s32 $_size__tile_overlayer_lowered;
	s8 =	simm.s32 $_tile_overlayer_lowered  }
0x9d: {  	s22 =	simm.s32 $0x1BFF;
	s21 =	sshll.u32 s8, $0x1;
	s5 =	sadd.s32 s6, s19  }
0x9e: {  	s9 =	simm.s32 $0x0;
	s20 =	sshll.u32 s7, $0x1;
	s7 =	sadd.s32 s21, s5  }
0x9f: {  	[timem:s9], [sflag:s22] =	dma.local [hbm:s7], s20  }
0xa0: {  	_ =	swait.ge [sflag:s22], s20  }
0xa1: {  	s6 =	ssub.s32 $0x0, s20;
	[sflag:s22] =	ssyncset.done $0x0  }
0xa2: {  	[sflag:s22] =	ssyncadd.s32 s6;
	_ =	sdelay $0x1  }
0xa3: {  	s23 =	simm.s32 $0x1B8B  }
0xa4: {  	_ =	swait.ge [sflag:s23], $0x1  }
0xa5: {  	[sflag:s23] =	ssyncset.done $0x0  }
0xa6: {  	s25 =	simm.s32 $0x1B8E;
	s24 =	sld [smem:$0x3FFE];
	[sflag:s23] =	ssyncadd.s32 $0xFFFFFFFF  }
0xa7: {  	s26 =	simm.s32 $execute0_lowered;
	[smem:$0x3FD2] =	sst s25  }
0xa8: {  	s7 =	sshll.u32 s26, $0x1;
	_ =	strace $0x80000046;
	[dreg:$0x1] =	wrdreg $0xFFFFFFFF  }
0xa9: {  	s28 =	simm.s32 $_size_execute0_lowered;
	s5 =	sadd.s32 s5, s7;
	[dreg:$0x0] =	wrdreg $0x0  }
0xaa: {  	s7 =	sshll.u32 s28, $0x1;
	[dreg:$0x2] =	wrdreg s5  }
0xab: {  	[dreg:$0x3] =	wrdreg s7  }
0xac: {  	[dreg:$0x4] =	wrdreg $0xC0  }
0xad: {  	_ =	task [dreg:s9], $0x5FFFF  }
0xae: {  	[dreg:$0x1] =	wrdreg $0xFFFFFFFF  }
0xaf: {  	[dreg:$0x0] =	wrdreg $0x60  }
0xb0: {  	[dreg:$0x2] =	wrdreg s2  }
0xb1: {  	[dreg:$0x3] =	wrdreg s18  }
0xb2: {  	[dreg:$0x4] =	wrdreg s24  }
0xb3: {  	[dreg:$0x5] =	wrdreg s4  }
0xb4: {  	[dreg:$0x6] =	wrdreg $0x1C8000  }
0xb5: {  	[dreg:$0x7] =	wrdreg $0x9  }
0xb6: {  	_ =	task.clear_ibuf [dreg:s9], $0x8FFFF;
	_ =	strace $0x90000046  }
0xb7: {  	s29 =	simm.s32 $0x9;
	_ =	strace $0x80000048  }
0xb8: {  	_ =	swait.ge [sflag:s29], $0x1  }
0xb9: {  	[sflag:s29] =	ssyncadd.s32 $0xFFFFFFFF  }
0xba: {  	_ =	strace $0x90000048  }
0xbb: {  	_ =	sfence  }
0xbc: {  	s30 =	sld [smem:$0x0];
	_ =	sdelay $0x2  }
0xbd: {  	s31 =	sshll.u32 s1, $0xD;
	s1 =	sshrl.u32 s1, $0x2  }
0xbe: {  	s3 =	sand.u32 $0x4000, s31;
	s1 =	sadd.s32 s1, s30  }
0xbf: {  	s0 =	sor.u32 s3, s0;
	s1 =	sshll.u32 s1, $0x11  }
0xc0: {  	s0 =	sor.u32 s1, s0  }
0xc1: {  	s0 =	sadd.s32 $0x8F2B, s0  }
0xc2: {  	[sflag:s0] =	ssyncadd.remote.s32 $0x1  }
0xc3: {  	_ =	sfence.sel $0xFFFF  }
0xc4: {  	[dreg:$0x0] =	wrdreg $0xFFFFFFFF;
	(pc) =	sbr.abs _section_cstart, $3  }
0xc5: {  	[dreg:$0x1] =	wrdreg $0xFFFFFFFF  }
0xc6: {  	_ =	task.clear_ibuf [dreg:s9], $0x2FFFF;
	_ =	strace $0x9FFFFFFF  }
0xc7: {  	(tm) =	ssettm $0x7FFFFFFF  }
tec
execute0_lowered:
.L_overlay_start_1:
0x0: {  	(tag) =	ssettag $0x1  }
0x1: {  	s0 =	rddreg [dreg:$0x0]  }
0x2: {  	s1 =	rddreg [dreg:$0x2]  }
0x3: {  	s2 =	rddreg [dreg:$0x3]  }
0x4: {  	s3 =	rddreg [dreg:$0x4]  }
0x5: {  	s4 =	srdreg.scid;
	s7 =	stileid.u32;
	s10 =	simm.s32 $0x40  }
0x6: {  	s12 =	simm.s32 $0x10600;
	s20 =	simm.s32 $0x10400;
	s14 =	simm.s32 $0x16600  }
0x7: {  	s16 =	simm.s32 $0x12600;
	s18 =	simm.s32 $0x18600;
	s19 =	simm.s32 $0x1  }
0x8: {  	s21 =	simm.s32 $0x10200;
	s22 =	simm.s32 $0x14600;
	s25 =	simm.s32 $0x2  }
0x9: {  	s28 =	simm.s32 $0x4;
	s31 =	simm.s32 $0x3;
	s23 =	simm.s32 $0x6  }
0xa: {  	s15 =	simm.s32 $0x0;
	s5 =	sand.u32 $0x1, s4;
	s4 =	simm.s32 $0x0  }
0xb: {  	s6 =	sshll.u32 s7, $0xA;
	p0 =	sne.s32 s7, $0x0;
	s8 =	sshll.u32 s5, $0x9  }
0xc: {  	[smem:$0x7FF] =	sst s4;
	s5 =	ssub.s32 $0x2, s5;
	s6 =	sor.u32 s8, s6  }
0xd: {  	_ =	strace $0x80000047;
	s9 =	sshrl.u32 s5, $0x1;
	s8 =	sshll.u32 s6, $0x4  }
0xe: {  	s29 =	ssub.s32 s5, s9;
	s6 =	sshrl.u32 s6, $0x3;
	s9 =	simm.s32 $0x8  }
0xf: {  	s1 =	sadd.s32 s8, s1;
	s30 =	sadd.s32 s2, s6;
	s7 =	smax.u32 s29, $0x1  }
0x10: {  	v0 =	vlaneseq.u32;
	s8 =	sshrl.u32 @!p0 s3, $0x3;
	s1 =	sadd.s32 $0x400, s1;
	[dreg:$0x7] =	wrdreg s30  }
0x11: {  	v1 =	vmul.u32 $0x80, v0;
	s6 =	simm.s32 $0x10000;
	s2 =	simm.s32 $0x5;
	[dreg:$0x6] =	wrdreg s1  }
.LBB2_1:
0x12: {  	v2 =	vmov s4;
	s1 =	simm.s32 @!p0 $0x1C07;
	s5 =	rddreg [dreg:$0x1]  }
0x13: {  	v2 =	vshll.u32 v2, $0x7;
	[spmem:s8], [sflag:s1] =	dma.local @!p0 [hbm:s5], $0x3E80  }
0x14: {  	v2 =	vor.u32 v1, v2;
	s1 =	rddreg [dreg:$0x6]  }
0x15: {  	[tilespmem:s4], [sflag:$0x8] =	stream.linear.gather [hbm4b:s1+s4], $0x10000, $0x38;
	[tilespmem:$0x1E740] =	vst v63  }
0x16: {  	_ =	swait.ge [sflag:s9], $0x10000  }
0x17: {  	[sflag:s9] =	ssyncset.done $0x0  }
0x18: {  	[sflag:s9] =	ssyncadd.s32 $0xFFFF0000  }
0x19: {  	v3 =	vld.idx.msk [tilespmem:v2+s4+$0x0], $0xffff  }
0x1a: {  	v4 =	vor.u32 $0x1, v2;
	_ =	sdelay $0x3  }
0x1b: {  	[tilespmem:s6+$0x0] =	vst v3  }
0x1c: {  	v3 =	vld.idx.msk [tilespmem:v4+s4+$0x0], $0xffff  }
0x1d: {  	v2 =	vor.u32 $0x2, v2;
	_ =	sdelay $0x2  }
0x1e: {  	s30 =	simm.s32 $0x10  }
0x1f: {  	[tilespmem:s21+$0x0] =	vst v3;
	v3 =	vmov s30  }
0x20: {  	v2 =	vld.idx.msk [tilespmem:v2+s4+$0x0], $0xffff;
	v3 =	vshll.u32 v3, $0x7  }
0x21: {  	v3 =	vor.u32 v1, v3;
	_ =	sdelay $0x3  }
0x22: {  	[tilespmem:s20+$0x0] =	vst v2  }
0x23: {  	v2 =	vld.idx.msk [tilespmem:v3+s4+$0x0], $0xffff  }
0x24: {  	v4 =	vor.u32 $0x1, v3;
	_ =	sdelay $0x2  }
0x25: {  	s1 =	simm.s32 $0x10010  }
0x26: {  	[tilespmem:s1+$0x0] =	vst v2  }
0x27: {  	v2 =	vld.idx.msk [tilespmem:v4+s4+$0x0], $0xffff  }
0x28: {  	v4 =	vor.u32 $0x2, v3;
	_ =	sdelay $0x2  }
0x29: {  	s11 =	simm.s32 $0x10210  }
0x2a: {  	s13 =	simm.s32 $0x20;
	[tilespmem:s11+$0x0] =	vst v2  }
0x2b: {  	s17 =	simm.s32 $0x30;
	v3 =	vmov s13;
	s13 =	simm.s32 $0x10400;
	v2 =	vld.idx.msk [tilespmem:v4+s4+$0x0], $0xffff  }
.LBB2_2:
0x2c: {  	p1 =	sne.s32 s17, $0x70;
	v3 =	vshll.u32 v3, $0x7  }
0x2d: {  	v3 =	vor.u32 v1, v3;
	_ =	sdelay $0x2  }
0x2e: {  	s13 =	sadd.s32 $0x10, s13  }
0x2f: {  	[tilespmem:s13+$0x0] =	vst v2  }
0x30: {  	v2 =	vld.idx.msk [tilespmem:v3+s4+$0x0], $0xffff;
	_ =	sdelay $0x1  }
0x31: {  	v4 =	vor.u32 $0x1, v3;
	_ =	sdelay $0x2  }
0x32: {  	s1 =	sadd.s32 $0x10, s1  }
0x33: {  	[tilespmem:s1+$0x0] =	vst v2  }
0x34: {  	v2 =	vld.idx.msk [tilespmem:v4+s4+$0x0], $0xffff;
	_ =	sdelay $0x1  }
0x35: {  	v4 =	vor.u32 $0x2, v3  }
.Ltmp0:
0x36: {  	(pc) =	sbr.rel @p1 .LBB2_2-.Ltmp0, $4  }
0x37: {  	_ = 	snop  }
0x38: {  	s11 =	sadd.s32 $0x10, s11  }
0x39: {  	[tilespmem:s11+$0x0] =	vst v2  }
0x3a: {  	v3 =	vmov s17;
	s17 =	sadd.s32 $0x10, s17;
	v2 =	vld.idx.msk [tilespmem:v4+s4+$0x0], $0xffff  }
0x3b: {  	v3 =	vshll.u32 v3, $0x7  }
0x3c: {  	v3 =	vor.u32 v1, v3;
	_ =	sdelay $0x2  }
0x3d: {  	s13 =	sadd.s32 $0x10, s13  }
0x3e: {  	[tilespmem:s13+$0x0] =	vst v2  }
0x3f: {  	v2 =	vld.idx.msk [tilespmem:v3+s4+$0x0], $0xffff  }
0x40: {  	v4 =	vor.u32 $0x1, v3;
	_ =	sdelay $0x2  }
0x41: {  	s1 =	sadd.s32 $0x10, s1  }
0x42: {  	[tilespmem:s1+$0x0] =	vst v2  }
0x43: {  	v2 =	vld.idx.msk [tilespmem:v4+s4+$0x0], $0xffff  }
0x44: {  	v3 =	vor.u32 $0x2, v3;
	_ =	sdelay $0x2  }
0x45: {  	s11 =	sadd.s32 $0x10, s11  }
0x46: {  	[tilespmem:s11+$0x0] =	vst v2  }
0x47: {  	v2 =	vld.idx.msk [tilespmem:v3+s4+$0x0], $0xffff;
	_ =	sdelay $0x3  }
0x48: {  	s13 =	sadd.s32 $0x10, s13  }
0x49: {  	s17 =	simm.s32 $0x80;
	[tilespmem:s13+$0x0] =	vst v2  }
0x4a: {  	v2 =	vmov s17;
	[tilespmem:s12], [sflag:$0x1] =	stream.indirect.gather [hbm4b:s0+s10], $0x80, s6, s10, $0xb8;
	[tilespmem:$0x1E740] =	vst v63  }
0x4b: {  	v2 =	vshll.u32 v2, $0x7  }
0x4c: {  	v2 =	vor.u32 v1, v2;
	[tilespmem:s14], [sflag:$0x4] =	stream.indirect.gather [hbm4b:s0+s10], $0x80, s20, s10, $0xb8;
	[tilespmem:$0x1E740] =	vst v63  }
0x4d: {  	s20 =	simm.s32 $0x10040  }
0x4e: {  	[tilespmem:s16], [sflag:$0x2] =	stream.indirect.gather [hbm4b:s0+s10], $0x80, s20, s10, $0xb8;
	[tilespmem:$0x1E740] =	vst v63  }
0x4f: {  	s24 =	simm.s32 $0x10440  }
0x50: {  	[tilespmem:s18], [sflag:$0x5] =	stream.indirect.gather [hbm4b:s0+s10], $0x80, s24, s10, $0xb8;
	[tilespmem:$0x1E740] =	vst v63  }
0x51: {  	v3 =	vld.idx.msk [tilespmem:v2+s4+$0x0], $0xffff  }
0x52: {  	v4 =	vor.u32 $0x1, v2;
	_ =	sdelay $0x2  }
0x53: {  	s26 =	simm.s32 $0x10080  }
0x54: {  	[tilespmem:s26+$0x0] =	vst v3  }
0x55: {  	v3 =	vld.idx.msk [tilespmem:v4+s4+$0x0], $0xffff  }
0x56: {  	v2 =	vor.u32 $0x2, v2;
	_ =	sdelay $0x2  }
0x57: {  	s29 =	simm.s32 $0x10280;
	s30 =	simm.s32 $0x90  }
0x58: {  	[tilespmem:s29+$0x0] =	vst v3;
	v3 =	vmov s30  }
0x59: {  	v2 =	vld.idx.msk [tilespmem:v2+s4+$0x0], $0xffff;
	v3 =	vshll.u32 v3, $0x7  }
0x5a: {  	v3 =	vor.u32 v1, v3;
	_ =	sdelay $0x2  }
0x5b: {  	s1 =	simm.s32 $0x10480  }
0x5c: {  	[tilespmem:s1+$0x0] =	vst v2  }
0x5d: {  	v2 =	vld.idx.msk [tilespmem:v3+s4+$0x0], $0xffff  }
0x5e: {  	v4 =	vor.u32 $0x1, v3;
	_ =	sdelay $0x2  }
0x5f: {  	s11 =	simm.s32 $0x10090  }
0x60: {  	[tilespmem:s11+$0x0] =	vst v2  }
0x61: {  	v2 =	vld.idx.msk [tilespmem:v4+s4+$0x0], $0xffff  }
0x62: {  	v4 =	vor.u32 $0x2, v3;
	_ =	sdelay $0x2  }
0x63: {  	s13 =	simm.s32 $0x10290  }
0x64: {  	s17 =	simm.s32 $0xA0;
	[tilespmem:s13+$0x0] =	vst v2  }
0x65: {  	v3 =	vmov s17;
	s17 =	simm.s32 $0xB0;
	v2 =	vld.idx.msk [tilespmem:v4+s4+$0x0], $0xffff  }
.LBB2_4:
0x66: {  	p1 =	sne.s32 s17, $0x1F0;
	v3 =	vshll.u32 v3, $0x7  }
0x67: {  	v3 =	vor.u32 v1, v3;
	_ =	sdelay $0x2  }
0x68: {  	s1 =	sadd.s32 $0x10, s1  }
0x69: {  	[tilespmem:s1+$0x0] =	vst v2  }
0x6a: {  	v2 =	vld.idx.msk [tilespmem:v3+s4+$0x0], $0xffff;
	_ =	sdelay $0x1  }
0x6b: {  	v4 =	vor.u32 $0x1, v3;
	_ =	sdelay $0x2  }
0x6c: {  	s11 =	sadd.s32 $0x10, s11  }
0x6d: {  	[tilespmem:s11+$0x0] =	vst v2  }
0x6e: {  	v2 =	vld.idx.msk [tilespmem:v4+s4+$0x0], $0xffff;
	_ =	sdelay $0x1  }
0x6f: {  	v4 =	vor.u32 $0x2, v3  }
.Ltmp1:
0x70: {  	(pc) =	sbr.rel @p1 .LBB2_4-.Ltmp1, $4  }
0x71: {  	_ = 	snop  }
0x72: {  	s13 =	sadd.s32 $0x10, s13  }
0x73: {  	[tilespmem:s13+$0x0] =	vst v2  }
0x74: {  	v3 =	vmov s17;
	s17 =	sadd.s32 $0x10, s17;
	v2 =	vld.idx.msk [tilespmem:v4+s4+$0x0], $0xffff  }
0x75: {  	v3 =	vshll.u32 v3, $0x7  }
0x76: {  	v3 =	vor.u32 v1, v3;
	_ =	sdelay $0x2  }
0x77: {  	s1 =	sadd.s32 $0x10, s1  }
0x78: {  	[tilespmem:s1+$0x0] =	vst v2  }
0x79: {  	v2 =	vld.idx.msk [tilespmem:v3+s4+$0x0], $0xffff  }
0x7a: {  	v4 =	vor.u32 $0x1, v3;
	_ =	sdelay $0x2  }
0x7b: {  	s11 =	sadd.s32 $0x10, s11  }
0x7c: {  	[tilespmem:s11+$0x0] =	vst v2  }
0x7d: {  	v2 =	vld.idx.msk [tilespmem:v4+s4+$0x0], $0xffff  }
0x7e: {  	v3 =	vor.u32 $0x2, v3;
	_ =	sdelay $0x2  }
0x7f: {  	s24 =	sadd.s32 $0x10, s13  }
0x80: {  	[tilespmem:s24+$0x0] =	vst v2  }
0x81: {  	v2 =	vld.idx.msk [tilespmem:v3+s4+$0x0], $0xffff;
	_ =	sdelay $0x3  }
0x82: {  	s1 =	sadd.s32 $0x10, s1  }
0x83: {  	[tilespmem:s1+$0x0] =	vst v2;
	s1 =	simm.s32 @!p0 $0x7  }
0x84: {  	_ =	swait.ge @!p0 [sflag:s1], $0x3E80  }
0x85: {  	[sflag:s1] =	ssyncset.done @!p0 $0x0  }
0x86: {  	[sflag:s1] =	ssyncadd.s32 @!p0 $0xFFFFC180  }
0x87: {  	[bflag:$0x0] =	sbarrier.arrive $0xFFFF  }
0x88: {  	_ =	swait.ge [sflag:s19], $0x2000  }
0x89: {  	[sflag:s19] =	ssyncset.done $0x0  }
0x8a: {  	[sflag:s19] =	ssyncadd.s32 $0xFFFFE000  }
0x8b: {  	[tilespmem:s12], [sflag:$0x1] =	stream.indirect.gather.add.f32 [spmem:s3], $0x80, s21, s10, $0xb8;
	[tilespmem:$0x1E740] =	vst v63  }
0x8c: {  	s26 =	simm.s32 $0x10080  }
0x8d: {  	[tilespmem:s22], [sflag:$0x3] =	stream.indirect.gather [hbm4b:s0+s10], $0x80, s26, s10, $0xb8;
	[tilespmem:$0x1E740] =	vst v63  }
0x8e: {  	s29 =	simm.s32 $0x10480;
	s5 =	simm.s32 $0x1A600  }
0x8f: {  	[tilespmem:s5], [sflag:$0x6] =	stream.indirect.gather [hbm4b:s0+s10], $0x80, s29, s10, $0xb8;
	[tilespmem:$0x1E740] =	vst v63  }
0x90: {  	_ =	swait.ge [sflag:s25], $0x2000  }
0x91: {  	[sflag:s25] =	ssyncset.done $0x0  }
0x92: {  	s30 =	simm.s32 $0x10240;
	[sflag:s25] =	ssyncadd.s32 $0xFFFFE000  }
0x93: {  	[tilespmem:s16], [sflag:$0x2] =	stream.indirect.gather.add.f32 [spmem:s3], $0x80, s30, s10, $0xb8;
	[tilespmem:$0x1E740] =	vst v63  }
0x94: {  	_ =	swait.ge [sflag:s19], $0x2000  }
0x95: {  	[sflag:s19] =	ssyncset.done $0x0  }
0x96: {  	[sflag:s19] =	ssyncadd.s32 $0xFFFFE000  }
0x97: {  	_ =	swait.ge [sflag:s28], $0x2000  }
0x98: {  	s17 =	simm.s32 $0x0;
	[sflag:s28] =	ssyncset.done $0x0  }
0x99: {  	s13 =	simm.s32 $0x16700;
	s26 =	simm.s32 $0x10700;
	[sflag:s28] =	ssyncadd.s32 $0xFFFFE000  }
.LBB2_6:
0x9a: {  	v2 =	vld [tilespmem:s26+$0x80]  }
0x9b: {  	v3 =	vld [tilespmem:s13+$0x80]  }
0x9c: {  	v4 =	vld [tilespmem:s26+$0x90]  }
0x9d: {  	v5 =	vld [tilespmem:s13+$0x90]  }
0x9e: {  	v6 =	vld [tilespmem:s26+$0xA0]  }
0x9f: {  	v7 =	vld [tilespmem:s13+$0xA0]  }
0xa0: {  	v8 =	vld [tilespmem:s26+$0xB0]  }
0xa1: {  	v9 =	vld [tilespmem:s13+$0xB0]  }
0xa2: {  	v10 =	vld [tilespmem:s26+$0xC0]  }
0xa3: {  	v11 =	vld [tilespmem:s13+$0xC0]  }
0xa4: {  	v12 =	vld [tilespmem:s26+$0xD0]  }
0xa5: {  	v13 =	vld [tilespmem:s13+$0xD0]  }
0xa6: {  	v14 =	vld [tilespmem:s26+$0xE0]  }
0xa7: {  	v15 =	vld [tilespmem:s13+$0xE0]  }
0xa8: {  	v16 =	vld [tilespmem:s26+$0xF0]  }
0xa9: {  	v17 =	vld [tilespmem:s13+$0xF0]  }
0xaa: {  	v18 =	vld [tilespmem:s26+$0x0]  }
0xab: {  	v19 =	vld [tilespmem:s13+$0x0]  }
0xac: {  	v20 =	vld [tilespmem:s26+$0x10]  }
0xad: {  	v21 =	vld [tilespmem:s13+$0x10]  }
0xae: {  	v22 =	vld [tilespmem:s26+$0x20]  }
0xaf: {  	v23 =	vld [tilespmem:s13+$0x20]  }
0xb0: {  	v24 =	vld [tilespmem:s26+$0x30]  }
0xb1: {  	v25 =	vld [tilespmem:s13+$0x30]  }
0xb2: {  	v26 =	vld [tilespmem:s26+$0x40]  }
0xb3: {  	v27 =	vld [tilespmem:s13+$0x40]  }
0xb4: {  	v28 =	vld [tilespmem:s26+$0x50]  }
0xb5: {  	v29 =	vld [tilespmem:s13+$0x50]  }
0xb6: {  	v30 =	vld [tilespmem:s26+$0x60]  }
0xb7: {  	v31 =	vld [tilespmem:s13+$0x60]  }
0xb8: {  	v32 =	vld [tilespmem:s26+$0x70]  }
0xb9: {  	v33 =	vld [tilespmem:s13+$0x70]  }
0xba: {  	v34 =	vld [tilespmem:s26+$0xFFFFFF80]  }
0xbb: {  	v35 =	vld [tilespmem:s13+$0xFFFFFF80]  }
0xbc: {  	v36 =	vld [tilespmem:s26+$0xFFFFFF90]  }
0xbd: {  	v37 =	vld [tilespmem:s13+$0xFFFFFF90]  }
0xbe: {  	v38 =	vld [tilespmem:s26+$0xFFFFFFA0]  }
0xbf: {  	v39 =	vld [tilespmem:s13+$0xFFFFFFA0]  }
0xc0: {  	v40 =	vld [tilespmem:s26+$0xFFFFFFB0]  }
0xc1: {  	v41 =	vld [tilespmem:s13+$0xFFFFFFB0]  }
0xc2: {  	v42 =	vld [tilespmem:s26+$0xFFFFFFC0]  }
0xc3: {  	v43 =	vld [tilespmem:s13+$0xFFFFFFC0]  }
0xc4: {  	v44 =	vld [tilespmem:s26+$0xFFFFFFD0]  }
0xc5: {  	v45 =	vld [tilespmem:s13+$0xFFFFFFD0]  }
0xc6: {  	v46 =	vld [tilespmem:s26+$0xFFFFFFE0]  }
0xc7: {  	v47 =	vld [tilespmem:s13+$0xFFFFFFE0]  }
0xc8: {  	v48 =	vld [tilespmem:s26+$0xFFFFFFF0]  }
0xc9: {  	v49 =	vld [tilespmem:s13+$0xFFFFFFF0]  }
0xca: {  	v50 =	vld [tilespmem:s26+$0xFFFFFF00]  }
0xcb: {  	v51 =	vld [tilespmem:s13+$0xFFFFFF00];
	v56 =	vsub.f32 v2, v3  }
0xcc: {  	v52 =	vld [tilespmem:s26+$0xFFFFFF10];
	v57 =	vsub.f32 v4, v5;
	v6 =	vsub.f32 v6, v7  }
0xcd: {  	v53 =	vld [tilespmem:s13+$0xFFFFFF10];
	v58 =	vsub.f32 v8, v9;
	v59 =	vsub.f32 v10, v11  }
0xce: {  	v54 =	vld [tilespmem:s26+$0xFFFFFF20];
	v5 =	vsub.f32 v12, v13;
	v4 =	vsub.f32 v14, v15  }
0xcf: {  	v55 =	vld [tilespmem:s13+$0xFFFFFF20];
	v3 =	vsub.f32 v16, v17;
	v15 =	vsub.f32 v18, v19  }
0xd0: {  	v2 =	vld [tilespmem:s26+$0xFFFFFF30];
	v17 =	vsub.f32 v20, v21;
	v18 =	vsub.f32 v22, v23  }
0xd1: {  	v9 =	vld [tilespmem:s13+$0xFFFFFF30];
	v19 =	vsub.f32 v24, v25;
	v20 =	vsub.f32 v26, v27  }
0xd2: {  	v10 =	vld [tilespmem:s26+$0xFFFFFF40];
	v21 =	vsub.f32 v28, v29;
	v24 =	vsub.f32 v30, v31  }
0xd3: {  	v11 =	vld [tilespmem:s13+$0xFFFFFF40];
	v26 =	vsub.f32 v32, v33;
	v25 =	vsub.f32 v34, v35  }
0xd4: {  	v12 =	vld [tilespmem:s26+$0xFFFFFF50];
	v27 =	vsub.f32 v36, v37;
	v30 =	vsub.f32 v38, v39  }
0xd5: {  	v13 =	vld [tilespmem:s13+$0xFFFFFF50];
	v31 =	vsub.f32 v40, v41;
	v43 =	vsub.f32 v42, v43  }
0xd6: {  	v14 =	vld [tilespmem:s26+$0xFFFFFF60];
	v45 =	vsub.f32 v44, v45;
	v47 =	vsub.f32 v46, v47  }
0xd7: {  	v16 =	vld [tilespmem:s13+$0xFFFFFF60];
	v60 =	vsub.f32 v48, v49;
	v61 =	vsub.f32 v50, v51  }
0xd8: {  	v22 =	vld [tilespmem:s26+$0xFFFFFF70];
	v7 =	vsub.f32 v52, v53;
	v8 =	vsub.f32 v54, v55  }
0xd9: {  	v23 =	vld [tilespmem:s13+$0xFFFFFF70];
	v62 =	vand.u32 $0x7FFFFFFF, v56;
	v63 =	vand.u32 $0x7FFFFFFF, v59;
	v19 =	vand.u32 $0x7FFFFFFF, v19  }
0xda: {  	v28 =	vand.u32 $0x7FFFFFFF, v21;
	v29 =	vand.u32 $0x7FFFFFFF, v24;
	v25 =	vand.u32 $0x7FFFFFFF, v25  }
0xdb: {  	v21 =	vand.u32 $0x7FFFFFFF, v27;
	v27 =	vand.u32 $0x7FFFFFFF, v26;
	v24 =	vand.u32 $0x7FFFFFFF, v30  }
0xdc: {  	v33 =	vand.u32 $0x7FFFFFFF, v43;
	v30 =	vand.u32 $0x7FFFFFFF, v45;
	v9 =	vsub.f32 v2, v9  }
0xdd: {  	v26 =	vand.u32 $0x7FFFFFFF, v61;
	v10 =	vsub.f32 v10, v11;
	v11 =	vsub.f32 v12, v13  }
0xde: {  	v2 =	vimm.f32 $0.0e+00;
	v12 =	vsub.f32 v14, v16;
	v13 =	vsub.f32 v22, v23  }
0xdf: {  	v16 =	vand.u32 $0x7FFFFFFF, v57;
	v14 =	vand.u32 $0x7FFFFFFF, v6;
	v6 =	vand.u32 $0x7FFFFFFF, v15  }
0xe0: {  	v15 =	vand.u32 $0x7FFFFFFF, v58;
	v22 =	vand.u32 $0x7FFFFFFF, v17;
	v23 =	vand.u32 $0x7FFFFFFF, v18  }
0xe1: {  	s29 =	sshll.u32 s17, $0x4;
	s1 =	sadd.s32 $0x200, s26;
	v17 =	vand.u32 $0x7FFFFFFF, v20;
	v18 =	vand.u32 $0x7FFFFFFF, v31;
	v31 =	vand.u32 $0x7FFFFFFF, v47  }
0xe2: {  	s11 =	simm.s32 $0x4;
	s21 =	smov.u32 s13;
	s30 =	simm.s32 $0x0;
	v20 =	vand.u32 $0x7FFFFFFF, v60;
	v32 =	vadd.f32 v17, v6;
	v17 =	vadd.f32 v63, v62  }
.LBB2_7:
0xe3: {  	v6 =	vld [tilespmem:s1+$0x80];
	p1 =	sne.s32 s11, $0xC;
	v34 =	vand.u32 $0x7FFFFFFF, v7;
	v22 =	vadd.f32 v28, v22;
	v23 =	vadd.f32 v29, v23;
	s21 =	sadd.s32 $0x200, s21  }
0xe4: {  	v28 =	vand.u32 $0x7FFFFFFF, v8;
	v25 =	vadd.f32 v33, v25;
	v19 =	vadd.f32 v27, v19;
	v7 =	vld [tilespmem:s21+$0x80]  }
0xe5: {  	v27 =	vand.u32 $0x7FFFFFFF, v9;
	v21 =	vadd.f32 v30, v21;
	v24 =	vadd.f32 v31, v24;
	v8 =	vld [tilespmem:s1+$0x90]  }
0xe6: {  	v29 =	vand.u32 $0x7FFFFFFF, v10;
	v22 =	vadd.f32 v22, v32;
	v19 =	vadd.f32 v19, v23;
	v9 =	vld [tilespmem:s21+$0x90]  }
0xe7: {  	v18 =	vadd.f32 v20, v18;
	v23 =	vadd.f32 v29, v26;
	v26 =	vand.u32 $0x7FFFFFFF, v11;
	v10 =	vld [tilespmem:s1+$0xA0]  }
0xe8: {  	v20 =	vadd.f32 v26, v34;
	v26 =	vand.u32 $0x7FFFFFFF, v12;
	v19 =	vadd.f32 v19, v22;
	v11 =	vld [tilespmem:s21+$0xA0]  }
0xe9: {  	v21 =	vadd.f32 v21, v25;
	v18 =	vadd.f32 v18, v24;
	v22 =	vand.u32 $0x7FFFFFFF, v13;
	v12 =	vld [tilespmem:s1+$0xB0]  }
0xea: {  	v25 =	vand.u32 $0x7FFFFFFF, v5;
	v24 =	vadd.f32 v26, v28;
	v22 =	vadd.f32 v22, v27;
	v13 =	vld [tilespmem:s21+$0xB0];
	(xrf2) =	vadd.scan.msk.f32 $0xffff, v19  }
0xeb: {  	v16 =	vadd.f32 v25, v16;
	v18 =	vadd.f32 v18, v21;
	v19 =	vand.u32 $0x7FFFFFFF, v4;
	v5 =	vld [tilespmem:s1+$0xC0]  }
0xec: {  	v20 =	vadd.f32 v20, v23;
	v21 =	vadd.f32 v22, v24;
	v22 =	vand.u32 $0x7FFFFFFF, v3;
	v4 =	vld [tilespmem:s21+$0xC0]  }
0xed: {  	v19 =	vadd.f32 v19, v14;
	v22 =	vadd.f32 v22, v15;
	v3 =	vld [tilespmem:s1+$0xD0];
	(xrf2) =	vadd.scan.msk.f32 $0xffff, v18  }
0xee: {  	v18 =	vadd.f32 v21, v20;
	v14 =	vld [tilespmem:s21+$0xD0]  }
0xef: {  	v16 =	vadd.f32 v16, v17;
	v17 =	vadd.f32 v22, v19;
	v15 =	vld [tilespmem:s1+$0xE0]  }
0xf0: {  	v19 =	vld [tilespmem:s21+$0xE0];
	(xrf2) =	vadd.scan.msk.f32 $0xffff, v18  }
0xf1: {  	v16 =	vadd.f32 v17, v16;
	v18 =	vld [tilespmem:s1+$0xF0]  }
0xf2: {  	v17 =	vld [tilespmem:s21+$0xF0]  }
0xf3: {  	v20 =	vld [tilespmem:s1+$0x0];
	(xrf2) =	vadd.scan.msk.f32 $0xffff, v16  }
0xf4: {  	v16 =	vld [tilespmem:s21+$0x0];
	v21, _, _ =	vpop (xrf2)  }
0xf5: {  	v22 =	vld [tilespmem:s1+$0x10]  }
0xf6: {  	v23 =	vld [tilespmem:s21+$0x10]  }
0xf7: {  	v24 =	vld [tilespmem:s1+$0x20];
	v25, _, _ =	vpop (xrf2)  }
0xf8: {  	v26 =	vld [tilespmem:s21+$0x20]  }
0xf9: {  	v27 =	vld [tilespmem:s1+$0x30]  }
0xfa: {  	v28 =	vld [tilespmem:s21+$0x30];
	v29, _, _ =	vpop (xrf2)  }
0xfb: {  	v30 =	vld [tilespmem:s1+$0x40];
	(v2sf) =	vpush v29, $0xF  }
0xfc: {  	v29 =	vld [tilespmem:s21+$0x40];
	(v2sf) =	vpush v25, $0xF  }
0xfd: {  	v25 =	vld [tilespmem:s1+$0x50];
	(v2sf) =	vpush v21, $0xF;
	v21, _, _ =	vpop (xrf2)  }
0xfe: {  	v31 =	vld [tilespmem:s21+$0x50];
	(v2sf) =	vpush v21, $0xF  }
0xff: {  	v21 =	vld [tilespmem:s1+$0x60]  }
0x100: {  	v32 =	vld [tilespmem:s21+$0x60]  }
0x101: {  	v33 =	vld [tilespmem:s1+$0x70]  }
0x102: {  	v34 =	vld [tilespmem:s21+$0x70]  }
0x103: {  	v35 =	vld [tilespmem:s1+$0xFFFFFF80]  }
0x104: {  	v36 =	vld [tilespmem:s21+$0xFFFFFF80]  }
0x105: {  	v37 =	vld [tilespmem:s1+$0xFFFFFF90]  }
0x106: {  	v38 =	vld [tilespmem:s21+$0xFFFFFF90]  }
0x107: {  	v39 =	vld [tilespmem:s1+$0xFFFFFFA0]  }
0x108: {  	v40 =	vld [tilespmem:s21+$0xFFFFFFA0]  }
0x109: {  	v41 =	vld [tilespmem:s1+$0xFFFFFFB0]  }
0x10a: {  	v42 =	vld [tilespmem:s21+$0xFFFFFFB0];
	s20 =	spop (v2sf)  }
0x10b: {  	v44 =	vmov s30;
	s24 =	sadd.s32 $0x1, s30;
	v43 =	vld [tilespmem:s1+$0xFFFFFFC0];
	s20 =	ssub.f32 $1.200000000e+01, s20;
	s5 =	spop (v2sf)  }
0x10c: {  	vm0 =	veq.s32 v44, v0;
	v44 =	vmov s24;
	s24 =	sadd.s32 $0x2, s30;
	v45 =	vld [tilespmem:s21+$0xFFFFFFC0];
	s5 =	ssub.f32 $1.200000000e+01, s5;
	s6 =	spop (v2sf)  }
0x10d: {  	v46 =	vld [tilespmem:s1+$0xFFFFFFD0];
	v2 =	vsel vm0, s20, v2;
	vm0 =	veq.s32 v44, v0;
	v44 =	vmov s24;
	s6 =	ssub.f32 $1.200000000e+01, s6;
	s20 =	sadd.s32 $0x3, s30;
	s24 =	spop (v2sf)  }
0x10e: {  	s30 =	smov.u32 s11;
	v47 =	vld [tilespmem:s21+$0xFFFFFFD0];
	v2 =	vsel vm0, s5, v2;
	vm0 =	veq.s32 v44, v0;
	v44 =	vmov s20;
	s5 =	ssub.f32 $1.200000000e+01, s24  }
0x10f: {  	v48 =	vld [tilespmem:s1+$0xFFFFFFE0];
	v2 =	vsel vm0, s6, v2;
	vm0 =	veq.s32 v44, v0  }
0x110: {  	v44 =	vld [tilespmem:s21+$0xFFFFFFE0];
	v2 =	vsel vm0, s5, v2  }
0x111: {  	v49 =	vld [tilespmem:s1+$0xFFFFFFF0]  }
0x112: {  	v50 =	vld [tilespmem:s21+$0xFFFFFFF0]  }
0x113: {  	v51 =	vld [tilespmem:s1+$0xFFFFFF00]  }
0x114: {  	v52 =	vld [tilespmem:s21+$0xFFFFFF00]  }
0x115: {  	v53 =	vld [tilespmem:s1+$0xFFFFFF10]  }
0x116: {  	v54 =	vld [tilespmem:s21+$0xFFFFFF10]  }
0x117: {  	v55 =	vld [tilespmem:s1+$0xFFFFFF20]  }
0x118: {  	v6 =	vsub.f32 v6, v7;
	v57 =	vsub.f32 v8, v9;
	v56 =	vld [tilespmem:s21+$0xFFFFFF20]  }
0x119: {  	v58 =	vsub.f32 v10, v11;
	v59 =	vsub.f32 v12, v13;
	v9 =	vld [tilespmem:s1+$0xFFFFFF30]  }
0x11a: {  	v60 =	vsub.f32 v5, v4;
	v5 =	vsub.f32 v3, v14;
	v10 =	vld [tilespmem:s21+$0xFFFFFF30]  }
0x11b: {  	v4 =	vsub.f32 v15, v19;
	v3 =	vsub.f32 v18, v17;
	v11 =	vld [tilespmem:s1+$0xFFFFFF40]  }
0x11c: {  	v15 =	vsub.f32 v20, v16;
	v17 =	vsub.f32 v22, v23;
	v12 =	vld [tilespmem:s21+$0xFFFFFF40]  }
0x11d: {  	v18 =	vsub.f32 v24, v26;
	v19 =	vsub.f32 v27, v28;
	v13 =	vld [tilespmem:s1+$0xFFFFFF50]  }
0x11e: {  	v20 =	vsub.f32 v30, v29;
	v24 =	vsub.f32 v25, v31;
	v14 =	vld [tilespmem:s21+$0xFFFFFF50]  }
0x11f: {  	v21 =	vsub.f32 v21, v32;
	v26 =	vsub.f32 v33, v34;
	v16 =	vld [tilespmem:s1+$0xFFFFFF60]  }
0x120: {  	v25 =	vsub.f32 v35, v36;
	v27 =	vsub.f32 v37, v38;
	v22 =	vld [tilespmem:s21+$0xFFFFFF60]  }
0x121: {  	v30 =	vsub.f32 v39, v40;
	v31 =	vsub.f32 v41, v42;
	v23 =	vld [tilespmem:s1+$0xFFFFFF70]  }
0x122: {  	v32 =	vsub.f32 v43, v45;
	v34 =	vsub.f32 v46, v47;
	v28 =	vld [tilespmem:s21+$0xFFFFFF70]  }
0x123: {  	v35 =	vsub.f32 v48, v44;
	v36 =	vsub.f32 v49, v50  }
0x124: {  	v37 =	vsub.f32 v51, v52;
	v7 =	vsub.f32 v53, v54  }
0x125: {  	v8 =	vsub.f32 v55, v56;
	v9 =	vsub.f32 v9, v10  }
0x126: {  	v10 =	vsub.f32 v11, v12;
	v11 =	vsub.f32 v13, v14  }
0x127: {  	v12 =	vsub.f32 v16, v22;
	v13 =	vsub.f32 v23, v28  }
0x128: {  	v6 =	vand.u32 $0x7FFFFFFF, v6;
	v14 =	vand.u32 $0x7FFFFFFF, v58;
	v16 =	vand.u32 $0x7FFFFFFF, v57  }
0x129: {  	v38 =	vand.u32 $0x7FFFFFFF, v15;
	v15 =	vand.u32 $0x7FFFFFFF, v59;
	v39 =	vand.u32 $0x7FFFFFFF, v60  }
0x12a: {  	v19 =	vand.u32 $0x7FFFFFFF, v19;
	v22 =	vand.u32 $0x7FFFFFFF, v17;
	v23 =	vand.u32 $0x7FFFFFFF, v18  }
.Ltmp2:
0x12b: {  	v29 =	vand.u32 $0x7FFFFFFF, v21;
	v17 =	vand.u32 $0x7FFFFFFF, v20;
	v28 =	vand.u32 $0x7FFFFFFF, v24;
	(pc) =	sbr.rel @p1 .LBB2_7-.Ltmp2, $4  }
0x12c: {  	v25 =	vand.u32 $0x7FFFFFFF, v25;
	v21 =	vand.u32 $0x7FFFFFFF, v27;
	v27 =	vand.u32 $0x7FFFFFFF, v26  }
0x12d: {  	v33 =	vand.u32 $0x7FFFFFFF, v32;
	v24 =	vand.u32 $0x7FFFFFFF, v30;
	v18 =	vand.u32 $0x7FFFFFFF, v31  }
0x12e: {  	v20 =	vand.u32 $0x7FFFFFFF, v36;
	v30 =	vand.u32 $0x7FFFFFFF, v34;
	v31 =	vand.u32 $0x7FFFFFFF, v35  }
0x12f: {  	s11 =	sadd.s32 $0x4, s11;
	v26 =	vand.u32 $0x7FFFFFFF, v37;
	s1 =	sadd.s32 $0x200, s1;
	v32 =	vadd.f32 v17, v38;
	v17 =	vadd.f32 v39, v6  }
0x130: {  	v6 =	vand.u32 $0x7FFFFFFF, v7  }
0x131: {  	v55 =	vadd.f32 v28, v22;
	v56 =	vadd.f32 v29, v23;
	v8 =	vand.u32 $0x7FFFFFFF, v8  }
0x132: {  	v57 =	vadd.f32 v33, v25;
	v19 =	vadd.f32 v27, v19;
	v9 =	vand.u32 $0x7FFFFFFF, v9  }
0x133: {  	v21 =	vadd.f32 v30, v21;
	v24 =	vadd.f32 v31, v24;
	v10 =	vand.u32 $0x7FFFFFFF, v10  }
0x134: {  	v11 =	vand.u32 $0x7FFFFFFF, v11;
	v18 =	vadd.f32 v20, v18;
	v58 =	vand.u32 $0x7FFFFFFF, v12  }
0x135: {  	v59 =	vand.u32 $0x7FFFFFFF, v13;
	v10 =	vadd.f32 v10, v26;
	v6 =	vadd.f32 v11, v6  }
0x136: {  	v5 =	vand.u32 $0x7FFFFFFF, v5;
	v8 =	vadd.f32 v58, v8;
	v9 =	vadd.f32 v59, v9  }
0x137: {  	v5 =	vadd.f32 v5, v16;
	v7 =	vadd.f32 v55, v32  }
0x138: {  	v19 =	vadd.f32 v19, v56;
	v60 =	vadd.f32 v21, v57  }
0x139: {  	v18 =	vadd.f32 v18, v24;
	v6 =	vadd.f32 v6, v10  }
0x13a: {  	v4 =	vand.u32 $0x7FFFFFFF, v4;
	v8 =	vadd.f32 v9, v8;
	v7 =	vadd.f32 v19, v7  }
0x13b: {  	v3 =	vand.u32 $0x7FFFFFFF, v3;
	v4 =	vadd.f32 v4, v14;
	v61 =	vadd.f32 v18, v60  }
0x13c: {  	v3 =	vadd.f32 v3, v15;
	v6 =	vadd.f32 v8, v6;
	(xrf2) =	vadd.scan.msk.f32 $0xffff, v7  }
0x13d: {  	(xrf2) =	vadd.scan.msk.f32 $0xffff, v61  }
0x13e: {  	v5 =	vadd.f32 v5, v17;
	v3 =	vadd.f32 v3, v4;
	(xrf2) =	vadd.scan.msk.f32 $0xffff, v6;
	_ =	sdelay $0x1  }
0x13f: {  	v3 =	vadd.f32 v3, v5;
	_ =	sdelay $0x1  }
0x140: {  	(xrf2) =	vadd.scan.msk.f32 $0xffff, v3;
	_ =	sdelay $0x3  }
0x141: {  	v3, _, _ =	vpop (xrf2)  }
0x142: {  	v62, _, _ =	vpop (xrf2)  }
0x143: {  	v63, _, _ =	vpop (xrf2)  }
0x144: {  	(v2sf) =	vpush v63, $0xF  }
0x145: {  	(v2sf) =	vpush v62, $0xF  }
0x146: {  	(v2sf) =	vpush v3, $0xF  }
0x147: {  	v3, _, _ =	vpop (xrf2)  }
0x148: {  	(v2sf) =	vpush v3, $0xF;
	_ =	sdelay $0xa  }
0x149: {  	s1 =	spop (v2sf)  }
0x14a: {  	s5 =	sadd.s32 $0x1, s30;
	v3 =	vmov s30;
	s1 =	ssub.f32 $1.200000000e+01, s1;
	s6 =	spop (v2sf)  }
0x14b: {  	s17 =	sadd.s32 $0x1, s17;
	vm0 =	veq.s32 v3, v0;
	v3 =	vmov s5;
	s5 =	ssub.f32 $1.200000000e+01, s6;
	s11 =	spop (v2sf)  }
0x14c: {  	s24 =	sadd.s32 $0x2, s30;
	p1 =	sne.s32 s17, $0x4;
	s20 =	ssub.f32 $1.200000000e+01, s11  }
.Ltmp3:
0x14d: {  	s21 =	sadd.s32 $0x3, s30;
	vm13 =	veq.s32 v3, v0;
	v3 =	vmov s24;
	v2 =	vsel vm0, s1, v2;
	s24 =	spop (v2sf);
	(pc) =	sbr.rel @p1 .LBB2_6-.Ltmp3, $4  }
0x14e: {  	vm14 =	veq.s32 v3, v0;
	v3 =	vmov s21;
	v2 =	vsel vm13, s5, v2;
	s30 =	ssub.f32 $1.200000000e+01, s24  }
0x14f: {  	vm15 =	veq.s32 v3, v0;
	v2 =	vsel vm14, s20, v2  }
0x150: {  	v2 =	vsel vm15, s30, v2  }
0x151: {  	s13 =	sadd.s32 $0x800, s13;
	s26 =	sadd.s32 $0x800, s26;
	[tilespmem:s29+$0x1C600] =	vst v2  }
0x152: {  	s1 =	simm.s32 $0x100C0  }
0x153: {  	[tilespmem:s12], [sflag:$0x1] =	stream.indirect.gather [hbm4b:s0+s10], $0x80, s1, s10, $0xb8;
	[tilespmem:$0x1E740] =	vst v63  }
0x154: {  	s29 =	simm.s32 $0x104C0  }
0x155: {  	[tilespmem:s14], [sflag:$0x4] =	stream.indirect.gather [hbm4b:s0+s10], $0x80, s29, s10, $0xb8;
	[tilespmem:$0x1E740] =	vst v63  }
0x156: {  	_ =	swait.ge [sflag:s31], $0x2000  }
0x157: {  	[sflag:s31] =	ssyncset.done $0x0  }
0x158: {  	s30 =	simm.s32 $0x10280;
	[sflag:s31] =	ssyncadd.s32 $0xFFFFE000  }
0x159: {  	[tilespmem:s22], [sflag:$0x3] =	stream.indirect.gather.add.f32 [spmem:s3], $0x80, s30, s10, $0xb8;
	[tilespmem:$0x1E740] =	vst v63  }
0x15a: {  	_ =	swait.ge [sflag:s25], $0x2000  }
0x15b: {  	[sflag:s25] =	ssyncset.done $0x0  }
0x15c: {  	[sflag:s25] =	ssyncadd.s32 $0xFFFFE000  }
0x15d: {  	_ =	swait.ge [sflag:s2], $0x2000  }
0x15e: {  	s17 =	simm.s32 $0x0;
	[sflag:s2] =	ssyncset.done $0x0  }
0x15f: {  	s21 =	simm.s32 $0x18700;
	s26 =	simm.s32 $0x12700;
	[sflag:s2] =	ssyncadd.s32 $0xFFFFE000  }
.LBB2_10:
0x160: {  	v2 =	vld [tilespmem:s26+$0x80]  }
0x161: {  	v3 =	vld [tilespmem:s21+$0x80]  }
0x162: {  	v4 =	vld [tilespmem:s26+$0x90]  }
0x163: {  	v5 =	vld [tilespmem:s21+$0x90]  }
0x164: {  	v6 =	vld [tilespmem:s26+$0xA0]  }
0x165: {  	v7 =	vld [tilespmem:s21+$0xA0]  }
0x166: {  	v8 =	vld [tilespmem:s26+$0xB0]  }
0x167: {  	v9 =	vld [tilespmem:s21+$0xB0]  }
0x168: {  	v10 =	vld [tilespmem:s26+$0xC0]  }
0x169: {  	v11 =	vld [tilespmem:s21+$0xC0]  }
0x16a: {  	v12 =	vld [tilespmem:s26+$0xD0]  }
0x16b: {  	v13 =	vld [tilespmem:s21+$0xD0]  }
0x16c: {  	v14 =	vld [tilespmem:s26+$0xE0]  }
0x16d: {  	v15 =	vld [tilespmem:s21+$0xE0]  }
0x16e: {  	v16 =	vld [tilespmem:s26+$0xF0]  }
0x16f: {  	v17 =	vld [tilespmem:s21+$0xF0]  }
0x170: {  	v18 =	vld [tilespmem:s26+$0x0]  }
0x171: {  	v19 =	vld [tilespmem:s21+$0x0]  }
0x172: {  	v20 =	vld [tilespmem:s26+$0x10]  }
0x173: {  	v21 =	vld [tilespmem:s21+$0x10]  }
0x174: {  	v22 =	vld [tilespmem:s26+$0x20]  }
0x175: {  	v23 =	vld [tilespmem:s21+$0x20]  }
0x176: {  	v24 =	vld [tilespmem:s26+$0x30]  }
0x177: {  	v25 =	vld [tilespmem:s21+$0x30]  }
0x178: {  	v26 =	vld [tilespmem:s26+$0x40]  }
0x179: {  	v27 =	vld [tilespmem:s21+$0x40]  }
0x17a: {  	v28 =	vld [tilespmem:s26+$0x50]  }
0x17b: {  	v29 =	vld [tilespmem:s21+$0x50]  }
0x17c: {  	v30 =	vld [tilespmem:s26+$0x60]  }
0x17d: {  	v31 =	vld [tilespmem:s21+$0x60]  }
0x17e: {  	v32 =	vld [tilespmem:s26+$0x70]  }
0x17f: {  	v33 =	vld [tilespmem:s21+$0x70]  }
0x180: {  	v34 =	vld [tilespmem:s26+$0xFFFFFF80]  }
0x181: {  	v35 =	vld [tilespmem:s21+$0xFFFFFF80]  }
0x182: {  	v36 =	vld [tilespmem:s26+$0xFFFFFF90]  }
0x183: {  	v37 =	vld [tilespmem:s21+$0xFFFFFF90]  }
0x184: {  	v38 =	vld [tilespmem:s26+$0xFFFFFFA0]  }
0x185: {  	v39 =	vld [tilespmem:s21+$0xFFFFFFA0]  }
0x186: {  	v40 =	vld [tilespmem:s26+$0xFFFFFFB0]  }
0x187: {  	v41 =	vld [tilespmem:s21+$0xFFFFFFB0]  }
0x188: {  	v42 =	vld [tilespmem:s26+$0xFFFFFFC0]  }
0x189: {  	v43 =	vld [tilespmem:s21+$0xFFFFFFC0]  }
0x18a: {  	v44 =	vld [tilespmem:s26+$0xFFFFFFD0]  }
0x18b: {  	v45 =	vld [tilespmem:s21+$0xFFFFFFD0]  }
0x18c: {  	v46 =	vld [tilespmem:s26+$0xFFFFFFE0]  }
0x18d: {  	v47 =	vld [tilespmem:s21+$0xFFFFFFE0]  }
0x18e: {  	v48 =	vld [tilespmem:s26+$0xFFFFFFF0]  }
0x18f: {  	v49 =	vld [tilespmem:s21+$0xFFFFFFF0]  }
0x190: {  	v50 =	vld [tilespmem:s26+$0xFFFFFF00]  }
0x191: {  	v51 =	vld [tilespmem:s21+$0xFFFFFF00];
	v56 =	vsub.f32 v2, v3  }
0x192: {  	v52 =	vld [tilespmem:s26+$0xFFFFFF10];
	v57 =	vsub.f32 v4, v5;
	v6 =	vsub.f32 v6, v7  }
0x193: {  	v53 =	vld [tilespmem:s21+$0xFFFFFF10];
	v58 =	vsub.f32 v8, v9;
	v59 =	vsub.f32 v10, v11  }
0x194: {  	v54 =	vld [tilespmem:s26+$0xFFFFFF20];
	v5 =	vsub.f32 v12, v13;
	v4 =	vsub.f32 v14, v15  }
0x195: {  	v55 =	vld [tilespmem:s21+$0xFFFFFF20];
	v3 =	vsub.f32 v16, v17;
	v15 =	vsub.f32 v18, v19  }
0x196: {  	v2 =	vld [tilespmem:s26+$0xFFFFFF30];
	v17 =	vsub.f32 v20, v21;
	v18 =	vsub.f32 v22, v23  }
0x197: {  	v9 =	vld [tilespmem:s21+$0xFFFFFF30];
	v19 =	vsub.f32 v24, v25;
	v20 =	vsub.f32 v26, v27  }
0x198: {  	v10 =	vld [tilespmem:s26+$0xFFFFFF40];
	v21 =	vsub.f32 v28, v29;
	v24 =	vsub.f32 v30, v31  }
0x199: {  	v11 =	vld [tilespmem:s21+$0xFFFFFF40];
	v26 =	vsub.f32 v32, v33;
	v25 =	vsub.f32 v34, v35  }
0x19a: {  	v12 =	vld [tilespmem:s26+$0xFFFFFF50];
	v27 =	vsub.f32 v36, v37;
	v30 =	vsub.f32 v38, v39  }
0x19b: {  	v13 =	vld [tilespmem:s21+$0xFFFFFF50];
	v31 =	vsub.f32 v40, v41;
	v43 =	vsub.f32 v42, v43  }
0x19c: {  	v14 =	vld [tilespmem:s26+$0xFFFFFF60];
	v45 =	vsub.f32 v44, v45;
	v47 =	vsub.f32 v46, v47  }
0x19d: {  	v16 =	vld [tilespmem:s21+$0xFFFFFF60];
	v60 =	vsub.f32 v48, v49;
	v61 =	vsub.f32 v50, v51  }
0x19e: {  	v22 =	vld [tilespmem:s26+$0xFFFFFF70];
	v7 =	vsub.f32 v52, v53;
	v8 =	vsub.f32 v54, v55  }
0x19f: {  	v23 =	vld [tilespmem:s21+$0xFFFFFF70];
	v62 =	vand.u32 $0x7FFFFFFF, v56;
	v63 =	vand.u32 $0x7FFFFFFF, v59;
	v19 =	vand.u32 $0x7FFFFFFF, v19  }
0x1a0: {  	v28 =	vand.u32 $0x7FFFFFFF, v21;
	v29 =	vand.u32 $0x7FFFFFFF, v24;
	v25 =	vand.u32 $0x7FFFFFFF, v25  }
0x1a1: {  	v21 =	vand.u32 $0x7FFFFFFF, v27;
	v27 =	vand.u32 $0x7FFFFFFF, v26;
	v24 =	vand.u32 $0x7FFFFFFF, v30  }
0x1a2: {  	v33 =	vand.u32 $0x7FFFFFFF, v43;
	v30 =	vand.u32 $0x7FFFFFFF, v45;
	v9 =	vsub.f32 v2, v9  }
0x1a3: {  	v26 =	vand.u32 $0x7FFFFFFF, v61;
	v10 =	vsub.f32 v10, v11;
	v11 =	vsub.f32 v12, v13  }
0x1a4: {  	v2 =	vimm.f32 $0.0e+00;
	v12 =	vsub.f32 v14, v16;
	v13 =	vsub.f32 v22, v23  }
0x1a5: {  	v16 =	vand.u32 $0x7FFFFFFF, v57;
	v14 =	vand.u32 $0x7FFFFFFF, v6;
	v6 =	vand.u32 $0x7FFFFFFF, v15  }
0x1a6: {  	v15 =	vand.u32 $0x7FFFFFFF, v58;
	v22 =	vand.u32 $0x7FFFFFFF, v17;
	v23 =	vand.u32 $0x7FFFFFFF, v18  }
0x1a7: {  	s29 =	sshll.u32 s17, $0x4;
	s1 =	sadd.s32 $0x200, s26;
	v17 =	vand.u32 $0x7FFFFFFF, v20;
	v18 =	vand.u32 $0x7FFFFFFF, v31;
	v31 =	vand.u32 $0x7FFFFFFF, v47  }
0x1a8: {  	s11 =	simm.s32 $0x4;
	s13 =	smov.u32 s21;
	s30 =	simm.s32 $0x0;
	v20 =	vand.u32 $0x7FFFFFFF, v60;
	v32 =	vadd.f32 v17, v6;
	v17 =	vadd.f32 v63, v62  }
.LBB2_11:
0x1a9: {  	v6 =	vld [tilespmem:s1+$0x80];
	p1 =	sne.s32 s11, $0xC;
	v34 =	vand.u32 $0x7FFFFFFF, v7;
	v22 =	vadd.f32 v28, v22;
	v23 =	vadd.f32 v29, v23;
	s13 =	sadd.s32 $0x200, s13  }
0x1aa: {  	v28 =	vand.u32 $0x7FFFFFFF, v8;
	v25 =	vadd.f32 v33, v25;
	v19 =	vadd.f32 v27, v19;
	v7 =	vld [tilespmem:s13+$0x80]  }
0x1ab: {  	v27 =	vand.u32 $0x7FFFFFFF, v9;
	v21 =	vadd.f32 v30, v21;
	v24 =	vadd.f32 v31, v24;
	v8 =	vld [tilespmem:s1+$0x90]  }
0x1ac: {  	v29 =	vand.u32 $0x7FFFFFFF, v10;
	v22 =	vadd.f32 v22, v32;
	v19 =	vadd.f32 v19, v23;
	v9 =	vld [tilespmem:s13+$0x90]  }
0x1ad: {  	v18 =	vadd.f32 v20, v18;
	v23 =	vadd.f32 v29, v26;
	v26 =	vand.u32 $0x7FFFFFFF, v11;
	v10 =	vld [tilespmem:s1+$0xA0]  }
0x1ae: {  	v20 =	vadd.f32 v26, v34;
	v26 =	vand.u32 $0x7FFFFFFF, v12;
	v19 =	vadd.f32 v19, v22;
	v11 =	vld [tilespmem:s13+$0xA0]  }
0x1af: {  	v21 =	vadd.f32 v21, v25;
	v18 =	vadd.f32 v18, v24;
	v22 =	vand.u32 $0x7FFFFFFF, v13;
	v12 =	vld [tilespmem:s1+$0xB0]  }
0x1b0: {  	v25 =	vand.u32 $0x7FFFFFFF, v5;
	v24 =	vadd.f32 v26, v28;
	v22 =	vadd.f32 v22, v27;
	v13 =	vld [tilespmem:s13+$0xB0];
	(xrf2) =	vadd.scan.msk.f32 $0xffff, v19  }
0x1b1: {  	v16 =	vadd.f32 v25, v16;
	v18 =	vadd.f32 v18, v21;
	v19 =	vand.u32 $0x7FFFFFFF, v4;
	v5 =	vld [tilespmem:s1+$0xC0]  }
0x1b2: {  	v20 =	vadd.f32 v20, v23;
	v21 =	vadd.f32 v22, v24;
	v22 =	vand.u32 $0x7FFFFFFF, v3;
	v4 =	vld [tilespmem:s13+$0xC0]  }
0x1b3: {  	v19 =	vadd.f32 v19, v14;
	v22 =	vadd.f32 v22, v15;
	v3 =	vld [tilespmem:s1+$0xD0];
	(xrf2) =	vadd.scan.msk.f32 $0xffff, v18  }
0x1b4: {  	v18 =	vadd.f32 v21, v20;
	v14 =	vld [tilespmem:s13+$0xD0]  }
0x1b5: {  	v16 =	vadd.f32 v16, v17;
	v17 =	vadd.f32 v22, v19;
	v15 =	vld [tilespmem:s1+$0xE0]  }
0x1b6: {  	v19 =	vld [tilespmem:s13+$0xE0];
	(xrf2) =	vadd.scan.msk.f32 $0xffff, v18  }
0x1b7: {  	v16 =	vadd.f32 v17, v16;
	v18 =	vld [tilespmem:s1+$0xF0]  }
0x1b8: {  	v17 =	vld [tilespmem:s13+$0xF0]  }
0x1b9: {  	v20 =	vld [tilespmem:s1+$0x0];
	(xrf2) =	vadd.scan.msk.f32 $0xffff, v16  }
0x1ba: {  	v16 =	vld [tilespmem:s13+$0x0];
	v21, _, _ =	vpop (xrf2)  }
0x1bb: {  	v22 =	vld [tilespmem:s1+$0x10]  }
0x1bc: {  	v23 =	vld [tilespmem:s13+$0x10]  }
0x1bd: {  	v24 =	vld [tilespmem:s1+$0x20];
	v25, _, _ =	vpop (xrf2)  }
0x1be: {  	v26 =	vld [tilespmem:s13+$0x20]  }
0x1bf: {  	v27 =	vld [tilespmem:s1+$0x30]  }
0x1c0: {  	v28 =	vld [tilespmem:s13+$0x30];
	v29, _, _ =	vpop (xrf2)  }
0x1c1: {  	v30 =	vld [tilespmem:s1+$0x40];
	(v2sf) =	vpush v29, $0xF  }
0x1c2: {  	v29 =	vld [tilespmem:s13+$0x40];
	(v2sf) =	vpush v25, $0xF  }
0x1c3: {  	v25 =	vld [tilespmem:s1+$0x50];
	(v2sf) =	vpush v21, $0xF;
	v21, _, _ =	vpop (xrf2)  }
0x1c4: {  	v31 =	vld [tilespmem:s13+$0x50];
	(v2sf) =	vpush v21, $0xF  }
0x1c5: {  	v21 =	vld [tilespmem:s1+$0x60]  }
0x1c6: {  	v32 =	vld [tilespmem:s13+$0x60]  }
0x1c7: {  	v33 =	vld [tilespmem:s1+$0x70]  }
0x1c8: {  	v34 =	vld [tilespmem:s13+$0x70]  }
0x1c9: {  	v35 =	vld [tilespmem:s1+$0xFFFFFF80]  }
0x1ca: {  	v36 =	vld [tilespmem:s13+$0xFFFFFF80]  }
0x1cb: {  	v37 =	vld [tilespmem:s1+$0xFFFFFF90]  }
0x1cc: {  	v38 =	vld [tilespmem:s13+$0xFFFFFF90]  }
0x1cd: {  	v39 =	vld [tilespmem:s1+$0xFFFFFFA0]  }
0x1ce: {  	v40 =	vld [tilespmem:s13+$0xFFFFFFA0]  }
0x1cf: {  	v41 =	vld [tilespmem:s1+$0xFFFFFFB0]  }
0x1d0: {  	v42 =	vld [tilespmem:s13+$0xFFFFFFB0];
	s5 =	spop (v2sf)  }
0x1d1: {  	v44 =	vmov s30;
	s6 =	sadd.s32 $0x1, s30;
	v43 =	vld [tilespmem:s1+$0xFFFFFFC0];
	s5 =	ssub.f32 $1.200000000e+01, s5;
	s20 =	spop (v2sf)  }
0x1d2: {  	vm0 =	veq.s32 v44, v0;
	v44 =	vmov s6;
	v45 =	vld [tilespmem:s13+$0xFFFFFFC0];
	s6 =	ssub.f32 $1.200000000e+01, s20;
	s20 =	sadd.s32 $0x2, s30;
	s24 =	spop (v2sf)  }
0x1d3: {  	v46 =	vld [tilespmem:s1+$0xFFFFFFD0];
	v2 =	vsel vm0, s5, v2;
	vm0 =	veq.s32 v44, v0;
	v44 =	vmov s20;
	s5 =	ssub.f32 $1.200000000e+01, s24;
	s20 =	sadd.s32 $0x3, s30;
	s24 =	spop (v2sf)  }
0x1d4: {  	s30 =	smov.u32 s11;
	v47 =	vld [tilespmem:s13+$0xFFFFFFD0];
	v2 =	vsel vm0, s6, v2;
	vm0 =	veq.s32 v44, v0;
	v44 =	vmov s20;
	s6 =	ssub.f32 $1.200000000e+01, s24  }
0x1d5: {  	v48 =	vld [tilespmem:s1+$0xFFFFFFE0];
	v2 =	vsel vm0, s5, v2;
	vm0 =	veq.s32 v44, v0  }
0x1d6: {  	v44 =	vld [tilespmem:s13+$0xFFFFFFE0];
	v2 =	vsel vm0, s6, v2  }
0x1d7: {  	v49 =	vld [tilespmem:s1+$0xFFFFFFF0]  }
0x1d8: {  	v50 =	vld [tilespmem:s13+$0xFFFFFFF0]  }
0x1d9: {  	v51 =	vld [tilespmem:s1+$0xFFFFFF00]  }
0x1da: {  	v52 =	vld [tilespmem:s13+$0xFFFFFF00]  }
0x1db: {  	v53 =	vld [tilespmem:s1+$0xFFFFFF10]  }
0x1dc: {  	v54 =	vld [tilespmem:s13+$0xFFFFFF10]  }
0x1dd: {  	v55 =	vld [tilespmem:s1+$0xFFFFFF20]  }
0x1de: {  	v6 =	vsub.f32 v6, v7;
	v57 =	vsub.f32 v8, v9;
	v56 =	vld [tilespmem:s13+$0xFFFFFF20]  }
0x1df: {  	v58 =	vsub.f32 v10, v11;
	v59 =	vsub.f32 v12, v13;
	v9 =	vld [tilespmem:s1+$0xFFFFFF30]  }
0x1e0: {  	v60 =	vsub.f32 v5, v4;
	v5 =	vsub.f32 v3, v14;
	v10 =	vld [tilespmem:s13+$0xFFFFFF30]  }
0x1e1: {  	v4 =	vsub.f32 v15, v19;
	v3 =	vsub.f32 v18, v17;
	v11 =	vld [tilespmem:s1+$0xFFFFFF40]  }
0x1e2: {  	v15 =	vsub.f32 v20, v16;
	v17 =	vsub.f32 v22, v23;
	v12 =	vld [tilespmem:s13+$0xFFFFFF40]  }
0x1e3: {  	v18 =	vsub.f32 v24, v26;
	v19 =	vsub.f32 v27, v28;
	v13 =	vld [tilespmem:s1+$0xFFFFFF50]  }
0x1e4: {  	v20 =	vsub.f32 v30, v29;
	v24 =	vsub.f32 v25, v31;
	v14 =	vld [tilespmem:s13+$0xFFFFFF50]  }
0x1e5: {  	v21 =	vsub.f32 v21, v32;
	v26 =	vsub.f32 v33, v34;
	v16 =	vld [tilespmem:s1+$0xFFFFFF60]  }
0x1e6: {  	v25 =	vsub.f32 v35, v36;
	v27 =	vsub.f32 v37, v38;
	v22 =	vld [tilespmem:s13+$0xFFFFFF60]  }
0x1e7: {  	v30 =	vsub.f32 v39, v40;
	v31 =	vsub.f32 v41, v42;
	v23 =	vld [tilespmem:s1+$0xFFFFFF70]  }
0x1e8: {  	v32 =	vsub.f32 v43, v45;
	v34 =	vsub.f32 v46, v47;
	v28 =	vld [tilespmem:s13+$0xFFFFFF70]  }
0x1e9: {  	v35 =	vsub.f32 v48, v44;
	v36 =	vsub.f32 v49, v50  }
0x1ea: {  	v37 =	vsub.f32 v51, v52;
	v7 =	vsub.f32 v53, v54  }
0x1eb: {  	v8 =	vsub.f32 v55, v56;
	v9 =	vsub.f32 v9, v10  }
0x1ec: {  	v10 =	vsub.f32 v11, v12;
	v11 =	vsub.f32 v13, v14  }
0x1ed: {  	v12 =	vsub.f32 v16, v22;
	v13 =	vsub.f32 v23, v28  }
0x1ee: {  	v6 =	vand.u32 $0x7FFFFFFF, v6;
	v14 =	vand.u32 $0x7FFFFFFF, v58;
	v16 =	vand.u32 $0x7FFFFFFF, v57  }
0x1ef: {  	v38 =	vand.u32 $0x7FFFFFFF, v15;
	v15 =	vand.u32 $0x7FFFFFFF, v59;
	v39 =	vand.u32 $0x7FFFFFFF, v60  }
0x1f0: {  	v19 =	vand.u32 $0x7FFFFFFF, v19;
	v22 =	vand.u32 $0x7FFFFFFF, v17;
	v23 =	vand.u32 $0x7FFFFFFF, v18  }
.Ltmp4:
0x1f1: {  	v29 =	vand.u32 $0x7FFFFFFF, v21;
	v17 =	vand.u32 $0x7FFFFFFF, v20;
	v28 =	vand.u32 $0x7FFFFFFF, v24;
	(pc) =	sbr.rel @p1 .LBB2_11-.Ltmp4, $4  }
0x1f2: {  	v25 =	vand.u32 $0x7FFFFFFF, v25;
	v21 =	vand.u32 $0x7FFFFFFF, v27;
	v27 =	vand.u32 $0x7FFFFFFF, v26  }
0x1f3: {  	v33 =	vand.u32 $0x7FFFFFFF, v32;
	v24 =	vand.u32 $0x7FFFFFFF, v30;
	v18 =	vand.u32 $0x7FFFFFFF, v31  }
0x1f4: {  	v20 =	vand.u32 $0x7FFFFFFF, v36;
	v30 =	vand.u32 $0x7FFFFFFF, v34;
	v31 =	vand.u32 $0x7FFFFFFF, v35  }
0x1f5: {  	s11 =	sadd.s32 $0x4, s11;
	v26 =	vand.u32 $0x7FFFFFFF, v37;
	s1 =	sadd.s32 $0x200, s1;
	v32 =	vadd.f32 v17, v38;
	v17 =	vadd.f32 v39, v6  }
0x1f6: {  	v6 =	vand.u32 $0x7FFFFFFF, v7  }
0x1f7: {  	v55 =	vadd.f32 v28, v22;
	v56 =	vadd.f32 v29, v23;
	v8 =	vand.u32 $0x7FFFFFFF, v8  }
0x1f8: {  	v57 =	vadd.f32 v33, v25;
	v19 =	vadd.f32 v27, v19;
	v9 =	vand.u32 $0x7FFFFFFF, v9  }
0x1f9: {  	v21 =	vadd.f32 v30, v21;
	v24 =	vadd.f32 v31, v24;
	v10 =	vand.u32 $0x7FFFFFFF, v10  }
0x1fa: {  	v11 =	vand.u32 $0x7FFFFFFF, v11;
	v18 =	vadd.f32 v20, v18;
	v58 =	vand.u32 $0x7FFFFFFF, v12  }
0x1fb: {  	v59 =	vand.u32 $0x7FFFFFFF, v13;
	v10 =	vadd.f32 v10, v26;
	v6 =	vadd.f32 v11, v6  }
0x1fc: {  	v5 =	vand.u32 $0x7FFFFFFF, v5;
	v8 =	vadd.f32 v58, v8;
	v9 =	vadd.f32 v59, v9  }
0x1fd: {  	v5 =	vadd.f32 v5, v16;
	v7 =	vadd.f32 v55, v32  }
0x1fe: {  	v19 =	vadd.f32 v19, v56;
	v60 =	vadd.f32 v21, v57  }
0x1ff: {  	v18 =	vadd.f32 v18, v24;
	v6 =	vadd.f32 v6, v10  }
0x200: {  	v4 =	vand.u32 $0x7FFFFFFF, v4;
	v8 =	vadd.f32 v9, v8;
	v7 =	vadd.f32 v19, v7  }
0x201: {  	v3 =	vand.u32 $0x7FFFFFFF, v3;
	v4 =	vadd.f32 v4, v14;
	v61 =	vadd.f32 v18, v60  }
0x202: {  	v3 =	vadd.f32 v3, v15;
	v6 =	vadd.f32 v8, v6;
	(xrf2) =	vadd.scan.msk.f32 $0xffff, v7  }
0x203: {  	(xrf2) =	vadd.scan.msk.f32 $0xffff, v61  }
0x204: {  	v5 =	vadd.f32 v5, v17;
	v3 =	vadd.f32 v3, v4;
	(xrf2) =	vadd.scan.msk.f32 $0xffff, v6;
	_ =	sdelay $0x1  }
0x205: {  	v3 =	vadd.f32 v3, v5;
	_ =	sdelay $0x1  }
0x206: {  	(xrf2) =	vadd.scan.msk.f32 $0xffff, v3;
	_ =	sdelay $0x3  }
0x207: {  	v3, _, _ =	vpop (xrf2)  }
0x208: {  	v62, _, _ =	vpop (xrf2)  }
0x209: {  	v63, _, _ =	vpop (xrf2)  }
0x20a: {  	(v2sf) =	vpush v63, $0xF  }
0x20b: {  	(v2sf) =	vpush v62, $0xF  }
0x20c: {  	(v2sf) =	vpush v3, $0xF  }
0x20d: {  	v3, _, _ =	vpop (xrf2)  }
0x20e: {  	(v2sf) =	vpush v3, $0xF;
	_ =	sdelay $0xa  }
0x20f: {  	s1 =	spop (v2sf)  }
0x210: {  	s5 =	sadd.s32 $0x1, s30;
	v3 =	vmov s30;
	s1 =	ssub.f32 $1.200000000e+01, s1;
	s6 =	spop (v2sf)  }
0x211: {  	s17 =	sadd.s32 $0x1, s17;
	vm0 =	veq.s32 v3, v0;
	v3 =	vmov s5;
	s5 =	ssub.f32 $1.200000000e+01, s6;
	s11 =	spop (v2sf)  }
0x212: {  	s24 =	sadd.s32 $0x2, s30;
	p1 =	sne.s32 s17, $0x4;
	s13 =	ssub.f32 $1.200000000e+01, s11  }
.Ltmp5:
0x213: {  	s20 =	sadd.s32 $0x3, s30;
	vm13 =	veq.s32 v3, v0;
	v3 =	vmov s24;
	v2 =	vsel vm0, s1, v2;
	s24 =	spop (v2sf);
	(pc) =	sbr.rel @p1 .LBB2_10-.Ltmp5, $4  }
0x214: {  	vm14 =	veq.s32 v3, v0;
	v3 =	vmov s20;
	v2 =	vsel vm13, s5, v2;
	s30 =	ssub.f32 $1.200000000e+01, s24  }
0x215: {  	vm15 =	veq.s32 v3, v0;
	v2 =	vsel vm14, s13, v2  }
0x216: {  	v2 =	vsel vm15, s30, v2  }
0x217: {  	s21 =	sadd.s32 $0x800, s21;
	s26 =	sadd.s32 $0x800, s26;
	[tilespmem:s29+$0x1C640] =	vst v2  }
0x218: {  	s1 =	simm.s32 $0x10100  }
0x219: {  	[tilespmem:s16], [sflag:$0x2] =	stream.indirect.gather [hbm4b:s0+s10], $0x80, s1, s10, $0xb8;
	[tilespmem:$0x1E740] =	vst v63  }
0x21a: {  	s29 =	simm.s32 $0x10500  }
0x21b: {  	[tilespmem:s18], [sflag:$0x5] =	stream.indirect.gather [hbm4b:s0+s10], $0x80, s29, s10, $0xb8;
	[tilespmem:$0x1E740] =	vst v63  }
0x21c: {  	_ =	swait.ge [sflag:s19], $0x2000  }
0x21d: {  	[sflag:s19] =	ssyncset.done $0x0  }
0x21e: {  	s30 =	simm.s32 $0x102C0;
	[sflag:s19] =	ssyncadd.s32 $0xFFFFE000  }
0x21f: {  	[tilespmem:s12], [sflag:$0x1] =	stream.indirect.gather.add.f32 [spmem:s3], $0x80, s30, s10, $0xb8;
	[tilespmem:$0x1E740] =	vst v63  }
0x220: {  	_ =	swait.ge [sflag:s31], $0x2000  }
0x221: {  	[sflag:s31] =	ssyncset.done $0x0  }
0x222: {  	[sflag:s31] =	ssyncadd.s32 $0xFFFFE000  }
0x223: {  	_ =	swait.ge [sflag:s23], $0x2000  }
0x224: {  	s17 =	simm.s32 $0x0;
	[sflag:s23] =	ssyncset.done $0x0  }
0x225: {  	s21 =	simm.s32 $0x1A700;
	s26 =	simm.s32 $0x14700;
	[sflag:s23] =	ssyncadd.s32 $0xFFFFE000  }
.LBB2_14:
0x226: {  	v2 =	vld [tilespmem:s26+$0x80]  }
0x227: {  	v3 =	vld [tilespmem:s21+$0x80]  }
0x228: {  	v4 =	vld [tilespmem:s26+$0x90]  }
0x229: {  	v5 =	vld [tilespmem:s21+$0x90]  }
0x22a: {  	v6 =	vld [tilespmem:s26+$0xA0]  }
0x22b: {  	v7 =	vld [tilespmem:s21+$0xA0]  }
0x22c: {  	v8 =	vld [tilespmem:s26+$0xB0]  }
0x22d: {  	v9 =	vld [tilespmem:s21+$0xB0]  }
0x22e: {  	v10 =	vld [tilespmem:s26+$0xC0]  }
0x22f: {  	v11 =	vld [tilespmem:s21+$0xC0]  }
0x230: {  	v12 =	vld [tilespmem:s26+$0xD0]  }
0x231: {  	v13 =	vld [tilespmem:s21+$0xD0]  }
0x232: {  	v14 =	vld [tilespmem:s26+$0xE0]  }
0x233: {  	v15 =	vld [tilespmem:s21+$0xE0]  }
0x234: {  	v16 =	vld [tilespmem:s26+$0xF0]  }
0x235: {  	v17 =	vld [tilespmem:s21+$0xF0]  }
0x236: {  	v18 =	vld [tilespmem:s26+$0x0]  }
0x237: {  	v19 =	vld [tilespmem:s21+$0x0]  }
0x238: {  	v20 =	vld [tilespmem:s26+$0x10]  }
0x239: {  	v21 =	vld [tilespmem:s21+$0x10]  }
0x23a: {  	v22 =	vld [tilespmem:s26+$0x20]  }
0x23b: {  	v23 =	vld [tilespmem:s21+$0x20]  }
0x23c: {  	v24 =	vld [tilespmem:s26+$0x30]  }
0x23d: {  	v25 =	vld [tilespmem:s21+$0x30]  }
0x23e: {  	v26 =	vld [tilespmem:s26+$0x40]  }
0x23f: {  	v27 =	vld [tilespmem:s21+$0x40]  }
0x240: {  	v28 =	vld [tilespmem:s26+$0x50]  }
0x241: {  	v29 =	vld [tilespmem:s21+$0x50]  }
0x242: {  	v30 =	vld [tilespmem:s26+$0x60]  }
0x243: {  	v31 =	vld [tilespmem:s21+$0x60]  }
0x244: {  	v32 =	vld [tilespmem:s26+$0x70]  }
0x245: {  	v33 =	vld [tilespmem:s21+$0x70]  }
0x246: {  	v34 =	vld [tilespmem:s26+$0xFFFFFF80]  }
0x247: {  	v35 =	vld [tilespmem:s21+$0xFFFFFF80]  }
0x248: {  	v36 =	vld [tilespmem:s26+$0xFFFFFF90]  }
0x249: {  	v37 =	vld [tilespmem:s21+$0xFFFFFF90]  }
0x24a: {  	v38 =	vld [tilespmem:s26+$0xFFFFFFA0]  }
0x24b: {  	v39 =	vld [tilespmem:s21+$0xFFFFFFA0]  }
0x24c: {  	v40 =	vld [tilespmem:s26+$0xFFFFFFB0]  }
0x24d: {  	v41 =	vld [tilespmem:s21+$0xFFFFFFB0]  }
0x24e: {  	v42 =	vld [tilespmem:s26+$0xFFFFFFC0]  }
0x24f: {  	v43 =	vld [tilespmem:s21+$0xFFFFFFC0]  }
0x250: {  	v44 =	vld [tilespmem:s26+$0xFFFFFFD0]  }
0x251: {  	v45 =	vld [tilespmem:s21+$0xFFFFFFD0]  }
0x252: {  	v46 =	vld [tilespmem:s26+$0xFFFFFFE0]  }
0x253: {  	v47 =	vld [tilespmem:s21+$0xFFFFFFE0]  }
0x254: {  	v48 =	vld [tilespmem:s26+$0xFFFFFFF0]  }
0x255: {  	v49 =	vld [tilespmem:s21+$0xFFFFFFF0]  }
0x256: {  	v50 =	vld [tilespmem:s26+$0xFFFFFF00]  }
0x257: {  	v51 =	vld [tilespmem:s21+$0xFFFFFF00];
	v56 =	vsub.f32 v2, v3  }
0x258: {  	v52 =	vld [tilespmem:s26+$0xFFFFFF10];
	v57 =	vsub.f32 v4, v5;
	v6 =	vsub.f32 v6, v7  }
0x259: {  	v53 =	vld [tilespmem:s21+$0xFFFFFF10];
	v58 =	vsub.f32 v8, v9;
	v59 =	vsub.f32 v10, v11  }
0x25a: {  	v54 =	vld [tilespmem:s26+$0xFFFFFF20];
	v5 =	vsub.f32 v12, v13;
	v4 =	vsub.f32 v14, v15  }
0x25b: {  	v55 =	vld [tilespmem:s21+$0xFFFFFF20];
	v3 =	vsub.f32 v16, v17;
	v15 =	vsub.f32 v18, v19  }
0x25c: {  	v2 =	vld [tilespmem:s26+$0xFFFFFF30];
	v17 =	vsub.f32 v20, v21;
	v18 =	vsub.f32 v22, v23  }
0x25d: {  	v9 =	vld [tilespmem:s21+$0xFFFFFF30];
	v19 =	vsub.f32 v24, v25;
	v20 =	vsub.f32 v26, v27  }
0x25e: {  	v10 =	vld [tilespmem:s26+$0xFFFFFF40];
	v21 =	vsub.f32 v28, v29;
	v24 =	vsub.f32 v30, v31  }
0x25f: {  	v11 =	vld [tilespmem:s21+$0xFFFFFF40];
	v26 =	vsub.f32 v32, v33;
	v25 =	vsub.f32 v34, v35  }
0x260: {  	v12 =	vld [tilespmem:s26+$0xFFFFFF50];
	v27 =	vsub.f32 v36, v37;
	v30 =	vsub.f32 v38, v39  }
0x261: {  	v13 =	vld [tilespmem:s21+$0xFFFFFF50];
	v31 =	vsub.f32 v40, v41;
	v43 =	vsub.f32 v42, v43  }
0x262: {  	v14 =	vld [tilespmem:s26+$0xFFFFFF60];
	v45 =	vsub.f32 v44, v45;
	v47 =	vsub.f32 v46, v47  }
0x263: {  	v16 =	vld [tilespmem:s21+$0xFFFFFF60];
	v60 =	vsub.f32 v48, v49;
	v61 =	vsub.f32 v50, v51  }
0x264: {  	v22 =	vld [tilespmem:s26+$0xFFFFFF70];
	v7 =	vsub.f32 v52, v53;
	v8 =	vsub.f32 v54, v55  }
0x265: {  	v23 =	vld [tilespmem:s21+$0xFFFFFF70];
	v62 =	vand.u32 $0x7FFFFFFF, v56;
	v63 =	vand.u32 $0x7FFFFFFF, v59;
	v19 =	vand.u32 $0x7FFFFFFF, v19  }
0x266: {  	v28 =	vand.u32 $0x7FFFFFFF, v21;
	v29 =	vand.u32 $0x7FFFFFFF, v24;
	v25 =	vand.u32 $0x7FFFFFFF, v25  }
0x267: {  	v21 =	vand.u32 $0x7FFFFFFF, v27;
	v27 =	vand.u32 $0x7FFFFFFF, v26;
	v24 =	vand.u32 $0x7FFFFFFF, v30  }
0x268: {  	v33 =	vand.u32 $0x7FFFFFFF, v43;
	v30 =	vand.u32 $0x7FFFFFFF, v45;
	v9 =	vsub.f32 v2, v9  }
0x269: {  	v26 =	vand.u32 $0x7FFFFFFF, v61;
	v10 =	vsub.f32 v10, v11;
	v11 =	vsub.f32 v12, v13  }
0x26a: {  	v2 =	vimm.f32 $0.0e+00;
	v12 =	vsub.f32 v14, v16;
	v13 =	vsub.f32 v22, v23  }
0x26b: {  	v16 =	vand.u32 $0x7FFFFFFF, v57;
	v14 =	vand.u32 $0x7FFFFFFF, v6;
	v6 =	vand.u32 $0x7FFFFFFF, v15  }
0x26c: {  	v15 =	vand.u32 $0x7FFFFFFF, v58;
	v22 =	vand.u32 $0x7FFFFFFF, v17;
	v23 =	vand.u32 $0x7FFFFFFF, v18  }
0x26d: {  	s29 =	sshll.u32 s17, $0x4;
	s1 =	sadd.s32 $0x200, s26;
	v17 =	vand.u32 $0x7FFFFFFF, v20;
	v18 =	vand.u32 $0x7FFFFFFF, v31;
	v31 =	vand.u32 $0x7FFFFFFF, v47  }
0x26e: {  	s11 =	simm.s32 $0x4;
	s13 =	smov.u32 s21;
	s30 =	simm.s32 $0x0;
	v20 =	vand.u32 $0x7FFFFFFF, v60;
	v32 =	vadd.f32 v17, v6;
	v17 =	vadd.f32 v63, v62  }
.LBB2_15:
0x26f: {  	v6 =	vld [tilespmem:s1+$0x80];
	p1 =	sne.s32 s11, $0xC;
	v34 =	vand.u32 $0x7FFFFFFF, v7;
	v22 =	vadd.f32 v28, v22;
	v23 =	vadd.f32 v29, v23;
	s13 =	sadd.s32 $0x200, s13  }
0x270: {  	v28 =	vand.u32 $0x7FFFFFFF, v8;
	v25 =	vadd.f32 v33, v25;
	v19 =	vadd.f32 v27, v19;
	v7 =	vld [tilespmem:s13+$0x80]  }
0x271: {  	v27 =	vand.u32 $0x7FFFFFFF, v9;
	v21 =	vadd.f32 v30, v21;
	v24 =	vadd.f32 v31, v24;
	v8 =	vld [tilespmem:s1+$0x90]  }
0x272: {  	v29 =	vand.u32 $0x7FFFFFFF, v10;
	v22 =	vadd.f32 v22, v32;
	v19 =	vadd.f32 v19, v23;
	v9 =	vld [tilespmem:s13+$0x90]  }
0x273: {  	v18 =	vadd.f32 v20, v18;
	v23 =	vadd.f32 v29, v26;
	v26 =	vand.u32 $0x7FFFFFFF, v11;
	v10 =	vld [tilespmem:s1+$0xA0]  }
0x274: {  	v20 =	vadd.f32 v26, v34;
	v26 =	vand.u32 $0x7FFFFFFF, v12;
	v19 =	vadd.f32 v19, v22;
	v11 =	vld [tilespmem:s13+$0xA0]  }
0x275: {  	v21 =	vadd.f32 v21, v25;
	v18 =	vadd.f32 v18, v24;
	v22 =	vand.u32 $0x7FFFFFFF, v13;
	v12 =	vld [tilespmem:s1+$0xB0]  }
0x276: {  	v25 =	vand.u32 $0x7FFFFFFF, v5;
	v24 =	vadd.f32 v26, v28;
	v22 =	vadd.f32 v22, v27;
	v13 =	vld [tilespmem:s13+$0xB0];
	(xrf2) =	vadd.scan.msk.f32 $0xffff, v19  }
0x277: {  	v16 =	vadd.f32 v25, v16;
	v18 =	vadd.f32 v18, v21;
	v19 =	vand.u32 $0x7FFFFFFF, v4;
	v5 =	vld [tilespmem:s1+$0xC0]  }
0x278: {  	v20 =	vadd.f32 v20, v23;
	v21 =	vadd.f32 v22, v24;
	v22 =	vand.u32 $0x7FFFFFFF, v3;
	v4 =	vld [tilespmem:s13+$0xC0]  }
0x279: {  	v19 =	vadd.f32 v19, v14;
	v22 =	vadd.f32 v22, v15;
	v3 =	vld [tilespmem:s1+$0xD0];
	(xrf2) =	vadd.scan.msk.f32 $0xffff, v18  }
0x27a: {  	v18 =	vadd.f32 v21, v20;
	v14 =	vld [tilespmem:s13+$0xD0]  }
0x27b: {  	v16 =	vadd.f32 v16, v17;
	v17 =	vadd.f32 v22, v19;
	v15 =	vld [tilespmem:s1+$0xE0]  }
0x27c: {  	v19 =	vld [tilespmem:s13+$0xE0];
	(xrf2) =	vadd.scan.msk.f32 $0xffff, v18  }
0x27d: {  	v16 =	vadd.f32 v17, v16;
	v18 =	vld [tilespmem:s1+$0xF0]  }
0x27e: {  	v17 =	vld [tilespmem:s13+$0xF0]  }
0x27f: {  	v20 =	vld [tilespmem:s1+$0x0];
	(xrf2) =	vadd.scan.msk.f32 $0xffff, v16  }
0x280: {  	v16 =	vld [tilespmem:s13+$0x0];
	v21, _, _ =	vpop (xrf2)  }
0x281: {  	v22 =	vld [tilespmem:s1+$0x10]  }
0x282: {  	v23 =	vld [tilespmem:s13+$0x10]  }
0x283: {  	v24 =	vld [tilespmem:s1+$0x20];
	v25, _, _ =	vpop (xrf2)  }
0x284: {  	v26 =	vld [tilespmem:s13+$0x20]  }
0x285: {  	v27 =	vld [tilespmem:s1+$0x30]  }
0x286: {  	v28 =	vld [tilespmem:s13+$0x30];
	v29, _, _ =	vpop (xrf2)  }
0x287: {  	v30 =	vld [tilespmem:s1+$0x40];
	(v2sf) =	vpush v29, $0xF  }
0x288: {  	v29 =	vld [tilespmem:s13+$0x40];
	(v2sf) =	vpush v25, $0xF  }
0x289: {  	v25 =	vld [tilespmem:s1+$0x50];
	(v2sf) =	vpush v21, $0xF;
	v21, _, _ =	vpop (xrf2)  }
0x28a: {  	v31 =	vld [tilespmem:s13+$0x50];
	(v2sf) =	vpush v21, $0xF  }
0x28b: {  	v21 =	vld [tilespmem:s1+$0x60]  }
0x28c: {  	v32 =	vld [tilespmem:s13+$0x60]  }
0x28d: {  	v33 =	vld [tilespmem:s1+$0x70]  }
0x28e: {  	v34 =	vld [tilespmem:s13+$0x70]  }
0x28f: {  	v35 =	vld [tilespmem:s1+$0xFFFFFF80]  }
0x290: {  	v36 =	vld [tilespmem:s13+$0xFFFFFF80]  }
0x291: {  	v37 =	vld [tilespmem:s1+$0xFFFFFF90]  }
0x292: {  	v38 =	vld [tilespmem:s13+$0xFFFFFF90]  }
0x293: {  	v39 =	vld [tilespmem:s1+$0xFFFFFFA0]  }
0x294: {  	v40 =	vld [tilespmem:s13+$0xFFFFFFA0]  }
0x295: {  	v41 =	vld [tilespmem:s1+$0xFFFFFFB0]  }
0x296: {  	v42 =	vld [tilespmem:s13+$0xFFFFFFB0];
	s5 =	spop (v2sf)  }
0x297: {  	v44 =	vmov s30;
	s6 =	sadd.s32 $0x1, s30;
	v43 =	vld [tilespmem:s1+$0xFFFFFFC0];
	s5 =	ssub.f32 $1.200000000e+01, s5;
	s20 =	spop (v2sf)  }
0x298: {  	vm0 =	veq.s32 v44, v0;
	v44 =	vmov s6;
	v45 =	vld [tilespmem:s13+$0xFFFFFFC0];
	s6 =	ssub.f32 $1.200000000e+01, s20;
	s20 =	sadd.s32 $0x2, s30;
	s24 =	spop (v2sf)  }
0x299: {  	v46 =	vld [tilespmem:s1+$0xFFFFFFD0];
	v2 =	vsel vm0, s5, v2;
	vm0 =	veq.s32 v44, v0;
	v44 =	vmov s20;
	s5 =	ssub.f32 $1.200000000e+01, s24;
	s20 =	sadd.s32 $0x3, s30;
	s24 =	spop (v2sf)  }
0x29a: {  	s30 =	smov.u32 s11;
	v47 =	vld [tilespmem:s13+$0xFFFFFFD0];
	v2 =	vsel vm0, s6, v2;
	vm0 =	veq.s32 v44, v0;
	v44 =	vmov s20;
	s6 =	ssub.f32 $1.200000000e+01, s24  }
0x29b: {  	v48 =	vld [tilespmem:s1+$0xFFFFFFE0];
	v2 =	vsel vm0, s5, v2;
	vm0 =	veq.s32 v44, v0  }
0x29c: {  	v44 =	vld [tilespmem:s13+$0xFFFFFFE0];
	v2 =	vsel vm0, s6, v2  }
0x29d: {  	v49 =	vld [tilespmem:s1+$0xFFFFFFF0]  }
0x29e: {  	v50 =	vld [tilespmem:s13+$0xFFFFFFF0]  }
0x29f: {  	v51 =	vld [tilespmem:s1+$0xFFFFFF00]  }
0x2a0: {  	v52 =	vld [tilespmem:s13+$0xFFFFFF00]  }
0x2a1: {  	v53 =	vld [tilespmem:s1+$0xFFFFFF10]  }
0x2a2: {  	v54 =	vld [tilespmem:s13+$0xFFFFFF10]  }
0x2a3: {  	v55 =	vld [tilespmem:s1+$0xFFFFFF20]  }
0x2a4: {  	v6 =	vsub.f32 v6, v7;
	v57 =	vsub.f32 v8, v9;
	v56 =	vld [tilespmem:s13+$0xFFFFFF20]  }
0x2a5: {  	v58 =	vsub.f32 v10, v11;
	v59 =	vsub.f32 v12, v13;
	v9 =	vld [tilespmem:s1+$0xFFFFFF30]  }
0x2a6: {  	v60 =	vsub.f32 v5, v4;
	v5 =	vsub.f32 v3, v14;
	v10 =	vld [tilespmem:s13+$0xFFFFFF30]  }
0x2a7: {  	v4 =	vsub.f32 v15, v19;
	v3 =	vsub.f32 v18, v17;
	v11 =	vld [tilespmem:s1+$0xFFFFFF40]  }
0x2a8: {  	v15 =	vsub.f32 v20, v16;
	v17 =	vsub.f32 v22, v23;
	v12 =	vld [tilespmem:s13+$0xFFFFFF40]  }
0x2a9: {  	v18 =	vsub.f32 v24, v26;
	v19 =	vsub.f32 v27, v28;
	v13 =	vld [tilespmem:s1+$0xFFFFFF50]  }
0x2aa: {  	v20 =	vsub.f32 v30, v29;
	v24 =	vsub.f32 v25, v31;
	v14 =	vld [tilespmem:s13+$0xFFFFFF50]  }
0x2ab: {  	v21 =	vsub.f32 v21, v32;
	v26 =	vsub.f32 v33, v34;
	v16 =	vld [tilespmem:s1+$0xFFFFFF60]  }
0x2ac: {  	v25 =	vsub.f32 v35, v36;
	v27 =	vsub.f32 v37, v38;
	v22 =	vld [tilespmem:s13+$0xFFFFFF60]  }
0x2ad: {  	v30 =	vsub.f32 v39, v40;
	v31 =	vsub.f32 v41, v42;
	v23 =	vld [tilespmem:s1+$0xFFFFFF70]  }
0x2ae: {  	v32 =	vsub.f32 v43, v45;
	v34 =	vsub.f32 v46, v47;
	v28 =	vld [tilespmem:s13+$0xFFFFFF70]  }
0x2af: {  	v35 =	vsub.f32 v48, v44;
	v36 =	vsub.f32 v49, v50  }
0x2b0: {  	v37 =	vsub.f32 v51, v52;
	v7 =	vsub.f32 v53, v54  }
0x2b1: {  	v8 =	vsub.f32 v55, v56;
	v9 =	vsub.f32 v9, v10  }
0x2b2: {  	v10 =	vsub.f32 v11, v12;
	v11 =	vsub.f32 v13, v14  }
0x2b3: {  	v12 =	vsub.f32 v16, v22;
	v13 =	vsub.f32 v23, v28  }
0x2b4: {  	v6 =	vand.u32 $0x7FFFFFFF, v6;
	v14 =	vand.u32 $0x7FFFFFFF, v58;
	v16 =	vand.u32 $0x7FFFFFFF, v57  }
0x2b5: {  	v38 =	vand.u32 $0x7FFFFFFF, v15;
	v15 =	vand.u32 $0x7FFFFFFF, v59;
	v39 =	vand.u32 $0x7FFFFFFF, v60  }
0x2b6: {  	v19 =	vand.u32 $0x7FFFFFFF, v19;
	v22 =	vand.u32 $0x7FFFFFFF, v17;
	v23 =	vand.u32 $0x7FFFFFFF, v18  }
.Ltmp6:
0x2b7: {  	v29 =	vand.u32 $0x7FFFFFFF, v21;
	v17 =	vand.u32 $0x7FFFFFFF, v20;
	v28 =	vand.u32 $0x7FFFFFFF, v24;
	(pc) =	sbr.rel @p1 .LBB2_15-.Ltmp6, $4  }
0x2b8: {  	v25 =	vand.u32 $0x7FFFFFFF, v25;
	v21 =	vand.u32 $0x7FFFFFFF, v27;
	v27 =	vand.u32 $0x7FFFFFFF, v26  }
0x2b9: {  	v33 =	vand.u32 $0x7FFFFFFF, v32;
	v24 =	vand.u32 $0x7FFFFFFF, v30;
	v18 =	vand.u32 $0x7FFFFFFF, v31  }
0x2ba: {  	v20 =	vand.u32 $0x7FFFFFFF, v36;
	v30 =	vand.u32 $0x7FFFFFFF, v34;
	v31 =	vand.u32 $0x7FFFFFFF, v35  }
0x2bb: {  	s11 =	sadd.s32 $0x4, s11;
	v26 =	vand.u32 $0x7FFFFFFF, v37;
	s1 =	sadd.s32 $0x200, s1;
	v32 =	vadd.f32 v17, v38;
	v17 =	vadd.f32 v39, v6  }
0x2bc: {  	v6 =	vand.u32 $0x7FFFFFFF, v7  }
0x2bd: {  	v55 =	vadd.f32 v28, v22;
	v56 =	vadd.f32 v29, v23;
	v8 =	vand.u32 $0x7FFFFFFF, v8  }
0x2be: {  	v57 =	vadd.f32 v33, v25;
	v19 =	vadd.f32 v27, v19;
	v9 =	vand.u32 $0x7FFFFFFF, v9  }
0x2bf: {  	v21 =	vadd.f32 v30, v21;
	v24 =	vadd.f32 v31, v24;
	v10 =	vand.u32 $0x7FFFFFFF, v10  }
0x2c0: {  	v11 =	vand.u32 $0x7FFFFFFF, v11;
	v18 =	vadd.f32 v20, v18;
	v58 =	vand.u32 $0x7FFFFFFF, v12  }
0x2c1: {  	v59 =	vand.u32 $0x7FFFFFFF, v13;
	v10 =	vadd.f32 v10, v26;
	v6 =	vadd.f32 v11, v6  }
0x2c2: {  	v5 =	vand.u32 $0x7FFFFFFF, v5;
	v8 =	vadd.f32 v58, v8;
	v9 =	vadd.f32 v59, v9  }
0x2c3: {  	v5 =	vadd.f32 v5, v16;
	v7 =	vadd.f32 v55, v32  }
0x2c4: {  	v19 =	vadd.f32 v19, v56;
	v60 =	vadd.f32 v21, v57  }
0x2c5: {  	v18 =	vadd.f32 v18, v24;
	v6 =	vadd.f32 v6, v10  }
0x2c6: {  	v4 =	vand.u32 $0x7FFFFFFF, v4;
	v8 =	vadd.f32 v9, v8;
	v7 =	vadd.f32 v19, v7  }
0x2c7: {  	v3 =	vand.u32 $0x7FFFFFFF, v3;
	v4 =	vadd.f32 v4, v14;
	v61 =	vadd.f32 v18, v60  }
0x2c8: {  	v3 =	vadd.f32 v3, v15;
	v6 =	vadd.f32 v8, v6;
	(xrf2) =	vadd.scan.msk.f32 $0xffff, v7  }
0x2c9: {  	(xrf2) =	vadd.scan.msk.f32 $0xffff, v61  }
0x2ca: {  	v5 =	vadd.f32 v5, v17;
	v3 =	vadd.f32 v3, v4;
	(xrf2) =	vadd.scan.msk.f32 $0xffff, v6;
	_ =	sdelay $0x1  }
0x2cb: {  	v3 =	vadd.f32 v3, v5;
	_ =	sdelay $0x1  }
0x2cc: {  	(xrf2) =	vadd.scan.msk.f32 $0xffff, v3;
	_ =	sdelay $0x3  }
0x2cd: {  	v3, _, _ =	vpop (xrf2)  }
0x2ce: {  	v62, _, _ =	vpop (xrf2)  }
0x2cf: {  	v63, _, _ =	vpop (xrf2)  }
0x2d0: {  	(v2sf) =	vpush v63, $0xF  }
0x2d1: {  	(v2sf) =	vpush v62, $0xF  }
0x2d2: {  	(v2sf) =	vpush v3, $0xF  }
0x2d3: {  	v3, _, _ =	vpop (xrf2)  }
0x2d4: {  	(v2sf) =	vpush v3, $0xF;
	_ =	sdelay $0xa  }
0x2d5: {  	s1 =	spop (v2sf)  }
0x2d6: {  	s5 =	sadd.s32 $0x1, s30;
	v3 =	vmov s30;
	s1 =	ssub.f32 $1.200000000e+01, s1;
	s6 =	spop (v2sf)  }
0x2d7: {  	s17 =	sadd.s32 $0x1, s17;
	vm0 =	veq.s32 v3, v0;
	v3 =	vmov s5;
	s5 =	ssub.f32 $1.200000000e+01, s6;
	s11 =	spop (v2sf)  }
0x2d8: {  	s24 =	sadd.s32 $0x2, s30;
	p1 =	sne.s32 s17, $0x4;
	s13 =	ssub.f32 $1.200000000e+01, s11  }
.Ltmp7:
0x2d9: {  	s20 =	sadd.s32 $0x3, s30;
	vm13 =	veq.s32 v3, v0;
	v3 =	vmov s24;
	v2 =	vsel vm0, s1, v2;
	s24 =	spop (v2sf);
	(pc) =	sbr.rel @p1 .LBB2_14-.Ltmp7, $4  }
0x2da: {  	vm14 =	veq.s32 v3, v0;
	v3 =	vmov s20;
	v2 =	vsel vm13, s5, v2;
	s30 =	ssub.f32 $1.200000000e+01, s24  }
0x2db: {  	vm15 =	veq.s32 v3, v0;
	v2 =	vsel vm14, s13, v2  }
0x2dc: {  	v2 =	vsel vm15, s30, v2  }
0x2dd: {  	s21 =	sadd.s32 $0x800, s21;
	s26 =	sadd.s32 $0x800, s26;
	[tilespmem:s29+$0x1C680] =	vst v2  }
0x2de: {  	s1 =	simm.s32 $0x10140  }
0x2df: {  	[tilespmem:s22], [sflag:$0x3] =	stream.indirect.gather [hbm4b:s0+s10], $0x80, s1, s10, $0xb8;
	[tilespmem:$0x1E740] =	vst v63  }
0x2e0: {  	s29 =	simm.s32 $0x1A600;
	s5 =	simm.s32 $0x10540  }
0x2e1: {  	[tilespmem:s29], [sflag:$0x6] =	stream.indirect.gather [hbm4b:s0+s10], $0x80, s5, s10, $0xb8;
	[tilespmem:$0x1E740] =	vst v63  }
0x2e2: {  	_ =	swait.ge [sflag:s25], $0x2000  }
0x2e3: {  	[sflag:s25] =	ssyncset.done $0x0  }
0x2e4: {  	s30 =	simm.s32 $0x10300;
	[sflag:s25] =	ssyncadd.s32 $0xFFFFE000  }
0x2e5: {  	[tilespmem:s16], [sflag:$0x2] =	stream.indirect.gather.add.f32 [spmem:s3], $0x80, s30, s10, $0xb8;
	[tilespmem:$0x1E740] =	vst v63  }
0x2e6: {  	_ =	swait.ge [sflag:s19], $0x2000  }
0x2e7: {  	[sflag:s19] =	ssyncset.done $0x0  }
0x2e8: {  	[sflag:s19] =	ssyncadd.s32 $0xFFFFE000  }
0x2e9: {  	_ =	swait.ge [sflag:s28], $0x2000  }
0x2ea: {  	s17 =	simm.s32 $0x0;
	[sflag:s28] =	ssyncset.done $0x0  }
0x2eb: {  	s21 =	simm.s32 $0x16700;
	s26 =	simm.s32 $0x10700;
	[sflag:s28] =	ssyncadd.s32 $0xFFFFE000  }
.LBB2_18:
0x2ec: {  	v2 =	vld [tilespmem:s26+$0x80]  }
0x2ed: {  	v3 =	vld [tilespmem:s21+$0x80]  }
0x2ee: {  	v4 =	vld [tilespmem:s26+$0x90]  }
0x2ef: {  	v5 =	vld [tilespmem:s21+$0x90]  }
0x2f0: {  	v6 =	vld [tilespmem:s26+$0xA0]  }
0x2f1: {  	v7 =	vld [tilespmem:s21+$0xA0]  }
0x2f2: {  	v8 =	vld [tilespmem:s26+$0xB0]  }
0x2f3: {  	v9 =	vld [tilespmem:s21+$0xB0]  }
0x2f4: {  	v10 =	vld [tilespmem:s26+$0xC0]  }
0x2f5: {  	v11 =	vld [tilespmem:s21+$0xC0]  }
0x2f6: {  	v12 =	vld [tilespmem:s26+$0xD0]  }
0x2f7: {  	v13 =	vld [tilespmem:s21+$0xD0]  }
0x2f8: {  	v14 =	vld [tilespmem:s26+$0xE0]  }
0x2f9: {  	v15 =	vld [tilespmem:s21+$0xE0]  }
0x2fa: {  	v16 =	vld [tilespmem:s26+$0xF0]  }
0x2fb: {  	v17 =	vld [tilespmem:s21+$0xF0]  }
0x2fc: {  	v18 =	vld [tilespmem:s26+$0x0]  }
0x2fd: {  	v19 =	vld [tilespmem:s21+$0x0]  }
0x2fe: {  	v20 =	vld [tilespmem:s26+$0x10]  }
0x2ff: {  	v21 =	vld [tilespmem:s21+$0x10]  }
0x300: {  	v22 =	vld [tilespmem:s26+$0x20]  }
0x301: {  	v23 =	vld [tilespmem:s21+$0x20]  }
0x302: {  	v24 =	vld [tilespmem:s26+$0x30]  }
0x303: {  	v25 =	vld [tilespmem:s21+$0x30]  }
0x304: {  	v26 =	vld [tilespmem:s26+$0x40]  }
0x305: {  	v27 =	vld [tilespmem:s21+$0x40]  }
0x306: {  	v28 =	vld [tilespmem:s26+$0x50]  }
0x307: {  	v29 =	vld [tilespmem:s21+$0x50]  }
0x308: {  	v30 =	vld [tilespmem:s26+$0x60]  }
0x309: {  	v31 =	vld [tilespmem:s21+$0x60]  }
0x30a: {  	v32 =	vld [tilespmem:s26+$0x70]  }
0x30b: {  	v33 =	vld [tilespmem:s21+$0x70]  }
0x30c: {  	v34 =	vld [tilespmem:s26+$0xFFFFFF80]  }
0x30d: {  	v35 =	vld [tilespmem:s21+$0xFFFFFF80]  }
0x30e: {  	v36 =	vld [tilespmem:s26+$0xFFFFFF90]  }
0x30f: {  	v37 =	vld [tilespmem:s21+$0xFFFFFF90]  }
0x310: {  	v38 =	vld [tilespmem:s26+$0xFFFFFFA0]  }
0x311: {  	v39 =	vld [tilespmem:s21+$0xFFFFFFA0]  }
0x312: {  	v40 =	vld [tilespmem:s26+$0xFFFFFFB0]  }
0x313: {  	v41 =	vld [tilespmem:s21+$0xFFFFFFB0]  }
0x314: {  	v42 =	vld [tilespmem:s26+$0xFFFFFFC0]  }
0x315: {  	v43 =	vld [tilespmem:s21+$0xFFFFFFC0]  }
0x316: {  	v44 =	vld [tilespmem:s26+$0xFFFFFFD0]  }
0x317: {  	v45 =	vld [tilespmem:s21+$0xFFFFFFD0]  }
0x318: {  	v46 =	vld [tilespmem:s26+$0xFFFFFFE0]  }
0x319: {  	v47 =	vld [tilespmem:s21+$0xFFFFFFE0]  }
0x31a: {  	v48 =	vld [tilespmem:s26+$0xFFFFFFF0]  }
0x31b: {  	v49 =	vld [tilespmem:s21+$0xFFFFFFF0]  }
0x31c: {  	v50 =	vld [tilespmem:s26+$0xFFFFFF00]  }
0x31d: {  	v51 =	vld [tilespmem:s21+$0xFFFFFF00];
	v56 =	vsub.f32 v2, v3  }
0x31e: {  	v52 =	vld [tilespmem:s26+$0xFFFFFF10];
	v57 =	vsub.f32 v4, v5;
	v6 =	vsub.f32 v6, v7  }
0x31f: {  	v53 =	vld [tilespmem:s21+$0xFFFFFF10];
	v58 =	vsub.f32 v8, v9;
	v59 =	vsub.f32 v10, v11  }
0x320: {  	v54 =	vld [tilespmem:s26+$0xFFFFFF20];
	v5 =	vsub.f32 v12, v13;
	v4 =	vsub.f32 v14, v15  }
0x321: {  	v55 =	vld [tilespmem:s21+$0xFFFFFF20];
	v3 =	vsub.f32 v16, v17;
	v15 =	vsub.f32 v18, v19  }
0x322: {  	v2 =	vld [tilespmem:s26+$0xFFFFFF30];
	v17 =	vsub.f32 v20, v21;
	v18 =	vsub.f32 v22, v23  }
0x323: {  	v9 =	vld [tilespmem:s21+$0xFFFFFF30];
	v19 =	vsub.f32 v24, v25;
	v20 =	vsub.f32 v26, v27  }
0x324: {  	v10 =	vld [tilespmem:s26+$0xFFFFFF40];
	v21 =	vsub.f32 v28, v29;
	v24 =	vsub.f32 v30, v31  }
0x325: {  	v11 =	vld [tilespmem:s21+$0xFFFFFF40];
	v26 =	vsub.f32 v32, v33;
	v25 =	vsub.f32 v34, v35  }
0x326: {  	v12 =	vld [tilespmem:s26+$0xFFFFFF50];
	v27 =	vsub.f32 v36, v37;
	v30 =	vsub.f32 v38, v39  }
0x327: {  	v13 =	vld [tilespmem:s21+$0xFFFFFF50];
	v31 =	vsub.f32 v40, v41;
	v43 =	vsub.f32 v42, v43  }
0x328: {  	v14 =	vld [tilespmem:s26+$0xFFFFFF60];
	v45 =	vsub.f32 v44, v45;
	v47 =	vsub.f32 v46, v47  }
0x329: {  	v16 =	vld [tilespmem:s21+$0xFFFFFF60];
	v60 =	vsub.f32 v48, v49;
	v61 =	vsub.f32 v50, v51  }
0x32a: {  	v22 =	vld [tilespmem:s26+$0xFFFFFF70];
	v7 =	vsub.f32 v52, v53;
	v8 =	vsub.f32 v54, v55  }
0x32b: {  	v23 =	vld [tilespmem:s21+$0xFFFFFF70];
	v62 =	vand.u32 $0x7FFFFFFF, v56;
	v63 =	vand.u32 $0x7FFFFFFF, v59;
	v19 =	vand.u32 $0x7FFFFFFF, v19  }
0x32c: {  	v28 =	vand.u32 $0x7FFFFFFF, v21;
	v29 =	vand.u32 $0x7FFFFFFF, v24;
	v25 =	vand.u32 $0x7FFFFFFF, v25  }
0x32d: {  	v21 =	vand.u32 $0x7FFFFFFF, v27;
	v27 =	vand.u32 $0x7FFFFFFF, v26;
	v24 =	vand.u32 $0x7FFFFFFF, v30  }
0x32e: {  	v33 =	vand.u32 $0x7FFFFFFF, v43;
	v30 =	vand.u32 $0x7FFFFFFF, v45;
	v9 =	vsub.f32 v2, v9  }
0x32f: {  	v26 =	vand.u32 $0x7FFFFFFF, v61;
	v10 =	vsub.f32 v10, v11;
	v11 =	vsub.f32 v12, v13  }
0x330: {  	v2 =	vimm.f32 $0.0e+00;
	v12 =	vsub.f32 v14, v16;
	v13 =	vsub.f32 v22, v23  }
0x331: {  	v16 =	vand.u32 $0x7FFFFFFF, v57;
	v14 =	vand.u32 $0x7FFFFFFF, v6;
	v6 =	vand.u32 $0x7FFFFFFF, v15  }
0x332: {  	v15 =	vand.u32 $0x7FFFFFFF, v58;
	v22 =	vand.u32 $0x7FFFFFFF, v17;
	v23 =	vand.u32 $0x7FFFFFFF, v18  }
0x333: {  	s29 =	sshll.u32 s17, $0x4;
	s1 =	sadd.s32 $0x200, s26;
	v17 =	vand.u32 $0x7FFFFFFF, v20;
	v18 =	vand.u32 $0x7FFFFFFF, v31;
	v31 =	vand.u32 $0x7FFFFFFF, v47  }
0x334: {  	s11 =	simm.s32 $0x4;
	s13 =	smov.u32 s21;
	s30 =	simm.s32 $0x0;
	v20 =	vand.u32 $0x7FFFFFFF, v60;
	v32 =	vadd.f32 v17, v6;
	v17 =	vadd.f32 v63, v62  }
.LBB2_19:
0x335: {  	v6 =	vld [tilespmem:s1+$0x80];
	p1 =	sne.s32 s11, $0xC;
	v34 =	vand.u32 $0x7FFFFFFF, v7;
	v22 =	vadd.f32 v28, v22;
	v23 =	vadd.f32 v29, v23;
	s13 =	sadd.s32 $0x200, s13  }
0x336: {  	v28 =	vand.u32 $0x7FFFFFFF, v8;
	v25 =	vadd.f32 v33, v25;
	v19 =	vadd.f32 v27, v19;
	v7 =	vld [tilespmem:s13+$0x80]  }
0x337: {  	v27 =	vand.u32 $0x7FFFFFFF, v9;
	v21 =	vadd.f32 v30, v21;
	v24 =	vadd.f32 v31, v24;
	v8 =	vld [tilespmem:s1+$0x90]  }
0x338: {  	v29 =	vand.u32 $0x7FFFFFFF, v10;
	v22 =	vadd.f32 v22, v32;
	v19 =	vadd.f32 v19, v23;
	v9 =	vld [tilespmem:s13+$0x90]  }
0x339: {  	v18 =	vadd.f32 v20, v18;
	v23 =	vadd.f32 v29, v26;
	v26 =	vand.u32 $0x7FFFFFFF, v11;
	v10 =	vld [tilespmem:s1+$0xA0]  }
0x33a: {  	v20 =	vadd.f32 v26, v34;
	v26 =	vand.u32 $0x7FFFFFFF, v12;
	v19 =	vadd.f32 v19, v22;
	v11 =	vld [tilespmem:s13+$0xA0]  }
0x33b: {  	v21 =	vadd.f32 v21, v25;
	v18 =	vadd.f32 v18, v24;
	v22 =	vand.u32 $0x7FFFFFFF, v13;
	v12 =	vld [tilespmem:s1+$0xB0]  }
0x33c: {  	v25 =	vand.u32 $0x7FFFFFFF, v5;
	v24 =	vadd.f32 v26, v28;
	v22 =	vadd.f32 v22, v27;
	v13 =	vld [tilespmem:s13+$0xB0];
	(xrf2) =	vadd.scan.msk.f32 $0xffff, v19  }
0x33d: {  	v16 =	vadd.f32 v25, v16;
	v18 =	vadd.f32 v18, v21;
	v19 =	vand.u32 $0x7FFFFFFF, v4;
	v5 =	vld [tilespmem:s1+$0xC0]  }
0x33e: {  	v20 =	vadd.f32 v20, v23;
	v21 =	vadd.f32 v22, v24;
	v22 =	vand.u32 $0x7FFFFFFF, v3;
	v4 =	vld [tilespmem:s13+$0xC0]  }
0x33f: {  	v19 =	vadd.f32 v19, v14;
	v22 =	vadd.f32 v22, v15;
	v3 =	vld [tilespmem:s1+$0xD0];
	(xrf2) =	vadd.scan.msk.f32 $0xffff, v18  }
0x340: {  	v18 =	vadd.f32 v21, v20;
	v14 =	vld [tilespmem:s13+$0xD0]  }
0x341: {  	v16 =	vadd.f32 v16, v17;
	v17 =	vadd.f32 v22, v19;
	v15 =	vld [tilespmem:s1+$0xE0]  }
0x342: {  	v19 =	vld [tilespmem:s13+$0xE0];
	(xrf2) =	vadd.scan.msk.f32 $0xffff, v18  }
0x343: {  	v16 =	vadd.f32 v17, v16;
	v18 =	vld [tilespmem:s1+$0xF0]  }
0x344: {  	v17 =	vld [tilespmem:s13+$0xF0]  }
0x345: {  	v20 =	vld [tilespmem:s1+$0x0];
	(xrf2) =	vadd.scan.msk.f32 $0xffff, v16  }
0x346: {  	v16 =	vld [tilespmem:s13+$0x0];
	v21, _, _ =	vpop (xrf2)  }
0x347: {  	v22 =	vld [tilespmem:s1+$0x10]  }
0x348: {  	v23 =	vld [tilespmem:s13+$0x10]  }
0x349: {  	v24 =	vld [tilespmem:s1+$0x20];
	v25, _, _ =	vpop (xrf2)  }
0x34a: {  	v26 =	vld [tilespmem:s13+$0x20]  }
0x34b: {  	v27 =	vld [tilespmem:s1+$0x30]  }
0x34c: {  	v28 =	vld [tilespmem:s13+$0x30];
	v29, _, _ =	vpop (xrf2)  }
0x34d: {  	v30 =	vld [tilespmem:s1+$0x40];
	(v2sf) =	vpush v29, $0xF  }
0x34e: {  	v29 =	vld [tilespmem:s13+$0x40];
	(v2sf) =	vpush v25, $0xF  }
0x34f: {  	v25 =	vld [tilespmem:s1+$0x50];
	(v2sf) =	vpush v21, $0xF;
	v21, _, _ =	vpop (xrf2)  }
0x350: {  	v31 =	vld [tilespmem:s13+$0x50];
	(v2sf) =	vpush v21, $0xF  }
0x351: {  	v21 =	vld [tilespmem:s1+$0x60]  }
0x352: {  	v32 =	vld [tilespmem:s13+$0x60]  }
0x353: {  	v33 =	vld [tilespmem:s1+$0x70]  }
0x354: {  	v34 =	vld [tilespmem:s13+$0x70]  }
0x355: {  	v35 =	vld [tilespmem:s1+$0xFFFFFF80]  }
0x356: {  	v36 =	vld [tilespmem:s13+$0xFFFFFF80]  }
0x357: {  	v37 =	vld [tilespmem:s1+$0xFFFFFF90]  }
0x358: {  	v38 =	vld [tilespmem:s13+$0xFFFFFF90]  }
0x359: {  	v39 =	vld [tilespmem:s1+$0xFFFFFFA0]  }
0x35a: {  	v40 =	vld [tilespmem:s13+$0xFFFFFFA0]  }
0x35b: {  	v41 =	vld [tilespmem:s1+$0xFFFFFFB0]  }
0x35c: {  	v42 =	vld [tilespmem:s13+$0xFFFFFFB0];
	s5 =	spop (v2sf)  }
0x35d: {  	v44 =	vmov s30;
	s6 =	sadd.s32 $0x1, s30;
	v43 =	vld [tilespmem:s1+$0xFFFFFFC0];
	s5 =	ssub.f32 $1.200000000e+01, s5;
	s20 =	spop (v2sf)  }
0x35e: {  	vm0 =	veq.s32 v44, v0;
	v44 =	vmov s6;
	v45 =	vld [tilespmem:s13+$0xFFFFFFC0];
	s6 =	ssub.f32 $1.200000000e+01, s20;
	s20 =	sadd.s32 $0x2, s30;
	s24 =	spop (v2sf)  }
0x35f: {  	v46 =	vld [tilespmem:s1+$0xFFFFFFD0];
	v2 =	vsel vm0, s5, v2;
	vm0 =	veq.s32 v44, v0;
	v44 =	vmov s20;
	s5 =	ssub.f32 $1.200000000e+01, s24;
	s20 =	sadd.s32 $0x3, s30;
	s24 =	spop (v2sf)  }
0x360: {  	s30 =	smov.u32 s11;
	v47 =	vld [tilespmem:s13+$0xFFFFFFD0];
	v2 =	vsel vm0, s6, v2;
	vm0 =	veq.s32 v44, v0;
	v44 =	vmov s20;
	s6 =	ssub.f32 $1.200000000e+01, s24  }
0x361: {  	v48 =	vld [tilespmem:s1+$0xFFFFFFE0];
	v2 =	vsel vm0, s5, v2;
	vm0 =	veq.s32 v44, v0  }
0x362: {  	v44 =	vld [tilespmem:s13+$0xFFFFFFE0];
	v2 =	vsel vm0, s6, v2  }
0x363: {  	v49 =	vld [tilespmem:s1+$0xFFFFFFF0]  }
0x364: {  	v50 =	vld [tilespmem:s13+$0xFFFFFFF0]  }
0x365: {  	v51 =	vld [tilespmem:s1+$0xFFFFFF00]  }
0x366: {  	v52 =	vld [tilespmem:s13+$0xFFFFFF00]  }
0x367: {  	v53 =	vld [tilespmem:s1+$0xFFFFFF10]  }
0x368: {  	v54 =	vld [tilespmem:s13+$0xFFFFFF10]  }
0x369: {  	v55 =	vld [tilespmem:s1+$0xFFFFFF20]  }
0x36a: {  	v6 =	vsub.f32 v6, v7;
	v57 =	vsub.f32 v8, v9;
	v56 =	vld [tilespmem:s13+$0xFFFFFF20]  }
0x36b: {  	v58 =	vsub.f32 v10, v11;
	v59 =	vsub.f32 v12, v13;
	v9 =	vld [tilespmem:s1+$0xFFFFFF30]  }
0x36c: {  	v60 =	vsub.f32 v5, v4;
	v5 =	vsub.f32 v3, v14;
	v10 =	vld [tilespmem:s13+$0xFFFFFF30]  }
0x36d: {  	v4 =	vsub.f32 v15, v19;
	v3 =	vsub.f32 v18, v17;
	v11 =	vld [tilespmem:s1+$0xFFFFFF40]  }
0x36e: {  	v15 =	vsub.f32 v20, v16;
	v17 =	vsub.f32 v22, v23;
	v12 =	vld [tilespmem:s13+$0xFFFFFF40]  }
0x36f: {  	v18 =	vsub.f32 v24, v26;
	v19 =	vsub.f32 v27, v28;
	v13 =	vld [tilespmem:s1+$0xFFFFFF50]  }
0x370: {  	v20 =	vsub.f32 v30, v29;
	v24 =	vsub.f32 v25, v31;
	v14 =	vld [tilespmem:s13+$0xFFFFFF50]  }
0x371: {  	v21 =	vsub.f32 v21, v32;
	v26 =	vsub.f32 v33, v34;
	v16 =	vld [tilespmem:s1+$0xFFFFFF60]  }
0x372: {  	v25 =	vsub.f32 v35, v36;
	v27 =	vsub.f32 v37, v38;
	v22 =	vld [tilespmem:s13+$0xFFFFFF60]  }
0x373: {  	v30 =	vsub.f32 v39, v40;
	v31 =	vsub.f32 v41, v42;
	v23 =	vld [tilespmem:s1+$0xFFFFFF70]  }
0x374: {  	v32 =	vsub.f32 v43, v45;
	v34 =	vsub.f32 v46, v47;
	v28 =	vld [tilespmem:s13+$0xFFFFFF70]  }
0x375: {  	v35 =	vsub.f32 v48, v44;
	v36 =	vsub.f32 v49, v50  }
0x376: {  	v37 =	vsub.f32 v51, v52;
	v7 =	vsub.f32 v53, v54  }
0x377: {  	v8 =	vsub.f32 v55, v56;
	v9 =	vsub.f32 v9, v10  }
0x378: {  	v10 =	vsub.f32 v11, v12;
	v11 =	vsub.f32 v13, v14  }
0x379: {  	v12 =	vsub.f32 v16, v22;
	v13 =	vsub.f32 v23, v28  }
0x37a: {  	v6 =	vand.u32 $0x7FFFFFFF, v6;
	v14 =	vand.u32 $0x7FFFFFFF, v58;
	v16 =	vand.u32 $0x7FFFFFFF, v57  }
0x37b: {  	v38 =	vand.u32 $0x7FFFFFFF, v15;
	v15 =	vand.u32 $0x7FFFFFFF, v59;
	v39 =	vand.u32 $0x7FFFFFFF, v60  }
0x37c: {  	v19 =	vand.u32 $0x7FFFFFFF, v19;
	v22 =	vand.u32 $0x7FFFFFFF, v17;
	v23 =	vand.u32 $0x7FFFFFFF, v18  }
.Ltmp8:
0x37d: {  	v29 =	vand.u32 $0x7FFFFFFF, v21;
	v17 =	vand.u32 $0x7FFFFFFF, v20;
	v28 =	vand.u32 $0x7FFFFFFF, v24;
	(pc) =	sbr.rel @p1 .LBB2_19-.Ltmp8, $4  }
0x37e: {  	v25 =	vand.u32 $0x7FFFFFFF, v25;
	v21 =	vand.u32 $0x7FFFFFFF, v27;
	v27 =	vand.u32 $0x7FFFFFFF, v26  }
0x37f: {  	v33 =	vand.u32 $0x7FFFFFFF, v32;
	v24 =	vand.u32 $0x7FFFFFFF, v30;
	v18 =	vand.u32 $0x7FFFFFFF, v31  }
0x380: {  	v20 =	vand.u32 $0x7FFFFFFF, v36;
	v30 =	vand.u32 $0x7FFFFFFF, v34;
	v31 =	vand.u32 $0x7FFFFFFF, v35  }
0x381: {  	s11 =	sadd.s32 $0x4, s11;
	v26 =	vand.u32 $0x7FFFFFFF, v37;
	s1 =	sadd.s32 $0x200, s1;
	v32 =	vadd.f32 v17, v38;
	v17 =	vadd.f32 v39, v6  }
0x382: {  	v6 =	vand.u32 $0x7FFFFFFF, v7  }
0x383: {  	v55 =	vadd.f32 v28, v22;
	v56 =	vadd.f32 v29, v23;
	v8 =	vand.u32 $0x7FFFFFFF, v8  }
0x384: {  	v57 =	vadd.f32 v33, v25;
	v19 =	vadd.f32 v27, v19;
	v9 =	vand.u32 $0x7FFFFFFF, v9  }
0x385: {  	v21 =	vadd.f32 v30, v21;
	v24 =	vadd.f32 v31, v24;
	v10 =	vand.u32 $0x7FFFFFFF, v10  }
0x386: {  	v11 =	vand.u32 $0x7FFFFFFF, v11;
	v18 =	vadd.f32 v20, v18;
	v58 =	vand.u32 $0x7FFFFFFF, v12  }
0x387: {  	v59 =	vand.u32 $0x7FFFFFFF, v13;
	v10 =	vadd.f32 v10, v26;
	v6 =	vadd.f32 v11, v6  }
0x388: {  	v5 =	vand.u32 $0x7FFFFFFF, v5;
	v8 =	vadd.f32 v58, v8;
	v9 =	vadd.f32 v59, v9  }
0x389: {  	v5 =	vadd.f32 v5, v16;
	v7 =	vadd.f32 v55, v32  }
0x38a: {  	v19 =	vadd.f32 v19, v56;
	v60 =	vadd.f32 v21, v57  }
0x38b: {  	v18 =	vadd.f32 v18, v24;
	v6 =	vadd.f32 v6, v10  }
0x38c: {  	v4 =	vand.u32 $0x7FFFFFFF, v4;
	v8 =	vadd.f32 v9, v8;
	v7 =	vadd.f32 v19, v7  }
0x38d: {  	v3 =	vand.u32 $0x7FFFFFFF, v3;
	v4 =	vadd.f32 v4, v14;
	v61 =	vadd.f32 v18, v60  }
0x38e: {  	v3 =	vadd.f32 v3, v15;
	v6 =	vadd.f32 v8, v6;
	(xrf2) =	vadd.scan.msk.f32 $0xffff, v7  }
0x38f: {  	(xrf2) =	vadd.scan.msk.f32 $0xffff, v61  }
0x390: {  	v5 =	vadd.f32 v5, v17;
	v3 =	vadd.f32 v3, v4;
	(xrf2) =	vadd.scan.msk.f32 $0xffff, v6;
	_ =	sdelay $0x1  }
0x391: {  	v3 =	vadd.f32 v3, v5;
	_ =	sdelay $0x1  }
0x392: {  	(xrf2) =	vadd.scan.msk.f32 $0xffff, v3;
	_ =	sdelay $0x3  }
0x393: {  	v3, _, _ =	vpop (xrf2)  }
0x394: {  	v62, _, _ =	vpop (xrf2)  }
0x395: {  	v63, _, _ =	vpop (xrf2)  }
0x396: {  	(v2sf) =	vpush v63, $0xF  }
0x397: {  	(v2sf) =	vpush v62, $0xF  }
0x398: {  	(v2sf) =	vpush v3, $0xF  }
0x399: {  	v3, _, _ =	vpop (xrf2)  }
0x39a: {  	(v2sf) =	vpush v3, $0xF;
	_ =	sdelay $0xa  }
0x39b: {  	s1 =	spop (v2sf)  }
0x39c: {  	s5 =	sadd.s32 $0x1, s30;
	v3 =	vmov s30;
	s1 =	ssub.f32 $1.200000000e+01, s1;
	s6 =	spop (v2sf)  }
0x39d: {  	s17 =	sadd.s32 $0x1, s17;
	vm0 =	veq.s32 v3, v0;
	v3 =	vmov s5;
	s5 =	ssub.f32 $1.200000000e+01, s6;
	s11 =	spop (v2sf)  }
0x39e: {  	s24 =	sadd.s32 $0x2, s30;
	p1 =	sne.s32 s17, $0x4;
	s13 =	ssub.f32 $1.200000000e+01, s11  }
.Ltmp9:
0x39f: {  	s20 =	sadd.s32 $0x3, s30;
	vm13 =	veq.s32 v3, v0;
	v3 =	vmov s24;
	v2 =	vsel vm0, s1, v2;
	s24 =	spop (v2sf);
	(pc) =	sbr.rel @p1 .LBB2_18-.Ltmp9, $4  }
0x3a0: {  	vm14 =	veq.s32 v3, v0;
	v3 =	vmov s20;
	v2 =	vsel vm13, s5, v2;
	s30 =	ssub.f32 $1.200000000e+01, s24  }
0x3a1: {  	vm15 =	veq.s32 v3, v0;
	v2 =	vsel vm14, s13, v2  }
0x3a2: {  	v2 =	vsel vm15, s30, v2  }
0x3a3: {  	s21 =	sadd.s32 $0x800, s21;
	s26 =	sadd.s32 $0x800, s26;
	[tilespmem:s29+$0x1C6C0] =	vst v2  }
0x3a4: {  	s1 =	simm.s32 $0x10180  }
0x3a5: {  	[tilespmem:s12], [sflag:$0x1] =	stream.indirect.gather [hbm4b:s0+s10], $0x80, s1, s10, $0xb8;
	[tilespmem:$0x1E740] =	vst v63  }
0x3a6: {  	s29 =	simm.s32 $0x10580  }
0x3a7: {  	[tilespmem:s14], [sflag:$0x4] =	stream.indirect.gather [hbm4b:s0+s10], $0x80, s29, s10, $0xb8;
	[tilespmem:$0x1E740] =	vst v63  }
0x3a8: {  	_ =	swait.ge [sflag:s31], $0x2000  }
0x3a9: {  	[sflag:s31] =	ssyncset.done $0x0  }
0x3aa: {  	s30 =	simm.s32 $0x10340;
	[sflag:s31] =	ssyncadd.s32 $0xFFFFE000  }
0x3ab: {  	[tilespmem:s22], [sflag:$0x3] =	stream.indirect.gather.add.f32 [spmem:s3], $0x80, s30, s10, $0xb8;
	[tilespmem:$0x1E740] =	vst v63  }
0x3ac: {  	_ =	swait.ge [sflag:s25], $0x2000  }
0x3ad: {  	[sflag:s25] =	ssyncset.done $0x0  }
0x3ae: {  	[sflag:s25] =	ssyncadd.s32 $0xFFFFE000  }
0x3af: {  	_ =	swait.ge [sflag:s2], $0x2000  }
0x3b0: {  	s17 =	simm.s32 $0x0;
	[sflag:s2] =	ssyncset.done $0x0  }
0x3b1: {  	s21 =	simm.s32 $0x18700;
	s26 =	simm.s32 $0x12700;
	[sflag:s2] =	ssyncadd.s32 $0xFFFFE000  }
.LBB2_22:
0x3b2: {  	v2 =	vld [tilespmem:s26+$0x80]  }
0x3b3: {  	v3 =	vld [tilespmem:s21+$0x80]  }
0x3b4: {  	v4 =	vld [tilespmem:s26+$0x90]  }
0x3b5: {  	v5 =	vld [tilespmem:s21+$0x90]  }
0x3b6: {  	v6 =	vld [tilespmem:s26+$0xA0]  }
0x3b7: {  	v7 =	vld [tilespmem:s21+$0xA0]  }
0x3b8: {  	v8 =	vld [tilespmem:s26+$0xB0]  }
0x3b9: {  	v9 =	vld [tilespmem:s21+$0xB0]  }
0x3ba: {  	v10 =	vld [tilespmem:s26+$0xC0]  }
0x3bb: {  	v11 =	vld [tilespmem:s21+$0xC0]  }
0x3bc: {  	v12 =	vld [tilespmem:s26+$0xD0]  }
0x3bd: {  	v13 =	vld [tilespmem:s21+$0xD0]  }
0x3be: {  	v14 =	vld [tilespmem:s26+$0xE0]  }
0x3bf: {  	v15 =	vld [tilespmem:s21+$0xE0]  }
0x3c0: {  	v16 =	vld [tilespmem:s26+$0xF0]  }
0x3c1: {  	v17 =	vld [tilespmem:s21+$0xF0]  }
0x3c2: {  	v18 =	vld [tilespmem:s26+$0x0]  }
0x3c3: {  	v19 =	vld [tilespmem:s21+$0x0]  }
0x3c4: {  	v20 =	vld [tilespmem:s26+$0x10]  }
0x3c5: {  	v21 =	vld [tilespmem:s21+$0x10]  }
0x3c6: {  	v22 =	vld [tilespmem:s26+$0x20]  }
0x3c7: {  	v23 =	vld [tilespmem:s21+$0x20]  }
0x3c8: {  	v24 =	vld [tilespmem:s26+$0x30]  }
0x3c9: {  	v25 =	vld [tilespmem:s21+$0x30]  }
0x3ca: {  	v26 =	vld [tilespmem:s26+$0x40]  }
0x3cb: {  	v27 =	vld [tilespmem:s21+$0x40]  }
0x3cc: {  	v28 =	vld [tilespmem:s26+$0x50]  }
0x3cd: {  	v29 =	vld [tilespmem:s21+$0x50]  }
0x3ce: {  	v30 =	vld [tilespmem:s26+$0x60]  }
0x3cf: {  	v31 =	vld [tilespmem:s21+$0x60]  }
0x3d0: {  	v32 =	vld [tilespmem:s26+$0x70]  }
0x3d1: {  	v33 =	vld [tilespmem:s21+$0x70]  }
0x3d2: {  	v34 =	vld [tilespmem:s26+$0xFFFFFF80]  }
0x3d3: {  	v35 =	vld [tilespmem:s21+$0xFFFFFF80]  }
0x3d4: {  	v36 =	vld [tilespmem:s26+$0xFFFFFF90]  }
0x3d5: {  	v37 =	vld [tilespmem:s21+$0xFFFFFF90]  }
0x3d6: {  	v38 =	vld [tilespmem:s26+$0xFFFFFFA0]  }
0x3d7: {  	v39 =	vld [tilespmem:s21+$0xFFFFFFA0]  }
0x3d8: {  	v40 =	vld [tilespmem:s26+$0xFFFFFFB0]  }
0x3d9: {  	v41 =	vld [tilespmem:s21+$0xFFFFFFB0]  }
0x3da: {  	v42 =	vld [tilespmem:s26+$0xFFFFFFC0]  }
0x3db: {  	v43 =	vld [tilespmem:s21+$0xFFFFFFC0]  }
0x3dc: {  	v44 =	vld [tilespmem:s26+$0xFFFFFFD0]  }
0x3dd: {  	v45 =	vld [tilespmem:s21+$0xFFFFFFD0]  }
0x3de: {  	v46 =	vld [tilespmem:s26+$0xFFFFFFE0]  }
0x3df: {  	v47 =	vld [tilespmem:s21+$0xFFFFFFE0]  }
0x3e0: {  	v48 =	vld [tilespmem:s26+$0xFFFFFFF0]  }
0x3e1: {  	v49 =	vld [tilespmem:s21+$0xFFFFFFF0]  }
0x3e2: {  	v50 =	vld [tilespmem:s26+$0xFFFFFF00]  }
0x3e3: {  	v51 =	vld [tilespmem:s21+$0xFFFFFF00];
	v56 =	vsub.f32 v2, v3  }
0x3e4: {  	v52 =	vld [tilespmem:s26+$0xFFFFFF10];
	v57 =	vsub.f32 v4, v5;
	v6 =	vsub.f32 v6, v7  }
0x3e5: {  	v53 =	vld [tilespmem:s21+$0xFFFFFF10];
	v58 =	vsub.f32 v8, v9;
	v59 =	vsub.f32 v10, v11  }
0x3e6: {  	v54 =	vld [tilespmem:s26+$0xFFFFFF20];
	v5 =	vsub.f32 v12, v13;
	v4 =	vsub.f32 v14, v15  }
0x3e7: {  	v55 =	vld [tilespmem:s21+$0xFFFFFF20];
	v3 =	vsub.f32 v16, v17;
	v15 =	vsub.f32 v18, v19  }
0x3e8: {  	v2 =	vld [tilespmem:s26+$0xFFFFFF30];
	v17 =	vsub.f32 v20, v21;
	v18 =	vsub.f32 v22, v23  }
0x3e9: {  	v9 =	vld [tilespmem:s21+$0xFFFFFF30];
	v19 =	vsub.f32 v24, v25;
	v20 =	vsub.f32 v26, v27  }
0x3ea: {  	v10 =	vld [tilespmem:s26+$0xFFFFFF40];
	v21 =	vsub.f32 v28, v29;
	v24 =	vsub.f32 v30, v31  }
0x3eb: {  	v11 =	vld [tilespmem:s21+$0xFFFFFF40];
	v26 =	vsub.f32 v32, v33;
	v25 =	vsub.f32 v34, v35  }
0x3ec: {  	v12 =	vld [tilespmem:s26+$0xFFFFFF50];
	v27 =	vsub.f32 v36, v37;
	v30 =	vsub.f32 v38, v39  }
0x3ed: {  	v13 =	vld [tilespmem:s21+$0xFFFFFF50];
	v31 =	vsub.f32 v40, v41;
	v43 =	vsub.f32 v42, v43  }
0x3ee: {  	v14 =	vld [tilespmem:s26+$0xFFFFFF60];
	v45 =	vsub.f32 v44, v45;
	v47 =	vsub.f32 v46, v47  }
0x3ef: {  	v16 =	vld [tilespmem:s21+$0xFFFFFF60];
	v60 =	vsub.f32 v48, v49;
	v61 =	vsub.f32 v50, v51  }
0x3f0: {  	v22 =	vld [tilespmem:s26+$0xFFFFFF70];
	v7 =	vsub.f32 v52, v53;
	v8 =	vsub.f32 v54, v55  }
0x3f1: {  	v23 =	vld [tilespmem:s21+$0xFFFFFF70];
	v62 =	vand.u32 $0x7FFFFFFF, v56;
	v63 =	vand.u32 $0x7FFFFFFF, v59;
	v19 =	vand.u32 $0x7FFFFFFF, v19  }
0x3f2: {  	v28 =	vand.u32 $0x7FFFFFFF, v21;
	v29 =	vand.u32 $0x7FFFFFFF, v24;
	v25 =	vand.u32 $0x7FFFFFFF, v25  }
0x3f3: {  	v21 =	vand.u32 $0x7FFFFFFF, v27;
	v27 =	vand.u32 $0x7FFFFFFF, v26;
	v24 =	vand.u32 $0x7FFFFFFF, v30  }
0x3f4: {  	v33 =	vand.u32 $0x7FFFFFFF, v43;
	v30 =	vand.u32 $0x7FFFFFFF, v45;
	v9 =	vsub.f32 v2, v9  }
0x3f5: {  	v26 =	vand.u32 $0x7FFFFFFF, v61;
	v10 =	vsub.f32 v10, v11;
	v11 =	vsub.f32 v12, v13  }
0x3f6: {  	v2 =	vimm.f32 $0.0e+00;
	v12 =	vsub.f32 v14, v16;
	v13 =	vsub.f32 v22, v23  }
0x3f7: {  	v16 =	vand.u32 $0x7FFFFFFF, v57;
	v14 =	vand.u32 $0x7FFFFFFF, v6;
	v6 =	vand.u32 $0x7FFFFFFF, v15  }
0x3f8: {  	v15 =	vand.u32 $0x7FFFFFFF, v58;
	v22 =	vand.u32 $0x7FFFFFFF, v17;
	v23 =	vand.u32 $0x7FFFFFFF, v18  }
0x3f9: {  	s29 =	sshll.u32 s17, $0x4;
	s1 =	sadd.s32 $0x200, s26;
	v17 =	vand.u32 $0x7FFFFFFF, v20;
	v18 =	vand.u32 $0x7FFFFFFF, v31;
	v31 =	vand.u32 $0x7FFFFFFF, v47  }
0x3fa: {  	s11 =	simm.s32 $0x4;
	s13 =	smov.u32 s21;
	s30 =	simm.s32 $0x0;
	v20 =	vand.u32 $0x7FFFFFFF, v60;
	v32 =	vadd.f32 v17, v6;
	v17 =	vadd.f32 v63, v62  }
.LBB2_23:
0x3fb: {  	v6 =	vld [tilespmem:s1+$0x80];
	p1 =	sne.s32 s11, $0xC;
	v34 =	vand.u32 $0x7FFFFFFF, v7;
	v22 =	vadd.f32 v28, v22;
	v23 =	vadd.f32 v29, v23;
	s13 =	sadd.s32 $0x200, s13  }
0x3fc: {  	v28 =	vand.u32 $0x7FFFFFFF, v8;
	v25 =	vadd.f32 v33, v25;
	v19 =	vadd.f32 v27, v19;
	v7 =	vld [tilespmem:s13+$0x80]  }
0x3fd: {  	v27 =	vand.u32 $0x7FFFFFFF, v9;
	v21 =	vadd.f32 v30, v21;
	v24 =	vadd.f32 v31, v24;
	v8 =	vld [tilespmem:s1+$0x90]  }
0x3fe: {  	v29 =	vand.u32 $0x7FFFFFFF, v10;
	v22 =	vadd.f32 v22, v32;
	v19 =	vadd.f32 v19, v23;
	v9 =	vld [tilespmem:s13+$0x90]  }
0x3ff: {  	v18 =	vadd.f32 v20, v18;
	v23 =	vadd.f32 v29, v26;
	v26 =	vand.u32 $0x7FFFFFFF, v11;
	v10 =	vld [tilespmem:s1+$0xA0]  }
0x400: {  	v20 =	vadd.f32 v26, v34;
	v26 =	vand.u32 $0x7FFFFFFF, v12;
	v19 =	vadd.f32 v19, v22;
	v11 =	vld [tilespmem:s13+$0xA0]  }
0x401: {  	v21 =	vadd.f32 v21, v25;
	v18 =	vadd.f32 v18, v24;
	v22 =	vand.u32 $0x7FFFFFFF, v13;
	v12 =	vld [tilespmem:s1+$0xB0]  }
0x402: {  	v25 =	vand.u32 $0x7FFFFFFF, v5;
	v24 =	vadd.f32 v26, v28;
	v22 =	vadd.f32 v22, v27;
	v13 =	vld [tilespmem:s13+$0xB0];
	(xrf2) =	vadd.scan.msk.f32 $0xffff, v19  }
0x403: {  	v16 =	vadd.f32 v25, v16;
	v18 =	vadd.f32 v18, v21;
	v19 =	vand.u32 $0x7FFFFFFF, v4;
	v5 =	vld [tilespmem:s1+$0xC0]  }
0x404: {  	v20 =	vadd.f32 v20, v23;
	v21 =	vadd.f32 v22, v24;
	v22 =	vand.u32 $0x7FFFFFFF, v3;
	v4 =	vld [tilespmem:s13+$0xC0]  }
0x405: {  	v19 =	vadd.f32 v19, v14;
	v22 =	vadd.f32 v22, v15;
	v3 =	vld [tilespmem:s1+$0xD0];
	(xrf2) =	vadd.scan.msk.f32 $0xffff, v18  }
0x406: {  	v18 =	vadd.f32 v21, v20;
	v14 =	vld [tilespmem:s13+$0xD0]  }
0x407: {  	v16 =	vadd.f32 v16, v17;
	v17 =	vadd.f32 v22, v19;
	v15 =	vld [tilespmem:s1+$0xE0]  }
0x408: {  	v19 =	vld [tilespmem:s13+$0xE0];
	(xrf2) =	vadd.scan.msk.f32 $0xffff, v18  }
0x409: {  	v16 =	vadd.f32 v17, v16;
	v18 =	vld [tilespmem:s1+$0xF0]  }
0x40a: {  	v17 =	vld [tilespmem:s13+$0xF0]  }
0x40b: {  	v20 =	vld [tilespmem:s1+$0x0];
	(xrf2) =	vadd.scan.msk.f32 $0xffff, v16  }
0x40c: {  	v16 =	vld [tilespmem:s13+$0x0];
	v21, _, _ =	vpop (xrf2)  }
0x40d: {  	v22 =	vld [tilespmem:s1+$0x10]  }
0x40e: {  	v23 =	vld [tilespmem:s13+$0x10]  }
0x40f: {  	v24 =	vld [tilespmem:s1+$0x20];
	v25, _, _ =	vpop (xrf2)  }
0x410: {  	v26 =	vld [tilespmem:s13+$0x20]  }
0x411: {  	v27 =	vld [tilespmem:s1+$0x30]  }
0x412: {  	v28 =	vld [tilespmem:s13+$0x30];
	v29, _, _ =	vpop (xrf2)  }
0x413: {  	v30 =	vld [tilespmem:s1+$0x40];
	(v2sf) =	vpush v29, $0xF  }
0x414: {  	v29 =	vld [tilespmem:s13+$0x40];
	(v2sf) =	vpush v25, $0xF  }
0x415: {  	v25 =	vld [tilespmem:s1+$0x50];
	(v2sf) =	vpush v21, $0xF;
	v21, _, _ =	vpop (xrf2)  }
0x416: {  	v31 =	vld [tilespmem:s13+$0x50];
	(v2sf) =	vpush v21, $0xF  }
0x417: {  	v21 =	vld [tilespmem:s1+$0x60]  }
0x418: {  	v32 =	vld [tilespmem:s13+$0x60]  }
0x419: {  	v33 =	vld [tilespmem:s1+$0x70]  }
0x41a: {  	v34 =	vld [tilespmem:s13+$0x70]  }
0x41b: {  	v35 =	vld [tilespmem:s1+$0xFFFFFF80]  }
0x41c: {  	v36 =	vld [tilespmem:s13+$0xFFFFFF80]  }
0x41d: {  	v37 =	vld [tilespmem:s1+$0xFFFFFF90]  }
0x41e: {  	v38 =	vld [tilespmem:s13+$0xFFFFFF90]  }
0x41f: {  	v39 =	vld [tilespmem:s1+$0xFFFFFFA0]  }
0x420: {  	v40 =	vld [tilespmem:s13+$0xFFFFFFA0]  }
0x421: {  	v41 =	vld [tilespmem:s1+$0xFFFFFFB0]  }
0x422: {  	v42 =	vld [tilespmem:s13+$0xFFFFFFB0];
	s5 =	spop (v2sf)  }
0x423: {  	v44 =	vmov s30;
	s6 =	sadd.s32 $0x1, s30;
	v43 =	vld [tilespmem:s1+$0xFFFFFFC0];
	s5 =	ssub.f32 $1.200000000e+01, s5;
	s20 =	spop (v2sf)  }
0x424: {  	vm0 =	veq.s32 v44, v0;
	v44 =	vmov s6;
	v45 =	vld [tilespmem:s13+$0xFFFFFFC0];
	s6 =	ssub.f32 $1.200000000e+01, s20;
	s20 =	sadd.s32 $0x2, s30;
	s24 =	spop (v2sf)  }
0x425: {  	v46 =	vld [tilespmem:s1+$0xFFFFFFD0];
	v2 =	vsel vm0, s5, v2;
	vm0 =	veq.s32 v44, v0;
	v44 =	vmov s20;
	s5 =	ssub.f32 $1.200000000e+01, s24;
	s20 =	sadd.s32 $0x3, s30;
	s24 =	spop (v2sf)  }
0x426: {  	s30 =	smov.u32 s11;
	v47 =	vld [tilespmem:s13+$0xFFFFFFD0];
	v2 =	vsel vm0, s6, v2;
	vm0 =	veq.s32 v44, v0;
	v44 =	vmov s20;
	s6 =	ssub.f32 $1.200000000e+01, s24  }
0x427: {  	v48 =	vld [tilespmem:s1+$0xFFFFFFE0];
	v2 =	vsel vm0, s5, v2;
	vm0 =	veq.s32 v44, v0  }
0x428: {  	v44 =	vld [tilespmem:s13+$0xFFFFFFE0];
	v2 =	vsel vm0, s6, v2  }
0x429: {  	v49 =	vld [tilespmem:s1+$0xFFFFFFF0]  }
0x42a: {  	v50 =	vld [tilespmem:s13+$0xFFFFFFF0]  }
0x42b: {  	v51 =	vld [tilespmem:s1+$0xFFFFFF00]  }
0x42c: {  	v52 =	vld [tilespmem:s13+$0xFFFFFF00]  }
0x42d: {  	v53 =	vld [tilespmem:s1+$0xFFFFFF10]  }
0x42e: {  	v54 =	vld [tilespmem:s13+$0xFFFFFF10]  }
0x42f: {  	v55 =	vld [tilespmem:s1+$0xFFFFFF20]  }
0x430: {  	v6 =	vsub.f32 v6, v7;
	v57 =	vsub.f32 v8, v9;
	v56 =	vld [tilespmem:s13+$0xFFFFFF20]  }
0x431: {  	v58 =	vsub.f32 v10, v11;
	v59 =	vsub.f32 v12, v13;
	v9 =	vld [tilespmem:s1+$0xFFFFFF30]  }
0x432: {  	v60 =	vsub.f32 v5, v4;
	v5 =	vsub.f32 v3, v14;
	v10 =	vld [tilespmem:s13+$0xFFFFFF30]  }
0x433: {  	v4 =	vsub.f32 v15, v19;
	v3 =	vsub.f32 v18, v17;
	v11 =	vld [tilespmem:s1+$0xFFFFFF40]  }
0x434: {  	v15 =	vsub.f32 v20, v16;
	v17 =	vsub.f32 v22, v23;
	v12 =	vld [tilespmem:s13+$0xFFFFFF40]  }
0x435: {  	v18 =	vsub.f32 v24, v26;
	v19 =	vsub.f32 v27, v28;
	v13 =	vld [tilespmem:s1+$0xFFFFFF50]  }
0x436: {  	v20 =	vsub.f32 v30, v29;
	v24 =	vsub.f32 v25, v31;
	v14 =	vld [tilespmem:s13+$0xFFFFFF50]  }
0x437: {  	v21 =	vsub.f32 v21, v32;
	v26 =	vsub.f32 v33, v34;
	v16 =	vld [tilespmem:s1+$0xFFFFFF60]  }
0x438: {  	v25 =	vsub.f32 v35, v36;
	v27 =	vsub.f32 v37, v38;
	v22 =	vld [tilespmem:s13+$0xFFFFFF60]  }
0x439: {  	v30 =	vsub.f32 v39, v40;
	v31 =	vsub.f32 v41, v42;
	v23 =	vld [tilespmem:s1+$0xFFFFFF70]  }
0x43a: {  	v32 =	vsub.f32 v43, v45;
	v34 =	vsub.f32 v46, v47;
	v28 =	vld [tilespmem:s13+$0xFFFFFF70]  }
0x43b: {  	v35 =	vsub.f32 v48, v44;
	v36 =	vsub.f32 v49, v50  }
0x43c: {  	v37 =	vsub.f32 v51, v52;
	v7 =	vsub.f32 v53, v54  }
0x43d: {  	v8 =	vsub.f32 v55, v56;
	v9 =	vsub.f32 v9, v10  }
0x43e: {  	v10 =	vsub.f32 v11, v12;
	v11 =	vsub.f32 v13, v14  }
0x43f: {  	v12 =	vsub.f32 v16, v22;
	v13 =	vsub.f32 v23, v28  }
0x440: {  	v6 =	vand.u32 $0x7FFFFFFF, v6;
	v14 =	vand.u32 $0x7FFFFFFF, v58;
	v16 =	vand.u32 $0x7FFFFFFF, v57  }
0x441: {  	v38 =	vand.u32 $0x7FFFFFFF, v15;
	v15 =	vand.u32 $0x7FFFFFFF, v59;
	v39 =	vand.u32 $0x7FFFFFFF, v60  }
0x442: {  	v19 =	vand.u32 $0x7FFFFFFF, v19;
	v22 =	vand.u32 $0x7FFFFFFF, v17;
	v23 =	vand.u32 $0x7FFFFFFF, v18  }
.Ltmp10:
0x443: {  	v29 =	vand.u32 $0x7FFFFFFF, v21;
	v17 =	vand.u32 $0x7FFFFFFF, v20;
	v28 =	vand.u32 $0x7FFFFFFF, v24;
	(pc) =	sbr.rel @p1 .LBB2_23-.Ltmp10, $4  }
0x444: {  	v25 =	vand.u32 $0x7FFFFFFF, v25;
	v21 =	vand.u32 $0x7FFFFFFF, v27;
	v27 =	vand.u32 $0x7FFFFFFF, v26  }
0x445: {  	v33 =	vand.u32 $0x7FFFFFFF, v32;
	v24 =	vand.u32 $0x7FFFFFFF, v30;
	v18 =	vand.u32 $0x7FFFFFFF, v31  }
0x446: {  	v20 =	vand.u32 $0x7FFFFFFF, v36;
	v30 =	vand.u32 $0x7FFFFFFF, v34;
	v31 =	vand.u32 $0x7FFFFFFF, v35  }
0x447: {  	s11 =	sadd.s32 $0x4, s11;
	v26 =	vand.u32 $0x7FFFFFFF, v37;
	s1 =	sadd.s32 $0x200, s1;
	v32 =	vadd.f32 v17, v38;
	v17 =	vadd.f32 v39, v6  }
0x448: {  	v6 =	vand.u32 $0x7FFFFFFF, v7  }
0x449: {  	v55 =	vadd.f32 v28, v22;
	v56 =	vadd.f32 v29, v23;
	v8 =	vand.u32 $0x7FFFFFFF, v8  }
0x44a: {  	v57 =	vadd.f32 v33, v25;
	v19 =	vadd.f32 v27, v19;
	v9 =	vand.u32 $0x7FFFFFFF, v9  }
0x44b: {  	v21 =	vadd.f32 v30, v21;
	v24 =	vadd.f32 v31, v24;
	v10 =	vand.u32 $0x7FFFFFFF, v10  }
0x44c: {  	v11 =	vand.u32 $0x7FFFFFFF, v11;
	v18 =	vadd.f32 v20, v18;
	v58 =	vand.u32 $0x7FFFFFFF, v12  }
0x44d: {  	v59 =	vand.u32 $0x7FFFFFFF, v13;
	v10 =	vadd.f32 v10, v26;
	v6 =	vadd.f32 v11, v6  }
0x44e: {  	v5 =	vand.u32 $0x7FFFFFFF, v5;
	v8 =	vadd.f32 v58, v8;
	v9 =	vadd.f32 v59, v9  }
0x44f: {  	v5 =	vadd.f32 v5, v16;
	v7 =	vadd.f32 v55, v32  }
0x450: {  	v19 =	vadd.f32 v19, v56;
	v60 =	vadd.f32 v21, v57  }
0x451: {  	v18 =	vadd.f32 v18, v24;
	v6 =	vadd.f32 v6, v10  }
0x452: {  	v4 =	vand.u32 $0x7FFFFFFF, v4;
	v8 =	vadd.f32 v9, v8;
	v7 =	vadd.f32 v19, v7  }
0x453: {  	v3 =	vand.u32 $0x7FFFFFFF, v3;
	v4 =	vadd.f32 v4, v14;
	v61 =	vadd.f32 v18, v60  }
0x454: {  	v3 =	vadd.f32 v3, v15;
	v6 =	vadd.f32 v8, v6;
	(xrf2) =	vadd.scan.msk.f32 $0xffff, v7  }
0x455: {  	(xrf2) =	vadd.scan.msk.f32 $0xffff, v61  }
0x456: {  	v5 =	vadd.f32 v5, v17;
	v3 =	vadd.f32 v3, v4;
	(xrf2) =	vadd.scan.msk.f32 $0xffff, v6;
	_ =	sdelay $0x1  }
0x457: {  	v3 =	vadd.f32 v3, v5;
	_ =	sdelay $0x1  }
0x458: {  	(xrf2) =	vadd.scan.msk.f32 $0xffff, v3;
	_ =	sdelay $0x3  }
0x459: {  	v3, _, _ =	vpop (xrf2)  }
0x45a: {  	v62, _, _ =	vpop (xrf2)  }
0x45b: {  	v63, _, _ =	vpop (xrf2)  }
0x45c: {  	(v2sf) =	vpush v63, $0xF  }
0x45d: {  	(v2sf) =	vpush v62, $0xF  }
0x45e: {  	(v2sf) =	vpush v3, $0xF  }
0x45f: {  	v3, _, _ =	vpop (xrf2)  }
0x460: {  	(v2sf) =	vpush v3, $0xF;
	_ =	sdelay $0xa  }
0x461: {  	s1 =	spop (v2sf)  }
0x462: {  	s5 =	sadd.s32 $0x1, s30;
	v3 =	vmov s30;
	s1 =	ssub.f32 $1.200000000e+01, s1;
	s6 =	spop (v2sf)  }
0x463: {  	s17 =	sadd.s32 $0x1, s17;
	vm0 =	veq.s32 v3, v0;
	v3 =	vmov s5;
	s5 =	ssub.f32 $1.200000000e+01, s6;
	s11 =	spop (v2sf)  }
0x464: {  	s24 =	sadd.s32 $0x2, s30;
	p1 =	sne.s32 s17, $0x4;
	s13 =	ssub.f32 $1.200000000e+01, s11  }
.Ltmp11:
0x465: {  	s20 =	sadd.s32 $0x3, s30;
	vm13 =	veq.s32 v3, v0;
	v3 =	vmov s24;
	v2 =	vsel vm0, s1, v2;
	s24 =	spop (v2sf);
	(pc) =	sbr.rel @p1 .LBB2_22-.Ltmp11, $4  }
0x466: {  	vm14 =	veq.s32 v3, v0;
	v3 =	vmov s20;
	v2 =	vsel vm13, s5, v2;
	s30 =	ssub.f32 $1.200000000e+01, s24  }
0x467: {  	vm15 =	veq.s32 v3, v0;
	v2 =	vsel vm14, s13, v2  }
0x468: {  	v2 =	vsel vm15, s30, v2  }
0x469: {  	s21 =	sadd.s32 $0x800, s21;
	s26 =	sadd.s32 $0x800, s26;
	[tilespmem:s29+$0x1C700] =	vst v2  }
0x46a: {  	s1 =	simm.s32 $0x101C0  }
0x46b: {  	[tilespmem:s16], [sflag:$0x2] =	stream.indirect.gather [hbm4b:s0+s10], $0x80, s1, s10, $0xb8;
	[tilespmem:$0x1E740] =	vst v63  }
0x46c: {  	s29 =	simm.s32 $0x105C0  }
0x46d: {  	[tilespmem:s18], [sflag:$0x5] =	stream.indirect.gather [hbm4b:s0+s10], $0x80, s29, s10, $0xb8;
	[tilespmem:$0x1E740] =	vst v63  }
0x46e: {  	_ =	swait.ge [sflag:s19], $0x2000  }
0x46f: {  	[sflag:s19] =	ssyncset.done $0x0  }
0x470: {  	s30 =	simm.s32 $0x10380;
	[sflag:s19] =	ssyncadd.s32 $0xFFFFE000  }
0x471: {  	[tilespmem:s12], [sflag:$0x1] =	stream.indirect.gather.add.f32 [spmem:s3], $0x80, s30, s10, $0xb8;
	[tilespmem:$0x1E740] =	vst v63  }
0x472: {  	_ =	swait.ge [sflag:s31], $0x2000  }
0x473: {  	[sflag:s31] =	ssyncset.done $0x0  }
0x474: {  	[sflag:s31] =	ssyncadd.s32 $0xFFFFE000  }
0x475: {  	_ =	swait.ge [sflag:s23], $0x2000  }
0x476: {  	s17 =	simm.s32 $0x0;
	[sflag:s23] =	ssyncset.done $0x0  }
0x477: {  	s21 =	simm.s32 $0x1A700;
	s26 =	simm.s32 $0x14700;
	[sflag:s23] =	ssyncadd.s32 $0xFFFFE000  }
.LBB2_26:
0x478: {  	v2 =	vld [tilespmem:s26+$0x80]  }
0x479: {  	v3 =	vld [tilespmem:s21+$0x80]  }
0x47a: {  	v4 =	vld [tilespmem:s26+$0x90]  }
0x47b: {  	v5 =	vld [tilespmem:s21+$0x90]  }
0x47c: {  	v6 =	vld [tilespmem:s26+$0xA0]  }
0x47d: {  	v7 =	vld [tilespmem:s21+$0xA0]  }
0x47e: {  	v8 =	vld [tilespmem:s26+$0xB0]  }
0x47f: {  	v9 =	vld [tilespmem:s21+$0xB0]  }
0x480: {  	v10 =	vld [tilespmem:s26+$0xC0]  }
0x481: {  	v11 =	vld [tilespmem:s21+$0xC0]  }
0x482: {  	v12 =	vld [tilespmem:s26+$0xD0]  }
0x483: {  	v13 =	vld [tilespmem:s21+$0xD0]  }
0x484: {  	v14 =	vld [tilespmem:s26+$0xE0]  }
0x485: {  	v15 =	vld [tilespmem:s21+$0xE0]  }
0x486: {  	v16 =	vld [tilespmem:s26+$0xF0]  }
0x487: {  	v17 =	vld [tilespmem:s21+$0xF0]  }
0x488: {  	v18 =	vld [tilespmem:s26+$0x0]  }
0x489: {  	v19 =	vld [tilespmem:s21+$0x0]  }
0x48a: {  	v20 =	vld [tilespmem:s26+$0x10]  }
0x48b: {  	v21 =	vld [tilespmem:s21+$0x10]  }
0x48c: {  	v22 =	vld [tilespmem:s26+$0x20]  }
0x48d: {  	v23 =	vld [tilespmem:s21+$0x20]  }
0x48e: {  	v24 =	vld [tilespmem:s26+$0x30]  }
0x48f: {  	v25 =	vld [tilespmem:s21+$0x30]  }
0x490: {  	v26 =	vld [tilespmem:s26+$0x40]  }
0x491: {  	v27 =	vld [tilespmem:s21+$0x40]  }
0x492: {  	v28 =	vld [tilespmem:s26+$0x50]  }
0x493: {  	v29 =	vld [tilespmem:s21+$0x50]  }
0x494: {  	v30 =	vld [tilespmem:s26+$0x60]  }
0x495: {  	v31 =	vld [tilespmem:s21+$0x60]  }
0x496: {  	v32 =	vld [tilespmem:s26+$0x70]  }
0x497: {  	v33 =	vld [tilespmem:s21+$0x70]  }
0x498: {  	v34 =	vld [tilespmem:s26+$0xFFFFFF80]  }
0x499: {  	v35 =	vld [tilespmem:s21+$0xFFFFFF80]  }
0x49a: {  	v36 =	vld [tilespmem:s26+$0xFFFFFF90]  }
0x49b: {  	v37 =	vld [tilespmem:s21+$0xFFFFFF90]  }
0x49c: {  	v38 =	vld [tilespmem:s26+$0xFFFFFFA0]  }
0x49d: {  	v39 =	vld [tilespmem:s21+$0xFFFFFFA0]  }
0x49e: {  	v40 =	vld [tilespmem:s26+$0xFFFFFFB0]  }
0x49f: {  	v41 =	vld [tilespmem:s21+$0xFFFFFFB0]  }
0x4a0: {  	v42 =	vld [tilespmem:s26+$0xFFFFFFC0]  }
0x4a1: {  	v43 =	vld [tilespmem:s21+$0xFFFFFFC0]  }
0x4a2: {  	v44 =	vld [tilespmem:s26+$0xFFFFFFD0]  }
0x4a3: {  	v45 =	vld [tilespmem:s21+$0xFFFFFFD0]  }
0x4a4: {  	v46 =	vld [tilespmem:s26+$0xFFFFFFE0]  }
0x4a5: {  	v47 =	vld [tilespmem:s21+$0xFFFFFFE0]  }
0x4a6: {  	v48 =	vld [tilespmem:s26+$0xFFFFFFF0]  }
0x4a7: {  	v49 =	vld [tilespmem:s21+$0xFFFFFFF0]  }
0x4a8: {  	v50 =	vld [tilespmem:s26+$0xFFFFFF00]  }
0x4a9: {  	v51 =	vld [tilespmem:s21+$0xFFFFFF00];
	v56 =	vsub.f32 v2, v3  }
0x4aa: {  	v52 =	vld [tilespmem:s26+$0xFFFFFF10];
	v57 =	vsub.f32 v4, v5;
	v6 =	vsub.f32 v6, v7  }
0x4ab: {  	v53 =	vld [tilespmem:s21+$0xFFFFFF10];
	v58 =	vsub.f32 v8, v9;
	v59 =	vsub.f32 v10, v11  }
0x4ac: {  	v54 =	vld [tilespmem:s26+$0xFFFFFF20];
	v5 =	vsub.f32 v12, v13;
	v4 =	vsub.f32 v14, v15  }
0x4ad: {  	v55 =	vld [tilespmem:s21+$0xFFFFFF20];
	v3 =	vsub.f32 v16, v17;
	v15 =	vsub.f32 v18, v19  }
0x4ae: {  	v2 =	vld [tilespmem:s26+$0xFFFFFF30];
	v17 =	vsub.f32 v20, v21;
	v18 =	vsub.f32 v22, v23  }
0x4af: {  	v9 =	vld [tilespmem:s21+$0xFFFFFF30];
	v19 =	vsub.f32 v24, v25;
	v20 =	vsub.f32 v26, v27  }
0x4b0: {  	v10 =	vld [tilespmem:s26+$0xFFFFFF40];
	v21 =	vsub.f32 v28, v29;
	v24 =	vsub.f32 v30, v31  }
0x4b1: {  	v11 =	vld [tilespmem:s21+$0xFFFFFF40];
	v26 =	vsub.f32 v32, v33;
	v25 =	vsub.f32 v34, v35  }
0x4b2: {  	v12 =	vld [tilespmem:s26+$0xFFFFFF50];
	v27 =	vsub.f32 v36, v37;
	v30 =	vsub.f32 v38, v39  }
0x4b3: {  	v13 =	vld [tilespmem:s21+$0xFFFFFF50];
	v31 =	vsub.f32 v40, v41;
	v43 =	vsub.f32 v42, v43  }
0x4b4: {  	v14 =	vld [tilespmem:s26+$0xFFFFFF60];
	v45 =	vsub.f32 v44, v45;
	v47 =	vsub.f32 v46, v47  }
0x4b5: {  	v16 =	vld [tilespmem:s21+$0xFFFFFF60];
	v60 =	vsub.f32 v48, v49;
	v61 =	vsub.f32 v50, v51  }
0x4b6: {  	v22 =	vld [tilespmem:s26+$0xFFFFFF70];
	v7 =	vsub.f32 v52, v53;
	v8 =	vsub.f32 v54, v55  }
0x4b7: {  	v23 =	vld [tilespmem:s21+$0xFFFFFF70];
	v62 =	vand.u32 $0x7FFFFFFF, v56;
	v63 =	vand.u32 $0x7FFFFFFF, v59;
	v19 =	vand.u32 $0x7FFFFFFF, v19  }
0x4b8: {  	v28 =	vand.u32 $0x7FFFFFFF, v21;
	v29 =	vand.u32 $0x7FFFFFFF, v24;
	v25 =	vand.u32 $0x7FFFFFFF, v25  }
0x4b9: {  	v21 =	vand.u32 $0x7FFFFFFF, v27;
	v27 =	vand.u32 $0x7FFFFFFF, v26;
	v24 =	vand.u32 $0x7FFFFFFF, v30  }
0x4ba: {  	v33 =	vand.u32 $0x7FFFFFFF, v43;
	v30 =	vand.u32 $0x7FFFFFFF, v45;
	v9 =	vsub.f32 v2, v9  }
0x4bb: {  	v26 =	vand.u32 $0x7FFFFFFF, v61;
	v10 =	vsub.f32 v10, v11;
	v11 =	vsub.f32 v12, v13  }
0x4bc: {  	v2 =	vimm.f32 $0.0e+00;
	v12 =	vsub.f32 v14, v16;
	v13 =	vsub.f32 v22, v23  }
0x4bd: {  	v16 =	vand.u32 $0x7FFFFFFF, v57;
	v14 =	vand.u32 $0x7FFFFFFF, v6;
	v6 =	vand.u32 $0x7FFFFFFF, v15  }
0x4be: {  	v15 =	vand.u32 $0x7FFFFFFF, v58;
	v22 =	vand.u32 $0x7FFFFFFF, v17;
	v23 =	vand.u32 $0x7FFFFFFF, v18  }
0x4bf: {  	s29 =	sshll.u32 s17, $0x4;
	s1 =	sadd.s32 $0x200, s26;
	v17 =	vand.u32 $0x7FFFFFFF, v20;
	v18 =	vand.u32 $0x7FFFFFFF, v31;
	v31 =	vand.u32 $0x7FFFFFFF, v47  }
0x4c0: {  	s11 =	simm.s32 $0x4;
	s13 =	smov.u32 s21;
	s30 =	simm.s32 $0x0;
	v20 =	vand.u32 $0x7FFFFFFF, v60;
	v32 =	vadd.f32 v17, v6;
	v17 =	vadd.f32 v63, v62  }
.LBB2_27:
0x4c1: {  	v6 =	vld [tilespmem:s1+$0x80];
	p1 =	sne.s32 s11, $0xC;
	v34 =	vand.u32 $0x7FFFFFFF, v7;
	v22 =	vadd.f32 v28, v22;
	v23 =	vadd.f32 v29, v23;
	s13 =	sadd.s32 $0x200, s13  }
0x4c2: {  	v28 =	vand.u32 $0x7FFFFFFF, v8;
	v25 =	vadd.f32 v33, v25;
	v19 =	vadd.f32 v27, v19;
	v7 =	vld [tilespmem:s13+$0x80]  }
0x4c3: {  	v27 =	vand.u32 $0x7FFFFFFF, v9;
	v21 =	vadd.f32 v30, v21;
	v24 =	vadd.f32 v31, v24;
	v8 =	vld [tilespmem:s1+$0x90]  }
0x4c4: {  	v29 =	vand.u32 $0x7FFFFFFF, v10;
	v22 =	vadd.f32 v22, v32;
	v19 =	vadd.f32 v19, v23;
	v9 =	vld [tilespmem:s13+$0x90]  }
0x4c5: {  	v18 =	vadd.f32 v20, v18;
	v23 =	vadd.f32 v29, v26;
	v26 =	vand.u32 $0x7FFFFFFF, v11;
	v10 =	vld [tilespmem:s1+$0xA0]  }
0x4c6: {  	v20 =	vadd.f32 v26, v34;
	v26 =	vand.u32 $0x7FFFFFFF, v12;
	v19 =	vadd.f32 v19, v22;
	v11 =	vld [tilespmem:s13+$0xA0]  }
0x4c7: {  	v21 =	vadd.f32 v21, v25;
	v18 =	vadd.f32 v18, v24;
	v22 =	vand.u32 $0x7FFFFFFF, v13;
	v12 =	vld [tilespmem:s1+$0xB0]  }
0x4c8: {  	v25 =	vand.u32 $0x7FFFFFFF, v5;
	v24 =	vadd.f32 v26, v28;
	v22 =	vadd.f32 v22, v27;
	v13 =	vld [tilespmem:s13+$0xB0];
	(xrf2) =	vadd.scan.msk.f32 $0xffff, v19  }
0x4c9: {  	v16 =	vadd.f32 v25, v16;
	v18 =	vadd.f32 v18, v21;
	v19 =	vand.u32 $0x7FFFFFFF, v4;
	v5 =	vld [tilespmem:s1+$0xC0]  }
0x4ca: {  	v20 =	vadd.f32 v20, v23;
	v21 =	vadd.f32 v22, v24;
	v22 =	vand.u32 $0x7FFFFFFF, v3;
	v4 =	vld [tilespmem:s13+$0xC0]  }
0x4cb: {  	v19 =	vadd.f32 v19, v14;
	v22 =	vadd.f32 v22, v15;
	v3 =	vld [tilespmem:s1+$0xD0];
	(xrf2) =	vadd.scan.msk.f32 $0xffff, v18  }
0x4cc: {  	v18 =	vadd.f32 v21, v20;
	v14 =	vld [tilespmem:s13+$0xD0]  }
0x4cd: {  	v16 =	vadd.f32 v16, v17;
	v17 =	vadd.f32 v22, v19;
	v15 =	vld [tilespmem:s1+$0xE0]  }
0x4ce: {  	v19 =	vld [tilespmem:s13+$0xE0];
	(xrf2) =	vadd.scan.msk.f32 $0xffff, v18  }
0x4cf: {  	v16 =	vadd.f32 v17, v16;
	v18 =	vld [tilespmem:s1+$0xF0]  }
0x4d0: {  	v17 =	vld [tilespmem:s13+$0xF0]  }
0x4d1: {  	v20 =	vld [tilespmem:s1+$0x0];
	(xrf2) =	vadd.scan.msk.f32 $0xffff, v16  }
0x4d2: {  	v16 =	vld [tilespmem:s13+$0x0];
	v21, _, _ =	vpop (xrf2)  }
0x4d3: {  	v22 =	vld [tilespmem:s1+$0x10]  }
0x4d4: {  	v23 =	vld [tilespmem:s13+$0x10]  }
0x4d5: {  	v24 =	vld [tilespmem:s1+$0x20];
	v25, _, _ =	vpop (xrf2)  }
0x4d6: {  	v26 =	vld [tilespmem:s13+$0x20]  }
0x4d7: {  	v27 =	vld [tilespmem:s1+$0x30]  }
0x4d8: {  	v28 =	vld [tilespmem:s13+$0x30];
	v29, _, _ =	vpop (xrf2)  }
0x4d9: {  	v30 =	vld [tilespmem:s1+$0x40];
	(v2sf) =	vpush v29, $0xF  }
0x4da: {  	v29 =	vld [tilespmem:s13+$0x40];
	(v2sf) =	vpush v25, $0xF  }
0x4db: {  	v25 =	vld [tilespmem:s1+$0x50];
	(v2sf) =	vpush v21, $0xF;
	v21, _, _ =	vpop (xrf2)  }
0x4dc: {  	v31 =	vld [tilespmem:s13+$0x50];
	(v2sf) =	vpush v21, $0xF  }
0x4dd: {  	v21 =	vld [tilespmem:s1+$0x60]  }
0x4de: {  	v32 =	vld [tilespmem:s13+$0x60]  }
0x4df: {  	v33 =	vld [tilespmem:s1+$0x70]  }
0x4e0: {  	v34 =	vld [tilespmem:s13+$0x70]  }
0x4e1: {  	v35 =	vld [tilespmem:s1+$0xFFFFFF80]  }
0x4e2: {  	v36 =	vld [tilespmem:s13+$0xFFFFFF80]  }
0x4e3: {  	v37 =	vld [tilespmem:s1+$0xFFFFFF90]  }
0x4e4: {  	v38 =	vld [tilespmem:s13+$0xFFFFFF90]  }
0x4e5: {  	v39 =	vld [tilespmem:s1+$0xFFFFFFA0]  }
0x4e6: {  	v40 =	vld [tilespmem:s13+$0xFFFFFFA0]  }
0x4e7: {  	v41 =	vld [tilespmem:s1+$0xFFFFFFB0]  }
0x4e8: {  	v42 =	vld [tilespmem:s13+$0xFFFFFFB0];
	s5 =	spop (v2sf)  }
0x4e9: {  	v44 =	vmov s30;
	s6 =	sadd.s32 $0x1, s30;
	v43 =	vld [tilespmem:s1+$0xFFFFFFC0];
	s5 =	ssub.f32 $1.200000000e+01, s5;
	s20 =	spop (v2sf)  }
0x4ea: {  	vm0 =	veq.s32 v44, v0;
	v44 =	vmov s6;
	v45 =	vld [tilespmem:s13+$0xFFFFFFC0];
	s6 =	ssub.f32 $1.200000000e+01, s20;
	s20 =	sadd.s32 $0x2, s30;
	s24 =	spop (v2sf)  }
0x4eb: {  	v46 =	vld [tilespmem:s1+$0xFFFFFFD0];
	v2 =	vsel vm0, s5, v2;
	vm0 =	veq.s32 v44, v0;
	v44 =	vmov s20;
	s5 =	ssub.f32 $1.200000000e+01, s24;
	s20 =	sadd.s32 $0x3, s30;
	s24 =	spop (v2sf)  }
0x4ec: {  	s30 =	smov.u32 s11;
	v47 =	vld [tilespmem:s13+$0xFFFFFFD0];
	v2 =	vsel vm0, s6, v2;
	vm0 =	veq.s32 v44, v0;
	v44 =	vmov s20;
	s6 =	ssub.f32 $1.200000000e+01, s24  }
0x4ed: {  	v48 =	vld [tilespmem:s1+$0xFFFFFFE0];
	v2 =	vsel vm0, s5, v2;
	vm0 =	veq.s32 v44, v0  }
0x4ee: {  	v44 =	vld [tilespmem:s13+$0xFFFFFFE0];
	v2 =	vsel vm0, s6, v2  }
0x4ef: {  	v49 =	vld [tilespmem:s1+$0xFFFFFFF0]  }
0x4f0: {  	v50 =	vld [tilespmem:s13+$0xFFFFFFF0]  }
0x4f1: {  	v51 =	vld [tilespmem:s1+$0xFFFFFF00]  }
0x4f2: {  	v52 =	vld [tilespmem:s13+$0xFFFFFF00]  }
0x4f3: {  	v53 =	vld [tilespmem:s1+$0xFFFFFF10]  }
0x4f4: {  	v54 =	vld [tilespmem:s13+$0xFFFFFF10]  }
0x4f5: {  	v55 =	vld [tilespmem:s1+$0xFFFFFF20]  }
0x4f6: {  	v6 =	vsub.f32 v6, v7;
	v57 =	vsub.f32 v8, v9;
	v56 =	vld [tilespmem:s13+$0xFFFFFF20]  }
0x4f7: {  	v58 =	vsub.f32 v10, v11;
	v59 =	vsub.f32 v12, v13;
	v9 =	vld [tilespmem:s1+$0xFFFFFF30]  }
0x4f8: {  	v60 =	vsub.f32 v5, v4;
	v5 =	vsub.f32 v3, v14;
	v10 =	vld [tilespmem:s13+$0xFFFFFF30]  }
0x4f9: {  	v4 =	vsub.f32 v15, v19;
	v3 =	vsub.f32 v18, v17;
	v11 =	vld [tilespmem:s1+$0xFFFFFF40]  }
0x4fa: {  	v15 =	vsub.f32 v20, v16;
	v17 =	vsub.f32 v22, v23;
	v12 =	vld [tilespmem:s13+$0xFFFFFF40]  }
0x4fb: {  	v18 =	vsub.f32 v24, v26;
	v19 =	vsub.f32 v27, v28;
	v13 =	vld [tilespmem:s1+$0xFFFFFF50]  }
0x4fc: {  	v20 =	vsub.f32 v30, v29;
	v24 =	vsub.f32 v25, v31;
	v14 =	vld [tilespmem:s13+$0xFFFFFF50]  }
0x4fd: {  	v21 =	vsub.f32 v21, v32;
	v26 =	vsub.f32 v33, v34;
	v16 =	vld [tilespmem:s1+$0xFFFFFF60]  }
0x4fe: {  	v25 =	vsub.f32 v35, v36;
	v27 =	vsub.f32 v37, v38;
	v22 =	vld [tilespmem:s13+$0xFFFFFF60]  }
0x4ff: {  	v30 =	vsub.f32 v39, v40;
	v31 =	vsub.f32 v41, v42;
	v23 =	vld [tilespmem:s1+$0xFFFFFF70]  }
0x500: {  	v32 =	vsub.f32 v43, v45;
	v34 =	vsub.f32 v46, v47;
	v28 =	vld [tilespmem:s13+$0xFFFFFF70]  }
0x501: {  	v35 =	vsub.f32 v48, v44;
	v36 =	vsub.f32 v49, v50  }
0x502: {  	v37 =	vsub.f32 v51, v52;
	v7 =	vsub.f32 v53, v54  }
0x503: {  	v8 =	vsub.f32 v55, v56;
	v9 =	vsub.f32 v9, v10  }
0x504: {  	v10 =	vsub.f32 v11, v12;
	v11 =	vsub.f32 v13, v14  }
0x505: {  	v12 =	vsub.f32 v16, v22;
	v13 =	vsub.f32 v23, v28  }
0x506: {  	v6 =	vand.u32 $0x7FFFFFFF, v6;
	v14 =	vand.u32 $0x7FFFFFFF, v58;
	v16 =	vand.u32 $0x7FFFFFFF, v57  }
0x507: {  	v38 =	vand.u32 $0x7FFFFFFF, v15;
	v15 =	vand.u32 $0x7FFFFFFF, v59;
	v39 =	vand.u32 $0x7FFFFFFF, v60  }
0x508: {  	v19 =	vand.u32 $0x7FFFFFFF, v19;
	v22 =	vand.u32 $0x7FFFFFFF, v17;
	v23 =	vand.u32 $0x7FFFFFFF, v18  }
.Ltmp12:
0x509: {  	v29 =	vand.u32 $0x7FFFFFFF, v21;
	v17 =	vand.u32 $0x7FFFFFFF, v20;
	v28 =	vand.u32 $0x7FFFFFFF, v24;
	(pc) =	sbr.rel @p1 .LBB2_27-.Ltmp12, $4  }
0x50a: {  	v25 =	vand.u32 $0x7FFFFFFF, v25;
	v21 =	vand.u32 $0x7FFFFFFF, v27;
	v27 =	vand.u32 $0x7FFFFFFF, v26  }
0x50b: {  	v33 =	vand.u32 $0x7FFFFFFF, v32;
	v24 =	vand.u32 $0x7FFFFFFF, v30;
	v18 =	vand.u32 $0x7FFFFFFF, v31  }
0x50c: {  	v20 =	vand.u32 $0x7FFFFFFF, v36;
	v30 =	vand.u32 $0x7FFFFFFF, v34;
	v31 =	vand.u32 $0x7FFFFFFF, v35  }
0x50d: {  	s11 =	sadd.s32 $0x4, s11;
	v26 =	vand.u32 $0x7FFFFFFF, v37;
	s1 =	sadd.s32 $0x200, s1;
	v32 =	vadd.f32 v17, v38;
	v17 =	vadd.f32 v39, v6  }
0x50e: {  	v6 =	vand.u32 $0x7FFFFFFF, v7  }
0x50f: {  	v55 =	vadd.f32 v28, v22;
	v56 =	vadd.f32 v29, v23;
	v8 =	vand.u32 $0x7FFFFFFF, v8  }
0x510: {  	v57 =	vadd.f32 v33, v25;
	v19 =	vadd.f32 v27, v19;
	v9 =	vand.u32 $0x7FFFFFFF, v9  }
0x511: {  	v21 =	vadd.f32 v30, v21;
	v24 =	vadd.f32 v31, v24;
	v10 =	vand.u32 $0x7FFFFFFF, v10  }
0x512: {  	v11 =	vand.u32 $0x7FFFFFFF, v11;
	v18 =	vadd.f32 v20, v18;
	v58 =	vand.u32 $0x7FFFFFFF, v12  }
0x513: {  	v59 =	vand.u32 $0x7FFFFFFF, v13;
	v10 =	vadd.f32 v10, v26;
	v6 =	vadd.f32 v11, v6  }
0x514: {  	v5 =	vand.u32 $0x7FFFFFFF, v5;
	v8 =	vadd.f32 v58, v8;
	v9 =	vadd.f32 v59, v9  }
0x515: {  	v5 =	vadd.f32 v5, v16;
	v7 =	vadd.f32 v55, v32  }
0x516: {  	v19 =	vadd.f32 v19, v56;
	v60 =	vadd.f32 v21, v57  }
0x517: {  	v18 =	vadd.f32 v18, v24;
	v6 =	vadd.f32 v6, v10  }
0x518: {  	v4 =	vand.u32 $0x7FFFFFFF, v4;
	v8 =	vadd.f32 v9, v8;
	v7 =	vadd.f32 v19, v7  }
0x519: {  	v3 =	vand.u32 $0x7FFFFFFF, v3;
	v4 =	vadd.f32 v4, v14;
	v61 =	vadd.f32 v18, v60  }
0x51a: {  	v3 =	vadd.f32 v3, v15;
	v6 =	vadd.f32 v8, v6;
	(xrf2) =	vadd.scan.msk.f32 $0xffff, v7  }
0x51b: {  	(xrf2) =	vadd.scan.msk.f32 $0xffff, v61  }
0x51c: {  	v5 =	vadd.f32 v5, v17;
	v3 =	vadd.f32 v3, v4;
	(xrf2) =	vadd.scan.msk.f32 $0xffff, v6;
	_ =	sdelay $0x1  }
0x51d: {  	v3 =	vadd.f32 v3, v5;
	_ =	sdelay $0x1  }
0x51e: {  	(xrf2) =	vadd.scan.msk.f32 $0xffff, v3;
	_ =	sdelay $0x3  }
0x51f: {  	v3, _, _ =	vpop (xrf2)  }
0x520: {  	v62, _, _ =	vpop (xrf2)  }
0x521: {  	v63, _, _ =	vpop (xrf2)  }
0x522: {  	(v2sf) =	vpush v63, $0xF  }
0x523: {  	(v2sf) =	vpush v62, $0xF  }
0x524: {  	(v2sf) =	vpush v3, $0xF  }
0x525: {  	v3, _, _ =	vpop (xrf2)  }
0x526: {  	(v2sf) =	vpush v3, $0xF;
	_ =	sdelay $0xa  }
0x527: {  	s1 =	spop (v2sf)  }
0x528: {  	s5 =	sadd.s32 $0x1, s30;
	v3 =	vmov s30;
	s1 =	ssub.f32 $1.200000000e+01, s1;
	s6 =	spop (v2sf)  }
0x529: {  	s17 =	sadd.s32 $0x1, s17;
	vm0 =	veq.s32 v3, v0;
	v3 =	vmov s5;
	s5 =	ssub.f32 $1.200000000e+01, s6;
	s11 =	spop (v2sf)  }
0x52a: {  	s24 =	sadd.s32 $0x2, s30;
	p1 =	sne.s32 s17, $0x4;
	s13 =	ssub.f32 $1.200000000e+01, s11  }
.Ltmp13:
0x52b: {  	s20 =	sadd.s32 $0x3, s30;
	vm13 =	veq.s32 v3, v0;
	v3 =	vmov s24;
	v2 =	vsel vm0, s1, v2;
	s24 =	spop (v2sf);
	(pc) =	sbr.rel @p1 .LBB2_26-.Ltmp13, $4  }
0x52c: {  	vm14 =	veq.s32 v3, v0;
	v3 =	vmov s20;
	v2 =	vsel vm13, s5, v2;
	s30 =	ssub.f32 $1.200000000e+01, s24  }
0x52d: {  	vm15 =	veq.s32 v3, v0;
	v2 =	vsel vm14, s13, v2  }
0x52e: {  	v2 =	vsel vm15, s30, v2  }
0x52f: {  	s21 =	sadd.s32 $0x800, s21;
	s26 =	sadd.s32 $0x800, s26;
	[tilespmem:s29+$0x1C740] =	vst v2  }
0x530: {  	_ =	swait.ge [sflag:s25], $0x2000  }
0x531: {  	[sflag:s25] =	ssyncset.done $0x0  }
0x532: {  	s1 =	simm.s32 $0x103C0;
	[sflag:s25] =	ssyncadd.s32 $0xFFFFE000  }
0x533: {  	[tilespmem:s16], [sflag:$0x2] =	stream.indirect.gather.add.f32 [spmem:s3], $0x80, s1, s10, $0xb8;
	[tilespmem:$0x1E740] =	vst v63  }
0x534: {  	_ =	swait.ge [sflag:s19], $0x2000  }
0x535: {  	[sflag:s19] =	ssyncset.done $0x0  }
0x536: {  	[sflag:s19] =	ssyncadd.s32 $0xFFFFE000  }
0x537: {  	_ =	swait.ge [sflag:s28], $0x2000  }
0x538: {  	s17 =	simm.s32 $0x0;
	[sflag:s28] =	ssyncset.done $0x0  }
0x539: {  	s21 =	simm.s32 $0x16700;
	s26 =	simm.s32 $0x10700;
	[sflag:s28] =	ssyncadd.s32 $0xFFFFE000  }
.LBB2_30:
0x53a: {  	v2 =	vld [tilespmem:s26+$0x80]  }
0x53b: {  	v3 =	vld [tilespmem:s21+$0x80]  }
0x53c: {  	v4 =	vld [tilespmem:s26+$0x90]  }
0x53d: {  	v5 =	vld [tilespmem:s21+$0x90]  }
0x53e: {  	v6 =	vld [tilespmem:s26+$0xA0]  }
0x53f: {  	v7 =	vld [tilespmem:s21+$0xA0]  }
0x540: {  	v8 =	vld [tilespmem:s26+$0xB0]  }
0x541: {  	v9 =	vld [tilespmem:s21+$0xB0]  }
0x542: {  	v10 =	vld [tilespmem:s26+$0xC0]  }
0x543: {  	v11 =	vld [tilespmem:s21+$0xC0]  }
0x544: {  	v12 =	vld [tilespmem:s26+$0xD0]  }
0x545: {  	v13 =	vld [tilespmem:s21+$0xD0]  }
0x546: {  	v14 =	vld [tilespmem:s26+$0xE0]  }
0x547: {  	v15 =	vld [tilespmem:s21+$0xE0]  }
0x548: {  	v16 =	vld [tilespmem:s26+$0xF0]  }
0x549: {  	v17 =	vld [tilespmem:s21+$0xF0]  }
0x54a: {  	v18 =	vld [tilespmem:s26+$0x0]  }
0x54b: {  	v19 =	vld [tilespmem:s21+$0x0]  }
0x54c: {  	v20 =	vld [tilespmem:s26+$0x10]  }
0x54d: {  	v21 =	vld [tilespmem:s21+$0x10]  }
0x54e: {  	v22 =	vld [tilespmem:s26+$0x20]  }
0x54f: {  	v23 =	vld [tilespmem:s21+$0x20]  }
0x550: {  	v24 =	vld [tilespmem:s26+$0x30]  }
0x551: {  	v25 =	vld [tilespmem:s21+$0x30]  }
0x552: {  	v26 =	vld [tilespmem:s26+$0x40]  }
0x553: {  	v27 =	vld [tilespmem:s21+$0x40]  }
0x554: {  	v28 =	vld [tilespmem:s26+$0x50]  }
0x555: {  	v29 =	vld [tilespmem:s21+$0x50]  }
0x556: {  	v30 =	vld [tilespmem:s26+$0x60]  }
0x557: {  	v31 =	vld [tilespmem:s21+$0x60]  }
0x558: {  	v32 =	vld [tilespmem:s26+$0x70]  }
0x559: {  	v33 =	vld [tilespmem:s21+$0x70]  }
0x55a: {  	v34 =	vld [tilespmem:s26+$0xFFFFFF80]  }
0x55b: {  	v35 =	vld [tilespmem:s21+$0xFFFFFF80]  }
0x55c: {  	v36 =	vld [tilespmem:s26+$0xFFFFFF90]  }
0x55d: {  	v37 =	vld [tilespmem:s21+$0xFFFFFF90]  }
0x55e: {  	v38 =	vld [tilespmem:s26+$0xFFFFFFA0]  }
0x55f: {  	v39 =	vld [tilespmem:s21+$0xFFFFFFA0]  }
0x560: {  	v40 =	vld [tilespmem:s26+$0xFFFFFFB0]  }
0x561: {  	v41 =	vld [tilespmem:s21+$0xFFFFFFB0]  }
0x562: {  	v42 =	vld [tilespmem:s26+$0xFFFFFFC0]  }
0x563: {  	v43 =	vld [tilespmem:s21+$0xFFFFFFC0]  }
0x564: {  	v44 =	vld [tilespmem:s26+$0xFFFFFFD0]  }
0x565: {  	v45 =	vld [tilespmem:s21+$0xFFFFFFD0]  }
0x566: {  	v46 =	vld [tilespmem:s26+$0xFFFFFFE0]  }
0x567: {  	v47 =	vld [tilespmem:s21+$0xFFFFFFE0]  }
0x568: {  	v48 =	vld [tilespmem:s26+$0xFFFFFFF0]  }
0x569: {  	v49 =	vld [tilespmem:s21+$0xFFFFFFF0]  }
0x56a: {  	v50 =	vld [tilespmem:s26+$0xFFFFFF00]  }
0x56b: {  	v51 =	vld [tilespmem:s21+$0xFFFFFF00];
	v56 =	vsub.f32 v2, v3  }
0x56c: {  	v52 =	vld [tilespmem:s26+$0xFFFFFF10];
	v57 =	vsub.f32 v4, v5;
	v6 =	vsub.f32 v6, v7  }
0x56d: {  	v53 =	vld [tilespmem:s21+$0xFFFFFF10];
	v58 =	vsub.f32 v8, v9;
	v59 =	vsub.f32 v10, v11  }
0x56e: {  	v54 =	vld [tilespmem:s26+$0xFFFFFF20];
	v5 =	vsub.f32 v12, v13;
	v4 =	vsub.f32 v14, v15  }
0x56f: {  	v55 =	vld [tilespmem:s21+$0xFFFFFF20];
	v3 =	vsub.f32 v16, v17;
	v15 =	vsub.f32 v18, v19  }
0x570: {  	v2 =	vld [tilespmem:s26+$0xFFFFFF30];
	v17 =	vsub.f32 v20, v21;
	v18 =	vsub.f32 v22, v23  }
0x571: {  	v9 =	vld [tilespmem:s21+$0xFFFFFF30];
	v19 =	vsub.f32 v24, v25;
	v20 =	vsub.f32 v26, v27  }
0x572: {  	v10 =	vld [tilespmem:s26+$0xFFFFFF40];
	v21 =	vsub.f32 v28, v29;
	v24 =	vsub.f32 v30, v31  }
0x573: {  	v11 =	vld [tilespmem:s21+$0xFFFFFF40];
	v26 =	vsub.f32 v32, v33;
	v25 =	vsub.f32 v34, v35  }
0x574: {  	v12 =	vld [tilespmem:s26+$0xFFFFFF50];
	v27 =	vsub.f32 v36, v37;
	v30 =	vsub.f32 v38, v39  }
0x575: {  	v13 =	vld [tilespmem:s21+$0xFFFFFF50];
	v31 =	vsub.f32 v40, v41;
	v43 =	vsub.f32 v42, v43  }
0x576: {  	v14 =	vld [tilespmem:s26+$0xFFFFFF60];
	v45 =	vsub.f32 v44, v45;
	v47 =	vsub.f32 v46, v47  }
0x577: {  	v16 =	vld [tilespmem:s21+$0xFFFFFF60];
	v60 =	vsub.f32 v48, v49;
	v61 =	vsub.f32 v50, v51  }
0x578: {  	v22 =	vld [tilespmem:s26+$0xFFFFFF70];
	v7 =	vsub.f32 v52, v53;
	v8 =	vsub.f32 v54, v55  }
0x579: {  	v23 =	vld [tilespmem:s21+$0xFFFFFF70];
	v62 =	vand.u32 $0x7FFFFFFF, v56;
	v63 =	vand.u32 $0x7FFFFFFF, v59;
	v19 =	vand.u32 $0x7FFFFFFF, v19  }
0x57a: {  	v28 =	vand.u32 $0x7FFFFFFF, v21;
	v29 =	vand.u32 $0x7FFFFFFF, v24;
	v25 =	vand.u32 $0x7FFFFFFF, v25  }
0x57b: {  	v21 =	vand.u32 $0x7FFFFFFF, v27;
	v27 =	vand.u32 $0x7FFFFFFF, v26;
	v24 =	vand.u32 $0x7FFFFFFF, v30  }
0x57c: {  	v33 =	vand.u32 $0x7FFFFFFF, v43;
	v30 =	vand.u32 $0x7FFFFFFF, v45;
	v9 =	vsub.f32 v2, v9  }
0x57d: {  	v26 =	vand.u32 $0x7FFFFFFF, v61;
	v10 =	vsub.f32 v10, v11;
	v11 =	vsub.f32 v12, v13  }
0x57e: {  	v2 =	vimm.f32 $0.0e+00;
	v12 =	vsub.f32 v14, v16;
	v13 =	vsub.f32 v22, v23  }
0x57f: {  	v16 =	vand.u32 $0x7FFFFFFF, v57;
	v14 =	vand.u32 $0x7FFFFFFF, v6;
	v6 =	vand.u32 $0x7FFFFFFF, v15  }
0x580: {  	v15 =	vand.u32 $0x7FFFFFFF, v58;
	v22 =	vand.u32 $0x7FFFFFFF, v17;
	v23 =	vand.u32 $0x7FFFFFFF, v18  }
0x581: {  	s29 =	sshll.u32 s17, $0x4;
	s1 =	sadd.s32 $0x200, s26;
	v17 =	vand.u32 $0x7FFFFFFF, v20;
	v18 =	vand.u32 $0x7FFFFFFF, v31;
	v31 =	vand.u32 $0x7FFFFFFF, v47  }
0x582: {  	s11 =	simm.s32 $0x4;
	s13 =	smov.u32 s21;
	s30 =	simm.s32 $0x0;
	v20 =	vand.u32 $0x7FFFFFFF, v60;
	v32 =	vadd.f32 v17, v6;
	v17 =	vadd.f32 v63, v62  }
.LBB2_31:
0x583: {  	v6 =	vld [tilespmem:s1+$0x80];
	p1 =	sne.s32 s11, $0xC;
	v34 =	vand.u32 $0x7FFFFFFF, v7;
	v22 =	vadd.f32 v28, v22;
	v23 =	vadd.f32 v29, v23;
	s13 =	sadd.s32 $0x200, s13  }
0x584: {  	v28 =	vand.u32 $0x7FFFFFFF, v8;
	v25 =	vadd.f32 v33, v25;
	v19 =	vadd.f32 v27, v19;
	v7 =	vld [tilespmem:s13+$0x80]  }
0x585: {  	v27 =	vand.u32 $0x7FFFFFFF, v9;
	v21 =	vadd.f32 v30, v21;
	v24 =	vadd.f32 v31, v24;
	v8 =	vld [tilespmem:s1+$0x90]  }
0x586: {  	v29 =	vand.u32 $0x7FFFFFFF, v10;
	v22 =	vadd.f32 v22, v32;
	v19 =	vadd.f32 v19, v23;
	v9 =	vld [tilespmem:s13+$0x90]  }
0x587: {  	v18 =	vadd.f32 v20, v18;
	v23 =	vadd.f32 v29, v26;
	v26 =	vand.u32 $0x7FFFFFFF, v11;
	v10 =	vld [tilespmem:s1+$0xA0]  }
0x588: {  	v20 =	vadd.f32 v26, v34;
	v26 =	vand.u32 $0x7FFFFFFF, v12;
	v19 =	vadd.f32 v19, v22;
	v11 =	vld [tilespmem:s13+$0xA0]  }
0x589: {  	v21 =	vadd.f32 v21, v25;
	v18 =	vadd.f32 v18, v24;
	v22 =	vand.u32 $0x7FFFFFFF, v13;
	v12 =	vld [tilespmem:s1+$0xB0]  }
0x58a: {  	v25 =	vand.u32 $0x7FFFFFFF, v5;
	v24 =	vadd.f32 v26, v28;
	v22 =	vadd.f32 v22, v27;
	v13 =	vld [tilespmem:s13+$0xB0];
	(xrf2) =	vadd.scan.msk.f32 $0xffff, v19  }
0x58b: {  	v16 =	vadd.f32 v25, v16;
	v18 =	vadd.f32 v18, v21;
	v19 =	vand.u32 $0x7FFFFFFF, v4;
	v5 =	vld [tilespmem:s1+$0xC0]  }
0x58c: {  	v20 =	vadd.f32 v20, v23;
	v21 =	vadd.f32 v22, v24;
	v22 =	vand.u32 $0x7FFFFFFF, v3;
	v4 =	vld [tilespmem:s13+$0xC0]  }
0x58d: {  	v19 =	vadd.f32 v19, v14;
	v22 =	vadd.f32 v22, v15;
	v3 =	vld [tilespmem:s1+$0xD0];
	(xrf2) =	vadd.scan.msk.f32 $0xffff, v18  }
0x58e: {  	v18 =	vadd.f32 v21, v20;
	v14 =	vld [tilespmem:s13+$0xD0]  }
0x58f: {  	v16 =	vadd.f32 v16, v17;
	v17 =	vadd.f32 v22, v19;
	v15 =	vld [tilespmem:s1+$0xE0]  }
0x590: {  	v19 =	vld [tilespmem:s13+$0xE0];
	(xrf2) =	vadd.scan.msk.f32 $0xffff, v18  }
0x591: {  	v16 =	vadd.f32 v17, v16;
	v18 =	vld [tilespmem:s1+$0xF0]  }
0x592: {  	v17 =	vld [tilespmem:s13+$0xF0]  }
0x593: {  	v20 =	vld [tilespmem:s1+$0x0];
	(xrf2) =	vadd.scan.msk.f32 $0xffff, v16  }
0x594: {  	v16 =	vld [tilespmem:s13+$0x0];
	v21, _, _ =	vpop (xrf2)  }
0x595: {  	v22 =	vld [tilespmem:s1+$0x10]  }
0x596: {  	v23 =	vld [tilespmem:s13+$0x10]  }
0x597: {  	v24 =	vld [tilespmem:s1+$0x20];
	v25, _, _ =	vpop (xrf2)  }
0x598: {  	v26 =	vld [tilespmem:s13+$0x20]  }
0x599: {  	v27 =	vld [tilespmem:s1+$0x30]  }
0x59a: {  	v28 =	vld [tilespmem:s13+$0x30];
	v29, _, _ =	vpop (xrf2)  }
0x59b: {  	v30 =	vld [tilespmem:s1+$0x40];
	(v2sf) =	vpush v29, $0xF  }
0x59c: {  	v29 =	vld [tilespmem:s13+$0x40];
	(v2sf) =	vpush v25, $0xF  }
0x59d: {  	v25 =	vld [tilespmem:s1+$0x50];
	(v2sf) =	vpush v21, $0xF;
	v21, _, _ =	vpop (xrf2)  }
0x59e: {  	v31 =	vld [tilespmem:s13+$0x50];
	(v2sf) =	vpush v21, $0xF  }
0x59f: {  	v21 =	vld [tilespmem:s1+$0x60]  }
0x5a0: {  	v32 =	vld [tilespmem:s13+$0x60]  }
0x5a1: {  	v33 =	vld [tilespmem:s1+$0x70]  }
0x5a2: {  	v34 =	vld [tilespmem:s13+$0x70]  }
0x5a3: {  	v35 =	vld [tilespmem:s1+$0xFFFFFF80]  }
0x5a4: {  	v36 =	vld [tilespmem:s13+$0xFFFFFF80]  }
0x5a5: {  	v37 =	vld [tilespmem:s1+$0xFFFFFF90]  }
0x5a6: {  	v38 =	vld [tilespmem:s13+$0xFFFFFF90]  }
0x5a7: {  	v39 =	vld [tilespmem:s1+$0xFFFFFFA0]  }
0x5a8: {  	v40 =	vld [tilespmem:s13+$0xFFFFFFA0]  }
0x5a9: {  	v41 =	vld [tilespmem:s1+$0xFFFFFFB0]  }
0x5aa: {  	v42 =	vld [tilespmem:s13+$0xFFFFFFB0];
	s5 =	spop (v2sf)  }
0x5ab: {  	v44 =	vmov s30;
	s6 =	sadd.s32 $0x1, s30;
	v43 =	vld [tilespmem:s1+$0xFFFFFFC0];
	s5 =	ssub.f32 $1.200000000e+01, s5;
	s20 =	spop (v2sf)  }
0x5ac: {  	vm0 =	veq.s32 v44, v0;
	v44 =	vmov s6;
	v45 =	vld [tilespmem:s13+$0xFFFFFFC0];
	s6 =	ssub.f32 $1.200000000e+01, s20;
	s20 =	sadd.s32 $0x2, s30;
	s24 =	spop (v2sf)  }
0x5ad: {  	v46 =	vld [tilespmem:s1+$0xFFFFFFD0];
	v2 =	vsel vm0, s5, v2;
	vm0 =	veq.s32 v44, v0;
	v44 =	vmov s20;
	s5 =	ssub.f32 $1.200000000e+01, s24;
	s20 =	sadd.s32 $0x3, s30;
	s24 =	spop (v2sf)  }
0x5ae: {  	s30 =	smov.u32 s11;
	v47 =	vld [tilespmem:s13+$0xFFFFFFD0];
	v2 =	vsel vm0, s6, v2;
	vm0 =	veq.s32 v44, v0;
	v44 =	vmov s20;
	s6 =	ssub.f32 $1.200000000e+01, s24  }
0x5af: {  	v48 =	vld [tilespmem:s1+$0xFFFFFFE0];
	v2 =	vsel vm0, s5, v2;
	vm0 =	veq.s32 v44, v0  }
0x5b0: {  	v44 =	vld [tilespmem:s13+$0xFFFFFFE0];
	v2 =	vsel vm0, s6, v2  }
0x5b1: {  	v49 =	vld [tilespmem:s1+$0xFFFFFFF0]  }
0x5b2: {  	v50 =	vld [tilespmem:s13+$0xFFFFFFF0]  }
0x5b3: {  	v51 =	vld [tilespmem:s1+$0xFFFFFF00]  }
0x5b4: {  	v52 =	vld [tilespmem:s13+$0xFFFFFF00]  }
0x5b5: {  	v53 =	vld [tilespmem:s1+$0xFFFFFF10]  }
0x5b6: {  	v54 =	vld [tilespmem:s13+$0xFFFFFF10]  }
0x5b7: {  	v55 =	vld [tilespmem:s1+$0xFFFFFF20]  }
0x5b8: {  	v6 =	vsub.f32 v6, v7;
	v57 =	vsub.f32 v8, v9;
	v56 =	vld [tilespmem:s13+$0xFFFFFF20]  }
0x5b9: {  	v58 =	vsub.f32 v10, v11;
	v59 =	vsub.f32 v12, v13;
	v9 =	vld [tilespmem:s1+$0xFFFFFF30]  }
0x5ba: {  	v60 =	vsub.f32 v5, v4;
	v5 =	vsub.f32 v3, v14;
	v10 =	vld [tilespmem:s13+$0xFFFFFF30]  }
0x5bb: {  	v4 =	vsub.f32 v15, v19;
	v3 =	vsub.f32 v18, v17;
	v11 =	vld [tilespmem:s1+$0xFFFFFF40]  }
0x5bc: {  	v15 =	vsub.f32 v20, v16;
	v17 =	vsub.f32 v22, v23;
	v12 =	vld [tilespmem:s13+$0xFFFFFF40]  }
0x5bd: {  	v18 =	vsub.f32 v24, v26;
	v19 =	vsub.f32 v27, v28;
	v13 =	vld [tilespmem:s1+$0xFFFFFF50]  }
0x5be: {  	v20 =	vsub.f32 v30, v29;
	v24 =	vsub.f32 v25, v31;
	v14 =	vld [tilespmem:s13+$0xFFFFFF50]  }
0x5bf: {  	v21 =	vsub.f32 v21, v32;
	v26 =	vsub.f32 v33, v34;
	v16 =	vld [tilespmem:s1+$0xFFFFFF60]  }
0x5c0: {  	v25 =	vsub.f32 v35, v36;
	v27 =	vsub.f32 v37, v38;
	v22 =	vld [tilespmem:s13+$0xFFFFFF60]  }
0x5c1: {  	v30 =	vsub.f32 v39, v40;
	v31 =	vsub.f32 v41, v42;
	v23 =	vld [tilespmem:s1+$0xFFFFFF70]  }
0x5c2: {  	v32 =	vsub.f32 v43, v45;
	v34 =	vsub.f32 v46, v47;
	v28 =	vld [tilespmem:s13+$0xFFFFFF70]  }
0x5c3: {  	v35 =	vsub.f32 v48, v44;
	v36 =	vsub.f32 v49, v50  }
0x5c4: {  	v37 =	vsub.f32 v51, v52;
	v7 =	vsub.f32 v53, v54  }
0x5c5: {  	v8 =	vsub.f32 v55, v56;
	v9 =	vsub.f32 v9, v10  }
0x5c6: {  	v10 =	vsub.f32 v11, v12;
	v11 =	vsub.f32 v13, v14  }
0x5c7: {  	v12 =	vsub.f32 v16, v22;
	v13 =	vsub.f32 v23, v28  }
0x5c8: {  	v6 =	vand.u32 $0x7FFFFFFF, v6;
	v14 =	vand.u32 $0x7FFFFFFF, v58;
	v16 =	vand.u32 $0x7FFFFFFF, v57  }
0x5c9: {  	v38 =	vand.u32 $0x7FFFFFFF, v15;
	v15 =	vand.u32 $0x7FFFFFFF, v59;
	v39 =	vand.u32 $0x7FFFFFFF, v60  }
0x5ca: {  	v19 =	vand.u32 $0x7FFFFFFF, v19;
	v22 =	vand.u32 $0x7FFFFFFF, v17;
	v23 =	vand.u32 $0x7FFFFFFF, v18  }
.Ltmp14:
0x5cb: {  	v29 =	vand.u32 $0x7FFFFFFF, v21;
	v17 =	vand.u32 $0x7FFFFFFF, v20;
	v28 =	vand.u32 $0x7FFFFFFF, v24;
	(pc) =	sbr.rel @p1 .LBB2_31-.Ltmp14, $4  }
0x5cc: {  	v25 =	vand.u32 $0x7FFFFFFF, v25;
	v21 =	vand.u32 $0x7FFFFFFF, v27;
	v27 =	vand.u32 $0x7FFFFFFF, v26  }
0x5cd: {  	v33 =	vand.u32 $0x7FFFFFFF, v32;
	v24 =	vand.u32 $0x7FFFFFFF, v30;
	v18 =	vand.u32 $0x7FFFFFFF, v31  }
0x5ce: {  	v20 =	vand.u32 $0x7FFFFFFF, v36;
	v30 =	vand.u32 $0x7FFFFFFF, v34;
	v31 =	vand.u32 $0x7FFFFFFF, v35  }
0x5cf: {  	s11 =	sadd.s32 $0x4, s11;
	v26 =	vand.u32 $0x7FFFFFFF, v37;
	s1 =	sadd.s32 $0x200, s1;
	v32 =	vadd.f32 v17, v38;
	v17 =	vadd.f32 v39, v6  }
0x5d0: {  	v6 =	vand.u32 $0x7FFFFFFF, v7  }
0x5d1: {  	v55 =	vadd.f32 v28, v22;
	v56 =	vadd.f32 v29, v23;
	v8 =	vand.u32 $0x7FFFFFFF, v8  }
0x5d2: {  	v57 =	vadd.f32 v33, v25;
	v19 =	vadd.f32 v27, v19;
	v9 =	vand.u32 $0x7FFFFFFF, v9  }
0x5d3: {  	v21 =	vadd.f32 v30, v21;
	v24 =	vadd.f32 v31, v24;
	v10 =	vand.u32 $0x7FFFFFFF, v10  }
0x5d4: {  	v11 =	vand.u32 $0x7FFFFFFF, v11;
	v18 =	vadd.f32 v20, v18;
	v58 =	vand.u32 $0x7FFFFFFF, v12  }
0x5d5: {  	v59 =	vand.u32 $0x7FFFFFFF, v13;
	v10 =	vadd.f32 v10, v26;
	v6 =	vadd.f32 v11, v6  }
0x5d6: {  	v5 =	vand.u32 $0x7FFFFFFF, v5;
	v8 =	vadd.f32 v58, v8;
	v9 =	vadd.f32 v59, v9  }
0x5d7: {  	v5 =	vadd.f32 v5, v16;
	v7 =	vadd.f32 v55, v32  }
0x5d8: {  	v19 =	vadd.f32 v19, v56;
	v60 =	vadd.f32 v21, v57  }
0x5d9: {  	v18 =	vadd.f32 v18, v24;
	v6 =	vadd.f32 v6, v10  }
0x5da: {  	v4 =	vand.u32 $0x7FFFFFFF, v4;
	v8 =	vadd.f32 v9, v8;
	v7 =	vadd.f32 v19, v7  }
0x5db: {  	v3 =	vand.u32 $0x7FFFFFFF, v3;
	v4 =	vadd.f32 v4, v14;
	v61 =	vadd.f32 v18, v60  }
0x5dc: {  	v3 =	vadd.f32 v3, v15;
	v6 =	vadd.f32 v8, v6;
	(xrf2) =	vadd.scan.msk.f32 $0xffff, v7  }
0x5dd: {  	(xrf2) =	vadd.scan.msk.f32 $0xffff, v61  }
0x5de: {  	v5 =	vadd.f32 v5, v17;
	v3 =	vadd.f32 v3, v4;
	(xrf2) =	vadd.scan.msk.f32 $0xffff, v6;
	_ =	sdelay $0x1  }
0x5df: {  	v3 =	vadd.f32 v3, v5;
	_ =	sdelay $0x1  }
0x5e0: {  	(xrf2) =	vadd.scan.msk.f32 $0xffff, v3;
	_ =	sdelay $0x3  }
0x5e1: {  	v3, _, _ =	vpop (xrf2)  }
0x5e2: {  	v62, _, _ =	vpop (xrf2)  }
0x5e3: {  	v63, _, _ =	vpop (xrf2)  }
0x5e4: {  	(v2sf) =	vpush v63, $0xF  }
0x5e5: {  	(v2sf) =	vpush v62, $0xF  }
0x5e6: {  	(v2sf) =	vpush v3, $0xF  }
0x5e7: {  	v3, _, _ =	vpop (xrf2)  }
0x5e8: {  	(v2sf) =	vpush v3, $0xF;
	_ =	sdelay $0xa  }
0x5e9: {  	s1 =	spop (v2sf)  }
0x5ea: {  	s5 =	sadd.s32 $0x1, s30;
	v3 =	vmov s30;
	s1 =	ssub.f32 $1.200000000e+01, s1;
	s6 =	spop (v2sf)  }
0x5eb: {  	s17 =	sadd.s32 $0x1, s17;
	vm0 =	veq.s32 v3, v0;
	v3 =	vmov s5;
	s5 =	ssub.f32 $1.200000000e+01, s6;
	s11 =	spop (v2sf)  }
0x5ec: {  	s24 =	sadd.s32 $0x2, s30;
	p1 =	sne.s32 s17, $0x4;
	s13 =	ssub.f32 $1.200000000e+01, s11  }
.Ltmp15:
0x5ed: {  	s20 =	sadd.s32 $0x3, s30;
	vm13 =	veq.s32 v3, v0;
	v3 =	vmov s24;
	v2 =	vsel vm0, s1, v2;
	s24 =	spop (v2sf);
	(pc) =	sbr.rel @p1 .LBB2_30-.Ltmp15, $4  }
0x5ee: {  	vm14 =	veq.s32 v3, v0;
	v3 =	vmov s20;
	v2 =	vsel vm13, s5, v2;
	s30 =	ssub.f32 $1.200000000e+01, s24  }
0x5ef: {  	vm15 =	veq.s32 v3, v0;
	v2 =	vsel vm14, s13, v2  }
0x5f0: {  	v2 =	vsel vm15, s30, v2  }
0x5f1: {  	s21 =	sadd.s32 $0x800, s21;
	s26 =	sadd.s32 $0x800, s26;
	[tilespmem:s29+$0x1C780] =	vst v2  }
0x5f2: {  	_ =	swait.ge [sflag:s25], $0x2000  }
0x5f3: {  	[sflag:s25] =	ssyncset.done $0x0  }
0x5f4: {  	[sflag:s25] =	ssyncadd.s32 $0xFFFFE000  }
0x5f5: {  	_ =	swait.ge [sflag:s2], $0x2000  }
0x5f6: {  	s17 =	simm.s32 $0x0;
	[sflag:s2] =	ssyncset.done $0x0  }
0x5f7: {  	s21 =	simm.s32 $0x18700;
	s26 =	simm.s32 $0x12700;
	[sflag:s2] =	ssyncadd.s32 $0xFFFFE000  }
.LBB2_34:
0x5f8: {  	v2 =	vld [tilespmem:s26+$0x80]  }
0x5f9: {  	v3 =	vld [tilespmem:s21+$0x80]  }
0x5fa: {  	v4 =	vld [tilespmem:s26+$0x90]  }
0x5fb: {  	v5 =	vld [tilespmem:s21+$0x90]  }
0x5fc: {  	v6 =	vld [tilespmem:s26+$0xA0]  }
0x5fd: {  	v7 =	vld [tilespmem:s21+$0xA0]  }
0x5fe: {  	v8 =	vld [tilespmem:s26+$0xB0]  }
0x5ff: {  	v9 =	vld [tilespmem:s21+$0xB0]  }
0x600: {  	v10 =	vld [tilespmem:s26+$0xC0]  }
0x601: {  	v11 =	vld [tilespmem:s21+$0xC0]  }
0x602: {  	v12 =	vld [tilespmem:s26+$0xD0]  }
0x603: {  	v13 =	vld [tilespmem:s21+$0xD0]  }
0x604: {  	v14 =	vld [tilespmem:s26+$0xE0]  }
0x605: {  	v15 =	vld [tilespmem:s21+$0xE0]  }
0x606: {  	v16 =	vld [tilespmem:s26+$0xF0]  }
0x607: {  	v17 =	vld [tilespmem:s21+$0xF0]  }
0x608: {  	v18 =	vld [tilespmem:s26+$0x0]  }
0x609: {  	v19 =	vld [tilespmem:s21+$0x0]  }
0x60a: {  	v20 =	vld [tilespmem:s26+$0x10]  }
0x60b: {  	v21 =	vld [tilespmem:s21+$0x10]  }
0x60c: {  	v22 =	vld [tilespmem:s26+$0x20]  }
0x60d: {  	v23 =	vld [tilespmem:s21+$0x20]  }
0x60e: {  	v24 =	vld [tilespmem:s26+$0x30]  }
0x60f: {  	v25 =	vld [tilespmem:s21+$0x30]  }
0x610: {  	v26 =	vld [tilespmem:s26+$0x40]  }
0x611: {  	v27 =	vld [tilespmem:s21+$0x40]  }
0x612: {  	v28 =	vld [tilespmem:s26+$0x50]  }
0x613: {  	v29 =	vld [tilespmem:s21+$0x50]  }
0x614: {  	v30 =	vld [tilespmem:s26+$0x60]  }
0x615: {  	v31 =	vld [tilespmem:s21+$0x60]  }
0x616: {  	v32 =	vld [tilespmem:s26+$0x70]  }
0x617: {  	v33 =	vld [tilespmem:s21+$0x70]  }
0x618: {  	v34 =	vld [tilespmem:s26+$0xFFFFFF80]  }
0x619: {  	v35 =	vld [tilespmem:s21+$0xFFFFFF80]  }
0x61a: {  	v36 =	vld [tilespmem:s26+$0xFFFFFF90]  }
0x61b: {  	v37 =	vld [tilespmem:s21+$0xFFFFFF90]  }
0x61c: {  	v38 =	vld [tilespmem:s26+$0xFFFFFFA0]  }
0x61d: {  	v39 =	vld [tilespmem:s21+$0xFFFFFFA0]  }
0x61e: {  	v40 =	vld [tilespmem:s26+$0xFFFFFFB0]  }
0x61f: {  	v41 =	vld [tilespmem:s21+$0xFFFFFFB0]  }
0x620: {  	v42 =	vld [tilespmem:s26+$0xFFFFFFC0]  }
0x621: {  	v43 =	vld [tilespmem:s21+$0xFFFFFFC0]  }
0x622: {  	v44 =	vld [tilespmem:s26+$0xFFFFFFD0]  }
0x623: {  	v45 =	vld [tilespmem:s21+$0xFFFFFFD0]  }
0x624: {  	v46 =	vld [tilespmem:s26+$0xFFFFFFE0]  }
0x625: {  	v47 =	vld [tilespmem:s21+$0xFFFFFFE0]  }
0x626: {  	v48 =	vld [tilespmem:s26+$0xFFFFFFF0]  }
0x627: {  	v49 =	vld [tilespmem:s21+$0xFFFFFFF0]  }
0x628: {  	v50 =	vld [tilespmem:s26+$0xFFFFFF00]  }
0x629: {  	v51 =	vld [tilespmem:s21+$0xFFFFFF00];
	v56 =	vsub.f32 v2, v3  }
0x62a: {  	v52 =	vld [tilespmem:s26+$0xFFFFFF10];
	v57 =	vsub.f32 v4, v5;
	v6 =	vsub.f32 v6, v7  }
0x62b: {  	v53 =	vld [tilespmem:s21+$0xFFFFFF10];
	v58 =	vsub.f32 v8, v9;
	v59 =	vsub.f32 v10, v11  }
0x62c: {  	v54 =	vld [tilespmem:s26+$0xFFFFFF20];
	v5 =	vsub.f32 v12, v13;
	v4 =	vsub.f32 v14, v15  }
0x62d: {  	v55 =	vld [tilespmem:s21+$0xFFFFFF20];
	v3 =	vsub.f32 v16, v17;
	v15 =	vsub.f32 v18, v19  }
0x62e: {  	v2 =	vld [tilespmem:s26+$0xFFFFFF30];
	v17 =	vsub.f32 v20, v21;
	v18 =	vsub.f32 v22, v23  }
0x62f: {  	v9 =	vld [tilespmem:s21+$0xFFFFFF30];
	v19 =	vsub.f32 v24, v25;
	v20 =	vsub.f32 v26, v27  }
0x630: {  	v10 =	vld [tilespmem:s26+$0xFFFFFF40];
	v21 =	vsub.f32 v28, v29;
	v24 =	vsub.f32 v30, v31  }
0x631: {  	v11 =	vld [tilespmem:s21+$0xFFFFFF40];
	v26 =	vsub.f32 v32, v33;
	v25 =	vsub.f32 v34, v35  }
0x632: {  	v12 =	vld [tilespmem:s26+$0xFFFFFF50];
	v27 =	vsub.f32 v36, v37;
	v30 =	vsub.f32 v38, v39  }
0x633: {  	v13 =	vld [tilespmem:s21+$0xFFFFFF50];
	v31 =	vsub.f32 v40, v41;
	v43 =	vsub.f32 v42, v43  }
0x634: {  	v14 =	vld [tilespmem:s26+$0xFFFFFF60];
	v45 =	vsub.f32 v44, v45;
	v47 =	vsub.f32 v46, v47  }
0x635: {  	v16 =	vld [tilespmem:s21+$0xFFFFFF60];
	v60 =	vsub.f32 v48, v49;
	v61 =	vsub.f32 v50, v51  }
0x636: {  	v22 =	vld [tilespmem:s26+$0xFFFFFF70];
	v7 =	vsub.f32 v52, v53;
	v8 =	vsub.f32 v54, v55  }
0x637: {  	v23 =	vld [tilespmem:s21+$0xFFFFFF70];
	v62 =	vand.u32 $0x7FFFFFFF, v56;
	v63 =	vand.u32 $0x7FFFFFFF, v59;
	v19 =	vand.u32 $0x7FFFFFFF, v19  }
0x638: {  	v28 =	vand.u32 $0x7FFFFFFF, v21;
	v29 =	vand.u32 $0x7FFFFFFF, v24;
	v25 =	vand.u32 $0x7FFFFFFF, v25  }
0x639: {  	v21 =	vand.u32 $0x7FFFFFFF, v27;
	v27 =	vand.u32 $0x7FFFFFFF, v26;
	v24 =	vand.u32 $0x7FFFFFFF, v30  }
0x63a: {  	v33 =	vand.u32 $0x7FFFFFFF, v43;
	v30 =	vand.u32 $0x7FFFFFFF, v45;
	v9 =	vsub.f32 v2, v9  }
0x63b: {  	v26 =	vand.u32 $0x7FFFFFFF, v61;
	v10 =	vsub.f32 v10, v11;
	v11 =	vsub.f32 v12, v13  }
0x63c: {  	v2 =	vimm.f32 $0.0e+00;
	v12 =	vsub.f32 v14, v16;
	v13 =	vsub.f32 v22, v23  }
0x63d: {  	v16 =	vand.u32 $0x7FFFFFFF, v57;
	v14 =	vand.u32 $0x7FFFFFFF, v6;
	v6 =	vand.u32 $0x7FFFFFFF, v15  }
0x63e: {  	v15 =	vand.u32 $0x7FFFFFFF, v58;
	v22 =	vand.u32 $0x7FFFFFFF, v17;
	v23 =	vand.u32 $0x7FFFFFFF, v18  }
0x63f: {  	s29 =	sshll.u32 s17, $0x4;
	s1 =	sadd.s32 $0x200, s26;
	v17 =	vand.u32 $0x7FFFFFFF, v20;
	v18 =	vand.u32 $0x7FFFFFFF, v31;
	v31 =	vand.u32 $0x7FFFFFFF, v47  }
0x640: {  	s11 =	simm.s32 $0x4;
	s13 =	smov.u32 s21;
	s30 =	simm.s32 $0x0;
	v20 =	vand.u32 $0x7FFFFFFF, v60;
	v32 =	vadd.f32 v17, v6;
	v17 =	vadd.f32 v63, v62  }
.LBB2_35:
0x641: {  	v6 =	vld [tilespmem:s1+$0x80];
	p1 =	sne.s32 s11, $0xC;
	v34 =	vand.u32 $0x7FFFFFFF, v7;
	v22 =	vadd.f32 v28, v22;
	v23 =	vadd.f32 v29, v23;
	s13 =	sadd.s32 $0x200, s13  }
0x642: {  	v28 =	vand.u32 $0x7FFFFFFF, v8;
	v25 =	vadd.f32 v33, v25;
	v19 =	vadd.f32 v27, v19;
	v7 =	vld [tilespmem:s13+$0x80]  }
0x643: {  	v27 =	vand.u32 $0x7FFFFFFF, v9;
	v21 =	vadd.f32 v30, v21;
	v24 =	vadd.f32 v31, v24;
	v8 =	vld [tilespmem:s1+$0x90]  }
0x644: {  	v29 =	vand.u32 $0x7FFFFFFF, v10;
	v22 =	vadd.f32 v22, v32;
	v19 =	vadd.f32 v19, v23;
	v9 =	vld [tilespmem:s13+$0x90]  }
0x645: {  	v18 =	vadd.f32 v20, v18;
	v23 =	vadd.f32 v29, v26;
	v26 =	vand.u32 $0x7FFFFFFF, v11;
	v10 =	vld [tilespmem:s1+$0xA0]  }
0x646: {  	v20 =	vadd.f32 v26, v34;
	v26 =	vand.u32 $0x7FFFFFFF, v12;
	v19 =	vadd.f32 v19, v22;
	v11 =	vld [tilespmem:s13+$0xA0]  }
0x647: {  	v21 =	vadd.f32 v21, v25;
	v18 =	vadd.f32 v18, v24;
	v22 =	vand.u32 $0x7FFFFFFF, v13;
	v12 =	vld [tilespmem:s1+$0xB0]  }
0x648: {  	v25 =	vand.u32 $0x7FFFFFFF, v5;
	v24 =	vadd.f32 v26, v28;
	v22 =	vadd.f32 v22, v27;
	v13 =	vld [tilespmem:s13+$0xB0];
	(xrf2) =	vadd.scan.msk.f32 $0xffff, v19  }
0x649: {  	v16 =	vadd.f32 v25, v16;
	v18 =	vadd.f32 v18, v21;
	v19 =	vand.u32 $0x7FFFFFFF, v4;
	v5 =	vld [tilespmem:s1+$0xC0]  }
0x64a: {  	v20 =	vadd.f32 v20, v23;
	v21 =	vadd.f32 v22, v24;
	v22 =	vand.u32 $0x7FFFFFFF, v3;
	v4 =	vld [tilespmem:s13+$0xC0]  }
0x64b: {  	v19 =	vadd.f32 v19, v14;
	v22 =	vadd.f32 v22, v15;
	v3 =	vld [tilespmem:s1+$0xD0];
	(xrf2) =	vadd.scan.msk.f32 $0xffff, v18  }
0x64c: {  	v18 =	vadd.f32 v21, v20;
	v14 =	vld [tilespmem:s13+$0xD0]  }
0x64d: {  	v16 =	vadd.f32 v16, v17;
	v17 =	vadd.f32 v22, v19;
	v15 =	vld [tilespmem:s1+$0xE0]  }
0x64e: {  	v19 =	vld [tilespmem:s13+$0xE0];
	(xrf2) =	vadd.scan.msk.f32 $0xffff, v18  }
0x64f: {  	v16 =	vadd.f32 v17, v16;
	v18 =	vld [tilespmem:s1+$0xF0]  }
0x650: {  	v17 =	vld [tilespmem:s13+$0xF0]  }
0x651: {  	v20 =	vld [tilespmem:s1+$0x0];
	(xrf2) =	vadd.scan.msk.f32 $0xffff, v16  }
0x652: {  	v16 =	vld [tilespmem:s13+$0x0];
	v21, _, _ =	vpop (xrf2)  }
0x653: {  	v22 =	vld [tilespmem:s1+$0x10]  }
0x654: {  	v23 =	vld [tilespmem:s13+$0x10]  }
0x655: {  	v24 =	vld [tilespmem:s1+$0x20];
	v25, _, _ =	vpop (xrf2)  }
0x656: {  	v26 =	vld [tilespmem:s13+$0x20]  }
0x657: {  	v27 =	vld [tilespmem:s1+$0x30]  }
0x658: {  	v28 =	vld [tilespmem:s13+$0x30];
	v29, _, _ =	vpop (xrf2)  }
0x659: {  	v30 =	vld [tilespmem:s1+$0x40];
	(v2sf) =	vpush v29, $0xF  }
0x65a: {  	v29 =	vld [tilespmem:s13+$0x40];
	(v2sf) =	vpush v25, $0xF  }
0x65b: {  	v25 =	vld [tilespmem:s1+$0x50];
	(v2sf) =	vpush v21, $0xF;
	v21, _, _ =	vpop (xrf2)  }
0x65c: {  	v31 =	vld [tilespmem:s13+$0x50];
	(v2sf) =	vpush v21, $0xF  }
0x65d: {  	v21 =	vld [tilespmem:s1+$0x60]  }
0x65e: {  	v32 =	vld [tilespmem:s13+$0x60]  }
0x65f: {  	v33 =	vld [tilespmem:s1+$0x70]  }
0x660: {  	v34 =	vld [tilespmem:s13+$0x70]  }
0x661: {  	v35 =	vld [tilespmem:s1+$0xFFFFFF80]  }
0x662: {  	v36 =	vld [tilespmem:s13+$0xFFFFFF80]  }
0x663: {  	v37 =	vld [tilespmem:s1+$0xFFFFFF90]  }
0x664: {  	v38 =	vld [tilespmem:s13+$0xFFFFFF90]  }
0x665: {  	v39 =	vld [tilespmem:s1+$0xFFFFFFA0]  }
0x666: {  	v40 =	vld [tilespmem:s13+$0xFFFFFFA0]  }
0x667: {  	v41 =	vld [tilespmem:s1+$0xFFFFFFB0]  }
0x668: {  	v42 =	vld [tilespmem:s13+$0xFFFFFFB0];
	s5 =	spop (v2sf)  }
0x669: {  	v44 =	vmov s30;
	s6 =	sadd.s32 $0x1, s30;
	v43 =	vld [tilespmem:s1+$0xFFFFFFC0];
	s5 =	ssub.f32 $1.200000000e+01, s5;
	s20 =	spop (v2sf)  }
0x66a: {  	vm0 =	veq.s32 v44, v0;
	v44 =	vmov s6;
	v45 =	vld [tilespmem:s13+$0xFFFFFFC0];
	s6 =	ssub.f32 $1.200000000e+01, s20;
	s20 =	sadd.s32 $0x2, s30;
	s24 =	spop (v2sf)  }
0x66b: {  	v46 =	vld [tilespmem:s1+$0xFFFFFFD0];
	v2 =	vsel vm0, s5, v2;
	vm0 =	veq.s32 v44, v0;
	v44 =	vmov s20;
	s5 =	ssub.f32 $1.200000000e+01, s24;
	s20 =	sadd.s32 $0x3, s30;
	s24 =	spop (v2sf)  }
0x66c: {  	s30 =	smov.u32 s11;
	v47 =	vld [tilespmem:s13+$0xFFFFFFD0];
	v2 =	vsel vm0, s6, v2;
	vm0 =	veq.s32 v44, v0;
	v44 =	vmov s20;
	s6 =	ssub.f32 $1.200000000e+01, s24  }
0x66d: {  	v48 =	vld [tilespmem:s1+$0xFFFFFFE0];
	v2 =	vsel vm0, s5, v2;
	vm0 =	veq.s32 v44, v0  }
0x66e: {  	v44 =	vld [tilespmem:s13+$0xFFFFFFE0];
	v2 =	vsel vm0, s6, v2  }
0x66f: {  	v49 =	vld [tilespmem:s1+$0xFFFFFFF0]  }
0x670: {  	v50 =	vld [tilespmem:s13+$0xFFFFFFF0]  }
0x671: {  	v51 =	vld [tilespmem:s1+$0xFFFFFF00]  }
0x672: {  	v52 =	vld [tilespmem:s13+$0xFFFFFF00]  }
0x673: {  	v53 =	vld [tilespmem:s1+$0xFFFFFF10]  }
0x674: {  	v54 =	vld [tilespmem:s13+$0xFFFFFF10]  }
0x675: {  	v55 =	vld [tilespmem:s1+$0xFFFFFF20]  }
0x676: {  	v6 =	vsub.f32 v6, v7;
	v57 =	vsub.f32 v8, v9;
	v56 =	vld [tilespmem:s13+$0xFFFFFF20]  }
0x677: {  	v58 =	vsub.f32 v10, v11;
	v59 =	vsub.f32 v12, v13;
	v9 =	vld [tilespmem:s1+$0xFFFFFF30]  }
0x678: {  	v60 =	vsub.f32 v5, v4;
	v5 =	vsub.f32 v3, v14;
	v10 =	vld [tilespmem:s13+$0xFFFFFF30]  }
0x679: {  	v4 =	vsub.f32 v15, v19;
	v3 =	vsub.f32 v18, v17;
	v11 =	vld [tilespmem:s1+$0xFFFFFF40]  }
0x67a: {  	v15 =	vsub.f32 v20, v16;
	v17 =	vsub.f32 v22, v23;
	v12 =	vld [tilespmem:s13+$0xFFFFFF40]  }
0x67b: {  	v18 =	vsub.f32 v24, v26;
	v19 =	vsub.f32 v27, v28;
	v13 =	vld [tilespmem:s1+$0xFFFFFF50]  }
0x67c: {  	v20 =	vsub.f32 v30, v29;
	v24 =	vsub.f32 v25, v31;
	v14 =	vld [tilespmem:s13+$0xFFFFFF50]  }
0x67d: {  	v21 =	vsub.f32 v21, v32;
	v26 =	vsub.f32 v33, v34;
	v16 =	vld [tilespmem:s1+$0xFFFFFF60]  }
0x67e: {  	v25 =	vsub.f32 v35, v36;
	v27 =	vsub.f32 v37, v38;
	v22 =	vld [tilespmem:s13+$0xFFFFFF60]  }
0x67f: {  	v30 =	vsub.f32 v39, v40;
	v31 =	vsub.f32 v41, v42;
	v23 =	vld [tilespmem:s1+$0xFFFFFF70]  }
0x680: {  	v32 =	vsub.f32 v43, v45;
	v34 =	vsub.f32 v46, v47;
	v28 =	vld [tilespmem:s13+$0xFFFFFF70]  }
0x681: {  	v35 =	vsub.f32 v48, v44;
	v36 =	vsub.f32 v49, v50  }
0x682: {  	v37 =	vsub.f32 v51, v52;
	v7 =	vsub.f32 v53, v54  }
0x683: {  	v8 =	vsub.f32 v55, v56;
	v9 =	vsub.f32 v9, v10  }
0x684: {  	v10 =	vsub.f32 v11, v12;
	v11 =	vsub.f32 v13, v14  }
0x685: {  	v12 =	vsub.f32 v16, v22;
	v13 =	vsub.f32 v23, v28  }
0x686: {  	v6 =	vand.u32 $0x7FFFFFFF, v6;
	v14 =	vand.u32 $0x7FFFFFFF, v58;
	v16 =	vand.u32 $0x7FFFFFFF, v57  }
0x687: {  	v38 =	vand.u32 $0x7FFFFFFF, v15;
	v15 =	vand.u32 $0x7FFFFFFF, v59;
	v39 =	vand.u32 $0x7FFFFFFF, v60  }
0x688: {  	v19 =	vand.u32 $0x7FFFFFFF, v19;
	v22 =	vand.u32 $0x7FFFFFFF, v17;
	v23 =	vand.u32 $0x7FFFFFFF, v18  }
.Ltmp16:
0x689: {  	v29 =	vand.u32 $0x7FFFFFFF, v21;
	v17 =	vand.u32 $0x7FFFFFFF, v20;
	v28 =	vand.u32 $0x7FFFFFFF, v24;
	(pc) =	sbr.rel @p1 .LBB2_35-.Ltmp16, $4  }
0x68a: {  	v25 =	vand.u32 $0x7FFFFFFF, v25;
	v21 =	vand.u32 $0x7FFFFFFF, v27;
	v27 =	vand.u32 $0x7FFFFFFF, v26  }
0x68b: {  	v33 =	vand.u32 $0x7FFFFFFF, v32;
	v24 =	vand.u32 $0x7FFFFFFF, v30;
	v18 =	vand.u32 $0x7FFFFFFF, v31  }
0x68c: {  	v20 =	vand.u32 $0x7FFFFFFF, v36;
	v30 =	vand.u32 $0x7FFFFFFF, v34;
	v31 =	vand.u32 $0x7FFFFFFF, v35  }
0x68d: {  	s11 =	sadd.s32 $0x4, s11;
	v26 =	vand.u32 $0x7FFFFFFF, v37;
	s1 =	sadd.s32 $0x200, s1;
	v32 =	vadd.f32 v17, v38;
	v17 =	vadd.f32 v39, v6  }
0x68e: {  	v6 =	vand.u32 $0x7FFFFFFF, v7  }
0x68f: {  	v55 =	vadd.f32 v28, v22;
	v56 =	vadd.f32 v29, v23;
	v8 =	vand.u32 $0x7FFFFFFF, v8  }
0x690: {  	v57 =	vadd.f32 v33, v25;
	v19 =	vadd.f32 v27, v19;
	v9 =	vand.u32 $0x7FFFFFFF, v9  }
0x691: {  	v21 =	vadd.f32 v30, v21;
	v24 =	vadd.f32 v31, v24;
	v10 =	vand.u32 $0x7FFFFFFF, v10  }
0x692: {  	v11 =	vand.u32 $0x7FFFFFFF, v11;
	v18 =	vadd.f32 v20, v18;
	v58 =	vand.u32 $0x7FFFFFFF, v12  }
0x693: {  	v59 =	vand.u32 $0x7FFFFFFF, v13;
	v10 =	vadd.f32 v10, v26;
	v6 =	vadd.f32 v11, v6  }
0x694: {  	v5 =	vand.u32 $0x7FFFFFFF, v5;
	v8 =	vadd.f32 v58, v8;
	v9 =	vadd.f32 v59, v9  }
0x695: {  	v5 =	vadd.f32 v5, v16;
	v7 =	vadd.f32 v55, v32  }
0x696: {  	v19 =	vadd.f32 v19, v56;
	v60 =	vadd.f32 v21, v57  }
0x697: {  	v18 =	vadd.f32 v18, v24;
	v6 =	vadd.f32 v6, v10  }
0x698: {  	v4 =	vand.u32 $0x7FFFFFFF, v4;
	v8 =	vadd.f32 v9, v8;
	v7 =	vadd.f32 v19, v7  }
0x699: {  	v3 =	vand.u32 $0x7FFFFFFF, v3;
	v4 =	vadd.f32 v4, v14;
	v61 =	vadd.f32 v18, v60  }
0x69a: {  	v3 =	vadd.f32 v3, v15;
	v6 =	vadd.f32 v8, v6;
	(xrf2) =	vadd.scan.msk.f32 $0xffff, v7  }
0x69b: {  	(xrf2) =	vadd.scan.msk.f32 $0xffff, v61  }
0x69c: {  	v5 =	vadd.f32 v5, v17;
	v3 =	vadd.f32 v3, v4;
	(xrf2) =	vadd.scan.msk.f32 $0xffff, v6;
	_ =	sdelay $0x1  }
0x69d: {  	v3 =	vadd.f32 v3, v5;
	_ =	sdelay $0x1  }
0x69e: {  	(xrf2) =	vadd.scan.msk.f32 $0xffff, v3;
	_ =	sdelay $0x3  }
0x69f: {  	v3, _, _ =	vpop (xrf2)  }
0x6a0: {  	v62, _, _ =	vpop (xrf2)  }
0x6a1: {  	v63, _, _ =	vpop (xrf2)  }
0x6a2: {  	(v2sf) =	vpush v63, $0xF  }
0x6a3: {  	(v2sf) =	vpush v62, $0xF  }
0x6a4: {  	(v2sf) =	vpush v3, $0xF  }
0x6a5: {  	v3, _, _ =	vpop (xrf2)  }
0x6a6: {  	(v2sf) =	vpush v3, $0xF;
	_ =	sdelay $0xa  }
0x6a7: {  	s1 =	spop (v2sf)  }
0x6a8: {  	s5 =	sadd.s32 $0x1, s30;
	v3 =	vmov s30;
	s1 =	ssub.f32 $1.200000000e+01, s1;
	s6 =	spop (v2sf)  }
0x6a9: {  	s17 =	sadd.s32 $0x1, s17;
	vm0 =	veq.s32 v3, v0;
	v3 =	vmov s5;
	s5 =	ssub.f32 $1.200000000e+01, s6;
	s11 =	spop (v2sf)  }
0x6aa: {  	s24 =	sadd.s32 $0x2, s30;
	p1 =	sne.s32 s17, $0x4;
	s13 =	ssub.f32 $1.200000000e+01, s11  }
.Ltmp17:
0x6ab: {  	s20 =	sadd.s32 $0x3, s30;
	vm13 =	veq.s32 v3, v0;
	v3 =	vmov s24;
	v2 =	vsel vm0, s1, v2;
	s24 =	spop (v2sf);
	(pc) =	sbr.rel @p1 .LBB2_34-.Ltmp17, $4  }
0x6ac: {  	vm14 =	veq.s32 v3, v0;
	v3 =	vmov s20;
	v2 =	vsel vm13, s5, v2;
	s30 =	ssub.f32 $1.200000000e+01, s24  }
0x6ad: {  	vm15 =	veq.s32 v3, v0;
	v2 =	vsel vm14, s13, v2  }
0x6ae: {  	v2 =	vsel vm15, s30, v2  }
0x6af: {  	s21 =	sadd.s32 $0x800, s21;
	s26 =	sadd.s32 $0x800, s26;
	[tilespmem:s29+$0x1C7C0] =	vst v2  }
0x6b0: {  	s15 =	sadd.s32 $0x1, s15  }
0x6b1: {  	p1 =	sne.s32 s15, s7  }
.Ltmp18:
0x6b2: {  	s1 =	rddreg [dreg:$0x7];
	s5 =	simm.s32 $0x1C600;
	(pc) =	sbr.rel @p1 .LBB2_1-.Ltmp18, $4  }
0x6b3: {  	[hbm4b:s1+s4] =	stream.linear.scatter [tilespmem:s5], [sflag:$0x8], $0x200, $0x38;
	[tilespmem:$0x1E740] =	vst v63  }
0x6b4: {  	_ =	swait.ge [sflag:s9], $0x200  }
0x6b5: {  	s6 =	simm.s32 $0x10000;
	[sflag:s9] =	ssyncset.done $0x0  }
0x6b6: {  	s20 =	simm.s32 $0x10400;
	s21 =	simm.s32 $0x10200;
	[sflag:s9] =	ssyncadd.s32 $0xFFFFFE00  }
0x6b7: {  	_ =	sfence.sel $0x180000  }
0x6b8: {  	[bflag:$0x0] =	sbarrier.arrive $0xFFFF  }
0x6b9: {  	_ =	strace $0x90000047  }
0x6ba: {  	[bflag:$0x2] =	sbarrier.arrive $0xFFFF  }
0x6bb: {  	s0 =	rddreg [dreg:$0x5]  }
0x6bc: {  	s0 =	sadd.s32 @!p0 $0x100000, s0  }
0x6bd: {  	[sflag:s0] =	ssyncadd.tile.s32 @!p0 $0x1;
	_ =	shalt  }
.Lfunc_end2:
_tile_overlayer_lowered:
.L_overlay_start_2:
0x6be: {  	(tag) =	ssettag $0x2  }
0x6bf: {  	s0 =	rddreg [dreg:$0x0];
	s2 =	stileid.u32  }
0x6c0: {  	s1 =	rddreg [dreg:$0x1];
	p0 =	sne.s32 s2, $0x0  }
0x6c1: {  	s3 =	rddreg [dreg:$0x2];
	[bflag:$0x3] =	sbarrier.arrive $0xFFFF;
	s2 =	simm.s32 @!p0 $0x1C08  }
0x6c2: {  	[timem:s3], [sflag:s2] =	dma.local @!p0 [hbm:s0], s1  }
0x6c3: {  	s0 =	simm.s32 @!p0 $0x8  }
0x6c4: {  	_ =	swait.ge @!p0 [sflag:s0], s1  }
0x6c5: {  	s1 =	ssub.s32 @!p0 $0x0, s1;
	[sflag:s0] =	ssyncset.done @!p0 $0x0  }
0x6c6: {  	[sflag:s0] =	ssyncadd.s32 @!p0 s1  }
0x6c7: {  	[bflag:$0x3] =	sbarrier.arrive $0xFFFF  }
0x6c8: {  	_ =	shalt  }

</sc_bundles>
